<compile_context>
chip_gen: v7x
topology: tpu7x:2x2x1
jax: 0.10.2.dev20260603
libtpu: 0.0.44.dev20260713+nightly
codegen_flags: <defaults>
</compile_context>

<pallas_src>
import jax
import jax.numpy as jnp
from jax import lax
from jax.experimental import pallas as pl
from jax.experimental.pallas import tpu as pltpu
from jax.experimental.pallas import tpu_sc as plsc

N_FACTORS = 64
BATCH = 16384
NC = 2
NS = 16
NW = NC * NS
B_PER_W = BATCH // NW
CHUNK = 128
N_CHUNKS = B_PER_W // CHUNK
GPC = CHUNK // 16
ROWP = 128


def _mf_kernel(u_idx_hbm, i_idx_hbm, uf_hbm, if_hbm, ub_hbm, ib_hbm,
               gb_hbm, out_hbm,
               ui_v, ii_v, uw, iw, ubias, ibias, gb_v, out_v,
               sem_a, sem_g):
    wid = lax.axis_index("s") * NC + lax.axis_index("c")

    pltpu.sync_copy(u_idx_hbm.at[wid], ui_v)
    pltpu.sync_copy(i_idx_hbm.at[wid], ii_v)
    pltpu.sync_copy(gb_hbm, gb_v)

    bias_copies = []
    for j in range(N_CHUNKS):
        sl = pl.ds(j * CHUNK, CHUNK)
        bias_copies.append(
            pltpu.async_copy(ub_hbm.at[ui_v.at[sl]], ubias.at[sl], sem_g))
        bias_copies.append(
            pltpu.async_copy(ib_hbm.at[ii_v.at[sl]], ibias.at[sl], sem_g))

    iota16 = lax.iota(jnp.int32, 16)
    gb = gb_v[...]

    def fire(j, slot):
        src = pl.ds(j * CHUNK, CHUNK)
        dst = pl.ds(slot * CHUNK, CHUNK)
        pltpu.async_copy(uf_hbm.at[ui_v.at[src]], uw.at[dst], sem_a)
        pltpu.async_copy(if_hbm.at[ii_v.at[src]], iw.at[dst], sem_a)

    def drain():
        pltpu.make_async_copy(
            uf_hbm.at[pl.ds(0, CHUNK)], uw.at[pl.ds(0, CHUNK)], sem_a).wait()
        pltpu.make_async_copy(
            if_hbm.at[pl.ds(0, CHUNK)], iw.at[pl.ds(0, CHUNK)], sem_a).wait()

    fire(0, 0)
    fire(1, 1)
    for c in bias_copies:
        c.wait()

    def chunk_body(j, carry):
        slot = lax.rem(j, 2)
        drain()
        for g in range(GPC):
            sl = pl.ds(j * CHUNK + g * 16, 16)
            rows = slot * CHUNK + g * 16 + iota16
            acc = jnp.zeros((16,), jnp.float32)
            for d in range(N_FACTORS):
                dcol = jnp.full((16,), d, jnp.int32)
                uv = plsc.load_gather(uw, [rows, dcol])
                iv = plsc.load_gather(iw, [rows, dcol])
                acc = acc + uv * iv
            out_v[sl] = acc + ubias[sl] + ibias[sl] + gb

        @pl.when(j + 2 < N_CHUNKS)
        def _():
            fire(j + 2, slot)

        return carry

    lax.fori_loop(0, N_CHUNKS, chunk_body, 0, unroll=False)

    pltpu.sync_copy(out_v, out_hbm.at[pl.ds(wid * B_PER_W, B_PER_W)])


@jax.jit
def kernel(user_idx, item_idx, user_factors, item_factors, user_biases,
           item_biases, global_bias):
    u_idx = user_idx.astype(jnp.int32).reshape(NW, B_PER_W)
    i_idx = item_idx.astype(jnp.int32).reshape(NW, B_PER_W)
    gb16 = jnp.broadcast_to(global_bias.astype(jnp.float32), (16,))
    ub1d = user_biases.reshape(-1)
    ib1d = item_biases.reshape(-1)
    ufp = jnp.pad(user_factors, ((0, 0), (0, ROWP - N_FACTORS)))
    ifp = jnp.pad(item_factors, ((0, 0), (0, ROWP - N_FACTORS)))

    mesh = plsc.VectorSubcoreMesh(core_axis_name="c", subcore_axis_name="s")
    run = pl.kernel(
        _mf_kernel,
        mesh=mesh,
        out_type=jax.ShapeDtypeStruct((BATCH,), jnp.float32),
        compiler_params=pltpu.CompilerParams(
            needs_layout_passes=False, use_tc_tiling_on_sc=True),
        scratch_types=[
            pltpu.VMEM((B_PER_W,), jnp.int32),
            pltpu.VMEM((B_PER_W,), jnp.int32),
            pltpu.VMEM((2 * CHUNK, ROWP), jnp.float32),
            pltpu.VMEM((2 * CHUNK, ROWP), jnp.float32),
            pltpu.VMEM((B_PER_W,), jnp.float32),
            pltpu.VMEM((B_PER_W,), jnp.float32),
            pltpu.VMEM((16,), jnp.float32),
            pltpu.VMEM((B_PER_W,), jnp.float32),
            pltpu.SemaphoreType.DMA,
            pltpu.SemaphoreType.DMA,
        ],
    )
    return run(u_idx, i_idx, ufp, ifp, ub1d, ib1d, gb16)

# --- scband reference (transcript-rebuilt; emitter-appended) ---
"""Pipeline reference for scband-matrix-factorization-10977936409182 (READ-ONLY COPY).

The authoritative reference and input builder live on the scoring server;
editing this copy changes nothing except your own understanding.
"""

import jax, jax.numpy as jnp
import numpy as np

N_USERS = 1000000
N_ITEMS = 1000000
N_FACTORS = 64
BATCH = 16384

def setup_inputs(seed: int = 0) -> dict:
    key = jax.random.key(seed)
    k1, k2, k3, k4, k5, k6 = jax.random.split(key, 6)
    user_idx = jax.random.randint(k1, (BATCH,), 0, N_USERS, dtype=jnp.int64 if jax.config.jax_enable_x64 else jnp.int32)
    item_idx = jax.random.randint(k2, (BATCH,), 0, N_ITEMS, dtype=jnp.int64 if jax.config.jax_enable_x64 else jnp.int32)
    user_factors = jax.random.uniform(k3, (N_USERS, N_FACTORS), dtype=jnp.float32, minval=0.0, maxval=0.05)
    item_factors = jax.random.uniform(k4, (N_ITEMS, N_FACTORS), dtype=jnp.float32, minval=0.0, maxval=0.05)
    user_biases = jax.random.uniform(k5, (N_USERS, 1), dtype=jnp.float32, minval=-0.01, maxval=0.01)
    item_biases = jax.random.uniform(k6, (N_ITEMS, 1), dtype=jnp.float32, minval=-0.01, maxval=0.01)
    global_bias = jnp.zeros((1,), dtype=jnp.float32)
    return {
        "user_idx": user_idx,
        "item_idx": item_idx,
        "user_factors": user_factors,
        "item_factors": item_factors,
        "user_biases": user_biases,
        "item_biases": item_biases,
        "global_bias": global_bias,
    }

def reference(user_idx, item_idx, user_factors, item_factors, user_biases, item_biases, global_bias):
    user_embedding = jnp.take(user_factors, user_idx, axis=0)
    item_embedding = jnp.take(item_factors, item_idx, axis=0)
    user_bias = jnp.squeeze(jnp.take(user_biases, user_idx, axis=0), axis=-1)
    item_bias = jnp.squeeze(jnp.take(item_biases, item_idx, axis=0), axis=-1)
    prediction = global_bias + user_bias + item_bias + jnp.sum(user_embedding * item_embedding, axis=1)
    return prediction

if __name__ == "__main__":
    import jax
    _d = setup_inputs()
    print(jax.jit(kernel)(*tuple(_d.values())))

</pallas_src>

<mosaic_0001>
#map = affine_map<(d0, d1) -> (0, 0)>
#map1 = affine_map<(d0, d1) -> (0)>
module attributes {stable_mosaic.version = 14 : i64} {
  func.func @_mf_kernel(%arg0: i32, %arg1: i32, %arg2: memref<32x512xi32, #tpu.memory_space<hbm>>, %arg3: memref<32x512xi32, #tpu.memory_space<hbm>>, %arg4: memref<1000000x128xf32, #tpu.memory_space<hbm>>, %arg5: memref<1000000x128xf32, #tpu.memory_space<hbm>>, %arg6: memref<1000000xf32, #tpu.memory_space<hbm>>, %arg7: memref<1000000xf32, #tpu.memory_space<hbm>>, %arg8: memref<16xf32, #tpu.memory_space<hbm>>, %arg9: memref<16384xf32, #tpu.memory_space<hbm>>, %arg10: memref<512xi32, #tpu.memory_space<vmem>>, %arg11: memref<512xi32, #tpu.memory_space<vmem>>, %arg12: memref<256x128xf32, #tpu.memory_space<vmem>>, %arg13: memref<256x128xf32, #tpu.memory_space<vmem>>, %arg14: memref<512xf32, #tpu.memory_space<vmem>>, %arg15: memref<512xf32, #tpu.memory_space<vmem>>, %arg16: memref<16xf32, #tpu.memory_space<vmem>>, %arg17: memref<512xf32, #tpu.memory_space<vmem>>, %arg18: memref<!tpu.dma_semaphore, #tpu.memory_space<semaphore_mem>>, %arg19: memref<!tpu.dma_semaphore, #tpu.memory_space<semaphore_mem>>) attributes {dimension_semantics = [#tpu.dimension_semantics<core_parallel>, #tpu.dimension_semantics<subcore_parallel>], iteration_bounds = array<i64: 2, 16>, scalar_prefetch = 0 : i64, scratch_operands = 10 : i64, tpu.core_type = #tpu.core_type<sc_vector_subcore>, window_params = [{transform_indices = #map}, {transform_indices = #map}, {transform_indices = #map}, {transform_indices = #map}, {transform_indices = #map1}, {transform_indices = #map1}, {transform_indices = #map1}, {transform_indices = #map1}]} {
    %mul3A = arith.constant 2 : i32
    %mul3A_0 = arith.muli %arg1, %mul3A : i32
    %add3A = arith.addi %mul3A_0, %arg0 : i32
    "tpu.region"() ({
      %run_scoped3A = tpu.sem_alloc : memref<!tpu.dma_semaphore, #tpu.memory_space<semaphore_mem>>
      %dma_start3A_135 = arith.constant 0 : i32
      %dma_start3A_136 = tpu.memref_slice %arg2[%add3A, %dma_start3A_135] : memref<32x512xi32, #tpu.memory_space<hbm>> -> memref<1x512xi32, #tpu.memory_space<hbm>>
      %dma_start3A_137 = tpu.memref_squeeze %dma_start3A_136 : memref<1x512xi32, #tpu.memory_space<hbm>> -> memref<512xi32, #tpu.memory_space<hbm>>
      %dma_start3A_138 = arith.constant 0 : i32
      %dma_start3A_139 = tpu.memref_slice %arg2[%add3A, %dma_start3A_138] : memref<32x512xi32, #tpu.memory_space<hbm>> -> memref<1x512xi32, #tpu.memory_space<hbm>>
      %dma_start3A_140 = tpu.memref_squeeze %dma_start3A_139 : memref<1x512xi32, #tpu.memory_space<hbm>> -> memref<512xi32, #tpu.memory_space<hbm>>
      tpu.enqueue_dma source(%dma_start3A_140 : memref<512xi32, #tpu.memory_space<hbm>>) target(%arg10 : memref<512xi32, #tpu.memory_space<vmem>>) target_semaphore(%run_scoped3A : memref<!tpu.dma_semaphore, #tpu.memory_space<semaphore_mem>>)
      %dma_wait3A_141 = arith.constant 0 : i32
      %dma_wait3A_142 = tpu.memref_slice %arg2[%add3A, %dma_wait3A_141] : memref<32x512xi32, #tpu.memory_space<hbm>> -> memref<1x512xi32, #tpu.memory_space<hbm>>
      %dma_wait3A_143 = tpu.memref_squeeze %dma_wait3A_142 : memref<1x512xi32, #tpu.memory_space<hbm>> -> memref<512xi32, #tpu.memory_space<hbm>>
      %dma_wait3A_144 = arith.constant 0 : i32
      %dma_wait3A_145 = tpu.memref_slice %arg2[%add3A, %dma_wait3A_144] : memref<32x512xi32, #tpu.memory_space<hbm>> -> memref<1x512xi32, #tpu.memory_space<hbm>>
      %dma_wait3A_146 = tpu.memref_squeeze %dma_wait3A_145 : memref<1x512xi32, #tpu.memory_space<hbm>> -> memref<512xi32, #tpu.memory_space<hbm>>
      tpu.wait_dma2 semaphore(%run_scoped3A : memref<!tpu.dma_semaphore, #tpu.memory_space<semaphore_mem>>) src(%dma_wait3A_146 : memref<512xi32, #tpu.memory_space<hbm>>) dst(%arg10 : memref<512xi32, #tpu.memory_space<vmem>>)
      tpu.yield
    }) : () -> ()
    "tpu.region"() ({
      %run_scoped3A = tpu.sem_alloc : memref<!tpu.dma_semaphore, #tpu.memory_space<semaphore_mem>>
      %dma_start3A_135 = arith.constant 0 : i32
      %dma_start3A_136 = tpu.memref_slice %arg3[%add3A, %dma_start3A_135] : memref<32x512xi32, #tpu.memory_space<hbm>> -> memref<1x512xi32, #tpu.memory_space<hbm>>
      %dma_start3A_137 = tpu.memref_squeeze %dma_start3A_136 : memref<1x512xi32, #tpu.memory_space<hbm>> -> memref<512xi32, #tpu.memory_space<hbm>>
      %dma_start3A_138 = arith.constant 0 : i32
      %dma_start3A_139 = tpu.memref_slice %arg3[%add3A, %dma_start3A_138] : memref<32x512xi32, #tpu.memory_space<hbm>> -> memref<1x512xi32, #tpu.memory_space<hbm>>
      %dma_start3A_140 = tpu.memref_squeeze %dma_start3A_139 : memref<1x512xi32, #tpu.memory_space<hbm>> -> memref<512xi32, #tpu.memory_space<hbm>>
      tpu.enqueue_dma source(%dma_start3A_140 : memref<512xi32, #tpu.memory_space<hbm>>) target(%arg11 : memref<512xi32, #tpu.memory_space<vmem>>) target_semaphore(%run_scoped3A : memref<!tpu.dma_semaphore, #tpu.memory_space<semaphore_mem>>)
      %dma_wait3A_141 = arith.constant 0 : i32
      %dma_wait3A_142 = tpu.memref_slice %arg3[%add3A, %dma_wait3A_141] : memref<32x512xi32, #tpu.memory_space<hbm>> -> memref<1x512xi32, #tpu.memory_space<hbm>>
      %dma_wait3A_143 = tpu.memref_squeeze %dma_wait3A_142 : memref<1x512xi32, #tpu.memory_space<hbm>> -> memref<512xi32, #tpu.memory_space<hbm>>
      %dma_wait3A_144 = arith.constant 0 : i32
      %dma_wait3A_145 = tpu.memref_slice %arg3[%add3A, %dma_wait3A_144] : memref<32x512xi32, #tpu.memory_space<hbm>> -> memref<1x512xi32, #tpu.memory_space<hbm>>
      %dma_wait3A_146 = tpu.memref_squeeze %dma_wait3A_145 : memref<1x512xi32, #tpu.memory_space<hbm>> -> memref<512xi32, #tpu.memory_space<hbm>>
      tpu.wait_dma2 semaphore(%run_scoped3A : memref<!tpu.dma_semaphore, #tpu.memory_space<semaphore_mem>>) src(%dma_wait3A_146 : memref<512xi32, #tpu.memory_space<hbm>>) dst(%arg11 : memref<512xi32, #tpu.memory_space<vmem>>)
      tpu.yield
    }) : () -> ()
    "tpu.region"() ({
      %run_scoped3A = tpu.sem_alloc : memref<!tpu.dma_semaphore, #tpu.memory_space<semaphore_mem>>
      tpu.enqueue_dma source(%arg8 : memref<16xf32, #tpu.memory_space<hbm>>) target(%arg16 : memref<16xf32, #tpu.memory_space<vmem>>) target_semaphore(%run_scoped3A : memref<!tpu.dma_semaphore, #tpu.memory_space<semaphore_mem>>)
      tpu.wait_dma2 semaphore(%run_scoped3A : memref<!tpu.dma_semaphore, #tpu.memory_space<semaphore_mem>>) src(%arg8 : memref<16xf32, #tpu.memory_space<hbm>>) dst(%arg16 : memref<16xf32, #tpu.memory_space<vmem>>)
      tpu.yield
    }) : () -> ()
    %dma_start3A = arith.constant 0 : i32
    %dma_start3A_1 = tpu.memref_slice %arg14[%dma_start3A] : memref<512xf32, #tpu.memory_space<vmem>> -> memref<128xf32, #tpu.memory_space<vmem>>
    %dma_start3A_2 = arith.constant 0 : i32
    %dma_start3A_3 = tpu.memref_slice %arg10[%dma_start3A_2] : memref<512xi32, #tpu.memory_space<vmem>> -> memref<128xi32, #tpu.memory_space<vmem>>
    %dma_start3A_4 = arith.constant 0 : i32
    %dma_start3A_5 = tpu.memref_slice %arg6[%dma_start3A_4] : memref<1000000xf32, #tpu.memory_space<hbm>> -> memref<1000000xf32, #tpu.memory_space<hbm>>
    tpu.enqueue_indirect_dma source(%dma_start3A_5 : memref<1000000xf32, #tpu.memory_space<hbm>>) target(%dma_start3A_1 : memref<128xf32, #tpu.memory_space<vmem>>) offsets(%dma_start3A_3 : memref<128xi32, #tpu.memory_space<vmem>>) semaphore(%arg19 : memref<!tpu.dma_semaphore, #tpu.memory_space<semaphore_mem>>)
    %dma_start3A_6 = arith.constant 0 : i32
    %dma_start3A_7 = tpu.memref_slice %arg15[%dma_start3A_6] : memref<512xf32, #tpu.memory_space<vmem>> -> memref<128xf32, #tpu.memory_space<vmem>>
    %dma_start3A_8 = arith.constant 0 : i32
    %dma_start3A_9 = tpu.memref_slice %arg11[%dma_start3A_8] : memref<512xi32, #tpu.memory_space<vmem>> -> memref<128xi32, #tpu.memory_space<vmem>>
    %dma_start3A_10 = arith.constant 0 : i32
    %dma_start3A_11 = tpu.memref_slice %arg7[%dma_start3A_10] : memref<1000000xf32, #tpu.memory_space<hbm>> -> memref<1000000xf32, #tpu.memory_space<hbm>>
    tpu.enqueue_indirect_dma source(%dma_start3A_11 : memref<1000000xf32, #tpu.memory_space<hbm>>) target(%dma_start3A_7 : memref<128xf32, #tpu.memory_space<vmem>>) offsets(%dma_start3A_9 : memref<128xi32, #tpu.memory_space<vmem>>) semaphore(%arg19 : memref<!tpu.dma_semaphore, #tpu.memory_space<semaphore_mem>>)
    %dma_start3A_12 = arith.constant 128 : i32
    %dma_start3A_13 = tpu.memref_slice %arg14[%dma_start3A_12] : memref<512xf32, #tpu.memory_space<vmem>> -> memref<128xf32, #tpu.memory_space<vmem>>
    %dma_start3A_14 = arith.constant 128 : i32
    %dma_start3A_15 = tpu.memref_slice %arg10[%dma_start3A_14] : memref<512xi32, #tpu.memory_space<vmem>> -> memref<128xi32, #tpu.memory_space<vmem>>
    %dma_start3A_16 = arith.constant 0 : i32
    %dma_start3A_17 = tpu.memref_slice %arg6[%dma_start3A_16] : memref<1000000xf32, #tpu.memory_space<hbm>> -> memref<1000000xf32, #tpu.memory_space<hbm>>
    tpu.enqueue_indirect_dma source(%dma_start3A_17 : memref<1000000xf32, #tpu.memory_space<hbm>>) target(%dma_start3A_13 : memref<128xf32, #tpu.memory_space<vmem>>) offsets(%dma_start3A_15 : memref<128xi32, #tpu.memory_space<vmem>>) semaphore(%arg19 : memref<!tpu.dma_semaphore, #tpu.memory_space<semaphore_mem>>)
    %dma_start3A_18 = arith.constant 128 : i32
    %dma_start3A_19 = tpu.memref_slice %arg15[%dma_start3A_18] : memref<512xf32, #tpu.memory_space<vmem>> -> memref<128xf32, #tpu.memory_space<vmem>>
    %dma_start3A_20 = arith.constant 128 : i32
    %dma_start3A_21 = tpu.memref_slice %arg11[%dma_start3A_20] : memref<512xi32, #tpu.memory_space<vmem>> -> memref<128xi32, #tpu.memory_space<vmem>>
    %dma_start3A_22 = arith.constant 0 : i32
    %dma_start3A_23 = tpu.memref_slice %arg7[%dma_start3A_22] : memref<1000000xf32, #tpu.memory_space<hbm>> -> memref<1000000xf32, #tpu.memory_space<hbm>>
    tpu.enqueue_indirect_dma source(%dma_start3A_23 : memref<1000000xf32, #tpu.memory_space<hbm>>) target(%dma_start3A_19 : memref<128xf32, #tpu.memory_space<vmem>>) offsets(%dma_start3A_21 : memref<128xi32, #tpu.memory_space<vmem>>) semaphore(%arg19 : memref<!tpu.dma_semaphore, #tpu.memory_space<semaphore_mem>>)
    %dma_start3A_24 = arith.constant 256 : i32
    %dma_start3A_25 = tpu.memref_slice %arg14[%dma_start3A_24] : memref<512xf32, #tpu.memory_space<vmem>> -> memref<128xf32, #tpu.memory_space<vmem>>
    %dma_start3A_26 = arith.constant 256 : i32
    %dma_start3A_27 = tpu.memref_slice %arg10[%dma_start3A_26] : memref<512xi32, #tpu.memory_space<vmem>> -> memref<128xi32, #tpu.memory_space<vmem>>
    %dma_start3A_28 = arith.constant 0 : i32
    %dma_start3A_29 = tpu.memref_slice %arg6[%dma_start3A_28] : memref<1000000xf32, #tpu.memory_space<hbm>> -> memref<1000000xf32, #tpu.memory_space<hbm>>
    tpu.enqueue_indirect_dma source(%dma_start3A_29 : memref<1000000xf32, #tpu.memory_space<hbm>>) target(%dma_start3A_25 : memref<128xf32, #tpu.memory_space<vmem>>) offsets(%dma_start3A_27 : memref<128xi32, #tpu.memory_space<vmem>>) semaphore(%arg19 : memref<!tpu.dma_semaphore, #tpu.memory_space<semaphore_mem>>)
    %dma_start3A_30 = arith.constant 256 : i32
    %dma_start3A_31 = tpu.memref_slice %arg15[%dma_start3A_30] : memref<512xf32, #tpu.memory_space<vmem>> -> memref<128xf32, #tpu.memory_space<vmem>>
    %dma_start3A_32 = arith.constant 256 : i32
    %dma_start3A_33 = tpu.memref_slice %arg11[%dma_start3A_32] : memref<512xi32, #tpu.memory_space<vmem>> -> memref<128xi32, #tpu.memory_space<vmem>>
    %dma_start3A_34 = arith.constant 0 : i32
    %dma_start3A_35 = tpu.memref_slice %arg7[%dma_start3A_34] : memref<1000000xf32, #tpu.memory_space<hbm>> -> memref<1000000xf32, #tpu.memory_space<hbm>>
    tpu.enqueue_indirect_dma source(%dma_start3A_35 : memref<1000000xf32, #tpu.memory_space<hbm>>) target(%dma_start3A_31 : memref<128xf32, #tpu.memory_space<vmem>>) offsets(%dma_start3A_33 : memref<128xi32, #tpu.memory_space<vmem>>) semaphore(%arg19 : memref<!tpu.dma_semaphore, #tpu.memory_space<semaphore_mem>>)
    %dma_start3A_36 = arith.constant 384 : i32
    %dma_start3A_37 = tpu.memref_slice %arg14[%dma_start3A_36] : memref<512xf32, #tpu.memory_space<vmem>> -> memref<128xf32, #tpu.memory_space<vmem>>
    %dma_start3A_38 = arith.constant 384 : i32
    %dma_start3A_39 = tpu.memref_slice %arg10[%dma_start3A_38] : memref<512xi32, #tpu.memory_space<vmem>> -> memref<128xi32, #tpu.memory_space<vmem>>
    %dma_start3A_40 = arith.constant 0 : i32
    %dma_start3A_41 = tpu.memref_slice %arg6[%dma_start3A_40] : memref<1000000xf32, #tpu.memory_space<hbm>> -> memref<1000000xf32, #tpu.memory_space<hbm>>
    tpu.enqueue_indirect_dma source(%dma_start3A_41 : memref<1000000xf32, #tpu.memory_space<hbm>>) target(%dma_start3A_37 : memref<128xf32, #tpu.memory_space<vmem>>) offsets(%dma_start3A_39 : memref<128xi32, #tpu.memory_space<vmem>>) semaphore(%arg19 : memref<!tpu.dma_semaphore, #tpu.memory_space<semaphore_mem>>)
    %dma_start3A_42 = arith.constant 384 : i32
    %dma_start3A_43 = tpu.memref_slice %arg15[%dma_start3A_42] : memref<512xf32, #tpu.memory_space<vmem>> -> memref<128xf32, #tpu.memory_space<vmem>>
    %dma_start3A_44 = arith.constant 384 : i32
    %dma_start3A_45 = tpu.memref_slice %arg11[%dma_start3A_44] : memref<512xi32, #tpu.memory_space<vmem>> -> memref<128xi32, #tpu.memory_space<vmem>>
    %dma_start3A_46 = arith.constant 0 : i32
    %dma_start3A_47 = tpu.memref_slice %arg7[%dma_start3A_46] : memref<1000000xf32, #tpu.memory_space<hbm>> -> memref<1000000xf32, #tpu.memory_space<hbm>>
    tpu.enqueue_indirect_dma source(%dma_start3A_47 : memref<1000000xf32, #tpu.memory_space<hbm>>) target(%dma_start3A_43 : memref<128xf32, #tpu.memory_space<vmem>>) offsets(%dma_start3A_45 : memref<128xi32, #tpu.memory_space<vmem>>) semaphore(%arg19 : memref<!tpu.dma_semaphore, #tpu.memory_space<semaphore_mem>>)
    %iota3A = tpu.iota {dimensions = array<i32: 0>} : vector<16xi32>
    %get3A = arith.constant 0 : index
    %get3A_48 = tpu.vector_load %arg16[%get3A] {strides = array<i32>} : memref<16xf32, #tpu.memory_space<vmem>>, vector<16xf32>,
    %dma_start3A_49 = arith.constant 0 : i32
    %dma_start3A_50 = arith.constant 0 : i32
    %dma_start3A_51 = tpu.memref_slice %arg12[%dma_start3A_49, %dma_start3A_50] : memref<256x128xf32, #tpu.memory_space<vmem>> -> memref<128x128xf32, #tpu.memory_space<vmem>>
    %dma_start3A_52 = arith.constant 0 : i32
    %dma_start3A_53 = tpu.memref_slice %arg10[%dma_start3A_52] : memref<512xi32, #tpu.memory_space<vmem>> -> memref<128xi32, #tpu.memory_space<vmem>>
    %dma_start3A_54 = arith.constant 0 : i32
    %dma_start3A_55 = arith.constant 0 : i32
    %dma_start3A_56 = tpu.memref_slice %arg4[%dma_start3A_54, %dma_start3A_55] : memref<1000000x128xf32, #tpu.memory_space<hbm>> -> memref<1000000x128xf32, #tpu.memory_space<hbm>>
    tpu.enqueue_indirect_dma source(%dma_start3A_56 : memref<1000000x128xf32, #tpu.memory_space<hbm>>) target(%dma_start3A_51 : memref<128x128xf32, #tpu.memory_space<vmem>>) offsets(%dma_start3A_53 : memref<128xi32, #tpu.memory_space<vmem>>) semaphore(%arg18 : memref<!tpu.dma_semaphore, #tpu.memory_space<semaphore_mem>>)
    %dma_start3A_57 = arith.constant 0 : i32
    %dma_start3A_58 = arith.constant 0 : i32
    %dma_start3A_59 = tpu.memref_slice %arg13[%dma_start3A_57, %dma_start3A_58] : memref<256x128xf32, #tpu.memory_space<vmem>> -> memref<128x128xf32, #tpu.memory_space<vmem>>
    %dma_start3A_60 = arith.constant 0 : i32
    %dma_start3A_61 = tpu.memref_slice %arg11[%dma_start3A_60] : memref<512xi32, #tpu.memory_space<vmem>> -> memref<128xi32, #tpu.memory_space<vmem>>
    %dma_start3A_62 = arith.constant 0 : i32
    %dma_start3A_63 = arith.constant 0 : i32
    %dma_start3A_64 = tpu.memref_slice %arg5[%dma_start3A_62, %dma_start3A_63] : memref<1000000x128xf32, #tpu.memory_space<hbm>> -> memref<1000000x128xf32, #tpu.memory_space<hbm>>
    tpu.enqueue_indirect_dma source(%dma_start3A_64 : memref<1000000x128xf32, #tpu.memory_space<hbm>>) target(%dma_start3A_59 : memref<128x128xf32, #tpu.memory_space<vmem>>) offsets(%dma_start3A_61 : memref<128xi32, #tpu.memory_space<vmem>>) semaphore(%arg18 : memref<!tpu.dma_semaphore, #tpu.memory_space<semaphore_mem>>)
    %dma_start3A_65 = arith.constant 128 : i32
    %dma_start3A_66 = arith.constant 0 : i32
    %dma_start3A_67 = tpu.memref_slice %arg12[%dma_start3A_65, %dma_start3A_66] : memref<256x128xf32, #tpu.memory_space<vmem>> -> memref<128x128xf32, #tpu.memory_space<vmem>>
    %dma_start3A_68 = arith.constant 128 : i32
    %dma_start3A_69 = tpu.memref_slice %arg10[%dma_start3A_68] : memref<512xi32, #tpu.memory_space<vmem>> -> memref<128xi32, #tpu.memory_space<vmem>>
    %dma_start3A_70 = arith.constant 0 : i32
    %dma_start3A_71 = arith.constant 0 : i32
    %dma_start3A_72 = tpu.memref_slice %arg4[%dma_start3A_70, %dma_start3A_71] : memref<1000000x128xf32, #tpu.memory_space<hbm>> -> memref<1000000x128xf32, #tpu.memory_space<hbm>>
    tpu.enqueue_indirect_dma source(%dma_start3A_72 : memref<1000000x128xf32, #tpu.memory_space<hbm>>) target(%dma_start3A_67 : memref<128x128xf32, #tpu.memory_space<vmem>>) offsets(%dma_start3A_69 : memref<128xi32, #tpu.memory_space<vmem>>) semaphore(%arg18 : memref<!tpu.dma_semaphore, #tpu.memory_space<semaphore_mem>>)
    %dma_start3A_73 = arith.constant 128 : i32
    %dma_start3A_74 = arith.constant 0 : i32
    %dma_start3A_75 = tpu.memref_slice %arg13[%dma_start3A_73, %dma_start3A_74] : memref<256x128xf32, #tpu.memory_space<vmem>> -> memref<128x128xf32, #tpu.memory_space<vmem>>
    %dma_start3A_76 = arith.constant 128 : i32
    %dma_start3A_77 = tpu.memref_slice %arg11[%dma_start3A_76] : memref<512xi32, #tpu.memory_space<vmem>> -> memref<128xi32, #tpu.memory_space<vmem>>
    %dma_start3A_78 = arith.constant 0 : i32
    %dma_start3A_79 = arith.constant 0 : i32
    %dma_start3A_80 = tpu.memref_slice %arg5[%dma_start3A_78, %dma_start3A_79] : memref<1000000x128xf32, #tpu.memory_space<hbm>> -> memref<1000000x128xf32, #tpu.memory_space<hbm>>
    tpu.enqueue_indirect_dma source(%dma_start3A_80 : memref<1000000x128xf32, #tpu.memory_space<hbm>>) target(%dma_start3A_75 : memref<128x128xf32, #tpu.memory_space<vmem>>) offsets(%dma_start3A_77 : memref<128xi32, #tpu.memory_space<vmem>>) semaphore(%arg18 : memref<!tpu.dma_semaphore, #tpu.memory_space<semaphore_mem>>)
    %dma_wait3A = arith.constant 0 : i32
    %dma_wait3A_81 = tpu.memref_slice %arg14[%dma_wait3A] : memref<512xf32, #tpu.memory_space<vmem>> -> memref<128xf32, #tpu.memory_space<vmem>>
    %dma_wait3A_82 = arith.constant 0 : i32
    %dma_wait3A_83 = tpu.memref_slice %arg10[%dma_wait3A_82] : memref<512xi32, #tpu.memory_space<vmem>> -> memref<128xi32, #tpu.memory_space<vmem>>
    %dma_wait3A_84 = arith.constant 0 : i32
    %dma_wait3A_85 = tpu.memref_slice %arg6[%dma_wait3A_84] : memref<1000000xf32, #tpu.memory_space<hbm>> -> memref<1000000xf32, #tpu.memory_space<hbm>>
    tpu.wait_indirect_dma semaphore(%arg19 : memref<!tpu.dma_semaphore, #tpu.memory_space<semaphore_mem>>) src(%dma_wait3A_85 : memref<1000000xf32, #tpu.memory_space<hbm>>) dst(%dma_wait3A_81 : memref<128xf32, #tpu.memory_space<vmem>>)
    %dma_wait3A_86 = arith.constant 0 : i32
    %dma_wait3A_87 = tpu.memref_slice %arg15[%dma_wait3A_86] : memref<512xf32, #tpu.memory_space<vmem>> -> memref<128xf32, #tpu.memory_space<vmem>>
    %dma_wait3A_88 = arith.constant 0 : i32
    %dma_wait3A_89 = tpu.memref_slice %arg11[%dma_wait3A_88] : memref<512xi32, #tpu.memory_space<vmem>> -> memref<128xi32, #tpu.memory_space<vmem>>
    %dma_wait3A_90 = arith.constant 0 : i32
    %dma_wait3A_91 = tpu.memref_slice %arg7[%dma_wait3A_90] : memref<1000000xf32, #tpu.memory_space<hbm>> -> memref<1000000xf32, #tpu.memory_space<hbm>>
    tpu.wait_indirect_dma semaphore(%arg19 : memref<!tpu.dma_semaphore, #tpu.memory_space<semaphore_mem>>) src(%dma_wait3A_91 : memref<1000000xf32, #tpu.memory_space<hbm>>) dst(%dma_wait3A_87 : memref<128xf32, #tpu.memory_space<vmem>>)
    %dma_wait3A_92 = arith.constant 128 : i32
    %dma_wait3A_93 = tpu.memref_slice %arg14[%dma_wait3A_92] : memref<512xf32, #tpu.memory_space<vmem>> -> memref<128xf32, #tpu.memory_space<vmem>>
    %dma_wait3A_94 = arith.constant 128 : i32
    %dma_wait3A_95 = tpu.memref_slice %arg10[%dma_wait3A_94] : memref<512xi32, #tpu.memory_space<vmem>> -> memref<128xi32, #tpu.memory_space<vmem>>
    %dma_wait3A_96 = arith.constant 0 : i32
    %dma_wait3A_97 = tpu.memref_slice %arg6[%dma_wait3A_96] : memref<1000000xf32, #tpu.memory_space<hbm>> -> memref<1000000xf32, #tpu.memory_space<hbm>>
    tpu.wait_indirect_dma semaphore(%arg19 : memref<!tpu.dma_semaphore, #tpu.memory_space<semaphore_mem>>) src(%dma_wait3A_97 : memref<1000000xf32, #tpu.memory_space<hbm>>) dst(%dma_wait3A_93 : memref<128xf32, #tpu.memory_space<vmem>>)
    %dma_wait3A_98 = arith.constant 128 : i32
    %dma_wait3A_99 = tpu.memref_slice %arg15[%dma_wait3A_98] : memref<512xf32, #tpu.memory_space<vmem>> -> memref<128xf32, #tpu.memory_space<vmem>>
    %dma_wait3A_100 = arith.constant 128 : i32
    %dma_wait3A_101 = tpu.memref_slice %arg11[%dma_wait3A_100] : memref<512xi32, #tpu.memory_space<vmem>> -> memref<128xi32, #tpu.memory_space<vmem>>
    %dma_wait3A_102 = arith.constant 0 : i32
    %dma_wait3A_103 = tpu.memref_slice %arg7[%dma_wait3A_102] : memref<1000000xf32, #tpu.memory_space<hbm>> -> memref<1000000xf32, #tpu.memory_space<hbm>>
    tpu.wait_indirect_dma semaphore(%arg19 : memref<!tpu.dma_semaphore, #tpu.memory_space<semaphore_mem>>) src(%dma_wait3A_103 : memref<1000000xf32, #tpu.memory_space<hbm>>) dst(%dma_wait3A_99 : memref<128xf32, #tpu.memory_space<vmem>>)
    %dma_wait3A_104 = arith.constant 256 : i32
    %dma_wait3A_105 = tpu.memref_slice %arg14[%dma_wait3A_104] : memref<512xf32, #tpu.memory_space<vmem>> -> memref<128xf32, #tpu.memory_space<vmem>>
    %dma_wait3A_106 = arith.constant 256 : i32
    %dma_wait3A_107 = tpu.memref_slice %arg10[%dma_wait3A_106] : memref<512xi32, #tpu.memory_space<vmem>> -> memref<128xi32, #tpu.memory_space<vmem>>
    %dma_wait3A_108 = arith.constant 0 : i32
    %dma_wait3A_109 = tpu.memref_slice %arg6[%dma_wait3A_108] : memref<1000000xf32, #tpu.memory_space<hbm>> -> memref<1000000xf32, #tpu.memory_space<hbm>>
    tpu.wait_indirect_dma semaphore(%arg19 : memref<!tpu.dma_semaphore, #tpu.memory_space<semaphore_mem>>) src(%dma_wait3A_109 : memref<1000000xf32, #tpu.memory_space<hbm>>) dst(%dma_wait3A_105 : memref<128xf32, #tpu.memory_space<vmem>>)
    %dma_wait3A_110 = arith.constant 256 : i32
    %dma_wait3A_111 = tpu.memref_slice %arg15[%dma_wait3A_110] : memref<512xf32, #tpu.memory_space<vmem>> -> memref<128xf32, #tpu.memory_space<vmem>>
    %dma_wait3A_112 = arith.constant 256 : i32
    %dma_wait3A_113 = tpu.memref_slice %arg11[%dma_wait3A_112] : memref<512xi32, #tpu.memory_space<vmem>> -> memref<128xi32, #tpu.memory_space<vmem>>
    %dma_wait3A_114 = arith.constant 0 : i32
    %dma_wait3A_115 = tpu.memref_slice %arg7[%dma_wait3A_114] : memref<1000000xf32, #tpu.memory_space<hbm>> -> memref<1000000xf32, #tpu.memory_space<hbm>>
    tpu.wait_indirect_dma semaphore(%arg19 : memref<!tpu.dma_semaphore, #tpu.memory_space<semaphore_mem>>) src(%dma_wait3A_115 : memref<1000000xf32, #tpu.memory_space<hbm>>) dst(%dma_wait3A_111 : memref<128xf32, #tpu.memory_space<vmem>>)
    %dma_wait3A_116 = arith.constant 384 : i32
    %dma_wait3A_117 = tpu.memref_slice %arg14[%dma_wait3A_116] : memref<512xf32, #tpu.memory_space<vmem>> -> memref<128xf32, #tpu.memory_space<vmem>>
    %dma_wait3A_118 = arith.constant 384 : i32
    %dma_wait3A_119 = tpu.memref_slice %arg10[%dma_wait3A_118] : memref<512xi32, #tpu.memory_space<vmem>> -> memref<128xi32, #tpu.memory_space<vmem>>
    %dma_wait3A_120 = arith.constant 0 : i32
    %dma_wait3A_121 = tpu.memref_slice %arg6[%dma_wait3A_120] : memref<1000000xf32, #tpu.memory_space<hbm>> -> memref<1000000xf32, #tpu.memory_space<hbm>>
    tpu.wait_indirect_dma semaphore(%arg19 : memref<!tpu.dma_semaphore, #tpu.memory_space<semaphore_mem>>) src(%dma_wait3A_121 : memref<1000000xf32, #tpu.memory_space<hbm>>) dst(%dma_wait3A_117 : memref<128xf32, #tpu.memory_space<vmem>>)
    %dma_wait3A_122 = arith.constant 384 : i32
    %dma_wait3A_123 = tpu.memref_slice %arg15[%dma_wait3A_122] : memref<512xf32, #tpu.memory_space<vmem>> -> memref<128xf32, #tpu.memory_space<vmem>>
    %dma_wait3A_124 = arith.constant 384 : i32
    %dma_wait3A_125 = tpu.memref_slice %arg11[%dma_wait3A_124] : memref<512xi32, #tpu.memory_space<vmem>> -> memref<128xi32, #tpu.memory_space<vmem>>
    %dma_wait3A_126 = arith.constant 0 : i32
    %dma_wait3A_127 = tpu.memref_slice %arg7[%dma_wait3A_126] : memref<1000000xf32, #tpu.memory_space<hbm>> -> memref<1000000xf32, #tpu.memory_space<hbm>>
    tpu.wait_indirect_dma semaphore(%arg19 : memref<!tpu.dma_semaphore, #tpu.memory_space<semaphore_mem>>) src(%dma_wait3A_127 : memref<1000000xf32, #tpu.memory_space<hbm>>) dst(%dma_wait3A_123 : memref<128xf32, #tpu.memory_space<vmem>>)
    %scan3A = arith.constant 0 : i32
    %scan3A_128 = arith.constant 0 : i32
    %scan3A_129 = arith.constant 4 : i32
    %scan3A_130 = arith.addi %scan3A_128, %scan3A_129 : i32
    %scan3A_131 = arith.constant 1 : i32
    scf.for %scan3A_135 = %scan3A_128 to %scan3A_130 step %scan3A_131  : i32 {
      %rem3A = arith.constant 2 : i32
      %rem3A_136 = arith.remsi %scan3A_135, %rem3A : i32
      %dma_wait3A_137 = arith.constant 0 : i32
      %dma_wait3A_138 = arith.constant 0 : i32
      %dma_wait3A_139 = tpu.memref_slice %arg12[%dma_wait3A_137, %dma_wait3A_138] : memref<256x128xf32, #tpu.memory_space<vmem>> -> memref<128x128xf32, #tpu.memory_space<vmem>>
      %dma_wait3A_140 = arith.constant 0 : i32
      %dma_wait3A_141 = arith.constant 0 : i32
      %dma_wait3A_142 = tpu.memref_slice %arg4[%dma_wait3A_140, %dma_wait3A_141] : memref<1000000x128xf32, #tpu.memory_space<hbm>> -> memref<128x128xf32, #tpu.memory_space<hbm>>
      %dma_wait3A_143 = arith.constant 0 : i32
      %dma_wait3A_144 = arith.constant 0 : i32
      %dma_wait3A_145 = tpu.memref_slice %arg12[%dma_wait3A_143, %dma_wait3A_144] : memref<256x128xf32, #tpu.memory_space<vmem>> -> memref<128x128xf32, #tpu.memory_space<vmem>>
      %dma_wait3A_146 = arith.constant 0 : i32
      %dma_wait3A_147 = arith.constant 0 : i32
      %dma_wait3A_148 = tpu.memref_slice %arg4[%dma_wait3A_146, %dma_wait3A_147] : memref<1000000x128xf32, #tpu.memory_space<hbm>> -> memref<128x128xf32, #tpu.memory_space<hbm>>
      tpu.wait_dma2 semaphore(%arg18 : memref<!tpu.dma_semaphore, #tpu.memory_space<semaphore_mem>>) src(%dma_wait3A_148 : memref<128x128xf32, #tpu.memory_space<hbm>>) dst(%dma_wait3A_145 : memref<128x128xf32, #tpu.memory_space<vmem>>)
      %dma_wait3A_149 = arith.constant 0 : i32
      %dma_wait3A_150 = arith.constant 0 : i32
      %dma_wait3A_151 = tpu.memref_slice %arg13[%dma_wait3A_149, %dma_wait3A_150] : memref<256x128xf32, #tpu.memory_space<vmem>> -> memref<128x128xf32, #tpu.memory_space<vmem>>
      %dma_wait3A_152 = arith.constant 0 : i32
      %dma_wait3A_153 = arith.constant 0 : i32
      %dma_wait3A_154 = tpu.memref_slice %arg5[%dma_wait3A_152, %dma_wait3A_153] : memref<1000000x128xf32, #tpu.memory_space<hbm>> -> memref<128x128xf32, #tpu.memory_space<hbm>>
      %dma_wait3A_155 = arith.constant 0 : i32
      %dma_wait3A_156 = arith.constant 0 : i32
      %dma_wait3A_157 = tpu.memref_slice %arg13[%dma_wait3A_155, %dma_wait3A_156] : memref<256x128xf32, #tpu.memory_space<vmem>> -> memref<128x128xf32, #tpu.memory_space<vmem>>
      %dma_wait3A_158 = arith.constant 0 : i32
      %dma_wait3A_159 = arith.constant 0 : i32
      %dma_wait3A_160 = tpu.memref_slice %arg5[%dma_wait3A_158, %dma_wait3A_159] : memref<1000000x128xf32, #tpu.memory_space<hbm>> -> memref<128x128xf32, #tpu.memory_space<hbm>>
      tpu.wait_dma2 semaphore(%arg18 : memref<!tpu.dma_semaphore, #tpu.memory_space<semaphore_mem>>) src(%dma_wait3A_160 : memref<128x128xf32, #tpu.memory_space<hbm>>) dst(%dma_wait3A_157 : memref<128x128xf32, #tpu.memory_space<vmem>>)
      %mul3A_161 = arith.constant 128 : i32
      %mul3A_162 = arith.muli %scan3A_135, %mul3A_161 : i32
      %add3A_163 = arith.constant 0 : i32
      %add3A_164 = arith.addi %mul3A_162, %add3A_163 : i32
      %mul3A_165 = arith.constant 128 : i32
      %mul3A_166 = arith.muli %rem3A_136, %mul3A_165 : i32
      %add3A_167 = arith.constant 0 : i32
      %add3A_168 = arith.addi %mul3A_166, %add3A_167 : i32
      %add3A_169 = vector.broadcast %add3A_168 : i32 to vector<16xi32>
      %add3A_170 = arith.addi %add3A_169, %iota3A : vector<16xi32>
      %broadcast_in_dim3A = arith.constant 0.000000e+00 : f32
      %broadcast_in_dim3A_171 = vector.broadcast %broadcast_in_dim3A : f32 to vector<16xf32>
      %broadcast_in_dim3A_172 = arith.constant 0 : i32
      %broadcast_in_dim3A_173 = vector.broadcast %broadcast_in_dim3A_172 : i32 to vector<16xi32>
      %gather3A = tpu.vector_load_idx %arg12[%add3A_170, %broadcast_in_dim3A_173] : memref<256x128xf32, #tpu.memory_space<vmem>>[vector<16xi32>, vector<16xi32>], vector<16xf32>,
      %gather3A_174 = tpu.vector_load_idx %arg13[%add3A_170, %broadcast_in_dim3A_173] : memref<256x128xf32, #tpu.memory_space<vmem>>[vector<16xi32>, vector<16xi32>], vector<16xf32>,
      %mul3A_175 = arith.mulf %gather3A, %gather3A_174 : vector<16xf32>
      %add3A_176 = arith.addf %broadcast_in_dim3A_171, %mul3A_175 : vector<16xf32>
      %broadcast_in_dim3A_177 = arith.constant 1 : i32
      %broadcast_in_dim3A_178 = vector.broadcast %broadcast_in_dim3A_177 : i32 to vector<16xi32>
      %gather3A_179 = tpu.vector_load_idx %arg12[%add3A_170, %broadcast_in_dim3A_178] : memref<256x128xf32, #tpu.memory_space<vmem>>[vector<16xi32>, vector<16xi32>], vector<16xf32>,
      %gather3A_180 = tpu.vector_load_idx %arg13[%add3A_170, %broadcast_in_dim3A_178] : memref<256x128xf32, #tpu.memory_space<vmem>>[vector<16xi32>, vector<16xi32>], vector<16xf32>,
      %mul3A_181 = arith.mulf %gather3A_179, %gather3A_180 : vector<16xf32>
      %add3A_182 = arith.addf %add3A_176, %mul3A_181 : vector<16xf32>
      %broadcast_in_dim3A_183 = arith.constant 2 : i32
      %broadcast_in_dim3A_184 = vector.broadcast %broadcast_in_dim3A_183 : i32 to vector<16xi32>
      %gather3A_185 = tpu.vector_load_idx %arg12[%add3A_170, %broadcast_in_dim3A_184] : memref<256x128xf32, #tpu.memory_space<vmem>>[vector<16xi32>, vector<16xi32>], vector<16xf32>,
      %gather3A_186 = tpu.vector_load_idx %arg13[%add3A_170, %broadcast_in_dim3A_184] : memref<256x128xf32, #tpu.memory_space<vmem>>[vector<16xi32>, vector<16xi32>], vector<16xf32>,
      %mul3A_187 = arith.mulf %gather3A_185, %gather3A_186 : vector<16xf32>
      %add3A_188 = arith.addf %add3A_182, %mul3A_187 : vector<16xf32>
      %broadcast_in_dim3A_189 = arith.constant 3 : i32
      %broadcast_in_dim3A_190 = vector.broadcast %broadcast_in_dim3A_189 : i32 to vector<16xi32>
      %gather3A_191 = tpu.vector_load_idx %arg12[%add3A_170, %broadcast_in_dim3A_190] : memref<256x128xf32, #tpu.memory_space<vmem>>[vector<16xi32>, vector<16xi32>], vector<16xf32>,
      %gather3A_192 = tpu.vector_load_idx %arg13[%add3A_170, %broadcast_in_dim3A_190] : memref<256x128xf32, #tpu.memory_space<vmem>>[vector<16xi32>, vector<16xi32>], vector<16xf32>,
      %mul3A_193 = arith.mulf %gather3A_191, %gather3A_192 : vector<16xf32>
      %add3A_194 = arith.addf %add3A_188, %mul3A_193 : vector<16xf32>
      %broadcast_in_dim3A_195 = arith.constant 4 : i32
      %broadcast_in_dim3A_196 = vector.broadcast %broadcast_in_dim3A_195 : i32 to vector<16xi32>
      %gather3A_197 = tpu.vector_load_idx %arg12[%add3A_170, %broadcast_in_dim3A_196] : memref<256x128xf32, #tpu.memory_space<vmem>>[vector<16xi32>, vector<16xi32>], vector<16xf32>,
      %gather3A_198 = tpu.vector_load_idx %arg13[%add3A_170, %broadcast_in_dim3A_196] : memref<256x128xf32, #tpu.memory_space<vmem>>[vector<16xi32>, vector<16xi32>], vector<16xf32>,
      %mul3A_199 = arith.mulf %gather3A_197, %gather3A_198 : vector<16xf32>
      %add3A_200 = arith.addf %add3A_194, %mul3A_199 : vector<16xf32>
      %broadcast_in_dim3A_201 = arith.constant 5 : i32
      %broadcast_in_dim3A_202 = vector.broadcast %broadcast_in_dim3A_201 : i32 to vector<16xi32>
      %gather3A_203 = tpu.vector_load_idx %arg12[%add3A_170, %broadcast_in_dim3A_202] : memref<256x128xf32, #tpu.memory_space<vmem>>[vector<16xi32>, vector<16xi32>], vector<16xf32>,
      %gather3A_204 = tpu.vector_load_idx %arg13[%add3A_170, %broadcast_in_dim3A_202] : memref<256x128xf32, #tpu.memory_space<vmem>>[vector<16xi32>, vector<16xi32>], vector<16xf32>,
      %mul3A_205 = arith.mulf %gather3A_203, %gather3A_204 : vector<16xf32>
      %add3A_206 = arith.addf %add3A_200, %mul3A_205 : vector<16xf32>
      %broadcast_in_dim3A_207 = arith.constant 6 : i32
      %broadcast_in_dim3A_208 = vector.broadcast %broadcast_in_dim3A_207 : i32 to vector<16xi32>
      %gather3A_209 = tpu.vector_load_idx %arg12[%add3A_170, %broadcast_in_dim3A_208] : memref<256x128xf32, #tpu.memory_space<vmem>>[vector<16xi32>, vector<16xi32>], vector<16xf32>,
      %gather3A_210 = tpu.vector_load_idx %arg13[%add3A_170, %broadcast_in_dim3A_208] : memref<256x128xf32, #tpu.memory_space<vmem>>[vector<16xi32>, vector<16xi32>], vector<16xf32>,
      %mul3A_211 = arith.mulf %gather3A_209, %gather3A_210 : vector<16xf32>
      %add3A_212 = arith.addf %add3A_206, %mul3A_211 : vector<16xf32>
      %broadcast_in_dim3A_213 = arith.constant 7 : i32
      %broadcast_in_dim3A_214 = vector.broadcast %broadcast_in_dim3A_213 : i32 to vector<16xi32>
      %gather3A_215 = tpu.vector_load_idx %arg12[%add3A_170, %broadcast_in_dim3A_214] : memref<256x128xf32, #tpu.memory_space<vmem>>[vector<16xi32>, vector<16xi32>], vector<16xf32>,
      %gather3A_216 = tpu.vector_load_idx %arg13[%add3A_170, %broadcast_in_dim3A_214] : memref<256x128xf32, #tpu.memory_space<vmem>>[vector<16xi32>, vector<16xi32>], vector<16xf32>,
      %mul3A_217 = arith.mulf %gather3A_215, %gather3A_216 : vector<16xf32>
      %add3A_218 = arith.addf %add3A_212, %mul3A_217 : vector<16xf32>
      %broadcast_in_dim3A_219 = arith.constant 8 : i32
      %broadcast_in_dim3A_220 = vector.broadcast %broadcast_in_dim3A_219 : i32 to vector<16xi32>
      %gather3A_221 = tpu.vector_load_idx %arg12[%add3A_170, %broadcast_in_dim3A_220] : memref<256x128xf32, #tpu.memory_space<vmem>>[vector<16xi32>, vector<16xi32>], vector<16xf32>,
      %gather3A_222 = tpu.vector_load_idx %arg13[%add3A_170, %broadcast_in_dim3A_220] : memref<256x128xf32, #tpu.memory_space<vmem>>[vector<16xi32>, vector<16xi32>], vector<16xf32>,
      %mul3A_223 = arith.mulf %gather3A_221, %gather3A_222 : vector<16xf32>
      %add3A_224 = arith.addf %add3A_218, %mul3A_223 : vector<16xf32>
      %broadcast_in_dim3A_225 = arith.constant 9 : i32
      %broadcast_in_dim3A_226 = vector.broadcast %broadcast_in_dim3A_225 : i32 to vector<16xi32>
      %gather3A_227 = tpu.vector_load_idx %arg12[%add3A_170, %broadcast_in_dim3A_226] : memref<256x128xf32, #tpu.memory_space<vmem>>[vector<16xi32>, vector<16xi32>], vector<16xf32>,
      %gather3A_228 = tpu.vector_load_idx %arg13[%add3A_170, %broadcast_in_dim3A_226] : memref<256x128xf32, #tpu.memory_space<vmem>>[vector<16xi32>, vector<16xi32>], vector<16xf32>,
      %mul3A_229 = arith.mulf %gather3A_227, %gather3A_228 : vector<16xf32>
      %add3A_230 = arith.addf %add3A_224, %mul3A_229 : vector<16xf32>
      %broadcast_in_dim3A_231 = arith.constant 10 : i32
      %broadcast_in_dim3A_232 = vector.broadcast %broadcast_in_dim3A_231 : i32 to vector<16xi32>
      %gather3A_233 = tpu.vector_load_idx %arg12[%add3A_170, %broadcast_in_dim3A_232] : memref<256x128xf32, #tpu.memory_space<vmem>>[vector<16xi32>, vector<16xi32>], vector<16xf32>,
      %gather3A_234 = tpu.vector_load_idx %arg13[%add3A_170, %broadcast_in_dim3A_232] : memref<256x128xf32, #tpu.memory_space<vmem>>[vector<16xi32>, vector<16xi32>], vector<16xf32>,
      %mul3A_235 = arith.mulf %gather3A_233, %gather3A_234 : vector<16xf32>
      %add3A_236 = arith.addf %add3A_230, %mul3A_235 : vector<16xf32>
      %broadcast_in_dim3A_237 = arith.constant 11 : i32
      %broadcast_in_dim3A_238 = vector.broadcast %broadcast_in_dim3A_237 : i32 to vector<16xi32>
      %gather3A_239 = tpu.vector_load_idx %arg12[%add3A_170, %broadcast_in_dim3A_238] : memref<256x128xf32, #tpu.memory_space<vmem>>[vector<16xi32>, vector<16xi32>], vector<16xf32>,
      %gather3A_240 = tpu.vector_load_idx %arg13[%add3A_170, %broadcast_in_dim3A_238] : memref<256x128xf32, #tpu.memory_space<vmem>>[vector<16xi32>, vector<16xi32>], vector<16xf32>,
      %mul3A_241 = arith.mulf %gather3A_239, %gather3A_240 : vector<16xf32>
      %add3A_242 = arith.addf %add3A_236, %mul3A_241 : vector<16xf32>
      %broadcast_in_dim3A_243 = arith.constant 12 : i32
      %broadcast_in_dim3A_244 = vector.broadcast %broadcast_in_dim3A_243 : i32 to vector<16xi32>
      %gather3A_245 = tpu.vector_load_idx %arg12[%add3A_170, %broadcast_in_dim3A_244] : memref<256x128xf32, #tpu.memory_space<vmem>>[vector<16xi32>, vector<16xi32>], vector<16xf32>,
      %gather3A_246 = tpu.vector_load_idx %arg13[%add3A_170, %broadcast_in_dim3A_244] : memref<256x128xf32, #tpu.memory_space<vmem>>[vector<16xi32>, vector<16xi32>], vector<16xf32>,
      %mul3A_247 = arith.mulf %gather3A_245, %gather3A_246 : vector<16xf32>
      %add3A_248 = arith.addf %add3A_242, %mul3A_247 : vector<16xf32>
      %broadcast_in_dim3A_249 = arith.constant 13 : i32
      %broadcast_in_dim3A_250 = vector.broadcast %broadcast_in_dim3A_249 : i32 to vector<16xi32>
      %gather3A_251 = tpu.vector_load_idx %arg12[%add3A_170, %broadcast_in_dim3A_250] : memref<256x128xf32, #tpu.memory_space<vmem>>[vector<16xi32>, vector<16xi32>], vector<16xf32>,
      %gather3A_252 = tpu.vector_load_idx %arg13[%add3A_170, %broadcast_in_dim3A_250] : memref<256x128xf32, #tpu.memory_space<vmem>>[vector<16xi32>, vector<16xi32>], vector<16xf32>,
      %mul3A_253 = arith.mulf %gather3A_251, %gather3A_252 : vector<16xf32>
      %add3A_254 = arith.addf %add3A_248, %mul3A_253 : vector<16xf32>
      %broadcast_in_dim3A_255 = arith.constant 14 : i32
      %broadcast_in_dim3A_256 = vector.broadcast %broadcast_in_dim3A_255 : i32 to vector<16xi32>
      %gather3A_257 = tpu.vector_load_idx %arg12[%add3A_170, %broadcast_in_dim3A_256] : memref<256x128xf32, #tpu.memory_space<vmem>>[vector<16xi32>, vector<16xi32>], vector<16xf32>,
      %gather3A_258 = tpu.vector_load_idx %arg13[%add3A_170, %broadcast_in_dim3A_256] : memref<256x128xf32, #tpu.memory_space<vmem>>[vector<16xi32>, vector<16xi32>], vector<16xf32>,
      %mul3A_259 = arith.mulf %gather3A_257, %gather3A_258 : vector<16xf32>
      %add3A_260 = arith.addf %add3A_254, %mul3A_259 : vector<16xf32>
      %broadcast_in_dim3A_261 = arith.constant 15 : i32
      %broadcast_in_dim3A_262 = vector.broadcast %broadcast_in_dim3A_261 : i32 to vector<16xi32>
      %gather3A_263 = tpu.vector_load_idx %arg12[%add3A_170, %broadcast_in_dim3A_262] : memref<256x128xf32, #tpu.memory_space<vmem>>[vector<16xi32>, vector<16xi32>], vector<16xf32>,
      %gather3A_264 = tpu.vector_load_idx %arg13[%add3A_170, %broadcast_in_dim3A_262] : memref<256x128xf32, #tpu.memory_space<vmem>>[vector<16xi32>, vector<16xi32>], vector<16xf32>,
      %mul3A_265 = arith.mulf %gather3A_263, %gather3A_264 : vector<16xf32>
      %add3A_266 = arith.addf %add3A_260, %mul3A_265 : vector<16xf32>
      %broadcast_in_dim3A_267 = arith.constant 16 : i32
      %broadcast_in_dim3A_268 = vector.broadcast %broadcast_in_dim3A_267 : i32 to vector<16xi32>
      %gather3A_269 = tpu.vector_load_idx %arg12[%add3A_170, %broadcast_in_dim3A_268] : memref<256x128xf32, #tpu.memory_space<vmem>>[vector<16xi32>, vector<16xi32>], vector<16xf32>,
      %gather3A_270 = tpu.vector_load_idx %arg13[%add3A_170, %broadcast_in_dim3A_268] : memref<256x128xf32, #tpu.memory_space<vmem>>[vector<16xi32>, vector<16xi32>], vector<16xf32>,
      %mul3A_271 = arith.mulf %gather3A_269, %gather3A_270 : vector<16xf32>
      %add3A_272 = arith.addf %add3A_266, %mul3A_271 : vector<16xf32>
      %broadcast_in_dim3A_273 = arith.constant 17 : i32
      %broadcast_in_dim3A_274 = vector.broadcast %broadcast_in_dim3A_273 : i32 to vector<16xi32>
      %gather3A_275 = tpu.vector_load_idx %arg12[%add3A_170, %broadcast_in_dim3A_274] : memref<256x128xf32, #tpu.memory_space<vmem>>[vector<16xi32>, vector<16xi32>], vector<16xf32>,
      %gather3A_276 = tpu.vector_load_idx %arg13[%add3A_170, %broadcast_in_dim3A_274] : memref<256x128xf32, #tpu.memory_space<vmem>>[vector<16xi32>, vector<16xi32>], vector<16xf32>,
      %mul3A_277 = arith.mulf %gather3A_275, %gather3A_276 : vector<16xf32>
      %add3A_278 = arith.addf %add3A_272, %mul3A_277 : vector<16xf32>
      %broadcast_in_dim3A_279 = arith.constant 18 : i32
      %broadcast_in_dim3A_280 = vector.broadcast %broadcast_in_dim3A_279 : i32 to vector<16xi32>
      %gather3A_281 = tpu.vector_load_idx %arg12[%add3A_170, %broadcast_in_dim3A_280] : memref<256x128xf32, #tpu.memory_space<vmem>>[vector<16xi32>, vector<16xi32>], vector<16xf32>,
      %gather3A_282 = tpu.vector_load_idx %arg13[%add3A_170, %broadcast_in_dim3A_280] : memref<256x128xf32, #tpu.memory_space<vmem>>[vector<16xi32>, vector<16xi32>], vector<16xf32>,
      %mul3A_283 = arith.mulf %gather3A_281, %gather3A_282 : vector<16xf32>
      %add3A_284 = arith.addf %add3A_278, %mul3A_283 : vector<16xf32>
      %broadcast_in_dim3A_285 = arith.constant 19 : i32
      %broadcast_in_dim3A_286 = vector.broadcast %broadcast_in_dim3A_285 : i32 to vector<16xi32>
      %gather3A_287 = tpu.vector_load_idx %arg12[%add3A_170, %broadcast_in_dim3A_286] : memref<256x128xf32, #tpu.memory_space<vmem>>[vector<16xi32>, vector<16xi32>], vector<16xf32>,
      %gather3A_288 = tpu.vector_load_idx %arg13[%add3A_170, %broadcast_in_dim3A_286] : memref<256x128xf32, #tpu.memory_space<vmem>>[vector<16xi32>, vector<16xi32>], vector<16xf32>,
      %mul3A_289 = arith.mulf %gather3A_287, %gather3A_288 : vector<16xf32>
      %add3A_290 = arith.addf %add3A_284, %mul3A_289 : vector<16xf32>
      %broadcast_in_dim3A_291 = arith.constant 20 : i32
      %broadcast_in_dim3A_292 = vector.broadcast %broadcast_in_dim3A_291 : i32 to vector<16xi32>
      %gather3A_293 = tpu.vector_load_idx %arg12[%add3A_170, %broadcast_in_dim3A_292] : memref<256x128xf32, #tpu.memory_space<vmem>>[vector<16xi32>, vector<16xi32>], vector<16xf32>,
      %gather3A_294 = tpu.vector_load_idx %arg13[%add3A_170, %broadcast_in_dim3A_292] : memref<256x128xf32, #tpu.memory_space<vmem>>[vector<16xi32>, vector<16xi32>], vector<16xf32>,
      %mul3A_295 = arith.mulf %gather3A_293, %gather3A_294 : vector<16xf32>
      %add3A_296 = arith.addf %add3A_290, %mul3A_295 : vector<16xf32>
      %broadcast_in_dim3A_297 = arith.constant 21 : i32
      %broadcast_in_dim3A_298 = vector.broadcast %broadcast_in_dim3A_297 : i32 to vector<16xi32>
      %gather3A_299 = tpu.vector_load_idx %arg12[%add3A_170, %broadcast_in_dim3A_298] : memref<256x128xf32, #tpu.memory_space<vmem>>[vector<16xi32>, vector<16xi32>], vector<16xf32>,
      %gather3A_300 = tpu.vector_load_idx %arg13[%add3A_170, %broadcast_in_dim3A_298] : memref<256x128xf32, #tpu.memory_space<vmem>>[vector<16xi32>, vector<16xi32>], vector<16xf32>,
      %mul3A_301 = arith.mulf %gather3A_299, %gather3A_300 : vector<16xf32>
      %add3A_302 = arith.addf %add3A_296, %mul3A_301 : vector<16xf32>
      %broadcast_in_dim3A_303 = arith.constant 22 : i32
      %broadcast_in_dim3A_304 = vector.broadcast %broadcast_in_dim3A_303 : i32 to vector<16xi32>
      %gather3A_305 = tpu.vector_load_idx %arg12[%add3A_170, %broadcast_in_dim3A_304] : memref<256x128xf32, #tpu.memory_space<vmem>>[vector<16xi32>, vector<16xi32>], vector<16xf32>,
      %gather3A_306 = tpu.vector_load_idx %arg13[%add3A_170, %broadcast_in_dim3A_304] : memref<256x128xf32, #tpu.memory_space<vmem>>[vector<16xi32>, vector<16xi32>], vector<16xf32>,
      %mul3A_307 = arith.mulf %gather3A_305, %gather3A_306 : vector<16xf32>
      %add3A_308 = arith.addf %add3A_302, %mul3A_307 : vector<16xf32>
      %broadcast_in_dim3A_309 = arith.constant 23 : i32
      %broadcast_in_dim3A_310 = vector.broadcast %broadcast_in_dim3A_309 : i32 to vector<16xi32>
      %gather3A_311 = tpu.vector_load_idx %arg12[%add3A_170, %broadcast_in_dim3A_310] : memref<256x128xf32, #tpu.memory_space<vmem>>[vector<16xi32>, vector<16xi32>], vector<16xf32>,
      %gather3A_312 = tpu.vector_load_idx %arg13[%add3A_170, %broadcast_in_dim3A_310] : memref<256x128xf32, #tpu.memory_space<vmem>>[vector<16xi32>, vector<16xi32>], vector<16xf32>,
      %mul3A_313 = arith.mulf %gather3A_311, %gather3A_312 : vector<16xf32>
      %add3A_314 = arith.addf %add3A_308, %mul3A_313 : vector<16xf32>
      %broadcast_in_dim3A_315 = arith.constant 24 : i32
      %broadcast_in_dim3A_316 = vector.broadcast %broadcast_in_dim3A_315 : i32 to vector<16xi32>
      %gather3A_317 = tpu.vector_load_idx %arg12[%add3A_170, %broadcast_in_dim3A_316] : memref<256x128xf32, #tpu.memory_space<vmem>>[vector<16xi32>, vector<16xi32>], vector<16xf32>,
      %gather3A_318 = tpu.vector_load_idx %arg13[%add3A_170, %broadcast_in_dim3A_316] : memref<256x128xf32, #tpu.memory_space<vmem>>[vector<16xi32>, vector<16xi32>], vector<16xf32>,
      %mul3A_319 = arith.mulf %gather3A_317, %gather3A_318 : vector<16xf32>
      %add3A_320 = arith.addf %add3A_314, %mul3A_319 : vector<16xf32>
      %broadcast_in_dim3A_321 = arith.constant 25 : i32
      %broadcast_in_dim3A_322 = vector.broadcast %broadcast_in_dim3A_321 : i32 to vector<16xi32>
      %gather3A_323 = tpu.vector_load_idx %arg12[%add3A_170, %broadcast_in_dim3A_322] : memref<256x128xf32, #tpu.memory_space<vmem>>[vector<16xi32>, vector<16xi32>], vector<16xf32>,
      %gather3A_324 = tpu.vector_load_idx %arg13[%add3A_170, %broadcast_in_dim3A_322] : memref<256x128xf32, #tpu.memory_space<vmem>>[vector<16xi32>, vector<16xi32>], vector<16xf32>,
      %mul3A_325 = arith.mulf %gather3A_323, %gather3A_324 : vector<16xf32>
      %add3A_326 = arith.addf %add3A_320, %mul3A_325 : vector<16xf32>
      %broadcast_in_dim3A_327 = arith.constant 26 : i32
      %broadcast_in_dim3A_328 = vector.broadcast %broadcast_in_dim3A_327 : i32 to vector<16xi32>
      %gather3A_329 = tpu.vector_load_idx %arg12[%add3A_170, %broadcast_in_dim3A_328] : memref<256x128xf32, #tpu.memory_space<vmem>>[vector<16xi32>, vector<16xi32>], vector<16xf32>,
      %gather3A_330 = tpu.vector_load_idx %arg13[%add3A_170, %broadcast_in_dim3A_328] : memref<256x128xf32, #tpu.memory_space<vmem>>[vector<16xi32>, vector<16xi32>], vector<16xf32>,
      %mul3A_331 = arith.mulf %gather3A_329, %gather3A_330 : vector<16xf32>
      %add3A_332 = arith.addf %add3A_326, %mul3A_331 : vector<16xf32>
      %broadcast_in_dim3A_333 = arith.constant 27 : i32
      %broadcast_in_dim3A_334 = vector.broadcast %broadcast_in_dim3A_333 : i32 to vector<16xi32>
      %gather3A_335 = tpu.vector_load_idx %arg12[%add3A_170, %broadcast_in_dim3A_334] : memref<256x128xf32, #tpu.memory_space<vmem>>[vector<16xi32>, vector<16xi32>], vector<16xf32>,
      %gather3A_336 = tpu.vector_load_idx %arg13[%add3A_170, %broadcast_in_dim3A_334] : memref<256x128xf32, #tpu.memory_space<vmem>>[vector<16xi32>, vector<16xi32>], vector<16xf32>,
      %mul3A_337 = arith.mulf %gather3A_335, %gather3A_336 : vector<16xf32>
      %add3A_338 = arith.addf %add3A_332, %mul3A_337 : vector<16xf32>
      %broadcast_in_dim3A_339 = arith.constant 28 : i32
      %broadcast_in_dim3A_340 = vector.broadcast %broadcast_in_dim3A_339 : i32 to vector<16xi32>
      %gather3A_341 = tpu.vector_load_idx %arg12[%add3A_170, %broadcast_in_dim3A_340] : memref<256x128xf32, #tpu.memory_space<vmem>>[vector<16xi32>, vector<16xi32>], vector<16xf32>,
      %gather3A_342 = tpu.vector_load_idx %arg13[%add3A_170, %broadcast_in_dim3A_340] : memref<256x128xf32, #tpu.memory_space<vmem>>[vector<16xi32>, vector<16xi32>], vector<16xf32>,
      %mul3A_343 = arith.mulf %gather3A_341, %gather3A_342 : vector<16xf32>
      %add3A_344 = arith.addf %add3A_338, %mul3A_343 : vector<16xf32>
      %broadcast_in_dim3A_345 = arith.constant 29 : i32
      %broadcast_in_dim3A_346 = vector.broadcast %broadcast_in_dim3A_345 : i32 to vector<16xi32>
      %gather3A_347 = tpu.vector_load_idx %arg12[%add3A_170, %broadcast_in_dim3A_346] : memref<256x128xf32, #tpu.memory_space<vmem>>[vector<16xi32>, vector<16xi32>], vector<16xf32>,
      %gather3A_348 = tpu.vector_load_idx %arg13[%add3A_170, %broadcast_in_dim3A_346] : memref<256x128xf32, #tpu.memory_space<vmem>>[vector<16xi32>, vector<16xi32>], vector<16xf32>,
      %mul3A_349 = arith.mulf %gather3A_347, %gather3A_348 : vector<16xf32>
      %add3A_350 = arith.addf %add3A_344, %mul3A_349 : vector<16xf32>
      %broadcast_in_dim3A_351 = arith.constant 30 : i32
      %broadcast_in_dim3A_352 = vector.broadcast %broadcast_in_dim3A_351 : i32 to vector<16xi32>
      %gather3A_353 = tpu.vector_load_idx %arg12[%add3A_170, %broadcast_in_dim3A_352] : memref<256x128xf32, #tpu.memory_space<vmem>>[vector<16xi32>, vector<16xi32>], vector<16xf32>,
      %gather3A_354 = tpu.vector_load_idx %arg13[%add3A_170, %broadcast_in_dim3A_352] : memref<256x128xf32, #tpu.memory_space<vmem>>[vector<16xi32>, vector<16xi32>], vector<16xf32>,
      %mul3A_355 = arith.mulf %gather3A_353, %gather3A_354 : vector<16xf32>
      %add3A_356 = arith.addf %add3A_350, %mul3A_355 : vector<16xf32>
      %broadcast_in_dim3A_357 = arith.constant 31 : i32
      %broadcast_in_dim3A_358 = vector.broadcast %broadcast_in_dim3A_357 : i32 to vector<16xi32>
      %gather3A_359 = tpu.vector_load_idx %arg12[%add3A_170, %broadcast_in_dim3A_358] : memref<256x128xf32, #tpu.memory_space<vmem>>[vector<16xi32>, vector<16xi32>], vector<16xf32>,
      %gather3A_360 = tpu.vector_load_idx %arg13[%add3A_170, %broadcast_in_dim3A_358] : memref<256x128xf32, #tpu.memory_space<vmem>>[vector<16xi32>, vector<16xi32>], vector<16xf32>,
      %mul3A_361 = arith.mulf %gather3A_359, %gather3A_360 : vector<16xf32>
      %add3A_362 = arith.addf %add3A_356, %mul3A_361 : vector<16xf32>
      %broadcast_in_dim3A_363 = arith.constant 32 : i32
      %broadcast_in_dim3A_364 = vector.broadcast %broadcast_in_dim3A_363 : i32 to vector<16xi32>
      %gather3A_365 = tpu.vector_load_idx %arg12[%add3A_170, %broadcast_in_dim3A_364] : memref<256x128xf32, #tpu.memory_space<vmem>>[vector<16xi32>, vector<16xi32>], vector<16xf32>,
      %gather3A_366 = tpu.vector_load_idx %arg13[%add3A_170, %broadcast_in_dim3A_364] : memref<256x128xf32, #tpu.memory_space<vmem>>[vector<16xi32>, vector<16xi32>], vector<16xf32>,
      %mul3A_367 = arith.mulf %gather3A_365, %gather3A_366 : vector<16xf32>
      %add3A_368 = arith.addf %add3A_362, %mul3A_367 : vector<16xf32>
      %broadcast_in_dim3A_369 = arith.constant 33 : i32
      %broadcast_in_dim3A_370 = vector.broadcast %broadcast_in_dim3A_369 : i32 to vector<16xi32>
      %gather3A_371 = tpu.vector_load_idx %arg12[%add3A_170, %broadcast_in_dim3A_370] : memref<256x128xf32, #tpu.memory_space<vmem>>[vector<16xi32>, vector<16xi32>], vector<16xf32>,
      %gather3A_372 = tpu.vector_load_idx %arg13[%add3A_170, %broadcast_in_dim3A_370] : memref<256x128xf32, #tpu.memory_space<vmem>>[vector<16xi32>, vector<16xi32>], vector<16xf32>,
      %mul3A_373 = arith.mulf %gather3A_371, %gather3A_372 : vector<16xf32>
      %add3A_374 = arith.addf %add3A_368, %mul3A_373 : vector<16xf32>
      %broadcast_in_dim3A_375 = arith.constant 34 : i32
      %broadcast_in_dim3A_376 = vector.broadcast %broadcast_in_dim3A_375 : i32 to vector<16xi32>
      %gather3A_377 = tpu.vector_load_idx %arg12[%add3A_170, %broadcast_in_dim3A_376] : memref<256x128xf32, #tpu.memory_space<vmem>>[vector<16xi32>, vector<16xi32>], vector<16xf32>,
      %gather3A_378 = tpu.vector_load_idx %arg13[%add3A_170, %broadcast_in_dim3A_376] : memref<256x128xf32, #tpu.memory_space<vmem>>[vector<16xi32>, vector<16xi32>], vector<16xf32>,
      %mul3A_379 = arith.mulf %gather3A_377, %gather3A_378 : vector<16xf32>
      %add3A_380 = arith.addf %add3A_374, %mul3A_379 : vector<16xf32>
      %broadcast_in_dim3A_381 = arith.constant 35 : i32
      %broadcast_in_dim3A_382 = vector.broadcast %broadcast_in_dim3A_381 : i32 to vector<16xi32>
      %gather3A_383 = tpu.vector_load_idx %arg12[%add3A_170, %broadcast_in_dim3A_382] : memref<256x128xf32, #tpu.memory_space<vmem>>[vector<16xi32>, vector<16xi32>], vector<16xf32>,
      %gather3A_384 = tpu.vector_load_idx %arg13[%add3A_170, %broadcast_in_dim3A_382] : memref<256x128xf32, #tpu.memory_space<vmem>>[vector<16xi32>, vector<16xi32>], vector<16xf32>,
      %mul3A_385 = arith.mulf %gather3A_383, %gather3A_384 : vector<16xf32>
      %add3A_386 = arith.addf %add3A_380, %mul3A_385 : vector<16xf32>
      %broadcast_in_dim3A_387 = arith.constant 36 : i32
      %broadcast_in_dim3A_388 = vector.broadcast %broadcast_in_dim3A_387 : i32 to vector<16xi32>
      %gather3A_389 = tpu.vector_load_idx %arg12[%add3A_170, %broadcast_in_dim3A_388] : memref<256x128xf32, #tpu.memory_space<vmem>>[vector<16xi32>, vector<16xi32>], vector<16xf32>,
      %gather3A_390 = tpu.vector_load_idx %arg13[%add3A_170, %broadcast_in_dim3A_388] : memref<256x128xf32, #tpu.memory_space<vmem>>[vector<16xi32>, vector<16xi32>], vector<16xf32>,
      %mul3A_391 = arith.mulf %gather3A_389, %gather3A_390 : vector<16xf32>
      %add3A_392 = arith.addf %add3A_386, %mul3A_391 : vector<16xf32>
      %broadcast_in_dim3A_393 = arith.constant 37 : i32
      %broadcast_in_dim3A_394 = vector.broadcast %broadcast_in_dim3A_393 : i32 to vector<16xi32>
      %gather3A_395 = tpu.vector_load_idx %arg12[%add3A_170, %broadcast_in_dim3A_394] : memref<256x128xf32, #tpu.memory_space<vmem>>[vector<16xi32>, vector<16xi32>], vector<16xf32>,
      %gather3A_396 = tpu.vector_load_idx %arg13[%add3A_170, %broadcast_in_dim3A_394] : memref<256x128xf32, #tpu.memory_space<vmem>>[vector<16xi32>, vector<16xi32>], vector<16xf32>,
      %mul3A_397 = arith.mulf %gather3A_395, %gather3A_396 : vector<16xf32>
      %add3A_398 = arith.addf %add3A_392, %mul3A_397 : vector<16xf32>
      %broadcast_in_dim3A_399 = arith.constant 38 : i32
      %broadcast_in_dim3A_400 = vector.broadcast %broadcast_in_dim3A_399 : i32 to vector<16xi32>
      %gather3A_401 = tpu.vector_load_idx %arg12[%add3A_170, %broadcast_in_dim3A_400] : memref<256x128xf32, #tpu.memory_space<vmem>>[vector<16xi32>, vector<16xi32>], vector<16xf32>,
      %gather3A_402 = tpu.vector_load_idx %arg13[%add3A_170, %broadcast_in_dim3A_400] : memref<256x128xf32, #tpu.memory_space<vmem>>[vector<16xi32>, vector<16xi32>], vector<16xf32>,
      %mul3A_403 = arith.mulf %gather3A_401, %gather3A_402 : vector<16xf32>
      %add3A_404 = arith.addf %add3A_398, %mul3A_403 : vector<16xf32>
      %broadcast_in_dim3A_405 = arith.constant 39 : i32
      %broadcast_in_dim3A_406 = vector.broadcast %broadcast_in_dim3A_405 : i32 to vector<16xi32>
      %gather3A_407 = tpu.vector_load_idx %arg12[%add3A_170, %broadcast_in_dim3A_406] : memref<256x128xf32, #tpu.memory_space<vmem>>[vector<16xi32>, vector<16xi32>], vector<16xf32>,
      %gather3A_408 = tpu.vector_load_idx %arg13[%add3A_170, %broadcast_in_dim3A_406] : memref<256x128xf32, #tpu.memory_space<vmem>>[vector<16xi32>, vector<16xi32>], vector<16xf32>,
      %mul3A_409 = arith.mulf %gather3A_407, %gather3A_408 : vector<16xf32>
      %add3A_410 = arith.addf %add3A_404, %mul3A_409 : vector<16xf32>
      %broadcast_in_dim3A_411 = arith.constant 40 : i32
      %broadcast_in_dim3A_412 = vector.broadcast %broadcast_in_dim3A_411 : i32 to vector<16xi32>
      %gather3A_413 = tpu.vector_load_idx %arg12[%add3A_170, %broadcast_in_dim3A_412] : memref<256x128xf32, #tpu.memory_space<vmem>>[vector<16xi32>, vector<16xi32>], vector<16xf32>,
      %gather3A_414 = tpu.vector_load_idx %arg13[%add3A_170, %broadcast_in_dim3A_412] : memref<256x128xf32, #tpu.memory_space<vmem>>[vector<16xi32>, vector<16xi32>], vector<16xf32>,
      %mul3A_415 = arith.mulf %gather3A_413, %gather3A_414 : vector<16xf32>
      %add3A_416 = arith.addf %add3A_410, %mul3A_415 : vector<16xf32>
      %broadcast_in_dim3A_417 = arith.constant 41 : i32
      %broadcast_in_dim3A_418 = vector.broadcast %broadcast_in_dim3A_417 : i32 to vector<16xi32>
      %gather3A_419 = tpu.vector_load_idx %arg12[%add3A_170, %broadcast_in_dim3A_418] : memref<256x128xf32, #tpu.memory_space<vmem>>[vector<16xi32>, vector<16xi32>], vector<16xf32>,
      %gather3A_420 = tpu.vector_load_idx %arg13[%add3A_170, %broadcast_in_dim3A_418] : memref<256x128xf32, #tpu.memory_space<vmem>>[vector<16xi32>, vector<16xi32>], vector<16xf32>,
      %mul3A_421 = arith.mulf %gather3A_419, %gather3A_420 : vector<16xf32>
      %add3A_422 = arith.addf %add3A_416, %mul3A_421 : vector<16xf32>
      %broadcast_in_dim3A_423 = arith.constant 42 : i32
      %broadcast_in_dim3A_424 = vector.broadcast %broadcast_in_dim3A_423 : i32 to vector<16xi32>
      %gather3A_425 = tpu.vector_load_idx %arg12[%add3A_170, %broadcast_in_dim3A_424] : memref<256x128xf32, #tpu.memory_space<vmem>>[vector<16xi32>, vector<16xi32>], vector<16xf32>,
      %gather3A_426 = tpu.vector_load_idx %arg13[%add3A_170, %broadcast_in_dim3A_424] : memref<256x128xf32, #tpu.memory_space<vmem>>[vector<16xi32>, vector<16xi32>], vector<16xf32>,
      %mul3A_427 = arith.mulf %gather3A_425, %gather3A_426 : vector<16xf32>
      %add3A_428 = arith.addf %add3A_422, %mul3A_427 : vector<16xf32>
      %broadcast_in_dim3A_429 = arith.constant 43 : i32
      %broadcast_in_dim3A_430 = vector.broadcast %broadcast_in_dim3A_429 : i32 to vector<16xi32>
      %gather3A_431 = tpu.vector_load_idx %arg12[%add3A_170, %broadcast_in_dim3A_430] : memref<256x128xf32, #tpu.memory_space<vmem>>[vector<16xi32>, vector<16xi32>], vector<16xf32>,
      %gather3A_432 = tpu.vector_load_idx %arg13[%add3A_170, %broadcast_in_dim3A_430] : memref<256x128xf32, #tpu.memory_space<vmem>>[vector<16xi32>, vector<16xi32>], vector<16xf32>,
      %mul3A_433 = arith.mulf %gather3A_431, %gather3A_432 : vector<16xf32>
      %add3A_434 = arith.addf %add3A_428, %mul3A_433 : vector<16xf32>
      %broadcast_in_dim3A_435 = arith.constant 44 : i32
      %broadcast_in_dim3A_436 = vector.broadcast %broadcast_in_dim3A_435 : i32 to vector<16xi32>
      %gather3A_437 = tpu.vector_load_idx %arg12[%add3A_170, %broadcast_in_dim3A_436] : memref<256x128xf32, #tpu.memory_space<vmem>>[vector<16xi32>, vector<16xi32>], vector<16xf32>,
      %gather3A_438 = tpu.vector_load_idx %arg13[%add3A_170, %broadcast_in_dim3A_436] : memref<256x128xf32, #tpu.memory_space<vmem>>[vector<16xi32>, vector<16xi32>], vector<16xf32>,
      %mul3A_439 = arith.mulf %gather3A_437, %gather3A_438 : vector<16xf32>
      %add3A_440 = arith.addf %add3A_434, %mul3A_439 : vector<16xf32>
      %broadcast_in_dim3A_441 = arith.constant 45 : i32
      %broadcast_in_dim3A_442 = vector.broadcast %broadcast_in_dim3A_441 : i32 to vector<16xi32>
      %gather3A_443 = tpu.vector_load_idx %arg12[%add3A_170, %broadcast_in_dim3A_442] : memref<256x128xf32, #tpu.memory_space<vmem>>[vector<16xi32>, vector<16xi32>], vector<16xf32>,
      %gather3A_444 = tpu.vector_load_idx %arg13[%add3A_170, %broadcast_in_dim3A_442] : memref<256x128xf32, #tpu.memory_space<vmem>>[vector<16xi32>, vector<16xi32>], vector<16xf32>,
      %mul3A_445 = arith.mulf %gather3A_443, %gather3A_444 : vector<16xf32>
      %add3A_446 = arith.addf %add3A_440, %mul3A_445 : vector<16xf32>
      %broadcast_in_dim3A_447 = arith.constant 46 : i32
      %broadcast_in_dim3A_448 = vector.broadcast %broadcast_in_dim3A_447 : i32 to vector<16xi32>
      %gather3A_449 = tpu.vector_load_idx %arg12[%add3A_170, %broadcast_in_dim3A_448] : memref<256x128xf32, #tpu.memory_space<vmem>>[vector<16xi32>, vector<16xi32>], vector<16xf32>,
      %gather3A_450 = tpu.vector_load_idx %arg13[%add3A_170, %broadcast_in_dim3A_448] : memref<256x128xf32, #tpu.memory_space<vmem>>[vector<16xi32>, vector<16xi32>], vector<16xf32>,
      %mul3A_451 = arith.mulf %gather3A_449, %gather3A_450 : vector<16xf32>
      %add3A_452 = arith.addf %add3A_446, %mul3A_451 : vector<16xf32>
      %broadcast_in_dim3A_453 = arith.constant 47 : i32
      %broadcast_in_dim3A_454 = vector.broadcast %broadcast_in_dim3A_453 : i32 to vector<16xi32>
      %gather3A_455 = tpu.vector_load_idx %arg12[%add3A_170, %broadcast_in_dim3A_454] : memref<256x128xf32, #tpu.memory_space<vmem>>[vector<16xi32>, vector<16xi32>], vector<16xf32>,
      %gather3A_456 = tpu.vector_load_idx %arg13[%add3A_170, %broadcast_in_dim3A_454] : memref<256x128xf32, #tpu.memory_space<vmem>>[vector<16xi32>, vector<16xi32>], vector<16xf32>,
      %mul3A_457 = arith.mulf %gather3A_455, %gather3A_456 : vector<16xf32>
      %add3A_458 = arith.addf %add3A_452, %mul3A_457 : vector<16xf32>
      %broadcast_in_dim3A_459 = arith.constant 48 : i32
      %broadcast_in_dim3A_460 = vector.broadcast %broadcast_in_dim3A_459 : i32 to vector<16xi32>
      %gather3A_461 = tpu.vector_load_idx %arg12[%add3A_170, %broadcast_in_dim3A_460] : memref<256x128xf32, #tpu.memory_space<vmem>>[vector<16xi32>, vector<16xi32>], vector<16xf32>,
      %gather3A_462 = tpu.vector_load_idx %arg13[%add3A_170, %broadcast_in_dim3A_460] : memref<256x128xf32, #tpu.memory_space<vmem>>[vector<16xi32>, vector<16xi32>], vector<16xf32>,
      %mul3A_463 = arith.mulf %gather3A_461, %gather3A_462 : vector<16xf32>
      %add3A_464 = arith.addf %add3A_458, %mul3A_463 : vector<16xf32>
      %broadcast_in_dim3A_465 = arith.constant 49 : i32
      %broadcast_in_dim3A_466 = vector.broadcast %broadcast_in_dim3A_465 : i32 to vector<16xi32>
      %gather3A_467 = tpu.vector_load_idx %arg12[%add3A_170, %broadcast_in_dim3A_466] : memref<256x128xf32, #tpu.memory_space<vmem>>[vector<16xi32>, vector<16xi32>], vector<16xf32>,
      %gather3A_468 = tpu.vector_load_idx %arg13[%add3A_170, %broadcast_in_dim3A_466] : memref<256x128xf32, #tpu.memory_space<vmem>>[vector<16xi32>, vector<16xi32>], vector<16xf32>,
      %mul3A_469 = arith.mulf %gather3A_467, %gather3A_468 : vector<16xf32>
      %add3A_470 = arith.addf %add3A_464, %mul3A_469 : vector<16xf32>
      %broadcast_in_dim3A_471 = arith.constant 50 : i32
      %broadcast_in_dim3A_472 = vector.broadcast %broadcast_in_dim3A_471 : i32 to vector<16xi32>
      %gather3A_473 = tpu.vector_load_idx %arg12[%add3A_170, %broadcast_in_dim3A_472] : memref<256x128xf32, #tpu.memory_space<vmem>>[vector<16xi32>, vector<16xi32>], vector<16xf32>,
      %gather3A_474 = tpu.vector_load_idx %arg13[%add3A_170, %broadcast_in_dim3A_472] : memref<256x128xf32, #tpu.memory_space<vmem>>[vector<16xi32>, vector<16xi32>], vector<16xf32>,
      %mul3A_475 = arith.mulf %gather3A_473, %gather3A_474 : vector<16xf32>
      %add3A_476 = arith.addf %add3A_470, %mul3A_475 : vector<16xf32>
      %broadcast_in_dim3A_477 = arith.constant 51 : i32
      %broadcast_in_dim3A_478 = vector.broadcast %broadcast_in_dim3A_477 : i32 to vector<16xi32>
      %gather3A_479 = tpu.vector_load_idx %arg12[%add3A_170, %broadcast_in_dim3A_478] : memref<256x128xf32, #tpu.memory_space<vmem>>[vector<16xi32>, vector<16xi32>], vector<16xf32>,
      %gather3A_480 = tpu.vector_load_idx %arg13[%add3A_170, %broadcast_in_dim3A_478] : memref<256x128xf32, #tpu.memory_space<vmem>>[vector<16xi32>, vector<16xi32>], vector<16xf32>,
      %mul3A_481 = arith.mulf %gather3A_479, %gather3A_480 : vector<16xf32>
      %add3A_482 = arith.addf %add3A_476, %mul3A_481 : vector<16xf32>
      %broadcast_in_dim3A_483 = arith.constant 52 : i32
      %broadcast_in_dim3A_484 = vector.broadcast %broadcast_in_dim3A_483 : i32 to vector<16xi32>
      %gather3A_485 = tpu.vector_load_idx %arg12[%add3A_170, %broadcast_in_dim3A_484] : memref<256x128xf32, #tpu.memory_space<vmem>>[vector<16xi32>, vector<16xi32>], vector<16xf32>,
      %gather3A_486 = tpu.vector_load_idx %arg13[%add3A_170, %broadcast_in_dim3A_484] : memref<256x128xf32, #tpu.memory_space<vmem>>[vector<16xi32>, vector<16xi32>], vector<16xf32>,
      %mul3A_487 = arith.mulf %gather3A_485, %gather3A_486 : vector<16xf32>
      %add3A_488 = arith.addf %add3A_482, %mul3A_487 : vector<16xf32>
      %broadcast_in_dim3A_489 = arith.constant 53 : i32
      %broadcast_in_dim3A_490 = vector.broadcast %broadcast_in_dim3A_489 : i32 to vector<16xi32>
      %gather3A_491 = tpu.vector_load_idx %arg12[%add3A_170, %broadcast_in_dim3A_490] : memref<256x128xf32, #tpu.memory_space<vmem>>[vector<16xi32>, vector<16xi32>], vector<16xf32>,
      %gather3A_492 = tpu.vector_load_idx %arg13[%add3A_170, %broadcast_in_dim3A_490] : memref<256x128xf32, #tpu.memory_space<vmem>>[vector<16xi32>, vector<16xi32>], vector<16xf32>,
      %mul3A_493 = arith.mulf %gather3A_491, %gather3A_492 : vector<16xf32>
      %add3A_494 = arith.addf %add3A_488, %mul3A_493 : vector<16xf32>
      %broadcast_in_dim3A_495 = arith.constant 54 : i32
      %broadcast_in_dim3A_496 = vector.broadcast %broadcast_in_dim3A_495 : i32 to vector<16xi32>
      %gather3A_497 = tpu.vector_load_idx %arg12[%add3A_170, %broadcast_in_dim3A_496] : memref<256x128xf32, #tpu.memory_space<vmem>>[vector<16xi32>, vector<16xi32>], vector<16xf32>,
      %gather3A_498 = tpu.vector_load_idx %arg13[%add3A_170, %broadcast_in_dim3A_496] : memref<256x128xf32, #tpu.memory_space<vmem>>[vector<16xi32>, vector<16xi32>], vector<16xf32>,
      %mul3A_499 = arith.mulf %gather3A_497, %gather3A_498 : vector<16xf32>
      %add3A_500 = arith.addf %add3A_494, %mul3A_499 : vector<16xf32>
      %broadcast_in_dim3A_501 = arith.constant 55 : i32
      %broadcast_in_dim3A_502 = vector.broadcast %broadcast_in_dim3A_501 : i32 to vector<16xi32>
      %gather3A_503 = tpu.vector_load_idx %arg12[%add3A_170, %broadcast_in_dim3A_502] : memref<256x128xf32, #tpu.memory_space<vmem>>[vector<16xi32>, vector<16xi32>], vector<16xf32>,
      %gather3A_504 = tpu.vector_load_idx %arg13[%add3A_170, %broadcast_in_dim3A_502] : memref<256x128xf32, #tpu.memory_space<vmem>>[vector<16xi32>, vector<16xi32>], vector<16xf32>,
      %mul3A_505 = arith.mulf %gather3A_503, %gather3A_504 : vector<16xf32>
      %add3A_506 = arith.addf %add3A_500, %mul3A_505 : vector<16xf32>
      %broadcast_in_dim3A_507 = arith.constant 56 : i32
      %broadcast_in_dim3A_508 = vector.broadcast %broadcast_in_dim3A_507 : i32 to vector<16xi32>
      %gather3A_509 = tpu.vector_load_idx %arg12[%add3A_170, %broadcast_in_dim3A_508] : memref<256x128xf32, #tpu.memory_space<vmem>>[vector<16xi32>, vector<16xi32>], vector<16xf32>,
      %gather3A_510 = tpu.vector_load_idx %arg13[%add3A_170, %broadcast_in_dim3A_508] : memref<256x128xf32, #tpu.memory_space<vmem>>[vector<16xi32>, vector<16xi32>], vector<16xf32>,
      %mul3A_511 = arith.mulf %gather3A_509, %gather3A_510 : vector<16xf32>
      %add3A_512 = arith.addf %add3A_506, %mul3A_511 : vector<16xf32>
      %broadcast_in_dim3A_513 = arith.constant 57 : i32
      %broadcast_in_dim3A_514 = vector.broadcast %broadcast_in_dim3A_513 : i32 to vector<16xi32>
      %gather3A_515 = tpu.vector_load_idx %arg12[%add3A_170, %broadcast_in_dim3A_514] : memref<256x128xf32, #tpu.memory_space<vmem>>[vector<16xi32>, vector<16xi32>], vector<16xf32>,
      %gather3A_516 = tpu.vector_load_idx %arg13[%add3A_170, %broadcast_in_dim3A_514] : memref<256x128xf32, #tpu.memory_space<vmem>>[vector<16xi32>, vector<16xi32>], vector<16xf32>,
      %mul3A_517 = arith.mulf %gather3A_515, %gather3A_516 : vector<16xf32>
      %add3A_518 = arith.addf %add3A_512, %mul3A_517 : vector<16xf32>
      %broadcast_in_dim3A_519 = arith.constant 58 : i32
      %broadcast_in_dim3A_520 = vector.broadcast %broadcast_in_dim3A_519 : i32 to vector<16xi32>
      %gather3A_521 = tpu.vector_load_idx %arg12[%add3A_170, %broadcast_in_dim3A_520] : memref<256x128xf32, #tpu.memory_space<vmem>>[vector<16xi32>, vector<16xi32>], vector<16xf32>,
      %gather3A_522 = tpu.vector_load_idx %arg13[%add3A_170, %broadcast_in_dim3A_520] : memref<256x128xf32, #tpu.memory_space<vmem>>[vector<16xi32>, vector<16xi32>], vector<16xf32>,
      %mul3A_523 = arith.mulf %gather3A_521, %gather3A_522 : vector<16xf32>
      %add3A_524 = arith.addf %add3A_518, %mul3A_523 : vector<16xf32>
      %broadcast_in_dim3A_525 = arith.constant 59 : i32
      %broadcast_in_dim3A_526 = vector.broadcast %broadcast_in_dim3A_525 : i32 to vector<16xi32>
      %gather3A_527 = tpu.vector_load_idx %arg12[%add3A_170, %broadcast_in_dim3A_526] : memref<256x128xf32, #tpu.memory_space<vmem>>[vector<16xi32>, vector<16xi32>], vector<16xf32>,
      %gather3A_528 = tpu.vector_load_idx %arg13[%add3A_170, %broadcast_in_dim3A_526] : memref<256x128xf32, #tpu.memory_space<vmem>>[vector<16xi32>, vector<16xi32>], vector<16xf32>,
      %mul3A_529 = arith.mulf %gather3A_527, %gather3A_528 : vector<16xf32>
      %add3A_530 = arith.addf %add3A_524, %mul3A_529 : vector<16xf32>
      %broadcast_in_dim3A_531 = arith.constant 60 : i32
      %broadcast_in_dim3A_532 = vector.broadcast %broadcast_in_dim3A_531 : i32 to vector<16xi32>
      %gather3A_533 = tpu.vector_load_idx %arg12[%add3A_170, %broadcast_in_dim3A_532] : memref<256x128xf32, #tpu.memory_space<vmem>>[vector<16xi32>, vector<16xi32>], vector<16xf32>,
      %gather3A_534 = tpu.vector_load_idx %arg13[%add3A_170, %broadcast_in_dim3A_532] : memref<256x128xf32, #tpu.memory_space<vmem>>[vector<16xi32>, vector<16xi32>], vector<16xf32>,
      %mul3A_535 = arith.mulf %gather3A_533, %gather3A_534 : vector<16xf32>
      %add3A_536 = arith.addf %add3A_530, %mul3A_535 : vector<16xf32>
      %broadcast_in_dim3A_537 = arith.constant 61 : i32
      %broadcast_in_dim3A_538 = vector.broadcast %broadcast_in_dim3A_537 : i32 to vector<16xi32>
      %gather3A_539 = tpu.vector_load_idx %arg12[%add3A_170, %broadcast_in_dim3A_538] : memref<256x128xf32, #tpu.memory_space<vmem>>[vector<16xi32>, vector<16xi32>], vector<16xf32>,
      %gather3A_540 = tpu.vector_load_idx %arg13[%add3A_170, %broadcast_in_dim3A_538] : memref<256x128xf32, #tpu.memory_space<vmem>>[vector<16xi32>, vector<16xi32>], vector<16xf32>,
      %mul3A_541 = arith.mulf %gather3A_539, %gather3A_540 : vector<16xf32>
      %add3A_542 = arith.addf %add3A_536, %mul3A_541 : vector<16xf32>
      %broadcast_in_dim3A_543 = arith.constant 62 : i32
      %broadcast_in_dim3A_544 = vector.broadcast %broadcast_in_dim3A_543 : i32 to vector<16xi32>
      %gather3A_545 = tpu.vector_load_idx %arg12[%add3A_170, %broadcast_in_dim3A_544] : memref<256x128xf32, #tpu.memory_space<vmem>>[vector<16xi32>, vector<16xi32>], vector<16xf32>,
      %gather3A_546 = tpu.vector_load_idx %arg13[%add3A_170, %broadcast_in_dim3A_544] : memref<256x128xf32, #tpu.memory_space<vmem>>[vector<16xi32>, vector<16xi32>], vector<16xf32>,
      %mul3A_547 = arith.mulf %gather3A_545, %gather3A_546 : vector<16xf32>
      %add3A_548 = arith.addf %add3A_542, %mul3A_547 : vector<16xf32>
      %broadcast_in_dim3A_549 = arith.constant 63 : i32
      %broadcast_in_dim3A_550 = vector.broadcast %broadcast_in_dim3A_549 : i32 to vector<16xi32>
      %gather3A_551 = tpu.vector_load_idx %arg12[%add3A_170, %broadcast_in_dim3A_550] : memref<256x128xf32, #tpu.memory_space<vmem>>[vector<16xi32>, vector<16xi32>], vector<16xf32>,
      %gather3A_552 = tpu.vector_load_idx %arg13[%add3A_170, %broadcast_in_dim3A_550] : memref<256x128xf32, #tpu.memory_space<vmem>>[vector<16xi32>, vector<16xi32>], vector<16xf32>,
      %mul3A_553 = arith.mulf %gather3A_551, %gather3A_552 : vector<16xf32>
      %add3A_554 = arith.addf %add3A_548, %mul3A_553 : vector<16xf32>
      %get3A_555 = arith.index_cast %add3A_164 : i32 to index
      %get3A_556 = tpu.vector_load %arg14[%get3A_555] {strides = array<i32>} : memref<512xf32, #tpu.memory_space<vmem>>, vector<16xf32>,
      %add3A_557 = arith.addf %add3A_554, %get3A_556 : vector<16xf32>
      %get3A_558 = arith.index_cast %add3A_164 : i32 to index
      %get3A_559 = tpu.vector_load %arg15[%get3A_558] {strides = array<i32>} : memref<512xf32, #tpu.memory_space<vmem>>, vector<16xf32>,
      %add3A_560 = arith.addf %add3A_557, %get3A_559 : vector<16xf32>
      %add3A_561 = arith.addf %add3A_560, %get3A_48 : vector<16xf32>
      %swap3A = arith.index_cast %add3A_164 : i32 to index
      %swap3A_562 = tpu.vector_load %arg17[%swap3A] {strides = array<i32>} : memref<512xf32, #tpu.memory_space<vmem>>, vector<16xf32>,
      tpu.vector_store %arg17[%swap3A], %add3A_561 {strides = array<i32>} : memref<512xf32, #tpu.memory_space<vmem>>, vector<16xf32>,
      %mul3A_563 = arith.constant 128 : i32
      %mul3A_564 = arith.muli %scan3A_135, %mul3A_563 : i32
      %add3A_565 = arith.constant 16 : i32
      %add3A_566 = arith.addi %mul3A_564, %add3A_565 : i32
      %mul3A_567 = arith.constant 128 : i32
      %mul3A_568 = arith.muli %rem3A_136, %mul3A_567 : i32
      %add3A_569 = arith.constant 16 : i32
      %add3A_570 = arith.addi %mul3A_568, %add3A_569 : i32
      %add3A_571 = vector.broadcast %add3A_570 : i32 to vector<16xi32>
      %add3A_572 = arith.addi %add3A_571, %iota3A : vector<16xi32>
      %broadcast_in_dim3A_573 = arith.constant 0.000000e+00 : f32
      %broadcast_in_dim3A_574 = vector.broadcast %broadcast_in_dim3A_573 : f32 to vector<16xf32>
      %broadcast_in_dim3A_575 = arith.constant 0 : i32
      %broadcast_in_dim3A_576 = vector.broadcast %broadcast_in_dim3A_575 : i32 to vector<16xi32>
      %gather3A_577 = tpu.vector_load_idx %arg12[%add3A_572, %broadcast_in_dim3A_576] : memref<256x128xf32, #tpu.memory_space<vmem>>[vector<16xi32>, vector<16xi32>], vector<16xf32>,
      %gather3A_578 = tpu.vector_load_idx %arg13[%add3A_572, %broadcast_in_dim3A_576] : memref<256x128xf32, #tpu.memory_space<vmem>>[vector<16xi32>, vector<16xi32>], vector<16xf32>,
      %mul3A_579 = arith.mulf %gather3A_577, %gather3A_578 : vector<16xf32>
      %add3A_580 = arith.addf %broadcast_in_dim3A_574, %mul3A_579 : vector<16xf32>
      %broadcast_in_dim3A_581 = arith.constant 1 : i32
      %broadcast_in_dim3A_582 = vector.broadcast %broadcast_in_dim3A_581 : i32 to vector<16xi32>
      %gather3A_583 = tpu.vector_load_idx %arg12[%add3A_572, %broadcast_in_dim3A_582] : memref<256x128xf32, #tpu.memory_space<vmem>>[vector<16xi32>, vector<16xi32>], vector<16xf32>,
      %gather3A_584 = tpu.vector_load_idx %arg13[%add3A_572, %broadcast_in_dim3A_582] : memref<256x128xf32, #tpu.memory_space<vmem>>[vector<16xi32>, vector<16xi32>], vector<16xf32>,
      %mul3A_585 = arith.mulf %gather3A_583, %gather3A_584 : vector<16xf32>
      %add3A_586 = arith.addf %add3A_580, %mul3A_585 : vector<16xf32>
      %broadcast_in_dim3A_587 = arith.constant 2 : i32
      %broadcast_in_dim3A_588 = vector.broadcast %broadcast_in_dim3A_587 : i32 to vector<16xi32>
      %gather3A_589 = tpu.vector_load_idx %arg12[%add3A_572, %broadcast_in_dim3A_588] : memref<256x128xf32, #tpu.memory_space<vmem>>[vector<16xi32>, vector<16xi32>], vector<16xf32>,
      %gather3A_590 = tpu.vector_load_idx %arg13[%add3A_572, %broadcast_in_dim3A_588] : memref<256x128xf32, #tpu.memory_space<vmem>>[vector<16xi32>, vector<16xi32>], vector<16xf32>,
      %mul3A_591 = arith.mulf %gather3A_589, %gather3A_590 : vector<16xf32>
      %add3A_592 = arith.addf %add3A_586, %mul3A_591 : vector<16xf32>
      %broadcast_in_dim3A_593 = arith.constant 3 : i32
      %broadcast_in_dim3A_594 = vector.broadcast %broadcast_in_dim3A_593 : i32 to vector<16xi32>
      %gather3A_595 = tpu.vector_load_idx %arg12[%add3A_572, %broadcast_in_dim3A_594] : memref<256x128xf32, #tpu.memory_space<vmem>>[vector<16xi32>, vector<16xi32>], vector<16xf32>,
      %gather3A_596 = tpu.vector_load_idx %arg13[%add3A_572, %broadcast_in_dim3A_594] : memref<256x128xf32, #tpu.memory_space<vmem>>[vector<16xi32>, vector<16xi32>], vector<16xf32>,
      %mul3A_597 = arith.mulf %gather3A_595, %gather3A_596 : vector<16xf32>
      %add3A_598 = arith.addf %add3A_592, %mul3A_597 : vector<16xf32>
      %broadcast_in_dim3A_599 = arith.constant 4 : i32
      %broadcast_in_dim3A_600 = vector.broadcast %broadcast_in_dim3A_599 : i32 to vector<16xi32>
      %gather3A_601 = tpu.vector_load_idx %arg12[%add3A_572, %broadcast_in_dim3A_600] : memref<256x128xf32, #tpu.memory_space<vmem>>[vector<16xi32>, vector<16xi32>], vector<16xf32>,
      %gather3A_602 = tpu.vector_load_idx %arg13[%add3A_572, %broadcast_in_dim3A_600] : memref<256x128xf32, #tpu.memory_space<vmem>>[vector<16xi32>, vector<16xi32>], vector<16xf32>,
      %mul3A_603 = arith.mulf %gather3A_601, %gather3A_602 : vector<16xf32>
      %add3A_604 = arith.addf %add3A_598, %mul3A_603 : vector<16xf32>
      %broadcast_in_dim3A_605 = arith.constant 5 : i32
      %broadcast_in_dim3A_606 = vector.broadcast %broadcast_in_dim3A_605 : i32 to vector<16xi32>
      %gather3A_607 = tpu.vector_load_idx %arg12[%add3A_572, %broadcast_in_dim3A_606] : memref<256x128xf32, #tpu.memory_space<vmem>>[vector<16xi32>, vector<16xi32>], vector<16xf32>,
      %gather3A_608 = tpu.vector_load_idx %arg13[%add3A_572, %broadcast_in_dim3A_606] : memref<256x128xf32, #tpu.memory_space<vmem>>[vector<16xi32>, vector<16xi32>], vector<16xf32>,
      %mul3A_609 = arith.mulf %gather3A_607, %gather3A_608 : vector<16xf32>
      %add3A_610 = arith.addf %add3A_604, %mul3A_609 : vector<16xf32>
      %broadcast_in_dim3A_611 = arith.constant 6 : i32
      %broadcast_in_dim3A_612 = vector.broadcast %broadcast_in_dim3A_611 : i32 to vector<16xi32>
      %gather3A_613 = tpu.vector_load_idx %arg12[%add3A_572, %broadcast_in_dim3A_612] : memref<256x128xf32, #tpu.memory_space<vmem>>[vector<16xi32>, vector<16xi32>], vector<16xf32>,
      %gather3A_614 = tpu.vector_load_idx %arg13[%add3A_572, %broadcast_in_dim3A_612] : memref<256x128xf32, #tpu.memory_space<vmem>>[vector<16xi32>, vector<16xi32>], vector<16xf32>,
      %mul3A_615 = arith.mulf %gather3A_613, %gather3A_614 : vector<16xf32>
      %add3A_616 = arith.addf %add3A_610, %mul3A_615 : vector<16xf32>
      %broadcast_in_dim3A_617 = arith.constant 7 : i32
      %broadcast_in_dim3A_618 = vector.broadcast %broadcast_in_dim3A_617 : i32 to vector<16xi32>
      %gather3A_619 = tpu.vector_load_idx %arg12[%add3A_572, %broadcast_in_dim3A_618] : memref<256x128xf32, #tpu.memory_space<vmem>>[vector<16xi32>, vector<16xi32>], vector<16xf32>,
      %gather3A_620 = tpu.vector_load_idx %arg13[%add3A_572, %broadcast_in_dim3A_618] : memref<256x128xf32, #tpu.memory_space<vmem>>[vector<16xi32>, vector<16xi32>], vector<16xf32>,
      %mul3A_621 = arith.mulf %gather3A_619, %gather3A_620 : vector<16xf32>
      %add3A_622 = arith.addf %add3A_616, %mul3A_621 : vector<16xf32>
      %broadcast_in_dim3A_623 = arith.constant 8 : i32
      %broadcast_in_dim3A_624 = vector.broadcast %broadcast_in_dim3A_623 : i32 to vector<16xi32>
      %gather3A_625 = tpu.vector_load_idx %arg12[%add3A_572, %broadcast_in_dim3A_624] : memref<256x128xf32, #tpu.memory_space<vmem>>[vector<16xi32>, vector<16xi32>], vector<16xf32>,
      %gather3A_626 = tpu.vector_load_idx %arg13[%add3A_572, %broadcast_in_dim3A_624] : memref<256x128xf32, #tpu.memory_space<vmem>>[vector<16xi32>, vector<16xi32>], vector<16xf32>,
      %mul3A_627 = arith.mulf %gather3A_625, %gather3A_626 : vector<16xf32>
      %add3A_628 = arith.addf %add3A_622, %mul3A_627 : vector<16xf32>
      %broadcast_in_dim3A_629 = arith.constant 9 : i32
      %broadcast_in_dim3A_630 = vector.broadcast %broadcast_in_dim3A_629 : i32 to vector<16xi32>
      %gather3A_631 = tpu.vector_load_idx %arg12[%add3A_572, %broadcast_in_dim3A_630] : memref<256x128xf32, #tpu.memory_space<vmem>>[vector<16xi32>, vector<16xi32>], vector<16xf32>,
      %gather3A_632 = tpu.vector_load_idx %arg13[%add3A_572, %broadcast_in_dim3A_630] : memref<256x128xf32, #tpu.memory_space<vmem>>[vector<16xi32>, vector<16xi32>], vector<16xf32>,
      %mul3A_633 = arith.mulf %gather3A_631, %gather3A_632 : vector<16xf32>
      %add3A_634 = arith.addf %add3A_628, %mul3A_633 : vector<16xf32>
      %broadcast_in_dim3A_635 = arith.constant 10 : i32
      %broadcast_in_dim3A_636 = vector.broadcast %broadcast_in_dim3A_635 : i32 to vector<16xi32>
      %gather3A_637 = tpu.vector_load_idx %arg12[%add3A_572, %broadcast_in_dim3A_636] : memref<256x128xf32, #tpu.memory_space<vmem>>[vector<16xi32>, vector<16xi32>], vector<16xf32>,
      %gather3A_638 = tpu.vector_load_idx %arg13[%add3A_572, %broadcast_in_dim3A_636] : memref<256x128xf32, #tpu.memory_space<vmem>>[vector<16xi32>, vector<16xi32>], vector<16xf32>,
      %mul3A_639 = arith.mulf %gather3A_637, %gather3A_638 : vector<16xf32>
      %add3A_640 = arith.addf %add3A_634, %mul3A_639 : vector<16xf32>
      %broadcast_in_dim3A_641 = arith.constant 11 : i32
      %broadcast_in_dim3A_642 = vector.broadcast %broadcast_in_dim3A_641 : i32 to vector<16xi32>
      %gather3A_643 = tpu.vector_load_idx %arg12[%add3A_572, %broadcast_in_dim3A_642] : memref<256x128xf32, #tpu.memory_space<vmem>>[vector<16xi32>, vector<16xi32>], vector<16xf32>,
      %gather3A_644 = tpu.vector_load_idx %arg13[%add3A_572, %broadcast_in_dim3A_642] : memref<256x128xf32, #tpu.memory_space<vmem>>[vector<16xi32>, vector<16xi32>], vector<16xf32>,
      %mul3A_645 = arith.mulf %gather3A_643, %gather3A_644 : vector<16xf32>
      %add3A_646 = arith.addf %add3A_640, %mul3A_645 : vector<16xf32>
      %broadcast_in_dim3A_647 = arith.constant 12 : i32
      %broadcast_in_dim3A_648 = vector.broadcast %broadcast_in_dim3A_647 : i32 to vector<16xi32>
      %gather3A_649 = tpu.vector_load_idx %arg12[%add3A_572, %broadcast_in_dim3A_648] : memref<256x128xf32, #tpu.memory_space<vmem>>[vector<16xi32>, vector<16xi32>], vector<16xf32>,
      %gather3A_650 = tpu.vector_load_idx %arg13[%add3A_572, %broadcast_in_dim3A_648] : memref<256x128xf32, #tpu.memory_space<vmem>>[vector<16xi32>, vector<16xi32>], vector<16xf32>,
      %mul3A_651 = arith.mulf %gather3A_649, %gather3A_650 : vector<16xf32>
      %add3A_652 = arith.addf %add3A_646, %mul3A_651 : vector<16xf32>
      %broadcast_in_dim3A_653 = arith.constant 13 : i32
      %broadcast_in_dim3A_654 = vector.broadcast %broadcast_in_dim3A_653 : i32 to vector<16xi32>
      %gather3A_655 = tpu.vector_load_idx %arg12[%add3A_572, %broadcast_in_dim3A_654] : memref<256x128xf32, #tpu.memory_space<vmem>>[vector<16xi32>, vector<16xi32>], vector<16xf32>,
      %gather3A_656 = tpu.vector_load_idx %arg13[%add3A_572, %broadcast_in_dim3A_654] : memref<256x128xf32, #tpu.memory_space<vmem>>[vector<16xi32>, vector<16xi32>], vector<16xf32>,
      %mul3A_657 = arith.mulf %gather3A_655, %gather3A_656 : vector<16xf32>
      %add3A_658 = arith.addf %add3A_652, %mul3A_657 : vector<16xf32>
      %broadcast_in_dim3A_659 = arith.constant 14 : i32
      %broadcast_in_dim3A_660 = vector.broadcast %broadcast_in_dim3A_659 : i32 to vector<16xi32>
      %gather3A_661 = tpu.vector_load_idx %arg12[%add3A_572, %broadcast_in_dim3A_660] : memref<256x128xf32, #tpu.memory_space<vmem>>[vector<16xi32>, vector<16xi32>], vector<16xf32>,
      %gather3A_662 = tpu.vector_load_idx %arg13[%add3A_572, %broadcast_in_dim3A_660] : memref<256x128xf32, #tpu.memory_space<vmem>>[vector<16xi32>, vector<16xi32>], vector<16xf32>,
      %mul3A_663 = arith.mulf %gather3A_661, %gather3A_662 : vector<16xf32>
      %add3A_664 = arith.addf %add3A_658, %mul3A_663 : vector<16xf32>
      %broadcast_in_dim3A_665 = arith.constant 15 : i32
      %broadcast_in_dim3A_666 = vector.broadcast %broadcast_in_dim3A_665 : i32 to vector<16xi32>
      %gather3A_667 = tpu.vector_load_idx %arg12[%add3A_572, %broadcast_in_dim3A_666] : memref<256x128xf32, #tpu.memory_space<vmem>>[vector<16xi32>, vector<16xi32>], vector<16xf32>,
      %gather3A_668 = tpu.vector_load_idx %arg13[%add3A_572, %broadcast_in_dim3A_666] : memref<256x128xf32, #tpu.memory_space<vmem>>[vector<16xi32>, vector<16xi32>], vector<16xf32>,
      %mul3A_669 = arith.mulf %gather3A_667, %gather3A_668 : vector<16xf32>
      %add3A_670 = arith.addf %add3A_664, %mul3A_669 : vector<16xf32>
      %broadcast_in_dim3A_671 = arith.constant 16 : i32
      %broadcast_in_dim3A_672 = vector.broadcast %broadcast_in_dim3A_671 : i32 to vector<16xi32>
      %gather3A_673 = tpu.vector_load_idx %arg12[%add3A_572, %broadcast_in_dim3A_672] : memref<256x128xf32, #tpu.memory_space<vmem>>[vector<16xi32>, vector<16xi32>], vector<16xf32>,
      %gather3A_674 = tpu.vector_load_idx %arg13[%add3A_572, %broadcast_in_dim3A_672] : memref<256x128xf32, #tpu.memory_space<vmem>>[vector<16xi32>, vector<16xi32>], vector<16xf32>,
      %mul3A_675 = arith.mulf %gather3A_673, %gather3A_674 : vector<16xf32>
      %add3A_676 = arith.addf %add3A_670, %mul3A_675 : vector<16xf32>
      %broadcast_in_dim3A_677 = arith.constant 17 : i32
      %broadcast_in_dim3A_678 = vector.broadcast %broadcast_in_dim3A_677 : i32 to vector<16xi32>
      %gather3A_679 = tpu.vector_load_idx %arg12[%add3A_572, %broadcast_in_dim3A_678] : memref<256x128xf32, #tpu.memory_space<vmem>>[vector<16xi32>, vector<16xi32>], vector<16xf32>,
      %gather3A_680 = tpu.vector_load_idx %arg13[%add3A_572, %broadcast_in_dim3A_678] : memref<256x128xf32, #tpu.memory_space<vmem>>[vector<16xi32>, vector<16xi32>], vector<16xf32>,
      %mul3A_681 = arith.mulf %gather3A_679, %gather3A_680 : vector<16xf32>
      %add3A_682 = arith.addf %add3A_676, %mul3A_681 : vector<16xf32>
      %broadcast_in_dim3A_683 = arith.constant 18 : i32
      %broadcast_in_dim3A_684 = vector.broadcast %broadcast_in_dim3A_683 : i32 to vector<16xi32>
      %gather3A_685 = tpu.vector_load_idx %arg12[%add3A_572, %broadcast_in_dim3A_684] : memref<256x128xf32, #tpu.memory_space<vmem>>[vector<16xi32>, vector<16xi32>], vector<16xf32>,
      %gather3A_686 = tpu.vector_load_idx %arg13[%add3A_572, %broadcast_in_dim3A_684] : memref<256x128xf32, #tpu.memory_space<vmem>>[vector<16xi32>, vector<16xi32>], vector<16xf32>,
      %mul3A_687 = arith.mulf %gather3A_685, %gather3A_686 : vector<16xf32>
      %add3A_688 = arith.addf %add3A_682, %mul3A_687 : vector<16xf32>
      %broadcast_in_dim3A_689 = arith.constant 19 : i32
      %broadcast_in_dim3A_690 = vector.broadcast %broadcast_in_dim3A_689 : i32 to vector<16xi32>
      %gather3A_691 = tpu.vector_load_idx %arg12[%add3A_572, %broadcast_in_dim3A_690] : memref<256x128xf32, #tpu.memory_space<vmem>>[vector<16xi32>, vector<16xi32>], vector<16xf32>,
      %gather3A_692 = tpu.vector_load_idx %arg13[%add3A_572, %broadcast_in_dim3A_690] : memref<256x128xf32, #tpu.memory_space<vmem>>[vector<16xi32>, vector<16xi32>], vector<16xf32>,
      %mul3A_693 = arith.mulf %gather3A_691, %gather3A_692 : vector<16xf32>
      %add3A_694 = arith.addf %add3A_688, %mul3A_693 : vector<16xf32>
      %broadcast_in_dim3A_695 = arith.constant 20 : i32
      %broadcast_in_dim3A_696 = vector.broadcast %broadcast_in_dim3A_695 : i32 to vector<16xi32>
      %gather3A_697 = tpu.vector_load_idx %arg12[%add3A_572, %broadcast_in_dim3A_696] : memref<256x128xf32, #tpu.memory_space<vmem>>[vector<16xi32>, vector<16xi32>], vector<16xf32>,
      %gather3A_698 = tpu.vector_load_idx %arg13[%add3A_572, %broadcast_in_dim3A_696] : memref<256x128xf32, #tpu.memory_space<vmem>>[vector<16xi32>, vector<16xi32>], vector<16xf32>,
      %mul3A_699 = arith.mulf %gather3A_697, %gather3A_698 : vector<16xf32>
      %add3A_700 = arith.addf %add3A_694, %mul3A_699 : vector<16xf32>
      %broadcast_in_dim3A_701 = arith.constant 21 : i32
      %broadcast_in_dim3A_702 = vector.broadcast %broadcast_in_dim3A_701 : i32 to vector<16xi32>
      %gather3A_703 = tpu.vector_load_idx %arg12[%add3A_572, %broadcast_in_dim3A_702] : memref<256x128xf32, #tpu.memory_space<vmem>>[vector<16xi32>, vector<16xi32>], vector<16xf32>,
      %gather3A_704 = tpu.vector_load_idx %arg13[%add3A_572, %broadcast_in_dim3A_702] : memref<256x128xf32, #tpu.memory_space<vmem>>[vector<16xi32>, vector<16xi32>], vector<16xf32>,
      %mul3A_705 = arith.mulf %gather3A_703, %gather3A_704 : vector<16xf32>
      %add3A_706 = arith.addf %add3A_700, %mul3A_705 : vector<16xf32>
      %broadcast_in_dim3A_707 = arith.constant 22 : i32
      %broadcast_in_dim3A_708 = vector.broadcast %broadcast_in_dim3A_707 : i32 to vector<16xi32>
      %gather3A_709 = tpu.vector_load_idx %arg12[%add3A_572, %broadcast_in_dim3A_708] : memref<256x128xf32, #tpu.memory_space<vmem>>[vector<16xi32>, vector<16xi32>], vector<16xf32>,
      %gather3A_710 = tpu.vector_load_idx %arg13[%add3A_572, %broadcast_in_dim3A_708] : memref<256x128xf32, #tpu.memory_space<vmem>>[vector<16xi32>, vector<16xi32>], vector<16xf32>,
      %mul3A_711 = arith.mulf %gather3A_709, %gather3A_710 : vector<16xf32>
      %add3A_712 = arith.addf %add3A_706, %mul3A_711 : vector<16xf32>
      %broadcast_in_dim3A_713 = arith.constant 23 : i32
      %broadcast_in_dim3A_714 = vector.broadcast %broadcast_in_dim3A_713 : i32 to vector<16xi32>
      %gather3A_715 = tpu.vector_load_idx %arg12[%add3A_572, %broadcast_in_dim3A_714] : memref<256x128xf32, #tpu.memory_space<vmem>>[vector<16xi32>, vector<16xi32>], vector<16xf32>,
      %gather3A_716 = tpu.vector_load_idx %arg13[%add3A_572, %broadcast_in_dim3A_714] : memref<256x128xf32, #tpu.memory_space<vmem>>[vector<16xi32>, vector<16xi32>], vector<16xf32>,
      %mul3A_717 = arith.mulf %gather3A_715, %gather3A_716 : vector<16xf32>
      %add3A_718 = arith.addf %add3A_712, %mul3A_717 : vector<16xf32>
      %broadcast_in_dim3A_719 = arith.constant 24 : i32
      %broadcast_in_dim3A_720 = vector.broadcast %broadcast_in_dim3A_719 : i32 to vector<16xi32>
      %gather3A_721 = tpu.vector_load_idx %arg12[%add3A_572, %broadcast_in_dim3A_720] : memref<256x128xf32, #tpu.memory_space<vmem>>[vector<16xi32>, vector<16xi32>], vector<16xf32>,
      %gather3A_722 = tpu.vector_load_idx %arg13[%add3A_572, %broadcast_in_dim3A_720] : memref<256x128xf32, #tpu.memory_space<vmem>>[vector<16xi32>, vector<16xi32>], vector<16xf32>,
      %mul3A_723 = arith.mulf %gather3A_721, %gather3A_722 : vector<16xf32>
      %add3A_724 = arith.addf %add3A_718, %mul3A_723 : vector<16xf32>
      %broadcast_in_dim3A_725 = arith.constant 25 : i32
      %broadcast_in_dim3A_726 = vector.broadcast %broadcast_in_dim3A_725 : i32 to vector<16xi32>
      %gather3A_727 = tpu.vector_load_idx %arg12[%add3A_572, %broadcast_in_dim3A_726] : memref<256x128xf32, #tpu.memory_space<vmem>>[vector<16xi32>, vector<16xi32>], vector<16xf32>,
      %gather3A_728 = tpu.vector_load_idx %arg13[%add3A_572, %broadcast_in_dim3A_726] : memref<256x128xf32, #tpu.memory_space<vmem>>[vector<16xi32>, vector<16xi32>], vector<16xf32>,
      %mul3A_729 = arith.mulf %gather3A_727, %gather3A_728 : vector<16xf32>
      %add3A_730 = arith.addf %add3A_724, %mul3A_729 : vector<16xf32>
      %broadcast_in_dim3A_731 = arith.constant 26 : i32
      %broadcast_in_dim3A_732 = vector.broadcast %broadcast_in_dim3A_731 : i32 to vector<16xi32>
      %gather3A_733 = tpu.vector_load_idx %arg12[%add3A_572, %broadcast_in_dim3A_732] : memref<256x128xf32, #tpu.memory_space<vmem>>[vector<16xi32>, vector<16xi32>], vector<16xf32>,
      %gather3A_734 = tpu.vector_load_idx %arg13[%add3A_572, %broadcast_in_dim3A_732] : memref<256x128xf32, #tpu.memory_space<vmem>>[vector<16xi32>, vector<16xi32>], vector<16xf32>,
      %mul3A_735 = arith.mulf %gather3A_733, %gather3A_734 : vector<16xf32>
      %add3A_736 = arith.addf %add3A_730, %mul3A_735 : vector<16xf32>
      %broadcast_in_dim3A_737 = arith.constant 27 : i32
      %broadcast_in_dim3A_738 = vector.broadcast %broadcast_in_dim3A_737 : i32 to vector<16xi32>
      %gather3A_739 = tpu.vector_load_idx %arg12[%add3A_572, %broadcast_in_dim3A_738] : memref<256x128xf32, #tpu.memory_space<vmem>>[vector<16xi32>, vector<16xi32>], vector<16xf32>,
      %gather3A_740 = tpu.vector_load_idx %arg13[%add3A_572, %broadcast_in_dim3A_738] : memref<256x128xf32, #tpu.memory_space<vmem>>[vector<16xi32>, vector<16xi32>], vector<16xf32>,
      %mul3A_741 = arith.mulf %gather3A_739, %gather3A_740 : vector<16xf32>
      %add3A_742 = arith.addf %add3A_736, %mul3A_741 : vector<16xf32>
      %broadcast_in_dim3A_743 = arith.constant 28 : i32
      %broadcast_in_dim3A_744 = vector.broadcast %broadcast_in_dim3A_743 : i32 to vector<16xi32>
      %gather3A_745 = tpu.vector_load_idx %arg12[%add3A_572, %broadcast_in_dim3A_744] : memref<256x128xf32, #tpu.memory_space<vmem>>[vector<16xi32>, vector<16xi32>], vector<16xf32>,
      %gather3A_746 = tpu.vector_load_idx %arg13[%add3A_572, %broadcast_in_dim3A_744] : memref<256x128xf32, #tpu.memory_space<vmem>>[vector<16xi32>, vector<16xi32>], vector<16xf32>,
      %mul3A_747 = arith.mulf %gather3A_745, %gather3A_746 : vector<16xf32>
      %add3A_748 = arith.addf %add3A_742, %mul3A_747 : vector<16xf32>
      %broadcast_in_dim3A_749 = arith.constant 29 : i32
      %broadcast_in_dim3A_750 = vector.broadcast %broadcast_in_dim3A_749 : i32 to vector<16xi32>
      %gather3A_751 = tpu.vector_load_idx %arg12[%add3A_572, %broadcast_in_dim3A_750] : memref<256x128xf32, #tpu.memory_space<vmem>>[vector<16xi32>, vector<16xi32>], vector<16xf32>,
      %gather3A_752 = tpu.vector_load_idx %arg13[%add3A_572, %broadcast_in_dim3A_750] : memref<256x128xf32, #tpu.memory_space<vmem>>[vector<16xi32>, vector<16xi32>], vector<16xf32>,
      %mul3A_753 = arith.mulf %gather3A_751, %gather3A_752 : vector<16xf32>
      %add3A_754 = arith.addf %add3A_748, %mul3A_753 : vector<16xf32>
      %broadcast_in_dim3A_755 = arith.constant 30 : i32
      %broadcast_in_dim3A_756 = vector.broadcast %broadcast_in_dim3A_755 : i32 to vector<16xi32>
      %gather3A_757 = tpu.vector_load_idx %arg12[%add3A_572, %broadcast_in_dim3A_756] : memref<256x128xf32, #tpu.memory_space<vmem>>[vector<16xi32>, vector<16xi32>], vector<16xf32>,
      %gather3A_758 = tpu.vector_load_idx %arg13[%add3A_572, %broadcast_in_dim3A_756] : memref<256x128xf32, #tpu.memory_space<vmem>>[vector<16xi32>, vector<16xi32>], vector<16xf32>,
      %mul3A_759 = arith.mulf %gather3A_757, %gather3A_758 : vector<16xf32>
      %add3A_760 = arith.addf %add3A_754, %mul3A_759 : vector<16xf32>
      %broadcast_in_dim3A_761 = arith.constant 31 : i32
      %broadcast_in_dim3A_762 = vector.broadcast %broadcast_in_dim3A_761 : i32 to vector<16xi32>
      %gather3A_763 = tpu.vector_load_idx %arg12[%add3A_572, %broadcast_in_dim3A_762] : memref<256x128xf32, #tpu.memory_space<vmem>>[vector<16xi32>, vector<16xi32>], vector<16xf32>,
      %gather3A_764 = tpu.vector_load_idx %arg13[%add3A_572, %broadcast_in_dim3A_762] : memref<256x128xf32, #tpu.memory_space<vmem>>[vector<16xi32>, vector<16xi32>], vector<16xf32>,
      %mul3A_765 = arith.mulf %gather3A_763, %gather3A_764 : vector<16xf32>
      %add3A_766 = arith.addf %add3A_760, %mul3A_765 : vector<16xf32>
      %broadcast_in_dim3A_767 = arith.constant 32 : i32
      %broadcast_in_dim3A_768 = vector.broadcast %broadcast_in_dim3A_767 : i32 to vector<16xi32>
      %gather3A_769 = tpu.vector_load_idx %arg12[%add3A_572, %broadcast_in_dim3A_768] : memref<256x128xf32, #tpu.memory_space<vmem>>[vector<16xi32>, vector<16xi32>], vector<16xf32>,
      %gather3A_770 = tpu.vector_load_idx %arg13[%add3A_572, %broadcast_in_dim3A_768] : memref<256x128xf32, #tpu.memory_space<vmem>>[vector<16xi32>, vector<16xi32>], vector<16xf32>,
      %mul3A_771 = arith.mulf %gather3A_769, %gather3A_770 : vector<16xf32>
      %add3A_772 = arith.addf %add3A_766, %mul3A_771 : vector<16xf32>
      %broadcast_in_dim3A_773 = arith.constant 33 : i32
      %broadcast_in_dim3A_774 = vector.broadcast %broadcast_in_dim3A_773 : i32 to vector<16xi32>
      %gather3A_775 = tpu.vector_load_idx %arg12[%add3A_572, %broadcast_in_dim3A_774] : memref<256x128xf32, #tpu.memory_space<vmem>>[vector<16xi32>, vector<16xi32>], vector<16xf32>,
      %gather3A_776 = tpu.vector_load_idx %arg13[%add3A_572, %broadcast_in_dim3A_774] : memref<256x128xf32, #tpu.memory_space<vmem>>[vector<16xi32>, vector<16xi32>], vector<16xf32>,
      %mul3A_777 = arith.mulf %gather3A_775, %gather3A_776 : vector<16xf32>
      %add3A_778 = arith.addf %add3A_772, %mul3A_777 : vector<16xf32>
      %broadcast_in_dim3A_779 = arith.constant 34 : i32
      %broadcast_in_dim3A_780 = vector.broadcast %broadcast_in_dim3A_779 : i32 to vector<16xi32>
      %gather3A_781 = tpu.vector_load_idx %arg12[%add3A_572, %broadcast_in_dim3A_780] : memref<256x128xf32, #tpu.memory_space<vmem>>[vector<16xi32>, vector<16xi32>], vector<16xf32>,
      %gather3A_782 = tpu.vector_load_idx %arg13[%add3A_572, %broadcast_in_dim3A_780] : memref<256x128xf32, #tpu.memory_space<vmem>>[vector<16xi32>, vector<16xi32>], vector<16xf32>,
      %mul3A_783 = arith.mulf %gather3A_781, %gather3A_782 : vector<16xf32>
      %add3A_784 = arith.addf %add3A_778, %mul3A_783 : vector<16xf32>
      %broadcast_in_dim3A_785 = arith.constant 35 : i32
      %broadcast_in_dim3A_786 = vector.broadcast %broadcast_in_dim3A_785 : i32 to vector<16xi32>
      %gather3A_787 = tpu.vector_load_idx %arg12[%add3A_572, %broadcast_in_dim3A_786] : memref<256x128xf32, #tpu.memory_space<vmem>>[vector<16xi32>, vector<16xi32>], vector<16xf32>,
      %gather3A_788 = tpu.vector_load_idx %arg13[%add3A_572, %broadcast_in_dim3A_786] : memref<256x128xf32, #tpu.memory_space<vmem>>[vector<16xi32>, vector<16xi32>], vector<16xf32>,
      %mul3A_789 = arith.mulf %gather3A_787, %gather3A_788 : vector<16xf32>
      %add3A_790 = arith.addf %add3A_784, %mul3A_789 : vector<16xf32>
      %broadcast_in_dim3A_791 = arith.constant 36 : i32
      %broadcast_in_dim3A_792 = vector.broadcast %broadcast_in_dim3A_791 : i32 to vector<16xi32>
      %gather3A_793 = tpu.vector_load_idx %arg12[%add3A_572, %broadcast_in_dim3A_792] : memref<256x128xf32, #tpu.memory_space<vmem>>[vector<16xi32>, vector<16xi32>], vector<16xf32>,
      %gather3A_794 = tpu.vector_load_idx %arg13[%add3A_572, %broadcast_in_dim3A_792] : memref<256x128xf32, #tpu.memory_space<vmem>>[vector<16xi32>, vector<16xi32>], vector<16xf32>,
      %mul3A_795 = arith.mulf %gather3A_793, %gather3A_794 : vector<16xf32>
      %add3A_796 = arith.addf %add3A_790, %mul3A_795 : vector<16xf32>
      %broadcast_in_dim3A_797 = arith.constant 37 : i32
      %broadcast_in_dim3A_798 = vector.broadcast %broadcast_in_dim3A_797 : i32 to vector<16xi32>
      %gather3A_799 = tpu.vector_load_idx %arg12[%add3A_572, %broadcast_in_dim3A_798] : memref<256x128xf32, #tpu.memory_space<vmem>>[vector<16xi32>, vector<16xi32>], vector<16xf32>,
      %gather3A_800 = tpu.vector_load_idx %arg13[%add3A_572, %broadcast_in_dim3A_798] : memref<256x128xf32, #tpu.memory_space<vmem>>[vector<16xi32>, vector<16xi32>], vector<16xf32>,
      %mul3A_801 = arith.mulf %gather3A_799, %gather3A_800 : vector<16xf32>
      %add3A_802 = arith.addf %add3A_796, %mul3A_801 : vector<16xf32>
      %broadcast_in_dim3A_803 = arith.constant 38 : i32
      %broadcast_in_dim3A_804 = vector.broadcast %broadcast_in_dim3A_803 : i32 to vector<16xi32>
      %gather3A_805 = tpu.vector_load_idx %arg12[%add3A_572, %broadcast_in_dim3A_804] : memref<256x128xf32, #tpu.memory_space<vmem>>[vector<16xi32>, vector<16xi32>], vector<16xf32>,
      %gather3A_806 = tpu.vector_load_idx %arg13[%add3A_572, %broadcast_in_dim3A_804] : memref<256x128xf32, #tpu.memory_space<vmem>>[vector<16xi32>, vector<16xi32>], vector<16xf32>,
      %mul3A_807 = arith.mulf %gather3A_805, %gather3A_806 : vector<16xf32>
      %add3A_808 = arith.addf %add3A_802, %mul3A_807 : vector<16xf32>
      %broadcast_in_dim3A_809 = arith.constant 39 : i32
      %broadcast_in_dim3A_810 = vector.broadcast %broadcast_in_dim3A_809 : i32 to vector<16xi32>
      %gather3A_811 = tpu.vector_load_idx %arg12[%add3A_572, %broadcast_in_dim3A_810] : memref<256x128xf32, #tpu.memory_space<vmem>>[vector<16xi32>, vector<16xi32>], vector<16xf32>,
      %gather3A_812 = tpu.vector_load_idx %arg13[%add3A_572, %broadcast_in_dim3A_810] : memref<256x128xf32, #tpu.memory_space<vmem>>[vector<16xi32>, vector<16xi32>], vector<16xf32>,
      %mul3A_813 = arith.mulf %gather3A_811, %gather3A_812 : vector<16xf32>
      %add3A_814 = arith.addf %add3A_808, %mul3A_813 : vector<16xf32>
      %broadcast_in_dim3A_815 = arith.constant 40 : i32
      %broadcast_in_dim3A_816 = vector.broadcast %broadcast_in_dim3A_815 : i32 to vector<16xi32>
      %gather3A_817 = tpu.vector_load_idx %arg12[%add3A_572, %broadcast_in_dim3A_816] : memref<256x128xf32, #tpu.memory_space<vmem>>[vector<16xi32>, vector<16xi32>], vector<16xf32>,
      %gather3A_818 = tpu.vector_load_idx %arg13[%add3A_572, %broadcast_in_dim3A_816] : memref<256x128xf32, #tpu.memory_space<vmem>>[vector<16xi32>, vector<16xi32>], vector<16xf32>,
      %mul3A_819 = arith.mulf %gather3A_817, %gather3A_818 : vector<16xf32>
      %add3A_820 = arith.addf %add3A_814, %mul3A_819 : vector<16xf32>
      %broadcast_in_dim3A_821 = arith.constant 41 : i32
      %broadcast_in_dim3A_822 = vector.broadcast %broadcast_in_dim3A_821 : i32 to vector<16xi32>
      %gather3A_823 = tpu.vector_load_idx %arg12[%add3A_572, %broadcast_in_dim3A_822] : memref<256x128xf32, #tpu.memory_space<vmem>>[vector<16xi32>, vector<16xi32>], vector<16xf32>,
      %gather3A_824 = tpu.vector_load_idx %arg13[%add3A_572, %broadcast_in_dim3A_822] : memref<256x128xf32, #tpu.memory_space<vmem>>[vector<16xi32>, vector<16xi32>], vector<16xf32>,
      %mul3A_825 = arith.mulf %gather3A_823, %gather3A_824 : vector<16xf32>
      %add3A_826 = arith.addf %add3A_820, %mul3A_825 : vector<16xf32>
      %broadcast_in_dim3A_827 = arith.constant 42 : i32
      %broadcast_in_dim3A_828 = vector.broadcast %broadcast_in_dim3A_827 : i32 to vector<16xi32>
      %gather3A_829 = tpu.vector_load_idx %arg12[%add3A_572, %broadcast_in_dim3A_828] : memref<256x128xf32, #tpu.memory_space<vmem>>[vector<16xi32>, vector<16xi32>], vector<16xf32>,
      %gather3A_830 = tpu.vector_load_idx %arg13[%add3A_572, %broadcast_in_dim3A_828] : memref<256x128xf32, #tpu.memory_space<vmem>>[vector<16xi32>, vector<16xi32>], vector<16xf32>,
      %mul3A_831 = arith.mulf %gather3A_829, %gather3A_830 : vector<16xf32>
      %add3A_832 = arith.addf %add3A_826, %mul3A_831 : vector<16xf32>
      %broadcast_in_dim3A_833 = arith.constant 43 : i32
      %broadcast_in_dim3A_834 = vector.broadcast %broadcast_in_dim3A_833 : i32 to vector<16xi32>
      %gather3A_835 = tpu.vector_load_idx %arg12[%add3A_572, %broadcast_in_dim3A_834] : memref<256x128xf32, #tpu.memory_space<vmem>>[vector<16xi32>, vector<16xi32>], vector<16xf32>,
      %gather3A_836 = tpu.vector_load_idx %arg13[%add3A_572, %broadcast_in_dim3A_834] : memref<256x128xf32, #tpu.memory_space<vmem>>[vector<16xi32>, vector<16xi32>], vector<16xf32>,
      %mul3A_837 = arith.mulf %gather3A_835, %gather3A_836 : vector<16xf32>
      %add3A_838 = arith.addf %add3A_832, %mul3A_837 : vector<16xf32>
      %broadcast_in_dim3A_839 = arith.constant 44 : i32
      %broadcast_in_dim3A_840 = vector.broadcast %broadcast_in_dim3A_839 : i32 to vector<16xi32>
      %gather3A_841 = tpu.vector_load_idx %arg12[%add3A_572, %broadcast_in_dim3A_840] : memref<256x128xf32, #tpu.memory_space<vmem>>[vector<16xi32>, vector<16xi32>], vector<16xf32>,
      %gather3A_842 = tpu.vector_load_idx %arg13[%add3A_572, %broadcast_in_dim3A_840] : memref<256x128xf32, #tpu.memory_space<vmem>>[vector<16xi32>, vector<16xi32>], vector<16xf32>,
      %mul3A_843 = arith.mulf %gather3A_841, %gather3A_842 : vector<16xf32>
      %add3A_844 = arith.addf %add3A_838, %mul3A_843 : vector<16xf32>
      %broadcast_in_dim3A_845 = arith.constant 45 : i32
      %broadcast_in_dim3A_846 = vector.broadcast %broadcast_in_dim3A_845 : i32 to vector<16xi32>
      %gather3A_847 = tpu.vector_load_idx %arg12[%add3A_572, %broadcast_in_dim3A_846] : memref<256x128xf32, #tpu.memory_space<vmem>>[vector<16xi32>, vector<16xi32>], vector<16xf32>,
      %gather3A_848 = tpu.vector_load_idx %arg13[%add3A_572, %broadcast_in_dim3A_846] : memref<256x128xf32, #tpu.memory_space<vmem>>[vector<16xi32>, vector<16xi32>], vector<16xf32>,
      %mul3A_849 = arith.mulf %gather3A_847, %gather3A_848 : vector<16xf32>
      %add3A_850 = arith.addf %add3A_844, %mul3A_849 : vector<16xf32>
      %broadcast_in_dim3A_851 = arith.constant 46 : i32
      %broadcast_in_dim3A_852 = vector.broadcast %broadcast_in_dim3A_851 : i32 to vector<16xi32>
      %gather3A_853 = tpu.vector_load_idx %arg12[%add3A_572, %broadcast_in_dim3A_852] : memref<256x128xf32, #tpu.memory_space<vmem>>[vector<16xi32>, vector<16xi32>], vector<16xf32>,
      %gather3A_854 = tpu.vector_load_idx %arg13[%add3A_572, %broadcast_in_dim3A_852] : memref<256x128xf32, #tpu.memory_space<vmem>>[vector<16xi32>, vector<16xi32>], vector<16xf32>,
      %mul3A_855 = arith.mulf %gather3A_853, %gather3A_854 : vector<16xf32>
      %add3A_856 = arith.addf %add3A_850, %mul3A_855 : vector<16xf32>
      %broadcast_in_dim3A_857 = arith.constant 47 : i32
      %broadcast_in_dim3A_858 = vector.broadcast %broadcast_in_dim3A_857 : i32 to vector<16xi32>
      %gather3A_859 = tpu.vector_load_idx %arg12[%add3A_572, %broadcast_in_dim3A_858] : memref<256x128xf32, #tpu.memory_space<vmem>>[vector<16xi32>, vector<16xi32>], vector<16xf32>,
      %gather3A_860 = tpu.vector_load_idx %arg13[%add3A_572, %broadcast_in_dim3A_858] : memref<256x128xf32, #tpu.memory_space<vmem>>[vector<16xi32>, vector<16xi32>], vector<16xf32>,
      %mul3A_861 = arith.mulf %gather3A_859, %gather3A_860 : vector<16xf32>
      %add3A_862 = arith.addf %add3A_856, %mul3A_861 : vector<16xf32>
      %broadcast_in_dim3A_863 = arith.constant 48 : i32
      %broadcast_in_dim3A_864 = vector.broadcast %broadcast_in_dim3A_863 : i32 to vector<16xi32>
      %gather3A_865 = tpu.vector_load_idx %arg12[%add3A_572, %broadcast_in_dim3A_864] : memref<256x128xf32, #tpu.memory_space<vmem>>[vector<16xi32>, vector<16xi32>], vector<16xf32>,
      %gather3A_866 = tpu.vector_load_idx %arg13[%add3A_572, %broadcast_in_dim3A_864] : memref<256x128xf32, #tpu.memory_space<vmem>>[vector<16xi32>, vector<16xi32>], vector<16xf32>,
      %mul3A_867 = arith.mulf %gather3A_865, %gather3A_866 : vector<16xf32>
      %add3A_868 = arith.addf %add3A_862, %mul3A_867 : vector<16xf32>
      %broadcast_in_dim3A_869 = arith.constant 49 : i32
      %broadcast_in_dim3A_870 = vector.broadcast %broadcast_in_dim3A_869 : i32 to vector<16xi32>
      %gather3A_871 = tpu.vector_load_idx %arg12[%add3A_572, %broadcast_in_dim3A_870] : memref<256x128xf32, #tpu.memory_space<vmem>>[vector<16xi32>, vector<16xi32>], vector<16xf32>,
      %gather3A_872 = tpu.vector_load_idx %arg13[%add3A_572, %broadcast_in_dim3A_870] : memref<256x128xf32, #tpu.memory_space<vmem>>[vector<16xi32>, vector<16xi32>], vector<16xf32>,
      %mul3A_873 = arith.mulf %gather3A_871, %gather3A_872 : vector<16xf32>
      %add3A_874 = arith.addf %add3A_868, %mul3A_873 : vector<16xf32>
      %broadcast_in_dim3A_875 = arith.constant 50 : i32
      %broadcast_in_dim3A_876 = vector.broadcast %broadcast_in_dim3A_875 : i32 to vector<16xi32>
      %gather3A_877 = tpu.vector_load_idx %arg12[%add3A_572, %broadcast_in_dim3A_876] : memref<256x128xf32, #tpu.memory_space<vmem>>[vector<16xi32>, vector<16xi32>], vector<16xf32>,
      %gather3A_878 = tpu.vector_load_idx %arg13[%add3A_572, %broadcast_in_dim3A_876] : memref<256x128xf32, #tpu.memory_space<vmem>>[vector<16xi32>, vector<16xi32>], vector<16xf32>,
      %mul3A_879 = arith.mulf %gather3A_877, %gather3A_878 : vector<16xf32>
      %add3A_880 = arith.addf %add3A_874, %mul3A_879 : vector<16xf32>
      %broadcast_in_dim3A_881 = arith.constant 51 : i32
      %broadcast_in_dim3A_882 = vector.broadcast %broadcast_in_dim3A_881 : i32 to vector<16xi32>
      %gather3A_883 = tpu.vector_load_idx %arg12[%add3A_572, %broadcast_in_dim3A_882] : memref<256x128xf32, #tpu.memory_space<vmem>>[vector<16xi32>, vector<16xi32>], vector<16xf32>,
      %gather3A_884 = tpu.vector_load_idx %arg13[%add3A_572, %broadcast_in_dim3A_882] : memref<256x128xf32, #tpu.memory_space<vmem>>[vector<16xi32>, vector<16xi32>], vector<16xf32>,
      %mul3A_885 = arith.mulf %gather3A_883, %gather3A_884 : vector<16xf32>
      %add3A_886 = arith.addf %add3A_880, %mul3A_885 : vector<16xf32>
      %broadcast_in_dim3A_887 = arith.constant 52 : i32
      %broadcast_in_dim3A_888 = vector.broadcast %broadcast_in_dim3A_887 : i32 to vector<16xi32>
      %gather3A_889 = tpu.vector_load_idx %arg12[%add3A_572, %broadcast_in_dim3A_888] : memref<256x128xf32, #tpu.memory_space<vmem>>[vector<16xi32>, vector<16xi32>], vector<16xf32>,
      %gather3A_890 = tpu.vector_load_idx %arg13[%add3A_572, %broadcast_in_dim3A_888] : memref<256x128xf32, #tpu.memory_space<vmem>>[vector<16xi32>, vector<16xi32>], vector<16xf32>,
      %mul3A_891 = arith.mulf %gather3A_889, %gather3A_890 : vector<16xf32>
      %add3A_892 = arith.addf %add3A_886, %mul3A_891 : vector<16xf32>
      %broadcast_in_dim3A_893 = arith.constant 53 : i32
      %broadcast_in_dim3A_894 = vector.broadcast %broadcast_in_dim3A_893 : i32 to vector<16xi32>
      %gather3A_895 = tpu.vector_load_idx %arg12[%add3A_572, %broadcast_in_dim3A_894] : memref<256x128xf32, #tpu.memory_space<vmem>>[vector<16xi32>, vector<16xi32>], vector<16xf32>,
      %gather3A_896 = tpu.vector_load_idx %arg13[%add3A_572, %broadcast_in_dim3A_894] : memref<256x128xf32, #tpu.memory_space<vmem>>[vector<16xi32>, vector<16xi32>], vector<16xf32>,
      %mul3A_897 = arith.mulf %gather3A_895, %gather3A_896 : vector<16xf32>
      %add3A_898 = arith.addf %add3A_892, %mul3A_897 : vector<16xf32>
      %broadcast_in_dim3A_899 = arith.constant 54 : i32
      %broadcast_in_dim3A_900 = vector.broadcast %broadcast_in_dim3A_899 : i32 to vector<16xi32>
      %gather3A_901 = tpu.vector_load_idx %arg12[%add3A_572, %broadcast_in_dim3A_900] : memref<256x128xf32, #tpu.memory_space<vmem>>[vector<16xi32>, vector<16xi32>], vector<16xf32>,
      %gather3A_902 = tpu.vector_load_idx %arg13[%add3A_572, %broadcast_in_dim3A_900] : memref<256x128xf32, #tpu.memory_space<vmem>>[vector<16xi32>, vector<16xi32>], vector<16xf32>,
      %mul3A_903 = arith.mulf %gather3A_901, %gather3A_902 : vector<16xf32>
      %add3A_904 = arith.addf %add3A_898, %mul3A_903 : vector<16xf32>
      %broadcast_in_dim3A_905 = arith.constant 55 : i32
      %broadcast_in_dim3A_906 = vector.broadcast %broadcast_in_dim3A_905 : i32 to vector<16xi32>
      %gather3A_907 = tpu.vector_load_idx %arg12[%add3A_572, %broadcast_in_dim3A_906] : memref<256x128xf32, #tpu.memory_space<vmem>>[vector<16xi32>, vector<16xi32>], vector<16xf32>,
      %gather3A_908 = tpu.vector_load_idx %arg13[%add3A_572, %broadcast_in_dim3A_906] : memref<256x128xf32, #tpu.memory_space<vmem>>[vector<16xi32>, vector<16xi32>], vector<16xf32>,
      %mul3A_909 = arith.mulf %gather3A_907, %gather3A_908 : vector<16xf32>
      %add3A_910 = arith.addf %add3A_904, %mul3A_909 : vector<16xf32>
      %broadcast_in_dim3A_911 = arith.constant 56 : i32
      %broadcast_in_dim3A_912 = vector.broadcast %broadcast_in_dim3A_911 : i32 to vector<16xi32>
      %gather3A_913 = tpu.vector_load_idx %arg12[%add3A_572, %broadcast_in_dim3A_912] : memref<256x128xf32, #tpu.memory_space<vmem>>[vector<16xi32>, vector<16xi32>], vector<16xf32>,
      %gather3A_914 = tpu.vector_load_idx %arg13[%add3A_572, %broadcast_in_dim3A_912] : memref<256x128xf32, #tpu.memory_space<vmem>>[vector<16xi32>, vector<16xi32>], vector<16xf32>,
      %mul3A_915 = arith.mulf %gather3A_913, %gather3A_914 : vector<16xf32>
      %add3A_916 = arith.addf %add3A_910, %mul3A_915 : vector<16xf32>
      %broadcast_in_dim3A_917 = arith.constant 57 : i32
      %broadcast_in_dim3A_918 = vector.broadcast %broadcast_in_dim3A_917 : i32 to vector<16xi32>
      %gather3A_919 = tpu.vector_load_idx %arg12[%add3A_572, %broadcast_in_dim3A_918] : memref<256x128xf32, #tpu.memory_space<vmem>>[vector<16xi32>, vector<16xi32>], vector<16xf32>,
      %gather3A_920 = tpu.vector_load_idx %arg13[%add3A_572, %broadcast_in_dim3A_918] : memref<256x128xf32, #tpu.memory_space<vmem>>[vector<16xi32>, vector<16xi32>], vector<16xf32>,
      %mul3A_921 = arith.mulf %gather3A_919, %gather3A_920 : vector<16xf32>
      %add3A_922 = arith.addf %add3A_916, %mul3A_921 : vector<16xf32>
      %broadcast_in_dim3A_923 = arith.constant 58 : i32
      %broadcast_in_dim3A_924 = vector.broadcast %broadcast_in_dim3A_923 : i32 to vector<16xi32>
      %gather3A_925 = tpu.vector_load_idx %arg12[%add3A_572, %broadcast_in_dim3A_924] : memref<256x128xf32, #tpu.memory_space<vmem>>[vector<16xi32>, vector<16xi32>], vector<16xf32>,
      %gather3A_926 = tpu.vector_load_idx %arg13[%add3A_572, %broadcast_in_dim3A_924] : memref<256x128xf32, #tpu.memory_space<vmem>>[vector<16xi32>, vector<16xi32>], vector<16xf32>,
      %mul3A_927 = arith.mulf %gather3A_925, %gather3A_926 : vector<16xf32>
      %add3A_928 = arith.addf %add3A_922, %mul3A_927 : vector<16xf32>
      %broadcast_in_dim3A_929 = arith.constant 59 : i32
      %broadcast_in_dim3A_930 = vector.broadcast %broadcast_in_dim3A_929 : i32 to vector<16xi32>
      %gather3A_931 = tpu.vector_load_idx %arg12[%add3A_572, %broadcast_in_dim3A_930] : memref<256x128xf32, #tpu.memory_space<vmem>>[vector<16xi32>, vector<16xi32>], vector<16xf32>,
      %gather3A_932 = tpu.vector_load_idx %arg13[%add3A_572, %broadcast_in_dim3A_930] : memref<256x128xf32, #tpu.memory_space<vmem>>[vector<16xi32>, vector<16xi32>], vector<16xf32>,
      %mul3A_933 = arith.mulf %gather3A_931, %gather3A_932 : vector<16xf32>
      %add3A_934 = arith.addf %add3A_928, %mul3A_933 : vector<16xf32>
      %broadcast_in_dim3A_935 = arith.constant 60 : i32
      %broadcast_in_dim3A_936 = vector.broadcast %broadcast_in_dim3A_935 : i32 to vector<16xi32>
      %gather3A_937 = tpu.vector_load_idx %arg12[%add3A_572, %broadcast_in_dim3A_936] : memref<256x128xf32, #tpu.memory_space<vmem>>[vector<16xi32>, vector<16xi32>], vector<16xf32>,
      %gather3A_938 = tpu.vector_load_idx %arg13[%add3A_572, %broadcast_in_dim3A_936] : memref<256x128xf32, #tpu.memory_space<vmem>>[vector<16xi32>, vector<16xi32>], vector<16xf32>,
      %mul3A_939 = arith.mulf %gather3A_937, %gather3A_938 : vector<16xf32>
      %add3A_940 = arith.addf %add3A_934, %mul3A_939 : vector<16xf32>
      %broadcast_in_dim3A_941 = arith.constant 61 : i32
      %broadcast_in_dim3A_942 = vector.broadcast %broadcast_in_dim3A_941 : i32 to vector<16xi32>
      %gather3A_943 = tpu.vector_load_idx %arg12[%add3A_572, %broadcast_in_dim3A_942] : memref<256x128xf32, #tpu.memory_space<vmem>>[vector<16xi32>, vector<16xi32>], vector<16xf32>,
      %gather3A_944 = tpu.vector_load_idx %arg13[%add3A_572, %broadcast_in_dim3A_942] : memref<256x128xf32, #tpu.memory_space<vmem>>[vector<16xi32>, vector<16xi32>], vector<16xf32>,
      %mul3A_945 = arith.mulf %gather3A_943, %gather3A_944 : vector<16xf32>
      %add3A_946 = arith.addf %add3A_940, %mul3A_945 : vector<16xf32>
      %broadcast_in_dim3A_947 = arith.constant 62 : i32
      %broadcast_in_dim3A_948 = vector.broadcast %broadcast_in_dim3A_947 : i32 to vector<16xi32>
      %gather3A_949 = tpu.vector_load_idx %arg12[%add3A_572, %broadcast_in_dim3A_948] : memref<256x128xf32, #tpu.memory_space<vmem>>[vector<16xi32>, vector<16xi32>], vector<16xf32>,
      %gather3A_950 = tpu.vector_load_idx %arg13[%add3A_572, %broadcast_in_dim3A_948] : memref<256x128xf32, #tpu.memory_space<vmem>>[vector<16xi32>, vector<16xi32>], vector<16xf32>,
      %mul3A_951 = arith.mulf %gather3A_949, %gather3A_950 : vector<16xf32>
      %add3A_952 = arith.addf %add3A_946, %mul3A_951 : vector<16xf32>
      %broadcast_in_dim3A_953 = arith.constant 63 : i32
      %broadcast_in_dim3A_954 = vector.broadcast %broadcast_in_dim3A_953 : i32 to vector<16xi32>
      %gather3A_955 = tpu.vector_load_idx %arg12[%add3A_572, %broadcast_in_dim3A_954] : memref<256x128xf32, #tpu.memory_space<vmem>>[vector<16xi32>, vector<16xi32>], vector<16xf32>,
      %gather3A_956 = tpu.vector_load_idx %arg13[%add3A_572, %broadcast_in_dim3A_954] : memref<256x128xf32, #tpu.memory_space<vmem>>[vector<16xi32>, vector<16xi32>], vector<16xf32>,
      %mul3A_957 = arith.mulf %gather3A_955, %gather3A_956 : vector<16xf32>
      %add3A_958 = arith.addf %add3A_952, %mul3A_957 : vector<16xf32>
      %get3A_959 = arith.index_cast %add3A_566 : i32 to index
      %get3A_960 = tpu.vector_load %arg14[%get3A_959] {strides = array<i32>} : memref<512xf32, #tpu.memory_space<vmem>>, vector<16xf32>,
      %add3A_961 = arith.addf %add3A_958, %get3A_960 : vector<16xf32>
      %get3A_962 = arith.index_cast %add3A_566 : i32 to index
      %get3A_963 = tpu.vector_load %arg15[%get3A_962] {strides = array<i32>} : memref<512xf32, #tpu.memory_space<vmem>>, vector<16xf32>,
      %add3A_964 = arith.addf %add3A_961, %get3A_963 : vector<16xf32>
      %add3A_965 = arith.addf %add3A_964, %get3A_48 : vector<16xf32>
      %swap3A_966 = arith.index_cast %add3A_566 : i32 to index
      %swap3A_967 = tpu.vector_load %arg17[%swap3A_966] {strides = array<i32>} : memref<512xf32, #tpu.memory_space<vmem>>, vector<16xf32>,
      tpu.vector_store %arg17[%swap3A_966], %add3A_965 {strides = array<i32>} : memref<512xf32, #tpu.memory_space<vmem>>, vector<16xf32>,
      %mul3A_968 = arith.constant 128 : i32
      %mul3A_969 = arith.muli %scan3A_135, %mul3A_968 : i32
      %add3A_970 = arith.constant 32 : i32
      %add3A_971 = arith.addi %mul3A_969, %add3A_970 : i32
      %mul3A_972 = arith.constant 128 : i32
      %mul3A_973 = arith.muli %rem3A_136, %mul3A_972 : i32
      %add3A_974 = arith.constant 32 : i32
      %add3A_975 = arith.addi %mul3A_973, %add3A_974 : i32
      %add3A_976 = vector.broadcast %add3A_975 : i32 to vector<16xi32>
      %add3A_977 = arith.addi %add3A_976, %iota3A : vector<16xi32>
      %broadcast_in_dim3A_978 = arith.constant 0.000000e+00 : f32
      %broadcast_in_dim3A_979 = vector.broadcast %broadcast_in_dim3A_978 : f32 to vector<16xf32>
      %broadcast_in_dim3A_980 = arith.constant 0 : i32
      %broadcast_in_dim3A_981 = vector.broadcast %broadcast_in_dim3A_980 : i32 to vector<16xi32>
      %gather3A_982 = tpu.vector_load_idx %arg12[%add3A_977, %broadcast_in_dim3A_981] : memref<256x128xf32, #tpu.memory_space<vmem>>[vector<16xi32>, vector<16xi32>], vector<16xf32>,
      %gather3A_983 = tpu.vector_load_idx %arg13[%add3A_977, %broadcast_in_dim3A_981] : memref<256x128xf32, #tpu.memory_space<vmem>>[vector<16xi32>, vector<16xi32>], vector<16xf32>,
      %mul3A_984 = arith.mulf %gather3A_982, %gather3A_983 : vector<16xf32>
      %add3A_985 = arith.addf %broadcast_in_dim3A_979, %mul3A_984 : vector<16xf32>
      %broadcast_in_dim3A_986 = arith.constant 1 : i32
      %broadcast_in_dim3A_987 = vector.broadcast %broadcast_in_dim3A_986 : i32 to vector<16xi32>
      %gather3A_988 = tpu.vector_load_idx %arg12[%add3A_977, %broadcast_in_dim3A_987] : memref<256x128xf32, #tpu.memory_space<vmem>>[vector<16xi32>, vector<16xi32>], vector<16xf32>,
      %gather3A_989 = tpu.vector_load_idx %arg13[%add3A_977, %broadcast_in_dim3A_987] : memref<256x128xf32, #tpu.memory_space<vmem>>[vector<16xi32>, vector<16xi32>], vector<16xf32>,
      %mul3A_990 = arith.mulf %gather3A_988, %gather3A_989 : vector<16xf32>
      %add3A_991 = arith.addf %add3A_985, %mul3A_990 : vector<16xf32>
      %broadcast_in_dim3A_992 = arith.constant 2 : i32
      %broadcast_in_dim3A_993 = vector.broadcast %broadcast_in_dim3A_992 : i32 to vector<16xi32>
      %gather3A_994 = tpu.vector_load_idx %arg12[%add3A_977, %broadcast_in_dim3A_993] : memref<256x128xf32, #tpu.memory_space<vmem>>[vector<16xi32>, vector<16xi32>], vector<16xf32>,
      %gather3A_995 = tpu.vector_load_idx %arg13[%add3A_977, %broadcast_in_dim3A_993] : memref<256x128xf32, #tpu.memory_space<vmem>>[vector<16xi32>, vector<16xi32>], vector<16xf32>,
      %mul3A_996 = arith.mulf %gather3A_994, %gather3A_995 : vector<16xf32>
      %add3A_997 = arith.addf %add3A_991, %mul3A_996 : vector<16xf32>
      %broadcast_in_dim3A_998 = arith.constant 3 : i32
      %broadcast_in_dim3A_999 = vector.broadcast %broadcast_in_dim3A_998 : i32 to vector<16xi32>
      %gather3A_1000 = tpu.vector_load_idx %arg12[%add3A_977, %broadcast_in_dim3A_999] : memref<256x128xf32, #tpu.memory_space<vmem>>[vector<16xi32>, vector<16xi32>], vector<16xf32>,
      %gather3A_1001 = tpu.vector_load_idx %arg13[%add3A_977, %broadcast_in_dim3A_999] : memref<256x128xf32, #tpu.memory_space<vmem>>[vector<16xi32>, vector<16xi32>], vector<16xf32>,
      %mul3A_1002 = arith.mulf %gather3A_1000, %gather3A_1001 : vector<16xf32>
      %add3A_1003 = arith.addf %add3A_997, %mul3A_1002 : vector<16xf32>
      %broadcast_in_dim3A_1004 = arith.constant 4 : i32
      %broadcast_in_dim3A_1005 = vector.broadcast %broadcast_in_dim3A_1004 : i32 to vector<16xi32>
      %gather3A_1006 = tpu.vector_load_idx %arg12[%add3A_977, %broadcast_in_dim3A_1005] : memref<256x128xf32, #tpu.memory_space<vmem>>[vector<16xi32>, vector<16xi32>], vector<16xf32>,
      %gather3A_1007 = tpu.vector_load_idx %arg13[%add3A_977, %broadcast_in_dim3A_1005] : memref<256x128xf32, #tpu.memory_space<vmem>>[vector<16xi32>, vector<16xi32>], vector<16xf32>,
      %mul3A_1008 = arith.mulf %gather3A_1006, %gather3A_1007 : vector<16xf32>
      %add3A_1009 = arith.addf %add3A_1003, %mul3A_1008 : vector<16xf32>
      %broadcast_in_dim3A_1010 = arith.constant 5 : i32
      %broadcast_in_dim3A_1011 = vector.broadcast %broadcast_in_dim3A_1010 : i32 to vector<16xi32>
      %gather3A_1012 = tpu.vector_load_idx %arg12[%add3A_977, %broadcast_in_dim3A_1011] : memref<256x128xf32, #tpu.memory_space<vmem>>[vector<16xi32>, vector<16xi32>], vector<16xf32>,
      %gather3A_1013 = tpu.vector_load_idx %arg13[%add3A_977, %broadcast_in_dim3A_1011] : memref<256x128xf32, #tpu.memory_space<vmem>>[vector<16xi32>, vector<16xi32>], vector<16xf32>,
      %mul3A_1014 = arith.mulf %gather3A_1012, %gather3A_1013 : vector<16xf32>
      %add3A_1015 = arith.addf %add3A_1009, %mul3A_1014 : vector<16xf32>
      %broadcast_in_dim3A_1016 = arith.constant 6 : i32
      %broadcast_in_dim3A_1017 = vector.broadcast %broadcast_in_dim3A_1016 : i32 to vector<16xi32>
      %gather3A_1018 = tpu.vector_load_idx %arg12[%add3A_977, %broadcast_in_dim3A_1017] : memref<256x128xf32, #tpu.memory_space<vmem>>[vector<16xi32>, vector<16xi32>], vector<16xf32>,
      %gather3A_1019 = tpu.vector_load_idx %arg13[%add3A_977, %broadcast_in_dim3A_1017] : memref<256x128xf32, #tpu.memory_space<vmem>>[vector<16xi32>, vector<16xi32>], vector<16xf32>,
      %mul3A_1020 = arith.mulf %gather3A_1018, %gather3A_1019 : vector<16xf32>
      %add3A_1021 = arith.addf %add3A_1015, %mul3A_1020 : vector<16xf32>
      %broadcast_in_dim3A_1022 = arith.constant 7 : i32
      %broadcast_in_dim3A_1023 = vector.broadcast %broadcast_in_dim3A_1022 : i32 to vector<16xi32>
      %gather3A_1024 = tpu.vector_load_idx %arg12[%add3A_977, %broadcast_in_dim3A_1023] : memref<256x128xf32, #tpu.memory_space<vmem>>[vector<16xi32>, vector<16xi32>], vector<16xf32>,
      %gather3A_1025 = tpu.vector_load_idx %arg13[%add3A_977, %broadcast_in_dim3A_1023] : memref<256x128xf32, #tpu.memory_space<vmem>>[vector<16xi32>, vector<16xi32>], vector<16xf32>,
      %mul3A_1026 = arith.mulf %gather3A_1024, %gather3A_1025 : vector<16xf32>
      %add3A_1027 = arith.addf %add3A_1021, %mul3A_1026 : vector<16xf32>
      %broadcast_in_dim3A_1028 = arith.constant 8 : i32
      %broadcast_in_dim3A_1029 = vector.broadcast %broadcast_in_dim3A_1028 : i32 to vector<16xi32>
      %gather3A_1030 = tpu.vector_load_idx %arg12[%add3A_977, %broadcast_in_dim3A_1029] : memref<256x128xf32, #tpu.memory_space<vmem>>[vector<16xi32>, vector<16xi32>], vector<16xf32>,
      %gather3A_1031 = tpu.vector_load_idx %arg13[%add3A_977, %broadcast_in_dim3A_1029] : memref<256x128xf32, #tpu.memory_space<vmem>>[vector<16xi32>, vector<16xi32>], vector<16xf32>,
      %mul3A_1032 = arith.mulf %gather3A_1030, %gather3A_1031 : vector<16xf32>
      %add3A_1033 = arith.addf %add3A_1027, %mul3A_1032 : vector<16xf32>
      %broadcast_in_dim3A_1034 = arith.constant 9 : i32
      %broadcast_in_dim3A_1035 = vector.broadcast %broadcast_in_dim3A_1034 : i32 to vector<16xi32>
      %gather3A_1036 = tpu.vector_load_idx %arg12[%add3A_977, %broadcast_in_dim3A_1035] : memref<256x128xf32, #tpu.memory_space<vmem>>[vector<16xi32>, vector<16xi32>], vector<16xf32>,
      %gather3A_1037 = tpu.vector_load_idx %arg13[%add3A_977, %broadcast_in_dim3A_1035] : memref<256x128xf32, #tpu.memory_space<vmem>>[vector<16xi32>, vector<16xi32>], vector<16xf32>,
      %mul3A_1038 = arith.mulf %gather3A_1036, %gather3A_1037 : vector<16xf32>
      %add3A_1039 = arith.addf %add3A_1033, %mul3A_1038 : vector<16xf32>
      %broadcast_in_dim3A_1040 = arith.constant 10 : i32
      %broadcast_in_dim3A_1041 = vector.broadcast %broadcast_in_dim3A_1040 : i32 to vector<16xi32>
      %gather3A_1042 = tpu.vector_load_idx %arg12[%add3A_977, %broadcast_in_dim3A_1041] : memref<256x128xf32, #tpu.memory_space<vmem>>[vector<16xi32>, vector<16xi32>], vector<16xf32>,
      %gather3A_1043 = tpu.vector_load_idx %arg13[%add3A_977, %broadcast_in_dim3A_1041] : memref<256x128xf32, #tpu.memory_space<vmem>>[vector<16xi32>, vector<16xi32>], vector<16xf32>,
      %mul3A_1044 = arith.mulf %gather3A_1042, %gather3A_1043 : vector<16xf32>
      %add3A_1045 = arith.addf %add3A_1039, %mul3A_1044 : vector<16xf32>
      %broadcast_in_dim3A_1046 = arith.constant 11 : i32
      %broadcast_in_dim3A_1047 = vector.broadcast %broadcast_in_dim3A_1046 : i32 to vector<16xi32>
      %gather3A_1048 = tpu.vector_load_idx %arg12[%add3A_977, %broadcast_in_dim3A_1047] : memref<256x128xf32, #tpu.memory_space<vmem>>[vector<16xi32>, vector<16xi32>], vector<16xf32>,
      %gather3A_1049 = tpu.vector_load_idx %arg13[%add3A_977, %broadcast_in_dim3A_1047] : memref<256x128xf32, #tpu.memory_space<vmem>>[vector<16xi32>, vector<16xi32>], vector<16xf32>,
      %mul3A_1050 = arith.mulf %gather3A_1048, %gather3A_1049 : vector<16xf32>
      %add3A_1051 = arith.addf %add3A_1045, %mul3A_1050 : vector<16xf32>
      %broadcast_in_dim3A_1052 = arith.constant 12 : i32
      %broadcast_in_dim3A_1053 = vector.broadcast %broadcast_in_dim3A_1052 : i32 to vector<16xi32>
      %gather3A_1054 = tpu.vector_load_idx %arg12[%add3A_977, %broadcast_in_dim3A_1053] : memref<256x128xf32, #tpu.memory_space<vmem>>[vector<16xi32>, vector<16xi32>], vector<16xf32>,
      %gather3A_1055 = tpu.vector_load_idx %arg13[%add3A_977, %broadcast_in_dim3A_1053] : memref<256x128xf32, #tpu.memory_space<vmem>>[vector<16xi32>, vector<16xi32>], vector<16xf32>,
      %mul3A_1056 = arith.mulf %gather3A_1054, %gather3A_1055 : vector<16xf32>
      %add3A_1057 = arith.addf %add3A_1051, %mul3A_1056 : vector<16xf32>
      %broadcast_in_dim3A_1058 = arith.constant 13 : i32
      %broadcast_in_dim3A_1059 = vector.broadcast %broadcast_in_dim3A_1058 : i32 to vector<16xi32>
      %gather3A_1060 = tpu.vector_load_idx %arg12[%add3A_977, %broadcast_in_dim3A_1059] : memref<256x128xf32, #tpu.memory_space<vmem>>[vector<16xi32>, vector<16xi32>], vector<16xf32>,
      %gather3A_1061 = tpu.vector_load_idx %arg13[%add3A_977, %broadcast_in_dim3A_1059] : memref<256x128xf32, #tpu.memory_space<vmem>>[vector<16xi32>, vector<16xi32>], vector<16xf32>,
      %mul3A_1062 = arith.mulf %gather3A_1060, %gather3A_1061 : vector<16xf32>
      %add3A_1063 = arith.addf %add3A_1057, %mul3A_1062 : vector<16xf32>
      %broadcast_in_dim3A_1064 = arith.constant 14 : i32
      %broadcast_in_dim3A_1065 = vector.broadcast %broadcast_in_dim3A_1064 : i32 to vector<16xi32>
      %gather3A_1066 = tpu.vector_load_idx %arg12[%add3A_977, %broadcast_in_dim3A_1065] : memref<256x128xf32, #tpu.memory_space<vmem>>[vector<16xi32>, vector<16xi32>], vector<16xf32>,
      %gather3A_1067 = tpu.vector_load_idx %arg13[%add3A_977, %broadcast_in_dim3A_1065] : memref<256x128xf32, #tpu.memory_space<vmem>>[vector<16xi32>, vector<16xi32>], vector<16xf32>,
      %mul3A_1068 = arith.mulf %gather3A_1066, %gather3A_1067 : vector<16xf32>
      %add3A_1069 = arith.addf %add3A_1063, %mul3A_1068 : vector<16xf32>
      %broadcast_in_dim3A_1070 = arith.constant 15 : i32
      %broadcast_in_dim3A_1071 = vector.broadcast %broadcast_in_dim3A_1070 : i32 to vector<16xi32>
      %gather3A_1072 = tpu.vector_load_idx %arg12[%add3A_977, %broadcast_in_dim3A_1071] : memref<256x128xf32, #tpu.memory_space<vmem>>[vector<16xi32>, vector<16xi32>], vector<16xf32>,
      %gather3A_1073 = tpu.vector_load_idx %arg13[%add3A_977, %broadcast_in_dim3A_1071] : memref<256x128xf32, #tpu.memory_space<vmem>>[vector<16xi32>, vector<16xi32>], vector<16xf32>,
      %mul3A_1074 = arith.mulf %gather3A_1072, %gather3A_1073 : vector<16xf32>
      %add3A_1075 = arith.addf %add3A_1069, %mul3A_1074 : vector<16xf32>
      %broadcast_in_dim3A_1076 = arith.constant 16 : i32
      %broadcast_in_dim3A_1077 = vector.broadcast %broadcast_in_dim3A_1076 : i32 to vector<16xi32>
      %gather3A_1078 = tpu.vector_load_idx %arg12[%add3A_977, %broadcast_in_dim3A_1077] : memref<256x128xf32, #tpu.memory_space<vmem>>[vector<16xi32>, vector<16xi32>], vector<16xf32>,
      %gather3A_1079 = tpu.vector_load_idx %arg13[%add3A_977, %broadcast_in_dim3A_1077] : memref<256x128xf32, #tpu.memory_space<vmem>>[vector<16xi32>, vector<16xi32>], vector<16xf32>,
      %mul3A_1080 = arith.mulf %gather3A_1078, %gather3A_1079 : vector<16xf32>
      %add3A_1081 = arith.addf %add3A_1075, %mul3A_1080 : vector<16xf32>
      %broadcast_in_dim3A_1082 = arith.constant 17 : i32
      %broadcast_in_dim3A_1083 = vector.broadcast %broadcast_in_dim3A_1082 : i32 to vector<16xi32>
      %gather3A_1084 = tpu.vector_load_idx %arg12[%add3A_977, %broadcast_in_dim3A_1083] : memref<256x128xf32, #tpu.memory_space<vmem>>[vector<16xi32>, vector<16xi32>], vector<16xf32>,
      %gather3A_1085 = tpu.vector_load_idx %arg13[%add3A_977, %broadcast_in_dim3A_1083] : memref<256x128xf32, #tpu.memory_space<vmem>>[vector<16xi32>, vector<16xi32>], vector<16xf32>,
      %mul3A_1086 = arith.mulf %gather3A_1084, %gather3A_1085 : vector<16xf32>
      %add3A_1087 = arith.addf %add3A_1081, %mul3A_1086 : vector<16xf32>
      %broadcast_in_dim3A_1088 = arith.constant 18 : i32
      %broadcast_in_dim3A_1089 = vector.broadcast %broadcast_in_dim3A_1088 : i32 to vector<16xi32>
      %gather3A_1090 = tpu.vector_load_idx %arg12[%add3A_977, %broadcast_in_dim3A_1089] : memref<256x128xf32, #tpu.memory_space<vmem>>[vector<16xi32>, vector<16xi32>], vector<16xf32>,
      %gather3A_1091 = tpu.vector_load_idx %arg13[%add3A_977, %broadcast_in_dim3A_1089] : memref<256x128xf32, #tpu.memory_space<vmem>>[vector<16xi32>, vector<16xi32>], vector<16xf32>,
      %mul3A_1092 = arith.mulf %gather3A_1090, %gather3A_1091 : vector<16xf32>
      %add3A_1093 = arith.addf %add3A_1087, %mul3A_1092 : vector<16xf32>
      %broadcast_in_dim3A_1094 = arith.constant 19 : i32
      %broadcast_in_dim3A_1095 = vector.broadcast %broadcast_in_dim3A_1094 : i32 to vector<16xi32>
      %gather3A_1096 = tpu.vector_load_idx %arg12[%add3A_977, %broadcast_in_dim3A_1095] : memref<256x128xf32, #tpu.memory_space<vmem>>[vector<16xi32>, vector<16xi32>], vector<16xf32>,
      %gather3A_1097 = tpu.vector_load_idx %arg13[%add3A_977, %broadcast_in_dim3A_1095] : memref<256x128xf32, #tpu.memory_space<vmem>>[vector<16xi32>, vector<16xi32>], vector<16xf32>,
      %mul3A_1098 = arith.mulf %gather3A_1096, %gather3A_1097 : vector<16xf32>
      %add3A_1099 = arith.addf %add3A_1093, %mul3A_1098 : vector<16xf32>
      %broadcast_in_dim3A_1100 = arith.constant 20 : i32
      %broadcast_in_dim3A_1101 = vector.broadcast %broadcast_in_dim3A_1100 : i32 to vector<16xi32>
      %gather3A_1102 = tpu.vector_load_idx %arg12[%add3A_977, %broadcast_in_dim3A_1101] : memref<256x128xf32, #tpu.memory_space<vmem>>[vector<16xi32>, vector<16xi32>], vector<16xf32>,
      %gather3A_1103 = tpu.vector_load_idx %arg13[%add3A_977, %broadcast_in_dim3A_1101] : memref<256x128xf32, #tpu.memory_space<vmem>>[vector<16xi32>, vector<16xi32>], vector<16xf32>,
      %mul3A_1104 = arith.mulf %gather3A_1102, %gather3A_1103 : vector<16xf32>
      %add3A_1105 = arith.addf %add3A_1099, %mul3A_1104 : vector<16xf32>
      %broadcast_in_dim3A_1106 = arith.constant 21 : i32
      %broadcast_in_dim3A_1107 = vector.broadcast %broadcast_in_dim3A_1106 : i32 to vector<16xi32>
      %gather3A_1108 = tpu.vector_load_idx %arg12[%add3A_977, %broadcast_in_dim3A_1107] : memref<256x128xf32, #tpu.memory_space<vmem>>[vector<16xi32>, vector<16xi32>], vector<16xf32>,
      %gather3A_1109 = tpu.vector_load_idx %arg13[%add3A_977, %broadcast_in_dim3A_1107] : memref<256x128xf32, #tpu.memory_space<vmem>>[vector<16xi32>, vector<16xi32>], vector<16xf32>,
      %mul3A_1110 = arith.mulf %gather3A_1108, %gather3A_1109 : vector<16xf32>
      %add3A_1111 = arith.addf %add3A_1105, %mul3A_1110 : vector<16xf32>
      %broadcast_in_dim3A_1112 = arith.constant 22 : i32
      %broadcast_in_dim3A_1113 = vector.broadcast %broadcast_in_dim3A_1112 : i32 to vector<16xi32>
      %gather3A_1114 = tpu.vector_load_idx %arg12[%add3A_977, %broadcast_in_dim3A_1113] : memref<256x128xf32, #tpu.memory_space<vmem>>[vector<16xi32>, vector<16xi32>], vector<16xf32>,
      %gather3A_1115 = tpu.vector_load_idx %arg13[%add3A_977, %broadcast_in_dim3A_1113] : memref<256x128xf32, #tpu.memory_space<vmem>>[vector<16xi32>, vector<16xi32>], vector<16xf32>,
      %mul3A_1116 = arith.mulf %gather3A_1114, %gather3A_1115 : vector<16xf32>
      %add3A_1117 = arith.addf %add3A_1111, %mul3A_1116 : vector<16xf32>
      %broadcast_in_dim3A_1118 = arith.constant 23 : i32
      %broadcast_in_dim3A_1119 = vector.broadcast %broadcast_in_dim3A_1118 : i32 to vector<16xi32>
      %gather3A_1120 = tpu.vector_load_idx %arg12[%add3A_977, %broadcast_in_dim3A_1119] : memref<256x128xf32, #tpu.memory_space<vmem>>[vector<16xi32>, vector<16xi32>], vector<16xf32>,
      %gather3A_1121 = tpu.vector_load_idx %arg13[%add3A_977, %broadcast_in_dim3A_1119] : memref<256x128xf32, #tpu.memory_space<vmem>>[vector<16xi32>, vector<16xi32>], vector<16xf32>,
      %mul3A_1122 = arith.mulf %gather3A_1120, %gather3A_1121 : vector<16xf32>
      %add3A_1123 = arith.addf %add3A_1117, %mul3A_1122 : vector<16xf32>
      %broadcast_in_dim3A_1124 = arith.constant 24 : i32
      %broadcast_in_dim3A_1125 = vector.broadcast %broadcast_in_dim3A_1124 : i32 to vector<16xi32>
      %gather3A_1126 = tpu.vector_load_idx %arg12[%add3A_977, %broadcast_in_dim3A_1125] : memref<256x128xf32, #tpu.memory_space<vmem>>[vector<16xi32>, vector<16xi32>], vector<16xf32>,
      %gather3A_1127 = tpu.vector_load_idx %arg13[%add3A_977, %broadcast_in_dim3A_1125] : memref<256x128xf32, #tpu.memory_space<vmem>>[vector<16xi32>, vector<16xi32>], vector<16xf32>,
      %mul3A_1128 = arith.mulf %gather3A_1126, %gather3A_1127 : vector<16xf32>
      %add3A_1129 = arith.addf %add3A_1123, %mul3A_1128 : vector<16xf32>
      %broadcast_in_dim3A_1130 = arith.constant 25 : i32
      %broadcast_in_dim3A_1131 = vector.broadcast %broadcast_in_dim3A_1130 : i32 to vector<16xi32>
      %gather3A_1132 = tpu.vector_load_idx %arg12[%add3A_977, %broadcast_in_dim3A_1131] : memref<256x128xf32, #tpu.memory_space<vmem>>[vector<16xi32>, vector<16xi32>], vector<16xf32>,
      %gather3A_1133 = tpu.vector_load_idx %arg13[%add3A_977, %broadcast_in_dim3A_1131] : memref<256x128xf32, #tpu.memory_space<vmem>>[vector<16xi32>, vector<16xi32>], vector<16xf32>,
      %mul3A_1134 = arith.mulf %gather3A_1132, %gather3A_1133 : vector<16xf32>
      %add3A_1135 = arith.addf %add3A_1129, %mul3A_1134 : vector<16xf32>
      %broadcast_in_dim3A_1136 = arith.constant 26 : i32
      %broadcast_in_dim3A_1137 = vector.broadcast %broadcast_in_dim3A_1136 : i32 to vector<16xi32>
      %gather3A_1138 = tpu.vector_load_idx %arg12[%add3A_977, %broadcast_in_dim3A_1137] : memref<256x128xf32, #tpu.memory_space<vmem>>[vector<16xi32>, vector<16xi32>], vector<16xf32>,
      %gather3A_1139 = tpu.vector_load_idx %arg13[%add3A_977, %broadcast_in_dim3A_1137] : memref<256x128xf32, #tpu.memory_space<vmem>>[vector<16xi32>, vector<16xi32>], vector<16xf32>,
      %mul3A_1140 = arith.mulf %gather3A_1138, %gather3A_1139 : vector<16xf32>
      %add3A_1141 = arith.addf %add3A_1135, %mul3A_1140 : vector<16xf32>
      %broadcast_in_dim3A_1142 = arith.constant 27 : i32
      %broadcast_in_dim3A_1143 = vector.broadcast %broadcast_in_dim3A_1142 : i32 to vector<16xi32>
      %gather3A_1144 = tpu.vector_load_idx %arg12[%add3A_977, %broadcast_in_dim3A_1143] : memref<256x128xf32, #tpu.memory_space<vmem>>[vector<16xi32>, vector<16xi32>], vector<16xf32>,
      %gather3A_1145 = tpu.vector_load_idx %arg13[%add3A_977, %broadcast_in_dim3A_1143] : memref<256x128xf32, #tpu.memory_space<vmem>>[vector<16xi32>, vector<16xi32>], vector<16xf32>,
      %mul3A_1146 = arith.mulf %gather3A_1144, %gather3A_1145 : vector<16xf32>
      %add3A_1147 = arith.addf %add3A_1141, %mul3A_1146 : vector<16xf32>
      %broadcast_in_dim3A_1148 = arith.constant 28 : i32
      %broadcast_in_dim3A_1149 = vector.broadcast %broadcast_in_dim3A_1148 : i32 to vector<16xi32>
      %gather3A_1150 = tpu.vector_load_idx %arg12[%add3A_977, %broadcast_in_dim3A_1149] : memref<256x128xf32, #tpu.memory_space<vmem>>[vector<16xi32>, vector<16xi32>], vector<16xf32>,
      %gather3A_1151 = tpu.vector_load_idx %arg13[%add3A_977, %broadcast_in_dim3A_1149] : memref<256x128xf32, #tpu.memory_space<vmem>>[vector<16xi32>, vector<16xi32>], vector<16xf32>,
      %mul3A_1152 = arith.mulf %gather3A_1150, %gather3A_1151 : vector<16xf32>
      %add3A_1153 = arith.addf %add3A_1147, %mul3A_1152 : vector<16xf32>
      %broadcast_in_dim3A_1154 = arith.constant 29 : i32
      %broadcast_in_dim3A_1155 = vector.broadcast %broadcast_in_dim3A_1154 : i32 to vector<16xi32>
      %gather3A_1156 = tpu.vector_load_idx %arg12[%add3A_977, %broadcast_in_dim3A_1155] : memref<256x128xf32, #tpu.memory_space<vmem>>[vector<16xi32>, vector<16xi32>], vector<16xf32>,
      %gather3A_1157 = tpu.vector_load_idx %arg13[%add3A_977, %broadcast_in_dim3A_1155] : memref<256x128xf32, #tpu.memory_space<vmem>>[vector<16xi32>, vector<16xi32>], vector<16xf32>,
      %mul3A_1158 = arith.mulf %gather3A_1156, %gather3A_1157 : vector<16xf32>
      %add3A_1159 = arith.addf %add3A_1153, %mul3A_1158 : vector<16xf32>
      %broadcast_in_dim3A_1160 = arith.constant 30 : i32
      %broadcast_in_dim3A_1161 = vector.broadcast %broadcast_in_dim3A_1160 : i32 to vector<16xi32>
      %gather3A_1162 = tpu.vector_load_idx %arg12[%add3A_977, %broadcast_in_dim3A_1161] : memref<256x128xf32, #tpu.memory_space<vmem>>[vector<16xi32>, vector<16xi32>], vector<16xf32>,
      %gather3A_1163 = tpu.vector_load_idx %arg13[%add3A_977, %broadcast_in_dim3A_1161] : memref<256x128xf32, #tpu.memory_space<vmem>>[vector<16xi32>, vector<16xi32>], vector<16xf32>,
      %mul3A_1164 = arith.mulf %gather3A_1162, %gather3A_1163 : vector<16xf32>
      %add3A_1165 = arith.addf %add3A_1159, %mul3A_1164 : vector<16xf32>
      %broadcast_in_dim3A_1166 = arith.constant 31 : i32
      %broadcast_in_dim3A_1167 = vector.broadcast %broadcast_in_dim3A_1166 : i32 to vector<16xi32>
      %gather3A_1168 = tpu.vector_load_idx %arg12[%add3A_977, %broadcast_in_dim3A_1167] : memref<256x128xf32, #tpu.memory_space<vmem>>[vector<16xi32>, vector<16xi32>], vector<16xf32>,
      %gather3A_1169 = tpu.vector_load_idx %arg13[%add3A_977, %broadcast_in_dim3A_1167] : memref<256x128xf32, #tpu.memory_space<vmem>>[vector<16xi32>, vector<16xi32>], vector<16xf32>,
      %mul3A_1170 = arith.mulf %gather3A_1168, %gather3A_1169 : vector<16xf32>
      %add3A_1171 = arith.addf %add3A_1165, %mul3A_1170 : vector<16xf32>
      %broadcast_in_dim3A_1172 = arith.constant 32 : i32
      %broadcast_in_dim3A_1173 = vector.broadcast %broadcast_in_dim3A_1172 : i32 to vector<16xi32>
      %gather3A_1174 = tpu.vector_load_idx %arg12[%add3A_977, %broadcast_in_dim3A_1173] : memref<256x128xf32, #tpu.memory_space<vmem>>[vector<16xi32>, vector<16xi32>], vector<16xf32>,
      %gather3A_1175 = tpu.vector_load_idx %arg13[%add3A_977, %broadcast_in_dim3A_1173] : memref<256x128xf32, #tpu.memory_space<vmem>>[vector<16xi32>, vector<16xi32>], vector<16xf32>,
      %mul3A_1176 = arith.mulf %gather3A_1174, %gather3A_1175 : vector<16xf32>
      %add3A_1177 = arith.addf %add3A_1171, %mul3A_1176 : vector<16xf32>
      %broadcast_in_dim3A_1178 = arith.constant 33 : i32
      %broadcast_in_dim3A_1179 = vector.broadcast %broadcast_in_dim3A_1178 : i32 to vector<16xi32>
      %gather3A_1180 = tpu.vector_load_idx %arg12[%add3A_977, %broadcast_in_dim3A_1179] : memref<256x128xf32, #tpu.memory_space<vmem>>[vector<16xi32>, vector<16xi32>], vector<16xf32>,
      %gather3A_1181 = tpu.vector_load_idx %arg13[%add3A_977, %broadcast_in_dim3A_1179] : memref<256x128xf32, #tpu.memory_space<vmem>>[vector<16xi32>, vector<16xi32>], vector<16xf32>,
      %mul3A_1182 = arith.mulf %gather3A_1180, %gather3A_1181 : vector<16xf32>
      %add3A_1183 = arith.addf %add3A_1177, %mul3A_1182 : vector<16xf32>
      %broadcast_in_dim3A_1184 = arith.constant 34 : i32
      %broadcast_in_dim3A_1185 = vector.broadcast %broadcast_in_dim3A_1184 : i32 to vector<16xi32>
      %gather3A_1186 = tpu.vector_load_idx %arg12[%add3A_977, %broadcast_in_dim3A_1185] : memref<256x128xf32, #tpu.memory_space<vmem>>[vector<16xi32>, vector<16xi32>], vector<16xf32>,
      %gather3A_1187 = tpu.vector_load_idx %arg13[%add3A_977, %broadcast_in_dim3A_1185] : memref<256x128xf32, #tpu.memory_space<vmem>>[vector<16xi32>, vector<16xi32>], vector<16xf32>,
      %mul3A_1188 = arith.mulf %gather3A_1186, %gather3A_1187 : vector<16xf32>
      %add3A_1189 = arith.addf %add3A_1183, %mul3A_1188 : vector<16xf32>
      %broadcast_in_dim3A_1190 = arith.constant 35 : i32
      %broadcast_in_dim3A_1191 = vector.broadcast %broadcast_in_dim3A_1190 : i32 to vector<16xi32>
      %gather3A_1192 = tpu.vector_load_idx %arg12[%add3A_977, %broadcast_in_dim3A_1191] : memref<256x128xf32, #tpu.memory_space<vmem>>[vector<16xi32>, vector<16xi32>], vector<16xf32>,
      %gather3A_1193 = tpu.vector_load_idx %arg13[%add3A_977, %broadcast_in_dim3A_1191] : memref<256x128xf32, #tpu.memory_space<vmem>>[vector<16xi32>, vector<16xi32>], vector<16xf32>,
      %mul3A_1194 = arith.mulf %gather3A_1192, %gather3A_1193 : vector<16xf32>
      %add3A_1195 = arith.addf %add3A_1189, %mul3A_1194 : vector<16xf32>
      %broadcast_in_dim3A_1196 = arith.constant 36 : i32
      %broadcast_in_dim3A_1197 = vector.broadcast %broadcast_in_dim3A_1196 : i32 to vector<16xi32>
      %gather3A_1198 = tpu.vector_load_idx %arg12[%add3A_977, %broadcast_in_dim3A_1197] : memref<256x128xf32, #tpu.memory_space<vmem>>[vector<16xi32>, vector<16xi32>], vector<16xf32>,
      %gather3A_1199 = tpu.vector_load_idx %arg13[%add3A_977, %broadcast_in_dim3A_1197] : memref<256x128xf32, #tpu.memory_space<vmem>>[vector<16xi32>, vector<16xi32>], vector<16xf32>,
      %mul3A_1200 = arith.mulf %gather3A_1198, %gather3A_1199 : vector<16xf32>
      %add3A_1201 = arith.addf %add3A_1195, %mul3A_1200 : vector<16xf32>
      %broadcast_in_dim3A_1202 = arith.constant 37 : i32
      %broadcast_in_dim3A_1203 = vector.broadcast %broadcast_in_dim3A_1202 : i32 to vector<16xi32>
      %gather3A_1204 = tpu.vector_load_idx %arg12[%add3A_977, %broadcast_in_dim3A_1203] : memref<256x128xf32, #tpu.memory_space<vmem>>[vector<16xi32>, vector<16xi32>], vector<16xf32>,
      %gather3A_1205 = tpu.vector_load_idx %arg13[%add3A_977, %broadcast_in_dim3A_1203] : memref<256x128xf32, #tpu.memory_space<vmem>>[vector<16xi32>, vector<16xi32>], vector<16xf32>,
      %mul3A_1206 = arith.mulf %gather3A_1204, %gather3A_1205 : vector<16xf32>
      %add3A_1207 = arith.addf %add3A_1201, %mul3A_1206 : vector<16xf32>
      %broadcast_in_dim3A_1208 = arith.constant 38 : i32
      %broadcast_in_dim3A_1209 = vector.broadcast %broadcast_in_dim3A_1208 : i32 to vector<16xi32>
      %gather3A_1210 = tpu.vector_load_idx %arg12[%add3A_977, %broadcast_in_dim3A_1209] : memref<256x128xf32, #tpu.memory_space<vmem>>[vector<16xi32>, vector<16xi32>], vector<16xf32>,
      %gather3A_1211 = tpu.vector_load_idx %arg13[%add3A_977, %broadcast_in_dim3A_1209] : memref<256x128xf32, #tpu.memory_space<vmem>>[vector<16xi32>, vector<16xi32>], vector<16xf32>,
      %mul3A_1212 = arith.mulf %gather3A_1210, %gather3A_1211 : vector<16xf32>
      %add3A_1213 = arith.addf %add3A_1207, %mul3A_1212 : vector<16xf32>
      %broadcast_in_dim3A_1214 = arith.constant 39 : i32
      %broadcast_in_dim3A_1215 = vector.broadcast %broadcast_in_dim3A_1214 : i32 to vector<16xi32>
      %gather3A_1216 = tpu.vector_load_idx %arg12[%add3A_977, %broadcast_in_dim3A_1215] : memref<256x128xf32, #tpu.memory_space<vmem>>[vector<16xi32>, vector<16xi32>], vector<16xf32>,
      %gather3A_1217 = tpu.vector_load_idx %arg13[%add3A_977, %broadcast_in_dim3A_1215] : memref<256x128xf32, #tpu.memory_space<vmem>>[vector<16xi32>, vector<16xi32>], vector<16xf32>,
      %mul3A_1218 = arith.mulf %gather3A_1216, %gather3A_1217 : vector<16xf32>
      %add3A_1219 = arith.addf %add3A_1213, %mul3A_1218 : vector<16xf32>
      %broadcast_in_dim3A_1220 = arith.constant 40 : i32
      %broadcast_in_dim3A_1221 = vector.broadcast %broadcast_in_dim3A_1220 : i32 to vector<16xi32>
      %gather3A_1222 = tpu.vector_load_idx %arg12[%add3A_977, %broadcast_in_dim3A_1221] : memref<256x128xf32, #tpu.memory_space<vmem>>[vector<16xi32>, vector<16xi32>], vector<16xf32>,
      %gather3A_1223 = tpu.vector_load_idx %arg13[%add3A_977, %broadcast_in_dim3A_1221] : memref<256x128xf32, #tpu.memory_space<vmem>>[vector<16xi32>, vector<16xi32>], vector<16xf32>,
      %mul3A_1224 = arith.mulf %gather3A_1222, %gather3A_1223 : vector<16xf32>
      %add3A_1225 = arith.addf %add3A_1219, %mul3A_1224 : vector<16xf32>
      %broadcast_in_dim3A_1226 = arith.constant 41 : i32
      %broadcast_in_dim3A_1227 = vector.broadcast %broadcast_in_dim3A_1226 : i32 to vector<16xi32>
      %gather3A_1228 = tpu.vector_load_idx %arg12[%add3A_977, %broadcast_in_dim3A_1227] : memref<256x128xf32, #tpu.memory_space<vmem>>[vector<16xi32>, vector<16xi32>], vector<16xf32>,
      %gather3A_1229 = tpu.vector_load_idx %arg13[%add3A_977, %broadcast_in_dim3A_1227] : memref<256x128xf32, #tpu.memory_space<vmem>>[vector<16xi32>, vector<16xi32>], vector<16xf32>,
      %mul3A_1230 = arith.mulf %gather3A_1228, %gather3A_1229 : vector<16xf32>
      %add3A_1231 = arith.addf %add3A_1225, %mul3A_1230 : vector<16xf32>
      %broadcast_in_dim3A_1232 = arith.constant 42 : i32
      %broadcast_in_dim3A_1233 = vector.broadcast %broadcast_in_dim3A_1232 : i32 to vector<16xi32>
      %gather3A_1234 = tpu.vector_load_idx %arg12[%add3A_977, %broadcast_in_dim3A_1233] : memref<256x128xf32, #tpu.memory_space<vmem>>[vector<16xi32>, vector<16xi32>], vector<16xf32>,
      %gather3A_1235 = tpu.vector_load_idx %arg13[%add3A_977, %broadcast_in_dim3A_1233] : memref<256x128xf32, #tpu.memory_space<vmem>>[vector<16xi32>, vector<16xi32>], vector<16xf32>,
      %mul3A_1236 = arith.mulf %gather3A_1234, %gather3A_1235 : vector<16xf32>
      %add3A_1237 = arith.addf %add3A_1231, %mul3A_1236 : vector<16xf32>
      %broadcast_in_dim3A_1238 = arith.constant 43 : i32
      %broadcast_in_dim3A_1239 = vector.broadcast %broadcast_in_dim3A_1238 : i32 to vector<16xi32>
      %gather3A_1240 = tpu.vector_load_idx %arg12[%add3A_977, %broadcast_in_dim3A_1239] : memref<256x128xf32, #tpu.memory_space<vmem>>[vector<16xi32>, vector<16xi32>], vector<16xf32>,
      %gather3A_1241 = tpu.vector_load_idx %arg13[%add3A_977, %broadcast_in_dim3A_1239] : memref<256x128xf32, #tpu.memory_space<vmem>>[vector<16xi32>, vector<16xi32>], vector<16xf32>,
      %mul3A_1242 = arith.mulf %gather3A_1240, %gather3A_1241 : vector<16xf32>
      %add3A_1243 = arith.addf %add3A_1237, %mul3A_1242 : vector<16xf32>
      %broadcast_in_dim3A_1244 = arith.constant 44 : i32
      %broadcast_in_dim3A_1245 = vector.broadcast %broadcast_in_dim3A_1244 : i32 to vector<16xi32>
      %gather3A_1246 = tpu.vector_load_idx %arg12[%add3A_977, %broadcast_in_dim3A_1245] : memref<256x128xf32, #tpu.memory_space<vmem>>[vector<16xi32>, vector<16xi32>], vector<16xf32>,
      %gather3A_1247 = tpu.vector_load_idx %arg13[%add3A_977, %broadcast_in_dim3A_1245] : memref<256x128xf32, #tpu.memory_space<vmem>>[vector<16xi32>, vector<16xi32>], vector<16xf32>,
      %mul3A_1248 = arith.mulf %gather3A_1246, %gather3A_1247 : vector<16xf32>
      %add3A_1249 = arith.addf %add3A_1243, %mul3A_1248 : vector<16xf32>
      %broadcast_in_dim3A_1250 = arith.constant 45 : i32
      %broadcast_in_dim3A_1251 = vector.broadcast %broadcast_in_dim3A_1250 : i32 to vector<16xi32>
      %gather3A_1252 = tpu.vector_load_idx %arg12[%add3A_977, %broadcast_in_dim3A_1251] : memref<256x128xf32, #tpu.memory_space<vmem>>[vector<16xi32>, vector<16xi32>], vector<16xf32>,
      %gather3A_1253 = tpu.vector_load_idx %arg13[%add3A_977, %broadcast_in_dim3A_1251] : memref<256x128xf32, #tpu.memory_space<vmem>>[vector<16xi32>, vector<16xi32>], vector<16xf32>,
      %mul3A_1254 = arith.mulf %gather3A_1252, %gather3A_1253 : vector<16xf32>
      %add3A_1255 = arith.addf %add3A_1249, %mul3A_1254 : vector<16xf32>
      %broadcast_in_dim3A_1256 = arith.constant 46 : i32
      %broadcast_in_dim3A_1257 = vector.broadcast %broadcast_in_dim3A_1256 : i32 to vector<16xi32>
      %gather3A_1258 = tpu.vector_load_idx %arg12[%add3A_977, %broadcast_in_dim3A_1257] : memref<256x128xf32, #tpu.memory_space<vmem>>[vector<16xi32>, vector<16xi32>], vector<16xf32>,
      %gather3A_1259 = tpu.vector_load_idx %arg13[%add3A_977, %broadcast_in_dim3A_1257] : memref<256x128xf32, #tpu.memory_space<vmem>>[vector<16xi32>, vector<16xi32>], vector<16xf32>,
      %mul3A_1260 = arith.mulf %gather3A_1258, %gather3A_1259 : vector<16xf32>
      %add3A_1261 = arith.addf %add3A_1255, %mul3A_1260 : vector<16xf32>
      %broadcast_in_dim3A_1262 = arith.constant 47 : i32
      %broadcast_in_dim3A_1263 = vector.broadcast %broadcast_in_dim3A_1262 : i32 to vector<16xi32>
      %gather3A_1264 = tpu.vector_load_idx %arg12[%add3A_977, %broadcast_in_dim3A_1263] : memref<256x128xf32, #tpu.memory_space<vmem>>[vector<16xi32>, vector<16xi32>], vector<16xf32>,
      %gather3A_1265 = tpu.vector_load_idx %arg13[%add3A_977, %broadcast_in_dim3A_1263] : memref<256x128xf32, #tpu.memory_space<vmem>>[vector<16xi32>, vector<16xi32>], vector<16xf32>,
      %mul3A_1266 = arith.mulf %gather3A_1264, %gather3A_1265 : vector<16xf32>
      %add3A_1267 = arith.addf %add3A_1261, %mul3A_1266 : vector<16xf32>
      %broadcast_in_dim3A_1268 = arith.constant 48 : i32
      %broadcast_in_dim3A_1269 = vector.broadcast %broadcast_in_dim3A_1268 : i32 to vector<16xi32>
      %gather3A_1270 = tpu.vector_load_idx %arg12[%add3A_977, %broadcast_in_dim3A_1269] : memref<256x128xf32, #tpu.memory_space<vmem>>[vector<16xi32>, vector<16xi32>], vector<16xf32>,
      %gather3A_1271 = tpu.vector_load_idx %arg13[%add3A_977, %broadcast_in_dim3A_1269] : memref<256x128xf32, #tpu.memory_space<vmem>>[vector<16xi32>, vector<16xi32>], vector<16xf32>,
      %mul3A_1272 = arith.mulf %gather3A_1270, %gather3A_1271 : vector<16xf32>
      %add3A_1273 = arith.addf %add3A_1267, %mul3A_1272 : vector<16xf32>
      %broadcast_in_dim3A_1274 = arith.constant 49 : i32
      %broadcast_in_dim3A_1275 = vector.broadcast %broadcast_in_dim3A_1274 : i32 to vector<16xi32>
      %gather3A_1276 = tpu.vector_load_idx %arg12[%add3A_977, %broadcast_in_dim3A_1275] : memref<256x128xf32, #tpu.memory_space<vmem>>[vector<16xi32>, vector<16xi32>], vector<16xf32>,
      %gather3A_1277 = tpu.vector_load_idx %arg13[%add3A_977, %broadcast_in_dim3A_1275] : memref<256x128xf32, #tpu.memory_space<vmem>>[vector<16xi32>, vector<16xi32>], vector<16xf32>,
      %mul3A_1278 = arith.mulf %gather3A_1276, %gather3A_1277 : vector<16xf32>
      %add3A_1279 = arith.addf %add3A_1273, %mul3A_1278 : vector<16xf32>
      %broadcast_in_dim3A_1280 = arith.constant 50 : i32
      %broadcast_in_dim3A_1281 = vector.broadcast %broadcast_in_dim3A_1280 : i32 to vector<16xi32>
      %gather3A_1282 = tpu.vector_load_idx %arg12[%add3A_977, %broadcast_in_dim3A_1281] : memref<256x128xf32, #tpu.memory_space<vmem>>[vector<16xi32>, vector<16xi32>], vector<16xf32>,
      %gather3A_1283 = tpu.vector_load_idx %arg13[%add3A_977, %broadcast_in_dim3A_1281] : memref<256x128xf32, #tpu.memory_space<vmem>>[vector<16xi32>, vector<16xi32>], vector<16xf32>,
      %mul3A_1284 = arith.mulf %gather3A_1282, %gather3A_1283 : vector<16xf32>
      %add3A_1285 = arith.addf %add3A_1279, %mul3A_1284 : vector<16xf32>
      %broadcast_in_dim3A_1286 = arith.constant 51 : i32
      %broadcast_in_dim3A_1287 = vector.broadcast %broadcast_in_dim3A_1286 : i32 to vector<16xi32>
      %gather3A_1288 = tpu.vector_load_idx %arg12[%add3A_977, %broadcast_in_dim3A_1287] : memref<256x128xf32, #tpu.memory_space<vmem>>[vector<16xi32>, vector<16xi32>], vector<16xf32>,
      %gather3A_1289 = tpu.vector_load_idx %arg13[%add3A_977, %broadcast_in_dim3A_1287] : memref<256x128xf32, #tpu.memory_space<vmem>>[vector<16xi32>, vector<16xi32>], vector<16xf32>,
      %mul3A_1290 = arith.mulf %gather3A_1288, %gather3A_1289 : vector<16xf32>
      %add3A_1291 = arith.addf %add3A_1285, %mul3A_1290 : vector<16xf32>
      %broadcast_in_dim3A_1292 = arith.constant 52 : i32
      %broadcast_in_dim3A_1293 = vector.broadcast %broadcast_in_dim3A_1292 : i32 to vector<16xi32>
      %gather3A_1294 = tpu.vector_load_idx %arg12[%add3A_977, %broadcast_in_dim3A_1293] : memref<256x128xf32, #tpu.memory_space<vmem>>[vector<16xi32>, vector<16xi32>], vector<16xf32>,
      %gather3A_1295 = tpu.vector_load_idx %arg13[%add3A_977, %broadcast_in_dim3A_1293] : memref<256x128xf32, #tpu.memory_space<vmem>>[vector<16xi32>, vector<16xi32>], vector<16xf32>,
      %mul3A_1296 = arith.mulf %gather3A_1294, %gather3A_1295 : vector<16xf32>
      %add3A_1297 = arith.addf %add3A_1291, %mul3A_1296 : vector<16xf32>
      %broadcast_in_dim3A_1298 = arith.constant 53 : i32
      %broadcast_in_dim3A_1299 = vector.broadcast %broadcast_in_dim3A_1298 : i32 to vector<16xi32>
      %gather3A_1300 = tpu.vector_load_idx %arg12[%add3A_977, %broadcast_in_dim3A_1299] : memref<256x128xf32, #tpu.memory_space<vmem>>[vector<16xi32>, vector<16xi32>], vector<16xf32>,
      %gather3A_1301 = tpu.vector_load_idx %arg13[%add3A_977, %broadcast_in_dim3A_1299] : memref<256x128xf32, #tpu.memory_space<vmem>>[vector<16xi32>, vector<16xi32>], vector<16xf32>,
      %mul3A_1302 = arith.mulf %gather3A_1300, %gather3A_1301 : vector<16xf32>
      %add3A_1303 = arith.addf %add3A_1297, %mul3A_1302 : vector<16xf32>
      %broadcast_in_dim3A_1304 = arith.constant 54 : i32
      %broadcast_in_dim3A_1305 = vector.broadcast %broadcast_in_dim3A_1304 : i32 to vector<16xi32>
      %gather3A_1306 = tpu.vector_load_idx %arg12[%add3A_977, %broadcast_in_dim3A_1305] : memref<256x128xf32, #tpu.memory_space<vmem>>[vector<16xi32>, vector<16xi32>], vector<16xf32>,
      %gather3A_1307 = tpu.vector_load_idx %arg13[%add3A_977, %broadcast_in_dim3A_1305] : memref<256x128xf32, #tpu.memory_space<vmem>>[vector<16xi32>, vector<16xi32>], vector<16xf32>,
      %mul3A_1308 = arith.mulf %gather3A_1306, %gather3A_1307 : vector<16xf32>
      %add3A_1309 = arith.addf %add3A_1303, %mul3A_1308 : vector<16xf32>
      %broadcast_in_dim3A_1310 = arith.constant 55 : i32
      %broadcast_in_dim3A_1311 = vector.broadcast %broadcast_in_dim3A_1310 : i32 to vector<16xi32>
      %gather3A_1312 = tpu.vector_load_idx %arg12[%add3A_977, %broadcast_in_dim3A_1311] : memref<256x128xf32, #tpu.memory_space<vmem>>[vector<16xi32>, vector<16xi32>], vector<16xf32>,
      %gather3A_1313 = tpu.vector_load_idx %arg13[%add3A_977, %broadcast_in_dim3A_1311] : memref<256x128xf32, #tpu.memory_space<vmem>>[vector<16xi32>, vector<16xi32>], vector<16xf32>,
      %mul3A_1314 = arith.mulf %gather3A_1312, %gather3A_1313 : vector<16xf32>
      %add3A_1315 = arith.addf %add3A_1309, %mul3A_1314 : vector<16xf32>
      %broadcast_in_dim3A_1316 = arith.constant 56 : i32
      %broadcast_in_dim3A_1317 = vector.broadcast %broadcast_in_dim3A_1316 : i32 to vector<16xi32>
      %gather3A_1318 = tpu.vector_load_idx %arg12[%add3A_977, %broadcast_in_dim3A_1317] : memref<256x128xf32, #tpu.memory_space<vmem>>[vector<16xi32>, vector<16xi32>], vector<16xf32>,
      %gather3A_1319 = tpu.vector_load_idx %arg13[%add3A_977, %broadcast_in_dim3A_1317] : memref<256x128xf32, #tpu.memory_space<vmem>>[vector<16xi32>, vector<16xi32>], vector<16xf32>,
      %mul3A_1320 = arith.mulf %gather3A_1318, %gather3A_1319 : vector<16xf32>
      %add3A_1321 = arith.addf %add3A_1315, %mul3A_1320 : vector<16xf32>
      %broadcast_in_dim3A_1322 = arith.constant 57 : i32
      %broadcast_in_dim3A_1323 = vector.broadcast %broadcast_in_dim3A_1322 : i32 to vector<16xi32>
      %gather3A_1324 = tpu.vector_load_idx %arg12[%add3A_977, %broadcast_in_dim3A_1323] : memref<256x128xf32, #tpu.memory_space<vmem>>[vector<16xi32>, vector<16xi32>], vector<16xf32>,
      %gather3A_1325 = tpu.vector_load_idx %arg13[%add3A_977, %broadcast_in_dim3A_1323] : memref<256x128xf32, #tpu.memory_space<vmem>>[vector<16xi32>, vector<16xi32>], vector<16xf32>,
      %mul3A_1326 = arith.mulf %gather3A_1324, %gather3A_1325 : vector<16xf32>
      %add3A_1327 = arith.addf %add3A_1321, %mul3A_1326 : vector<16xf32>
      %broadcast_in_dim3A_1328 = arith.constant 58 : i32
      %broadcast_in_dim3A_1329 = vector.broadcast %broadcast_in_dim3A_1328 : i32 to vector<16xi32>
      %gather3A_1330 = tpu.vector_load_idx %arg12[%add3A_977, %broadcast_in_dim3A_1329] : memref<256x128xf32, #tpu.memory_space<vmem>>[vector<16xi32>, vector<16xi32>], vector<16xf32>,
      %gather3A_1331 = tpu.vector_load_idx %arg13[%add3A_977, %broadcast_in_dim3A_1329] : memref<256x128xf32, #tpu.memory_space<vmem>>[vector<16xi32>, vector<16xi32>], vector<16xf32>,
      %mul3A_1332 = arith.mulf %gather3A_1330, %gather3A_1331 : vector<16xf32>
      %add3A_1333 = arith.addf %add3A_1327, %mul3A_1332 : vector<16xf32>
      %broadcast_in_dim3A_1334 = arith.constant 59 : i32
      %broadcast_in_dim3A_1335 = vector.broadcast %broadcast_in_dim3A_1334 : i32 to vector<16xi32>
      %gather3A_1336 = tpu.vector_load_idx %arg12[%add3A_977, %broadcast_in_dim3A_1335] : memref<256x128xf32, #tpu.memory_space<vmem>>[vector<16xi32>, vector<16xi32>], vector<16xf32>,
      %gather3A_1337 = tpu.vector_load_idx %arg13[%add3A_977, %broadcast_in_dim3A_1335] : memref<256x128xf32, #tpu.memory_space<vmem>>[vector<16xi32>, vector<16xi32>], vector<16xf32>,
      %mul3A_1338 = arith.mulf %gather3A_1336, %gather3A_1337 : vector<16xf32>
      %add3A_1339 = arith.addf %add3A_1333, %mul3A_1338 : vector<16xf32>
      %broadcast_in_dim3A_1340 = arith.constant 60 : i32
      %broadcast_in_dim3A_1341 = vector.broadcast %broadcast_in_dim3A_1340 : i32 to vector<16xi32>
      %gather3A_1342 = tpu.vector_load_idx %arg12[%add3A_977, %broadcast_in_dim3A_1341] : memref<256x128xf32, #tpu.memory_space<vmem>>[vector<16xi32>, vector<16xi32>], vector<16xf32>,
      %gather3A_1343 = tpu.vector_load_idx %arg13[%add3A_977, %broadcast_in_dim3A_1341] : memref<256x128xf32, #tpu.memory_space<vmem>>[vector<16xi32>, vector<16xi32>], vector<16xf32>,
      %mul3A_1344 = arith.mulf %gather3A_1342, %gather3A_1343 : vector<16xf32>
      %add3A_1345 = arith.addf %add3A_1339, %mul3A_1344 : vector<16xf32>
      %broadcast_in_dim3A_1346 = arith.constant 61 : i32
      %broadcast_in_dim3A_1347 = vector.broadcast %broadcast_in_dim3A_1346 : i32 to vector<16xi32>
      %gather3A_1348 = tpu.vector_load_idx %arg12[%add3A_977, %broadcast_in_dim3A_1347] : memref<256x128xf32, #tpu.memory_space<vmem>>[vector<16xi32>, vector<16xi32>], vector<16xf32>,
      %gather3A_1349 = tpu.vector_load_idx %arg13[%add3A_977, %broadcast_in_dim3A_1347] : memref<256x128xf32, #tpu.memory_space<vmem>>[vector<16xi32>, vector<16xi32>], vector<16xf32>,
      %mul3A_1350 = arith.mulf %gather3A_1348, %gather3A_1349 : vector<16xf32>
      %add3A_1351 = arith.addf %add3A_1345, %mul3A_1350 : vector<16xf32>
      %broadcast_in_dim3A_1352 = arith.constant 62 : i32
      %broadcast_in_dim3A_1353 = vector.broadcast %broadcast_in_dim3A_1352 : i32 to vector<16xi32>
      %gather3A_1354 = tpu.vector_load_idx %arg12[%add3A_977, %broadcast_in_dim3A_1353] : memref<256x128xf32, #tpu.memory_space<vmem>>[vector<16xi32>, vector<16xi32>], vector<16xf32>,
      %gather3A_1355 = tpu.vector_load_idx %arg13[%add3A_977, %broadcast_in_dim3A_1353] : memref<256x128xf32, #tpu.memory_space<vmem>>[vector<16xi32>, vector<16xi32>], vector<16xf32>,
      %mul3A_1356 = arith.mulf %gather3A_1354, %gather3A_1355 : vector<16xf32>
      %add3A_1357 = arith.addf %add3A_1351, %mul3A_1356 : vector<16xf32>
      %broadcast_in_dim3A_1358 = arith.constant 63 : i32
      %broadcast_in_dim3A_1359 = vector.broadcast %broadcast_in_dim3A_1358 : i32 to vector<16xi32>
      %gather3A_1360 = tpu.vector_load_idx %arg12[%add3A_977, %broadcast_in_dim3A_1359] : memref<256x128xf32, #tpu.memory_space<vmem>>[vector<16xi32>, vector<16xi32>], vector<16xf32>,
      %gather3A_1361 = tpu.vector_load_idx %arg13[%add3A_977, %broadcast_in_dim3A_1359] : memref<256x128xf32, #tpu.memory_space<vmem>>[vector<16xi32>, vector<16xi32>], vector<16xf32>,
      %mul3A_1362 = arith.mulf %gather3A_1360, %gather3A_1361 : vector<16xf32>
      %add3A_1363 = arith.addf %add3A_1357, %mul3A_1362 : vector<16xf32>
      %get3A_1364 = arith.index_cast %add3A_971 : i32 to index
      %get3A_1365 = tpu.vector_load %arg14[%get3A_1364] {strides = array<i32>} : memref<512xf32, #tpu.memory_space<vmem>>, vector<16xf32>,
      %add3A_1366 = arith.addf %add3A_1363, %get3A_1365 : vector<16xf32>
      %get3A_1367 = arith.index_cast %add3A_971 : i32 to index
      %get3A_1368 = tpu.vector_load %arg15[%get3A_1367] {strides = array<i32>} : memref<512xf32, #tpu.memory_space<vmem>>, vector<16xf32>,
      %add3A_1369 = arith.addf %add3A_1366, %get3A_1368 : vector<16xf32>
      %add3A_1370 = arith.addf %add3A_1369, %get3A_48 : vector<16xf32>
      %swap3A_1371 = arith.index_cast %add3A_971 : i32 to index
      %swap3A_1372 = tpu.vector_load %arg17[%swap3A_1371] {strides = array<i32>} : memref<512xf32, #tpu.memory_space<vmem>>, vector<16xf32>,
      tpu.vector_store %arg17[%swap3A_1371], %add3A_1370 {strides = array<i32>} : memref<512xf32, #tpu.memory_space<vmem>>, vector<16xf32>,
      %mul3A_1373 = arith.constant 128 : i32
      %mul3A_1374 = arith.muli %scan3A_135, %mul3A_1373 : i32
      %add3A_1375 = arith.constant 48 : i32
      %add3A_1376 = arith.addi %mul3A_1374, %add3A_1375 : i32
      %mul3A_1377 = arith.constant 128 : i32
      %mul3A_1378 = arith.muli %rem3A_136, %mul3A_1377 : i32
      %add3A_1379 = arith.constant 48 : i32
      %add3A_1380 = arith.addi %mul3A_1378, %add3A_1379 : i32
      %add3A_1381 = vector.broadcast %add3A_1380 : i32 to vector<16xi32>
      %add3A_1382 = arith.addi %add3A_1381, %iota3A : vector<16xi32>
      %broadcast_in_dim3A_1383 = arith.constant 0.000000e+00 : f32
      %broadcast_in_dim3A_1384 = vector.broadcast %broadcast_in_dim3A_1383 : f32 to vector<16xf32>
      %broadcast_in_dim3A_1385 = arith.constant 0 : i32
      %broadcast_in_dim3A_1386 = vector.broadcast %broadcast_in_dim3A_1385 : i32 to vector<16xi32>
      %gather3A_1387 = tpu.vector_load_idx %arg12[%add3A_1382, %broadcast_in_dim3A_1386] : memref<256x128xf32, #tpu.memory_space<vmem>>[vector<16xi32>, vector<16xi32>], vector<16xf32>,
      %gather3A_1388 = tpu.vector_load_idx %arg13[%add3A_1382, %broadcast_in_dim3A_1386] : memref<256x128xf32, #tpu.memory_space<vmem>>[vector<16xi32>, vector<16xi32>], vector<16xf32>,
      %mul3A_1389 = arith.mulf %gather3A_1387, %gather3A_1388 : vector<16xf32>
      %add3A_1390 = arith.addf %broadcast_in_dim3A_1384, %mul3A_1389 : vector<16xf32>
      %broadcast_in_dim3A_1391 = arith.constant 1 : i32
      %broadcast_in_dim3A_1392 = vector.broadcast %broadcast_in_dim3A_1391 : i32 to vector<16xi32>
      %gather3A_1393 = tpu.vector_load_idx %arg12[%add3A_1382, %broadcast_in_dim3A_1392] : memref<256x128xf32, #tpu.memory_space<vmem>>[vector<16xi32>, vector<16xi32>], vector<16xf32>,
      %gather3A_1394 = tpu.vector_load_idx %arg13[%add3A_1382, %broadcast_in_dim3A_1392] : memref<256x128xf32, #tpu.memory_space<vmem>>[vector<16xi32>, vector<16xi32>], vector<16xf32>,
      %mul3A_1395 = arith.mulf %gather3A_1393, %gather3A_1394 : vector<16xf32>
      %add3A_1396 = arith.addf %add3A_1390, %mul3A_1395 : vector<16xf32>
      %broadcast_in_dim3A_1397 = arith.constant 2 : i32
      %broadcast_in_dim3A_1398 = vector.broadcast %broadcast_in_dim3A_1397 : i32 to vector<16xi32>
      %gather3A_1399 = tpu.vector_load_idx %arg12[%add3A_1382, %broadcast_in_dim3A_1398] : memref<256x128xf32, #tpu.memory_space<vmem>>[vector<16xi32>, vector<16xi32>], vector<16xf32>,
      %gather3A_1400 = tpu.vector_load_idx %arg13[%add3A_1382, %broadcast_in_dim3A_1398] : memref<256x128xf32, #tpu.memory_space<vmem>>[vector<16xi32>, vector<16xi32>], vector<16xf32>,
      %mul3A_1401 = arith.mulf %gather3A_1399, %gather3A_1400 : vector<16xf32>
      %add3A_1402 = arith.addf %add3A_1396, %mul3A_1401 : vector<16xf32>
      %broadcast_in_dim3A_1403 = arith.constant 3 : i32
      %broadcast_in_dim3A_1404 = vector.broadcast %broadcast_in_dim3A_1403 : i32 to vector<16xi32>
      %gather3A_1405 = tpu.vector_load_idx %arg12[%add3A_1382, %broadcast_in_dim3A_1404] : memref<256x128xf32, #tpu.memory_space<vmem>>[vector<16xi32>, vector<16xi32>], vector<16xf32>,
      %gather3A_1406 = tpu.vector_load_idx %arg13[%add3A_1382, %broadcast_in_dim3A_1404] : memref<256x128xf32, #tpu.memory_space<vmem>>[vector<16xi32>, vector<16xi32>], vector<16xf32>,
      %mul3A_1407 = arith.mulf %gather3A_1405, %gather3A_1406 : vector<16xf32>
      %add3A_1408 = arith.addf %add3A_1402, %mul3A_1407 : vector<16xf32>
      %broadcast_in_dim3A_1409 = arith.constant 4 : i32
      %broadcast_in_dim3A_1410 = vector.broadcast %broadcast_in_dim3A_1409 : i32 to vector<16xi32>
      %gather3A_1411 = tpu.vector_load_idx %arg12[%add3A_1382, %broadcast_in_dim3A_1410] : memref<256x128xf32, #tpu.memory_space<vmem>>[vector<16xi32>, vector<16xi32>], vector<16xf32>,
      %gather3A_1412 = tpu.vector_load_idx %arg13[%add3A_1382, %broadcast_in_dim3A_1410] : memref<256x128xf32, #tpu.memory_space<vmem>>[vector<16xi32>, vector<16xi32>], vector<16xf32>,
      %mul3A_1413 = arith.mulf %gather3A_1411, %gather3A_1412 : vector<16xf32>
      %add3A_1414 = arith.addf %add3A_1408, %mul3A_1413 : vector<16xf32>
      %broadcast_in_dim3A_1415 = arith.constant 5 : i32
      %broadcast_in_dim3A_1416 = vector.broadcast %broadcast_in_dim3A_1415 : i32 to vector<16xi32>
      %gather3A_1417 = tpu.vector_load_idx %arg12[%add3A_1382, %broadcast_in_dim3A_1416] : memref<256x128xf32, #tpu.memory_space<vmem>>[vector<16xi32>, vector<16xi32>], vector<16xf32>,
      %gather3A_1418 = tpu.vector_load_idx %arg13[%add3A_1382, %broadcast_in_dim3A_1416] : memref<256x128xf32, #tpu.memory_space<vmem>>[vector<16xi32>, vector<16xi32>], vector<16xf32>,
      %mul3A_1419 = arith.mulf %gather3A_1417, %gather3A_1418 : vector<16xf32>
      %add3A_1420 = arith.addf %add3A_1414, %mul3A_1419 : vector<16xf32>
      %broadcast_in_dim3A_1421 = arith.constant 6 : i32
      %broadcast_in_dim3A_1422 = vector.broadcast %broadcast_in_dim3A_1421 : i32 to vector<16xi32>
      %gather3A_1423 = tpu.vector_load_idx %arg12[%add3A_1382, %broadcast_in_dim3A_1422] : memref<256x128xf32, #tpu.memory_space<vmem>>[vector<16xi32>, vector<16xi32>], vector<16xf32>,
      %gather3A_1424 = tpu.vector_load_idx %arg13[%add3A_1382, %broadcast_in_dim3A_1422] : memref<256x128xf32, #tpu.memory_space<vmem>>[vector<16xi32>, vector<16xi32>], vector<16xf32>,
      %mul3A_1425 = arith.mulf %gather3A_1423, %gather3A_1424 : vector<16xf32>
      %add3A_1426 = arith.addf %add3A_1420, %mul3A_1425 : vector<16xf32>
      %broadcast_in_dim3A_1427 = arith.constant 7 : i32
      %broadcast_in_dim3A_1428 = vector.broadcast %broadcast_in_dim3A_1427 : i32 to vector<16xi32>
      %gather3A_1429 = tpu.vector_load_idx %arg12[%add3A_1382, %broadcast_in_dim3A_1428] : memref<256x128xf32, #tpu.memory_space<vmem>>[vector<16xi32>, vector<16xi32>], vector<16xf32>,
      %gather3A_1430 = tpu.vector_load_idx %arg13[%add3A_1382, %broadcast_in_dim3A_1428] : memref<256x128xf32, #tpu.memory_space<vmem>>[vector<16xi32>, vector<16xi32>], vector<16xf32>,
      %mul3A_1431 = arith.mulf %gather3A_1429, %gather3A_1430 : vector<16xf32>
      %add3A_1432 = arith.addf %add3A_1426, %mul3A_1431 : vector<16xf32>
      %broadcast_in_dim3A_1433 = arith.constant 8 : i32
      %broadcast_in_dim3A_1434 = vector.broadcast %broadcast_in_dim3A_1433 : i32 to vector<16xi32>
      %gather3A_1435 = tpu.vector_load_idx %arg12[%add3A_1382, %broadcast_in_dim3A_1434] : memref<256x128xf32, #tpu.memory_space<vmem>>[vector<16xi32>, vector<16xi32>], vector<16xf32>,
      %gather3A_1436 = tpu.vector_load_idx %arg13[%add3A_1382, %broadcast_in_dim3A_1434] : memref<256x128xf32, #tpu.memory_space<vmem>>[vector<16xi32>, vector<16xi32>], vector<16xf32>,
      %mul3A_1437 = arith.mulf %gather3A_1435, %gather3A_1436 : vector<16xf32>
      %add3A_1438 = arith.addf %add3A_1432, %mul3A_1437 : vector<16xf32>
      %broadcast_in_dim3A_1439 = arith.constant 9 : i32
      %broadcast_in_dim3A_1440 = vector.broadcast %broadcast_in_dim3A_1439 : i32 to vector<16xi32>
      %gather3A_1441 = tpu.vector_load_idx %arg12[%add3A_1382, %broadcast_in_dim3A_1440] : memref<256x128xf32, #tpu.memory_space<vmem>>[vector<16xi32>, vector<16xi32>], vector<16xf32>,
      %gather3A_1442 = tpu.vector_load_idx %arg13[%add3A_1382, %broadcast_in_dim3A_1440] : memref<256x128xf32, #tpu.memory_space<vmem>>[vector<16xi32>, vector<16xi32>], vector<16xf32>,
      %mul3A_1443 = arith.mulf %gather3A_1441, %gather3A_1442 : vector<16xf32>
      %add3A_1444 = arith.addf %add3A_1438, %mul3A_1443 : vector<16xf32>
      %broadcast_in_dim3A_1445 = arith.constant 10 : i32
      %broadcast_in_dim3A_1446 = vector.broadcast %broadcast_in_dim3A_1445 : i32 to vector<16xi32>
      %gather3A_1447 = tpu.vector_load_idx %arg12[%add3A_1382, %broadcast_in_dim3A_1446] : memref<256x128xf32, #tpu.memory_space<vmem>>[vector<16xi32>, vector<16xi32>], vector<16xf32>,
      %gather3A_1448 = tpu.vector_load_idx %arg13[%add3A_1382, %broadcast_in_dim3A_1446] : memref<256x128xf32, #tpu.memory_space<vmem>>[vector<16xi32>, vector<16xi32>], vector<16xf32>,
      %mul3A_1449 = arith.mulf %gather3A_1447, %gather3A_1448 : vector<16xf32>
      %add3A_1450 = arith.addf %add3A_1444, %mul3A_1449 : vector<16xf32>
      %broadcast_in_dim3A_1451 = arith.constant 11 : i32
      %broadcast_in_dim3A_1452 = vector.broadcast %broadcast_in_dim3A_1451 : i32 to vector<16xi32>
      %gather3A_1453 = tpu.vector_load_idx %arg12[%add3A_1382, %broadcast_in_dim3A_1452] : memref<256x128xf32, #tpu.memory_space<vmem>>[vector<16xi32>, vector<16xi32>], vector<16xf32>,
      %gather3A_1454 = tpu.vector_load_idx %arg13[%add3A_1382, %broadcast_in_dim3A_1452] : memref<256x128xf32, #tpu.memory_space<vmem>>[vector<16xi32>, vector<16xi32>], vector<16xf32>,
      %mul3A_1455 = arith.mulf %gather3A_1453, %gather3A_1454 : vector<16xf32>
      %add3A_1456 = arith.addf %add3A_1450, %mul3A_1455 : vector<16xf32>
      %broadcast_in_dim3A_1457 = arith.constant 12 : i32
      %broadcast_in_dim3A_1458 = vector.broadcast %broadcast_in_dim3A_1457 : i32 to vector<16xi32>
      %gather3A_1459 = tpu.vector_load_idx %arg12[%add3A_1382, %broadcast_in_dim3A_1458] : memref<256x128xf32, #tpu.memory_space<vmem>>[vector<16xi32>, vector<16xi32>], vector<16xf32>,
      %gather3A_1460 = tpu.vector_load_idx %arg13[%add3A_1382, %broadcast_in_dim3A_1458] : memref<256x128xf32, #tpu.memory_space<vmem>>[vector<16xi32>, vector<16xi32>], vector<16xf32>,
      %mul3A_1461 = arith.mulf %gather3A_1459, %gather3A_1460 : vector<16xf32>
      %add3A_1462 = arith.addf %add3A_1456, %mul3A_1461 : vector<16xf32>
      %broadcast_in_dim3A_1463 = arith.constant 13 : i32
      %broadcast_in_dim3A_1464 = vector.broadcast %broadcast_in_dim3A_1463 : i32 to vector<16xi32>
      %gather3A_1465 = tpu.vector_load_idx %arg12[%add3A_1382, %broadcast_in_dim3A_1464] : memref<256x128xf32, #tpu.memory_space<vmem>>[vector<16xi32>, vector<16xi32>], vector<16xf32>,
      %gather3A_1466 = tpu.vector_load_idx %arg13[%add3A_1382, %broadcast_in_dim3A_1464] : memref<256x128xf32, #tpu.memory_space<vmem>>[vector<16xi32>, vector<16xi32>], vector<16xf32>,
      %mul3A_1467 = arith.mulf %gather3A_1465, %gather3A_1466 : vector<16xf32>
      %add3A_1468 = arith.addf %add3A_1462, %mul3A_1467 : vector<16xf32>
      %broadcast_in_dim3A_1469 = arith.constant 14 : i32
      %broadcast_in_dim3A_1470 = vector.broadcast %broadcast_in_dim3A_1469 : i32 to vector<16xi32>
      %gather3A_1471 = tpu.vector_load_idx %arg12[%add3A_1382, %broadcast_in_dim3A_1470] : memref<256x128xf32, #tpu.memory_space<vmem>>[vector<16xi32>, vector<16xi32>], vector<16xf32>,
      %gather3A_1472 = tpu.vector_load_idx %arg13[%add3A_1382, %broadcast_in_dim3A_1470] : memref<256x128xf32, #tpu.memory_space<vmem>>[vector<16xi32>, vector<16xi32>], vector<16xf32>,
      %mul3A_1473 = arith.mulf %gather3A_1471, %gather3A_1472 : vector<16xf32>
      %add3A_1474 = arith.addf %add3A_1468, %mul3A_1473 : vector<16xf32>
      %broadcast_in_dim3A_1475 = arith.constant 15 : i32
      %broadcast_in_dim3A_1476 = vector.broadcast %broadcast_in_dim3A_1475 : i32 to vector<16xi32>
      %gather3A_1477 = tpu.vector_load_idx %arg12[%add3A_1382, %broadcast_in_dim3A_1476] : memref<256x128xf32, #tpu.memory_space<vmem>>[vector<16xi32>, vector<16xi32>], vector<16xf32>,
      %gather3A_1478 = tpu.vector_load_idx %arg13[%add3A_1382, %broadcast_in_dim3A_1476] : memref<256x128xf32, #tpu.memory_space<vmem>>[vector<16xi32>, vector<16xi32>], vector<16xf32>,
      %mul3A_1479 = arith.mulf %gather3A_1477, %gather3A_1478 : vector<16xf32>
      %add3A_1480 = arith.addf %add3A_1474, %mul3A_1479 : vector<16xf32>
      %broadcast_in_dim3A_1481 = arith.constant 16 : i32
      %broadcast_in_dim3A_1482 = vector.broadcast %broadcast_in_dim3A_1481 : i32 to vector<16xi32>
      %gather3A_1483 = tpu.vector_load_idx %arg12[%add3A_1382, %broadcast_in_dim3A_1482] : memref<256x128xf32, #tpu.memory_space<vmem>>[vector<16xi32>, vector<16xi32>], vector<16xf32>,
      %gather3A_1484 = tpu.vector_load_idx %arg13[%add3A_1382, %broadcast_in_dim3A_1482] : memref<256x128xf32, #tpu.memory_space<vmem>>[vector<16xi32>, vector<16xi32>], vector<16xf32>,
      %mul3A_1485 = arith.mulf %gather3A_1483, %gather3A_1484 : vector<16xf32>
      %add3A_1486 = arith.addf %add3A_1480, %mul3A_1485 : vector<16xf32>
      %broadcast_in_dim3A_1487 = arith.constant 17 : i32
      %broadcast_in_dim3A_1488 = vector.broadcast %broadcast_in_dim3A_1487 : i32 to vector<16xi32>
      %gather3A_1489 = tpu.vector_load_idx %arg12[%add3A_1382, %broadcast_in_dim3A_1488] : memref<256x128xf32, #tpu.memory_space<vmem>>[vector<16xi32>, vector<16xi32>], vector<16xf32>,
      %gather3A_1490 = tpu.vector_load_idx %arg13[%add3A_1382, %broadcast_in_dim3A_1488] : memref<256x128xf32, #tpu.memory_space<vmem>>[vector<16xi32>, vector<16xi32>], vector<16xf32>,
      %mul3A_1491 = arith.mulf %gather3A_1489, %gather3A_1490 : vector<16xf32>
      %add3A_1492 = arith.addf %add3A_1486, %mul3A_1491 : vector<16xf32>
      %broadcast_in_dim3A_1493 = arith.constant 18 : i32
      %broadcast_in_dim3A_1494 = vector.broadcast %broadcast_in_dim3A_1493 : i32 to vector<16xi32>
      %gather3A_1495 = tpu.vector_load_idx %arg12[%add3A_1382, %broadcast_in_dim3A_1494] : memref<256x128xf32, #tpu.memory_space<vmem>>[vector<16xi32>, vector<16xi32>], vector<16xf32>,
      %gather3A_1496 = tpu.vector_load_idx %arg13[%add3A_1382, %broadcast_in_dim3A_1494] : memref<256x128xf32, #tpu.memory_space<vmem>>[vector<16xi32>, vector<16xi32>], vector<16xf32>,
      %mul3A_1497 = arith.mulf %gather3A_1495, %gather3A_1496 : vector<16xf32>
      %add3A_1498 = arith.addf %add3A_1492, %mul3A_1497 : vector<16xf32>
      %broadcast_in_dim3A_1499 = arith.constant 19 : i32
      %broadcast_in_dim3A_1500 = vector.broadcast %broadcast_in_dim3A_1499 : i32 to vector<16xi32>
      %gather3A_1501 = tpu.vector_load_idx %arg12[%add3A_1382, %broadcast_in_dim3A_1500] : memref<256x128xf32, #tpu.memory_space<vmem>>[vector<16xi32>, vector<16xi32>], vector<16xf32>,
      %gather3A_1502 = tpu.vector_load_idx %arg13[%add3A_1382, %broadcast_in_dim3A_1500] : memref<256x128xf32, #tpu.memory_space<vmem>>[vector<16xi32>, vector<16xi32>], vector<16xf32>,
      %mul3A_1503 = arith.mulf %gather3A_1501, %gather3A_1502 : vector<16xf32>
      %add3A_1504 = arith.addf %add3A_1498, %mul3A_1503 : vector<16xf32>
      %broadcast_in_dim3A_1505 = arith.constant 20 : i32
      %broadcast_in_dim3A_1506 = vector.broadcast %broadcast_in_dim3A_1505 : i32 to vector<16xi32>
      %gather3A_1507 = tpu.vector_load_idx %arg12[%add3A_1382, %broadcast_in_dim3A_1506] : memref<256x128xf32, #tpu.memory_space<vmem>>[vector<16xi32>, vector<16xi32>], vector<16xf32>,
      %gather3A_1508 = tpu.vector_load_idx %arg13[%add3A_1382, %broadcast_in_dim3A_1506] : memref<256x128xf32, #tpu.memory_space<vmem>>[vector<16xi32>, vector<16xi32>], vector<16xf32>,
      %mul3A_1509 = arith.mulf %gather3A_1507, %gather3A_1508 : vector<16xf32>
      %add3A_1510 = arith.addf %add3A_1504, %mul3A_1509 : vector<16xf32>
      %broadcast_in_dim3A_1511 = arith.constant 21 : i32
      %broadcast_in_dim3A_1512 = vector.broadcast %broadcast_in_dim3A_1511 : i32 to vector<16xi32>
      %gather3A_1513 = tpu.vector_load_idx %arg12[%add3A_1382, %broadcast_in_dim3A_1512] : memref<256x128xf32, #tpu.memory_space<vmem>>[vector<16xi32>, vector<16xi32>], vector<16xf32>,
      %gather3A_1514 = tpu.vector_load_idx %arg13[%add3A_1382, %broadcast_in_dim3A_1512] : memref<256x128xf32, #tpu.memory_space<vmem>>[vector<16xi32>, vector<16xi32>], vector<16xf32>,
      %mul3A_1515 = arith.mulf %gather3A_1513, %gather3A_1514 : vector<16xf32>
      %add3A_1516 = arith.addf %add3A_1510, %mul3A_1515 : vector<16xf32>
      %broadcast_in_dim3A_1517 = arith.constant 22 : i32
      %broadcast_in_dim3A_1518 = vector.broadcast %broadcast_in_dim3A_1517 : i32 to vector<16xi32>
      %gather3A_1519 = tpu.vector_load_idx %arg12[%add3A_1382, %broadcast_in_dim3A_1518] : memref<256x128xf32, #tpu.memory_space<vmem>>[vector<16xi32>, vector<16xi32>], vector<16xf32>,
      %gather3A_1520 = tpu.vector_load_idx %arg13[%add3A_1382, %broadcast_in_dim3A_1518] : memref<256x128xf32, #tpu.memory_space<vmem>>[vector<16xi32>, vector<16xi32>], vector<16xf32>,
      %mul3A_1521 = arith.mulf %gather3A_1519, %gather3A_1520 : vector<16xf32>
      %add3A_1522 = arith.addf %add3A_1516, %mul3A_1521 : vector<16xf32>
      %broadcast_in_dim3A_1523 = arith.constant 23 : i32
      %broadcast_in_dim3A_1524 = vector.broadcast %broadcast_in_dim3A_1523 : i32 to vector<16xi32>
      %gather3A_1525 = tpu.vector_load_idx %arg12[%add3A_1382, %broadcast_in_dim3A_1524] : memref<256x128xf32, #tpu.memory_space<vmem>>[vector<16xi32>, vector<16xi32>], vector<16xf32>,
      %gather3A_1526 = tpu.vector_load_idx %arg13[%add3A_1382, %broadcast_in_dim3A_1524] : memref<256x128xf32, #tpu.memory_space<vmem>>[vector<16xi32>, vector<16xi32>], vector<16xf32>,
      %mul3A_1527 = arith.mulf %gather3A_1525, %gather3A_1526 : vector<16xf32>
      %add3A_1528 = arith.addf %add3A_1522, %mul3A_1527 : vector<16xf32>
      %broadcast_in_dim3A_1529 = arith.constant 24 : i32
      %broadcast_in_dim3A_1530 = vector.broadcast %broadcast_in_dim3A_1529 : i32 to vector<16xi32>
      %gather3A_1531 = tpu.vector_load_idx %arg12[%add3A_1382, %broadcast_in_dim3A_1530] : memref<256x128xf32, #tpu.memory_space<vmem>>[vector<16xi32>, vector<16xi32>], vector<16xf32>,
      %gather3A_1532 = tpu.vector_load_idx %arg13[%add3A_1382, %broadcast_in_dim3A_1530] : memref<256x128xf32, #tpu.memory_space<vmem>>[vector<16xi32>, vector<16xi32>], vector<16xf32>,
      %mul3A_1533 = arith.mulf %gather3A_1531, %gather3A_1532 : vector<16xf32>
      %add3A_1534 = arith.addf %add3A_1528, %mul3A_1533 : vector<16xf32>
      %broadcast_in_dim3A_1535 = arith.constant 25 : i32
      %broadcast_in_dim3A_1536 = vector.broadcast %broadcast_in_dim3A_1535 : i32 to vector<16xi32>
      %gather3A_1537 = tpu.vector_load_idx %arg12[%add3A_1382, %broadcast_in_dim3A_1536] : memref<256x128xf32, #tpu.memory_space<vmem>>[vector<16xi32>, vector<16xi32>], vector<16xf32>,
      %gather3A_1538 = tpu.vector_load_idx %arg13[%add3A_1382, %broadcast_in_dim3A_1536] : memref<256x128xf32, #tpu.memory_space<vmem>>[vector<16xi32>, vector<16xi32>], vector<16xf32>,
      %mul3A_1539 = arith.mulf %gather3A_1537, %gather3A_1538 : vector<16xf32>
      %add3A_1540 = arith.addf %add3A_1534, %mul3A_1539 : vector<16xf32>
      %broadcast_in_dim3A_1541 = arith.constant 26 : i32
      %broadcast_in_dim3A_1542 = vector.broadcast %broadcast_in_dim3A_1541 : i32 to vector<16xi32>
      %gather3A_1543 = tpu.vector_load_idx %arg12[%add3A_1382, %broadcast_in_dim3A_1542] : memref<256x128xf32, #tpu.memory_space<vmem>>[vector<16xi32>, vector<16xi32>], vector<16xf32>,
      %gather3A_1544 = tpu.vector_load_idx %arg13[%add3A_1382, %broadcast_in_dim3A_1542] : memref<256x128xf32, #tpu.memory_space<vmem>>[vector<16xi32>, vector<16xi32>], vector<16xf32>,
      %mul3A_1545 = arith.mulf %gather3A_1543, %gather3A_1544 : vector<16xf32>
      %add3A_1546 = arith.addf %add3A_1540, %mul3A_1545 : vector<16xf32>
      %broadcast_in_dim3A_1547 = arith.constant 27 : i32
      %broadcast_in_dim3A_1548 = vector.broadcast %broadcast_in_dim3A_1547 : i32 to vector<16xi32>
      %gather3A_1549 = tpu.vector_load_idx %arg12[%add3A_1382, %broadcast_in_dim3A_1548] : memref<256x128xf32, #tpu.memory_space<vmem>>[vector<16xi32>, vector<16xi32>], vector<16xf32>,
      %gather3A_1550 = tpu.vector_load_idx %arg13[%add3A_1382, %broadcast_in_dim3A_1548] : memref<256x128xf32, #tpu.memory_space<vmem>>[vector<16xi32>, vector<16xi32>], vector<16xf32>,
      %mul3A_1551 = arith.mulf %gather3A_1549, %gather3A_1550 : vector<16xf32>
      %add3A_1552 = arith.addf %add3A_1546, %mul3A_1551 : vector<16xf32>
      %broadcast_in_dim3A_1553 = arith.constant 28 : i32
      %broadcast_in_dim3A_1554 = vector.broadcast %broadcast_in_dim3A_1553 : i32 to vector<16xi32>
      %gather3A_1555 = tpu.vector_load_idx %arg12[%add3A_1382, %broadcast_in_dim3A_1554] : memref<256x128xf32, #tpu.memory_space<vmem>>[vector<16xi32>, vector<16xi32>], vector<16xf32>,
      %gather3A_1556 = tpu.vector_load_idx %arg13[%add3A_1382, %broadcast_in_dim3A_1554] : memref<256x128xf32, #tpu.memory_space<vmem>>[vector<16xi32>, vector<16xi32>], vector<16xf32>,
      %mul3A_1557 = arith.mulf %gather3A_1555, %gather3A_1556 : vector<16xf32>
      %add3A_1558 = arith.addf %add3A_1552, %mul3A_1557 : vector<16xf32>
      %broadcast_in_dim3A_1559 = arith.constant 29 : i32
      %broadcast_in_dim3A_1560 = vector.broadcast %broadcast_in_dim3A_1559 : i32 to vector<16xi32>
      %gather3A_1561 = tpu.vector_load_idx %arg12[%add3A_1382, %broadcast_in_dim3A_1560] : memref<256x128xf32, #tpu.memory_space<vmem>>[vector<16xi32>, vector<16xi32>], vector<16xf32>,
      %gather3A_1562 = tpu.vector_load_idx %arg13[%add3A_1382, %broadcast_in_dim3A_1560] : memref<256x128xf32, #tpu.memory_space<vmem>>[vector<16xi32>, vector<16xi32>], vector<16xf32>,
      %mul3A_1563 = arith.mulf %gather3A_1561, %gather3A_1562 : vector<16xf32>
      %add3A_1564 = arith.addf %add3A_1558, %mul3A_1563 : vector<16xf32>
      %broadcast_in_dim3A_1565 = arith.constant 30 : i32
      %broadcast_in_dim3A_1566 = vector.broadcast %broadcast_in_dim3A_1565 : i32 to vector<16xi32>
      %gather3A_1567 = tpu.vector_load_idx %arg12[%add3A_1382, %broadcast_in_dim3A_1566] : memref<256x128xf32, #tpu.memory_space<vmem>>[vector<16xi32>, vector<16xi32>], vector<16xf32>,
      %gather3A_1568 = tpu.vector_load_idx %arg13[%add3A_1382, %broadcast_in_dim3A_1566] : memref<256x128xf32, #tpu.memory_space<vmem>>[vector<16xi32>, vector<16xi32>], vector<16xf32>,
      %mul3A_1569 = arith.mulf %gather3A_1567, %gather3A_1568 : vector<16xf32>
      %add3A_1570 = arith.addf %add3A_1564, %mul3A_1569 : vector<16xf32>
      %broadcast_in_dim3A_1571 = arith.constant 31 : i32
      %broadcast_in_dim3A_1572 = vector.broadcast %broadcast_in_dim3A_1571 : i32 to vector<16xi32>
      %gather3A_1573 = tpu.vector_load_idx %arg12[%add3A_1382, %broadcast_in_dim3A_1572] : memref<256x128xf32, #tpu.memory_space<vmem>>[vector<16xi32>, vector<16xi32>], vector<16xf32>,
      %gather3A_1574 = tpu.vector_load_idx %arg13[%add3A_1382, %broadcast_in_dim3A_1572] : memref<256x128xf32, #tpu.memory_space<vmem>>[vector<16xi32>, vector<16xi32>], vector<16xf32>,
      %mul3A_1575 = arith.mulf %gather3A_1573, %gather3A_1574 : vector<16xf32>
      %add3A_1576 = arith.addf %add3A_1570, %mul3A_1575 : vector<16xf32>
      %broadcast_in_dim3A_1577 = arith.constant 32 : i32
      %broadcast_in_dim3A_1578 = vector.broadcast %broadcast_in_dim3A_1577 : i32 to vector<16xi32>
      %gather3A_1579 = tpu.vector_load_idx %arg12[%add3A_1382, %broadcast_in_dim3A_1578] : memref<256x128xf32, #tpu.memory_space<vmem>>[vector<16xi32>, vector<16xi32>], vector<16xf32>,
      %gather3A_1580 = tpu.vector_load_idx %arg13[%add3A_1382, %broadcast_in_dim3A_1578] : memref<256x128xf32, #tpu.memory_space<vmem>>[vector<16xi32>, vector<16xi32>], vector<16xf32>,
      %mul3A_1581 = arith.mulf %gather3A_1579, %gather3A_1580 : vector<16xf32>
      %add3A_1582 = arith.addf %add3A_1576, %mul3A_1581 : vector<16xf32>
      %broadcast_in_dim3A_1583 = arith.constant 33 : i32
      %broadcast_in_dim3A_1584 = vector.broadcast %broadcast_in_dim3A_1583 : i32 to vector<16xi32>
      %gather3A_1585 = tpu.vector_load_idx %arg12[%add3A_1382, %broadcast_in_dim3A_1584] : memref<256x128xf32, #tpu.memory_space<vmem>>[vector<16xi32>, vector<16xi32>], vector<16xf32>,
      %gather3A_1586 = tpu.vector_load_idx %arg13[%add3A_1382, %broadcast_in_dim3A_1584] : memref<256x128xf32, #tpu.memory_space<vmem>>[vector<16xi32>, vector<16xi32>], vector<16xf32>,
      %mul3A_1587 = arith.mulf %gather3A_1585, %gather3A_1586 : vector<16xf32>
      %add3A_1588 = arith.addf %add3A_1582, %mul3A_1587 : vector<16xf32>
      %broadcast_in_dim3A_1589 = arith.constant 34 : i32
      %broadcast_in_dim3A_1590 = vector.broadcast %broadcast_in_dim3A_1589 : i32 to vector<16xi32>
      %gather3A_1591 = tpu.vector_load_idx %arg12[%add3A_1382, %broadcast_in_dim3A_1590] : memref<256x128xf32, #tpu.memory_space<vmem>>[vector<16xi32>, vector<16xi32>], vector<16xf32>,
      %gather3A_1592 = tpu.vector_load_idx %arg13[%add3A_1382, %broadcast_in_dim3A_1590] : memref<256x128xf32, #tpu.memory_space<vmem>>[vector<16xi32>, vector<16xi32>], vector<16xf32>,
      %mul3A_1593 = arith.mulf %gather3A_1591, %gather3A_1592 : vector<16xf32>
      %add3A_1594 = arith.addf %add3A_1588, %mul3A_1593 : vector<16xf32>
      %broadcast_in_dim3A_1595 = arith.constant 35 : i32
      %broadcast_in_dim3A_1596 = vector.broadcast %broadcast_in_dim3A_1595 : i32 to vector<16xi32>
      %gather3A_1597 = tpu.vector_load_idx %arg12[%add3A_1382, %broadcast_in_dim3A_1596] : memref<256x128xf32, #tpu.memory_space<vmem>>[vector<16xi32>, vector<16xi32>], vector<16xf32>,
      %gather3A_1598 = tpu.vector_load_idx %arg13[%add3A_1382, %broadcast_in_dim3A_1596] : memref<256x128xf32, #tpu.memory_space<vmem>>[vector<16xi32>, vector<16xi32>], vector<16xf32>,
      %mul3A_1599 = arith.mulf %gather3A_1597, %gather3A_1598 : vector<16xf32>
      %add3A_1600 = arith.addf %add3A_1594, %mul3A_1599 : vector<16xf32>
      %broadcast_in_dim3A_1601 = arith.constant 36 : i32
      %broadcast_in_dim3A_1602 = vector.broadcast %broadcast_in_dim3A_1601 : i32 to vector<16xi32>
      %gather3A_1603 = tpu.vector_load_idx %arg12[%add3A_1382, %broadcast_in_dim3A_1602] : memref<256x128xf32, #tpu.memory_space<vmem>>[vector<16xi32>, vector<16xi32>], vector<16xf32>,
      %gather3A_1604 = tpu.vector_load_idx %arg13[%add3A_1382, %broadcast_in_dim3A_1602] : memref<256x128xf32, #tpu.memory_space<vmem>>[vector<16xi32>, vector<16xi32>], vector<16xf32>,
      %mul3A_1605 = arith.mulf %gather3A_1603, %gather3A_1604 : vector<16xf32>
      %add3A_1606 = arith.addf %add3A_1600, %mul3A_1605 : vector<16xf32>
      %broadcast_in_dim3A_1607 = arith.constant 37 : i32
      %broadcast_in_dim3A_1608 = vector.broadcast %broadcast_in_dim3A_1607 : i32 to vector<16xi32>
      %gather3A_1609 = tpu.vector_load_idx %arg12[%add3A_1382, %broadcast_in_dim3A_1608] : memref<256x128xf32, #tpu.memory_space<vmem>>[vector<16xi32>, vector<16xi32>], vector<16xf32>,
      %gather3A_1610 = tpu.vector_load_idx %arg13[%add3A_1382, %broadcast_in_dim3A_1608] : memref<256x128xf32, #tpu.memory_space<vmem>>[vector<16xi32>, vector<16xi32>], vector<16xf32>,
      %mul3A_1611 = arith.mulf %gather3A_1609, %gather3A_1610 : vector<16xf32>
      %add3A_1612 = arith.addf %add3A_1606, %mul3A_1611 : vector<16xf32>
      %broadcast_in_dim3A_1613 = arith.constant 38 : i32
      %broadcast_in_dim3A_1614 = vector.broadcast %broadcast_in_dim3A_1613 : i32 to vector<16xi32>
      %gather3A_1615 = tpu.vector_load_idx %arg12[%add3A_1382, %broadcast_in_dim3A_1614] : memref<256x128xf32, #tpu.memory_space<vmem>>[vector<16xi32>, vector<16xi32>], vector<16xf32>,
      %gather3A_1616 = tpu.vector_load_idx %arg13[%add3A_1382, %broadcast_in_dim3A_1614] : memref<256x128xf32, #tpu.memory_space<vmem>>[vector<16xi32>, vector<16xi32>], vector<16xf32>,
      %mul3A_1617 = arith.mulf %gather3A_1615, %gather3A_1616 : vector<16xf32>
      %add3A_1618 = arith.addf %add3A_1612, %mul3A_1617 : vector<16xf32>
      %broadcast_in_dim3A_1619 = arith.constant 39 : i32
      %broadcast_in_dim3A_1620 = vector.broadcast %broadcast_in_dim3A_1619 : i32 to vector<16xi32>
      %gather3A_1621 = tpu.vector_load_idx %arg12[%add3A_1382, %broadcast_in_dim3A_1620] : memref<256x128xf32, #tpu.memory_space<vmem>>[vector<16xi32>, vector<16xi32>], vector<16xf32>,
      %gather3A_1622 = tpu.vector_load_idx %arg13[%add3A_1382, %broadcast_in_dim3A_1620] : memref<256x128xf32, #tpu.memory_space<vmem>>[vector<16xi32>, vector<16xi32>], vector<16xf32>,
      %mul3A_1623 = arith.mulf %gather3A_1621, %gather3A_1622 : vector<16xf32>
      %add3A_1624 = arith.addf %add3A_1618, %mul3A_1623 : vector<16xf32>
      %broadcast_in_dim3A_1625 = arith.constant 40 : i32
      %broadcast_in_dim3A_1626 = vector.broadcast %broadcast_in_dim3A_1625 : i32 to vector<16xi32>
      %gather3A_1627 = tpu.vector_load_idx %arg12[%add3A_1382, %broadcast_in_dim3A_1626] : memref<256x128xf32, #tpu.memory_space<vmem>>[vector<16xi32>, vector<16xi32>], vector<16xf32>,
      %gather3A_1628 = tpu.vector_load_idx %arg13[%add3A_1382, %broadcast_in_dim3A_1626] : memref<256x128xf32, #tpu.memory_space<vmem>>[vector<16xi32>, vector<16xi32>], vector<16xf32>,
      %mul3A_1629 = arith.mulf %gather3A_1627, %gather3A_1628 : vector<16xf32>
      %add3A_1630 = arith.addf %add3A_1624, %mul3A_1629 : vector<16xf32>
      %broadcast_in_dim3A_1631 = arith.constant 41 : i32
      %broadcast_in_dim3A_1632 = vector.broadcast %broadcast_in_dim3A_1631 : i32 to vector<16xi32>
      %gather3A_1633 = tpu.vector_load_idx %arg12[%add3A_1382, %broadcast_in_dim3A_1632] : memref<256x128xf32, #tpu.memory_space<vmem>>[vector<16xi32>, vector<16xi32>], vector<16xf32>,
      %gather3A_1634 = tpu.vector_load_idx %arg13[%add3A_1382, %broadcast_in_dim3A_1632] : memref<256x128xf32, #tpu.memory_space<vmem>>[vector<16xi32>, vector<16xi32>], vector<16xf32>,
      %mul3A_1635 = arith.mulf %gather3A_1633, %gather3A_1634 : vector<16xf32>
      %add3A_1636 = arith.addf %add3A_1630, %mul3A_1635 : vector<16xf32>
      %broadcast_in_dim3A_1637 = arith.constant 42 : i32
      %broadcast_in_dim3A_1638 = vector.broadcast %broadcast_in_dim3A_1637 : i32 to vector<16xi32>
      %gather3A_1639 = tpu.vector_load_idx %arg12[%add3A_1382, %broadcast_in_dim3A_1638] : memref<256x128xf32, #tpu.memory_space<vmem>>[vector<16xi32>, vector<16xi32>], vector<16xf32>,
      %gather3A_1640 = tpu.vector_load_idx %arg13[%add3A_1382, %broadcast_in_dim3A_1638] : memref<256x128xf32, #tpu.memory_space<vmem>>[vector<16xi32>, vector<16xi32>], vector<16xf32>,
      %mul3A_1641 = arith.mulf %gather3A_1639, %gather3A_1640 : vector<16xf32>
      %add3A_1642 = arith.addf %add3A_1636, %mul3A_1641 : vector<16xf32>
      %broadcast_in_dim3A_1643 = arith.constant 43 : i32
      %broadcast_in_dim3A_1644 = vector.broadcast %broadcast_in_dim3A_1643 : i32 to vector<16xi32>
      %gather3A_1645 = tpu.vector_load_idx %arg12[%add3A_1382, %broadcast_in_dim3A_1644] : memref<256x128xf32, #tpu.memory_space<vmem>>[vector<16xi32>, vector<16xi32>], vector<16xf32>,
      %gather3A_1646 = tpu.vector_load_idx %arg13[%add3A_1382, %broadcast_in_dim3A_1644] : memref<256x128xf32, #tpu.memory_space<vmem>>[vector<16xi32>, vector<16xi32>], vector<16xf32>,
      %mul3A_1647 = arith.mulf %gather3A_1645, %gather3A_1646 : vector<16xf32>
      %add3A_1648 = arith.addf %add3A_1642, %mul3A_1647 : vector<16xf32>
      %broadcast_in_dim3A_1649 = arith.constant 44 : i32
      %broadcast_in_dim3A_1650 = vector.broadcast %broadcast_in_dim3A_1649 : i32 to vector<16xi32>
      %gather3A_1651 = tpu.vector_load_idx %arg12[%add3A_1382, %broadcast_in_dim3A_1650] : memref<256x128xf32, #tpu.memory_space<vmem>>[vector<16xi32>, vector<16xi32>], vector<16xf32>,
      %gather3A_1652 = tpu.vector_load_idx %arg13[%add3A_1382, %broadcast_in_dim3A_1650] : memref<256x128xf32, #tpu.memory_space<vmem>>[vector<16xi32>, vector<16xi32>], vector<16xf32>,
      %mul3A_1653 = arith.mulf %gather3A_1651, %gather3A_1652 : vector<16xf32>
      %add3A_1654 = arith.addf %add3A_1648, %mul3A_1653 : vector<16xf32>
      %broadcast_in_dim3A_1655 = arith.constant 45 : i32
      %broadcast_in_dim3A_1656 = vector.broadcast %broadcast_in_dim3A_1655 : i32 to vector<16xi32>
      %gather3A_1657 = tpu.vector_load_idx %arg12[%add3A_1382, %broadcast_in_dim3A_1656] : memref<256x128xf32, #tpu.memory_space<vmem>>[vector<16xi32>, vector<16xi32>], vector<16xf32>,
      %gather3A_1658 = tpu.vector_load_idx %arg13[%add3A_1382, %broadcast_in_dim3A_1656] : memref<256x128xf32, #tpu.memory_space<vmem>>[vector<16xi32>, vector<16xi32>], vector<16xf32>,
      %mul3A_1659 = arith.mulf %gather3A_1657, %gather3A_1658 : vector<16xf32>
      %add3A_1660 = arith.addf %add3A_1654, %mul3A_1659 : vector<16xf32>
      %broadcast_in_dim3A_1661 = arith.constant 46 : i32
      %broadcast_in_dim3A_1662 = vector.broadcast %broadcast_in_dim3A_1661 : i32 to vector<16xi32>
      %gather3A_1663 = tpu.vector_load_idx %arg12[%add3A_1382, %broadcast_in_dim3A_1662] : memref<256x128xf32, #tpu.memory_space<vmem>>[vector<16xi32>, vector<16xi32>], vector<16xf32>,
      %gather3A_1664 = tpu.vector_load_idx %arg13[%add3A_1382, %broadcast_in_dim3A_1662] : memref<256x128xf32, #tpu.memory_space<vmem>>[vector<16xi32>, vector<16xi32>], vector<16xf32>,
      %mul3A_1665 = arith.mulf %gather3A_1663, %gather3A_1664 : vector<16xf32>
      %add3A_1666 = arith.addf %add3A_1660, %mul3A_1665 : vector<16xf32>
      %broadcast_in_dim3A_1667 = arith.constant 47 : i32
      %broadcast_in_dim3A_1668 = vector.broadcast %broadcast_in_dim3A_1667 : i32 to vector<16xi32>
      %gather3A_1669 = tpu.vector_load_idx %arg12[%add3A_1382, %broadcast_in_dim3A_1668] : memref<256x128xf32, #tpu.memory_space<vmem>>[vector<16xi32>, vector<16xi32>], vector<16xf32>,
      %gather3A_1670 = tpu.vector_load_idx %arg13[%add3A_1382, %broadcast_in_dim3A_1668] : memref<256x128xf32, #tpu.memory_space<vmem>>[vector<16xi32>, vector<16xi32>], vector<16xf32>,
      %mul3A_1671 = arith.mulf %gather3A_1669, %gather3A_1670 : vector<16xf32>
      %add3A_1672 = arith.addf %add3A_1666, %mul3A_1671 : vector<16xf32>
      %broadcast_in_dim3A_1673 = arith.constant 48 : i32
      %broadcast_in_dim3A_1674 = vector.broadcast %broadcast_in_dim3A_1673 : i32 to vector<16xi32>
      %gather3A_1675 = tpu.vector_load_idx %arg12[%add3A_1382, %broadcast_in_dim3A_1674] : memref<256x128xf32, #tpu.memory_space<vmem>>[vector<16xi32>, vector<16xi32>], vector<16xf32>,
      %gather3A_1676 = tpu.vector_load_idx %arg13[%add3A_1382, %broadcast_in_dim3A_1674] : memref<256x128xf32, #tpu.memory_space<vmem>>[vector<16xi32>, vector<16xi32>], vector<16xf32>,
      %mul3A_1677 = arith.mulf %gather3A_1675, %gather3A_1676 : vector<16xf32>
      %add3A_1678 = arith.addf %add3A_1672, %mul3A_1677 : vector<16xf32>
      %broadcast_in_dim3A_1679 = arith.constant 49 : i32
      %broadcast_in_dim3A_1680 = vector.broadcast %broadcast_in_dim3A_1679 : i32 to vector<16xi32>
      %gather3A_1681 = tpu.vector_load_idx %arg12[%add3A_1382, %broadcast_in_dim3A_1680] : memref<256x128xf32, #tpu.memory_space<vmem>>[vector<16xi32>, vector<16xi32>], vector<16xf32>,
      %gather3A_1682 = tpu.vector_load_idx %arg13[%add3A_1382, %broadcast_in_dim3A_1680] : memref<256x128xf32, #tpu.memory_space<vmem>>[vector<16xi32>, vector<16xi32>], vector<16xf32>,
      %mul3A_1683 = arith.mulf %gather3A_1681, %gather3A_1682 : vector<16xf32>
      %add3A_1684 = arith.addf %add3A_1678, %mul3A_1683 : vector<16xf32>
      %broadcast_in_dim3A_1685 = arith.constant 50 : i32
      %broadcast_in_dim3A_1686 = vector.broadcast %broadcast_in_dim3A_1685 : i32 to vector<16xi32>
      %gather3A_1687 = tpu.vector_load_idx %arg12[%add3A_1382, %broadcast_in_dim3A_1686] : memref<256x128xf32, #tpu.memory_space<vmem>>[vector<16xi32>, vector<16xi32>], vector<16xf32>,
      %gather3A_1688 = tpu.vector_load_idx %arg13[%add3A_1382, %broadcast_in_dim3A_1686] : memref<256x128xf32, #tpu.memory_space<vmem>>[vector<16xi32>, vector<16xi32>], vector<16xf32>,
      %mul3A_1689 = arith.mulf %gather3A_1687, %gather3A_1688 : vector<16xf32>
      %add3A_1690 = arith.addf %add3A_1684, %mul3A_1689 : vector<16xf32>
      %broadcast_in_dim3A_1691 = arith.constant 51 : i32
      %broadcast_in_dim3A_1692 = vector.broadcast %broadcast_in_dim3A_1691 : i32 to vector<16xi32>
      %gather3A_1693 = tpu.vector_load_idx %arg12[%add3A_1382, %broadcast_in_dim3A_1692] : memref<256x128xf32, #tpu.memory_space<vmem>>[vector<16xi32>, vector<16xi32>], vector<16xf32>,
      %gather3A_1694 = tpu.vector_load_idx %arg13[%add3A_1382, %broadcast_in_dim3A_1692] : memref<256x128xf32, #tpu.memory_space<vmem>>[vector<16xi32>, vector<16xi32>], vector<16xf32>,
      %mul3A_1695 = arith.mulf %gather3A_1693, %gather3A_1694 : vector<16xf32>
      %add3A_1696 = arith.addf %add3A_1690, %mul3A_1695 : vector<16xf32>
      %broadcast_in_dim3A_1697 = arith.constant 52 : i32
      %broadcast_in_dim3A_1698 = vector.broadcast %broadcast_in_dim3A_1697 : i32 to vector<16xi32>
      %gather3A_1699 = tpu.vector_load_idx %arg12[%add3A_1382, %broadcast_in_dim3A_1698] : memref<256x128xf32, #tpu.memory_space<vmem>>[vector<16xi32>, vector<16xi32>], vector<16xf32>,
      %gather3A_1700 = tpu.vector_load_idx %arg13[%add3A_1382, %broadcast_in_dim3A_1698] : memref<256x128xf32, #tpu.memory_space<vmem>>[vector<16xi32>, vector<16xi32>], vector<16xf32>,
      %mul3A_1701 = arith.mulf %gather3A_1699, %gather3A_1700 : vector<16xf32>
      %add3A_1702 = arith.addf %add3A_1696, %mul3A_1701 : vector<16xf32>
      %broadcast_in_dim3A_1703 = arith.constant 53 : i32
      %broadcast_in_dim3A_1704 = vector.broadcast %broadcast_in_dim3A_1703 : i32 to vector<16xi32>
      %gather3A_1705 = tpu.vector_load_idx %arg12[%add3A_1382, %broadcast_in_dim3A_1704] : memref<256x128xf32, #tpu.memory_space<vmem>>[vector<16xi32>, vector<16xi32>], vector<16xf32>,
      %gather3A_1706 = tpu.vector_load_idx %arg13[%add3A_1382, %broadcast_in_dim3A_1704] : memref<256x128xf32, #tpu.memory_space<vmem>>[vector<16xi32>, vector<16xi32>], vector<16xf32>,
      %mul3A_1707 = arith.mulf %gather3A_1705, %gather3A_1706 : vector<16xf32>
      %add3A_1708 = arith.addf %add3A_1702, %mul3A_1707 : vector<16xf32>
      %broadcast_in_dim3A_1709 = arith.constant 54 : i32
      %broadcast_in_dim3A_1710 = vector.broadcast %broadcast_in_dim3A_1709 : i32 to vector<16xi32>
      %gather3A_1711 = tpu.vector_load_idx %arg12[%add3A_1382, %broadcast_in_dim3A_1710] : memref<256x128xf32, #tpu.memory_space<vmem>>[vector<16xi32>, vector<16xi32>], vector<16xf32>,
      %gather3A_1712 = tpu.vector_load_idx %arg13[%add3A_1382, %broadcast_in_dim3A_1710] : memref<256x128xf32, #tpu.memory_space<vmem>>[vector<16xi32>, vector<16xi32>], vector<16xf32>,
      %mul3A_1713 = arith.mulf %gather3A_1711, %gather3A_1712 : vector<16xf32>
      %add3A_1714 = arith.addf %add3A_1708, %mul3A_1713 : vector<16xf32>
      %broadcast_in_dim3A_1715 = arith.constant 55 : i32
      %broadcast_in_dim3A_1716 = vector.broadcast %broadcast_in_dim3A_1715 : i32 to vector<16xi32>
      %gather3A_1717 = tpu.vector_load_idx %arg12[%add3A_1382, %broadcast_in_dim3A_1716] : memref<256x128xf32, #tpu.memory_space<vmem>>[vector<16xi32>, vector<16xi32>], vector<16xf32>,
      %gather3A_1718 = tpu.vector_load_idx %arg13[%add3A_1382, %broadcast_in_dim3A_1716] : memref<256x128xf32, #tpu.memory_space<vmem>>[vector<16xi32>, vector<16xi32>], vector<16xf32>,
      %mul3A_1719 = arith.mulf %gather3A_1717, %gather3A_1718 : vector<16xf32>
      %add3A_1720 = arith.addf %add3A_1714, %mul3A_1719 : vector<16xf32>
      %broadcast_in_dim3A_1721 = arith.constant 56 : i32
      %broadcast_in_dim3A_1722 = vector.broadcast %broadcast_in_dim3A_1721 : i32 to vector<16xi32>
      %gather3A_1723 = tpu.vector_load_idx %arg12[%add3A_1382, %broadcast_in_dim3A_1722] : memref<256x128xf32, #tpu.memory_space<vmem>>[vector<16xi32>, vector<16xi32>], vector<16xf32>,
      %gather3A_1724 = tpu.vector_load_idx %arg13[%add3A_1382, %broadcast_in_dim3A_1722] : memref<256x128xf32, #tpu.memory_space<vmem>>[vector<16xi32>, vector<16xi32>], vector<16xf32>,
      %mul3A_1725 = arith.mulf %gather3A_1723, %gather3A_1724 : vector<16xf32>
      %add3A_1726 = arith.addf %add3A_1720, %mul3A_1725 : vector<16xf32>
      %broadcast_in_dim3A_1727 = arith.constant 57 : i32
      %broadcast_in_dim3A_1728 = vector.broadcast %broadcast_in_dim3A_1727 : i32 to vector<16xi32>
      %gather3A_1729 = tpu.vector_load_idx %arg12[%add3A_1382, %broadcast_in_dim3A_1728] : memref<256x128xf32, #tpu.memory_space<vmem>>[vector<16xi32>, vector<16xi32>], vector<16xf32>,
      %gather3A_1730 = tpu.vector_load_idx %arg13[%add3A_1382, %broadcast_in_dim3A_1728] : memref<256x128xf32, #tpu.memory_space<vmem>>[vector<16xi32>, vector<16xi32>], vector<16xf32>,
      %mul3A_1731 = arith.mulf %gather3A_1729, %gather3A_1730 : vector<16xf32>
      %add3A_1732 = arith.addf %add3A_1726, %mul3A_1731 : vector<16xf32>
      %broadcast_in_dim3A_1733 = arith.constant 58 : i32
      %broadcast_in_dim3A_1734 = vector.broadcast %broadcast_in_dim3A_1733 : i32 to vector<16xi32>
      %gather3A_1735 = tpu.vector_load_idx %arg12[%add3A_1382, %broadcast_in_dim3A_1734] : memref<256x128xf32, #tpu.memory_space<vmem>>[vector<16xi32>, vector<16xi32>], vector<16xf32>,
      %gather3A_1736 = tpu.vector_load_idx %arg13[%add3A_1382, %broadcast_in_dim3A_1734] : memref<256x128xf32, #tpu.memory_space<vmem>>[vector<16xi32>, vector<16xi32>], vector<16xf32>,
      %mul3A_1737 = arith.mulf %gather3A_1735, %gather3A_1736 : vector<16xf32>
      %add3A_1738 = arith.addf %add3A_1732, %mul3A_1737 : vector<16xf32>
      %broadcast_in_dim3A_1739 = arith.constant 59 : i32
      %broadcast_in_dim3A_1740 = vector.broadcast %broadcast_in_dim3A_1739 : i32 to vector<16xi32>
      %gather3A_1741 = tpu.vector_load_idx %arg12[%add3A_1382, %broadcast_in_dim3A_1740] : memref<256x128xf32, #tpu.memory_space<vmem>>[vector<16xi32>, vector<16xi32>], vector<16xf32>,
      %gather3A_1742 = tpu.vector_load_idx %arg13[%add3A_1382, %broadcast_in_dim3A_1740] : memref<256x128xf32, #tpu.memory_space<vmem>>[vector<16xi32>, vector<16xi32>], vector<16xf32>,
      %mul3A_1743 = arith.mulf %gather3A_1741, %gather3A_1742 : vector<16xf32>
      %add3A_1744 = arith.addf %add3A_1738, %mul3A_1743 : vector<16xf32>
      %broadcast_in_dim3A_1745 = arith.constant 60 : i32
      %broadcast_in_dim3A_1746 = vector.broadcast %broadcast_in_dim3A_1745 : i32 to vector<16xi32>
      %gather3A_1747 = tpu.vector_load_idx %arg12[%add3A_1382, %broadcast_in_dim3A_1746] : memref<256x128xf32, #tpu.memory_space<vmem>>[vector<16xi32>, vector<16xi32>], vector<16xf32>,
      %gather3A_1748 = tpu.vector_load_idx %arg13[%add3A_1382, %broadcast_in_dim3A_1746] : memref<256x128xf32, #tpu.memory_space<vmem>>[vector<16xi32>, vector<16xi32>], vector<16xf32>,
      %mul3A_1749 = arith.mulf %gather3A_1747, %gather3A_1748 : vector<16xf32>
      %add3A_1750 = arith.addf %add3A_1744, %mul3A_1749 : vector<16xf32>
      %broadcast_in_dim3A_1751 = arith.constant 61 : i32
      %broadcast_in_dim3A_1752 = vector.broadcast %broadcast_in_dim3A_1751 : i32 to vector<16xi32>
      %gather3A_1753 = tpu.vector_load_idx %arg12[%add3A_1382, %broadcast_in_dim3A_1752] : memref<256x128xf32, #tpu.memory_space<vmem>>[vector<16xi32>, vector<16xi32>], vector<16xf32>,
      %gather3A_1754 = tpu.vector_load_idx %arg13[%add3A_1382, %broadcast_in_dim3A_1752] : memref<256x128xf32, #tpu.memory_space<vmem>>[vector<16xi32>, vector<16xi32>], vector<16xf32>,
      %mul3A_1755 = arith.mulf %gather3A_1753, %gather3A_1754 : vector<16xf32>
      %add3A_1756 = arith.addf %add3A_1750, %mul3A_1755 : vector<16xf32>
      %broadcast_in_dim3A_1757 = arith.constant 62 : i32
      %broadcast_in_dim3A_1758 = vector.broadcast %broadcast_in_dim3A_1757 : i32 to vector<16xi32>
      %gather3A_1759 = tpu.vector_load_idx %arg12[%add3A_1382, %broadcast_in_dim3A_1758] : memref<256x128xf32, #tpu.memory_space<vmem>>[vector<16xi32>, vector<16xi32>], vector<16xf32>,
      %gather3A_1760 = tpu.vector_load_idx %arg13[%add3A_1382, %broadcast_in_dim3A_1758] : memref<256x128xf32, #tpu.memory_space<vmem>>[vector<16xi32>, vector<16xi32>], vector<16xf32>,
      %mul3A_1761 = arith.mulf %gather3A_1759, %gather3A_1760 : vector<16xf32>
      %add3A_1762 = arith.addf %add3A_1756, %mul3A_1761 : vector<16xf32>
      %broadcast_in_dim3A_1763 = arith.constant 63 : i32
      %broadcast_in_dim3A_1764 = vector.broadcast %broadcast_in_dim3A_1763 : i32 to vector<16xi32>
      %gather3A_1765 = tpu.vector_load_idx %arg12[%add3A_1382, %broadcast_in_dim3A_1764] : memref<256x128xf32, #tpu.memory_space<vmem>>[vector<16xi32>, vector<16xi32>], vector<16xf32>,
      %gather3A_1766 = tpu.vector_load_idx %arg13[%add3A_1382, %broadcast_in_dim3A_1764] : memref<256x128xf32, #tpu.memory_space<vmem>>[vector<16xi32>, vector<16xi32>], vector<16xf32>,
      %mul3A_1767 = arith.mulf %gather3A_1765, %gather3A_1766 : vector<16xf32>
      %add3A_1768 = arith.addf %add3A_1762, %mul3A_1767 : vector<16xf32>
      %get3A_1769 = arith.index_cast %add3A_1376 : i32 to index
      %get3A_1770 = tpu.vector_load %arg14[%get3A_1769] {strides = array<i32>} : memref<512xf32, #tpu.memory_space<vmem>>, vector<16xf32>,
      %add3A_1771 = arith.addf %add3A_1768, %get3A_1770 : vector<16xf32>
      %get3A_1772 = arith.index_cast %add3A_1376 : i32 to index
      %get3A_1773 = tpu.vector_load %arg15[%get3A_1772] {strides = array<i32>} : memref<512xf32, #tpu.memory_space<vmem>>, vector<16xf32>,
      %add3A_1774 = arith.addf %add3A_1771, %get3A_1773 : vector<16xf32>
      %add3A_1775 = arith.addf %add3A_1774, %get3A_48 : vector<16xf32>
      %swap3A_1776 = arith.index_cast %add3A_1376 : i32 to index
      %swap3A_1777 = tpu.vector_load %arg17[%swap3A_1776] {strides = array<i32>} : memref<512xf32, #tpu.memory_space<vmem>>, vector<16xf32>,
      tpu.vector_store %arg17[%swap3A_1776], %add3A_1775 {strides = array<i32>} : memref<512xf32, #tpu.memory_space<vmem>>, vector<16xf32>,
      %mul3A_1778 = arith.constant 128 : i32
      %mul3A_1779 = arith.muli %scan3A_135, %mul3A_1778 : i32
      %add3A_1780 = arith.constant 64 : i32
      %add3A_1781 = arith.addi %mul3A_1779, %add3A_1780 : i32
      %mul3A_1782 = arith.constant 128 : i32
      %mul3A_1783 = arith.muli %rem3A_136, %mul3A_1782 : i32
      %add3A_1784 = arith.constant 64 : i32
      %add3A_1785 = arith.addi %mul3A_1783, %add3A_1784 : i32
      %add3A_1786 = vector.broadcast %add3A_1785 : i32 to vector<16xi32>
      %add3A_1787 = arith.addi %add3A_1786, %iota3A : vector<16xi32>
      %broadcast_in_dim3A_1788 = arith.constant 0.000000e+00 : f32
      %broadcast_in_dim3A_1789 = vector.broadcast %broadcast_in_dim3A_1788 : f32 to vector<16xf32>
      %broadcast_in_dim3A_1790 = arith.constant 0 : i32
      %broadcast_in_dim3A_1791 = vector.broadcast %broadcast_in_dim3A_1790 : i32 to vector<16xi32>
      %gather3A_1792 = tpu.vector_load_idx %arg12[%add3A_1787, %broadcast_in_dim3A_1791] : memref<256x128xf32, #tpu.memory_space<vmem>>[vector<16xi32>, vector<16xi32>], vector<16xf32>,
      %gather3A_1793 = tpu.vector_load_idx %arg13[%add3A_1787, %broadcast_in_dim3A_1791] : memref<256x128xf32, #tpu.memory_space<vmem>>[vector<16xi32>, vector<16xi32>], vector<16xf32>,
      %mul3A_1794 = arith.mulf %gather3A_1792, %gather3A_1793 : vector<16xf32>
      %add3A_1795 = arith.addf %broadcast_in_dim3A_1789, %mul3A_1794 : vector<16xf32>
      %broadcast_in_dim3A_1796 = arith.constant 1 : i32
      %broadcast_in_dim3A_1797 = vector.broadcast %broadcast_in_dim3A_1796 : i32 to vector<16xi32>
      %gather3A_1798 = tpu.vector_load_idx %arg12[%add3A_1787, %broadcast_in_dim3A_1797] : memref<256x128xf32, #tpu.memory_space<vmem>>[vector<16xi32>, vector<16xi32>], vector<16xf32>,
      %gather3A_1799 = tpu.vector_load_idx %arg13[%add3A_1787, %broadcast_in_dim3A_1797] : memref<256x128xf32, #tpu.memory_space<vmem>>[vector<16xi32>, vector<16xi32>], vector<16xf32>,
      %mul3A_1800 = arith.mulf %gather3A_1798, %gather3A_1799 : vector<16xf32>
      %add3A_1801 = arith.addf %add3A_1795, %mul3A_1800 : vector<16xf32>
      %broadcast_in_dim3A_1802 = arith.constant 2 : i32
      %broadcast_in_dim3A_1803 = vector.broadcast %broadcast_in_dim3A_1802 : i32 to vector<16xi32>
      %gather3A_1804 = tpu.vector_load_idx %arg12[%add3A_1787, %broadcast_in_dim3A_1803] : memref<256x128xf32, #tpu.memory_space<vmem>>[vector<16xi32>, vector<16xi32>], vector<16xf32>,
      %gather3A_1805 = tpu.vector_load_idx %arg13[%add3A_1787, %broadcast_in_dim3A_1803] : memref<256x128xf32, #tpu.memory_space<vmem>>[vector<16xi32>, vector<16xi32>], vector<16xf32>,
      %mul3A_1806 = arith.mulf %gather3A_1804, %gather3A_1805 : vector<16xf32>
      %add3A_1807 = arith.addf %add3A_1801, %mul3A_1806 : vector<16xf32>
      %broadcast_in_dim3A_1808 = arith.constant 3 : i32
      %broadcast_in_dim3A_1809 = vector.broadcast %broadcast_in_dim3A_1808 : i32 to vector<16xi32>
      %gather3A_1810 = tpu.vector_load_idx %arg12[%add3A_1787, %broadcast_in_dim3A_1809] : memref<256x128xf32, #tpu.memory_space<vmem>>[vector<16xi32>, vector<16xi32>], vector<16xf32>,
      %gather3A_1811 = tpu.vector_load_idx %arg13[%add3A_1787, %broadcast_in_dim3A_1809] : memref<256x128xf32, #tpu.memory_space<vmem>>[vector<16xi32>, vector<16xi32>], vector<16xf32>,
      %mul3A_1812 = arith.mulf %gather3A_1810, %gather3A_1811 : vector<16xf32>
      %add3A_1813 = arith.addf %add3A_1807, %mul3A_1812 : vector<16xf32>
      %broadcast_in_dim3A_1814 = arith.constant 4 : i32
      %broadcast_in_dim3A_1815 = vector.broadcast %broadcast_in_dim3A_1814 : i32 to vector<16xi32>
      %gather3A_1816 = tpu.vector_load_idx %arg12[%add3A_1787, %broadcast_in_dim3A_1815] : memref<256x128xf32, #tpu.memory_space<vmem>>[vector<16xi32>, vector<16xi32>], vector<16xf32>,
      %gather3A_1817 = tpu.vector_load_idx %arg13[%add3A_1787, %broadcast_in_dim3A_1815] : memref<256x128xf32, #tpu.memory_space<vmem>>[vector<16xi32>, vector<16xi32>], vector<16xf32>,
      %mul3A_1818 = arith.mulf %gather3A_1816, %gather3A_1817 : vector<16xf32>
      %add3A_1819 = arith.addf %add3A_1813, %mul3A_1818 : vector<16xf32>
      %broadcast_in_dim3A_1820 = arith.constant 5 : i32
      %broadcast_in_dim3A_1821 = vector.broadcast %broadcast_in_dim3A_1820 : i32 to vector<16xi32>
      %gather3A_1822 = tpu.vector_load_idx %arg12[%add3A_1787, %broadcast_in_dim3A_1821] : memref<256x128xf32, #tpu.memory_space<vmem>>[vector<16xi32>, vector<16xi32>], vector<16xf32>,
      %gather3A_1823 = tpu.vector_load_idx %arg13[%add3A_1787, %broadcast_in_dim3A_1821] : memref<256x128xf32, #tpu.memory_space<vmem>>[vector<16xi32>, vector<16xi32>], vector<16xf32>,
      %mul3A_1824 = arith.mulf %gather3A_1822, %gather3A_1823 : vector<16xf32>
      %add3A_1825 = arith.addf %add3A_1819, %mul3A_1824 : vector<16xf32>
      %broadcast_in_dim3A_1826 = arith.constant 6 : i32
      %broadcast_in_dim3A_1827 = vector.broadcast %broadcast_in_dim3A_1826 : i32 to vector<16xi32>
      %gather3A_1828 = tpu.vector_load_idx %arg12[%add3A_1787, %broadcast_in_dim3A_1827] : memref<256x128xf32, #tpu.memory_space<vmem>>[vector<16xi32>, vector<16xi32>], vector<16xf32>,
      %gather3A_1829 = tpu.vector_load_idx %arg13[%add3A_1787, %broadcast_in_dim3A_1827] : memref<256x128xf32, #tpu.memory_space<vmem>>[vector<16xi32>, vector<16xi32>], vector<16xf32>,
      %mul3A_1830 = arith.mulf %gather3A_1828, %gather3A_1829 : vector<16xf32>
      %add3A_1831 = arith.addf %add3A_1825, %mul3A_1830 : vector<16xf32>
      %broadcast_in_dim3A_1832 = arith.constant 7 : i32
      %broadcast_in_dim3A_1833 = vector.broadcast %broadcast_in_dim3A_1832 : i32 to vector<16xi32>
      %gather3A_1834 = tpu.vector_load_idx %arg12[%add3A_1787, %broadcast_in_dim3A_1833] : memref<256x128xf32, #tpu.memory_space<vmem>>[vector<16xi32>, vector<16xi32>], vector<16xf32>,
      %gather3A_1835 = tpu.vector_load_idx %arg13[%add3A_1787, %broadcast_in_dim3A_1833] : memref<256x128xf32, #tpu.memory_space<vmem>>[vector<16xi32>, vector<16xi32>], vector<16xf32>,
      %mul3A_1836 = arith.mulf %gather3A_1834, %gather3A_1835 : vector<16xf32>
      %add3A_1837 = arith.addf %add3A_1831, %mul3A_1836 : vector<16xf32>
      %broadcast_in_dim3A_1838 = arith.constant 8 : i32
      %broadcast_in_dim3A_1839 = vector.broadcast %broadcast_in_dim3A_1838 : i32 to vector<16xi32>
      %gather3A_1840 = tpu.vector_load_idx %arg12[%add3A_1787, %broadcast_in_dim3A_1839] : memref<256x128xf32, #tpu.memory_space<vmem>>[vector<16xi32>, vector<16xi32>], vector<16xf32>,
      %gather3A_1841 = tpu.vector_load_idx %arg13[%add3A_1787, %broadcast_in_dim3A_1839] : memref<256x128xf32, #tpu.memory_space<vmem>>[vector<16xi32>, vector<16xi32>], vector<16xf32>,
      %mul3A_1842 = arith.mulf %gather3A_1840, %gather3A_1841 : vector<16xf32>
      %add3A_1843 = arith.addf %add3A_1837, %mul3A_1842 : vector<16xf32>
      %broadcast_in_dim3A_1844 = arith.constant 9 : i32
      %broadcast_in_dim3A_1845 = vector.broadcast %broadcast_in_dim3A_1844 : i32 to vector<16xi32>
      %gather3A_1846 = tpu.vector_load_idx %arg12[%add3A_1787, %broadcast_in_dim3A_1845] : memref<256x128xf32, #tpu.memory_space<vmem>>[vector<16xi32>, vector<16xi32>], vector<16xf32>,
      %gather3A_1847 = tpu.vector_load_idx %arg13[%add3A_1787, %broadcast_in_dim3A_1845] : memref<256x128xf32, #tpu.memory_space<vmem>>[vector<16xi32>, vector<16xi32>], vector<16xf32>,
      %mul3A_1848 = arith.mulf %gather3A_1846, %gather3A_1847 : vector<16xf32>
      %add3A_1849 = arith.addf %add3A_1843, %mul3A_1848 : vector<16xf32>
      %broadcast_in_dim3A_1850 = arith.constant 10 : i32
      %broadcast_in_dim3A_1851 = vector.broadcast %broadcast_in_dim3A_1850 : i32 to vector<16xi32>
      %gather3A_1852 = tpu.vector_load_idx %arg12[%add3A_1787, %broadcast_in_dim3A_1851] : memref<256x128xf32, #tpu.memory_space<vmem>>[vector<16xi32>, vector<16xi32>], vector<16xf32>,
      %gather3A_1853 = tpu.vector_load_idx %arg13[%add3A_1787, %broadcast_in_dim3A_1851] : memref<256x128xf32, #tpu.memory_space<vmem>>[vector<16xi32>, vector<16xi32>], vector<16xf32>,
      %mul3A_1854 = arith.mulf %gather3A_1852, %gather3A_1853 : vector<16xf32>
      %add3A_1855 = arith.addf %add3A_1849, %mul3A_1854 : vector<16xf32>
      %broadcast_in_dim3A_1856 = arith.constant 11 : i32
      %broadcast_in_dim3A_1857 = vector.broadcast %broadcast_in_dim3A_1856 : i32 to vector<16xi32>
      %gather3A_1858 = tpu.vector_load_idx %arg12[%add3A_1787, %broadcast_in_dim3A_1857] : memref<256x128xf32, #tpu.memory_space<vmem>>[vector<16xi32>, vector<16xi32>], vector<16xf32>,
      %gather3A_1859 = tpu.vector_load_idx %arg13[%add3A_1787, %broadcast_in_dim3A_1857] : memref<256x128xf32, #tpu.memory_space<vmem>>[vector<16xi32>, vector<16xi32>], vector<16xf32>,
      %mul3A_1860 = arith.mulf %gather3A_1858, %gather3A_1859 : vector<16xf32>
      %add3A_1861 = arith.addf %add3A_1855, %mul3A_1860 : vector<16xf32>
      %broadcast_in_dim3A_1862 = arith.constant 12 : i32
      %broadcast_in_dim3A_1863 = vector.broadcast %broadcast_in_dim3A_1862 : i32 to vector<16xi32>
      %gather3A_1864 = tpu.vector_load_idx %arg12[%add3A_1787, %broadcast_in_dim3A_1863] : memref<256x128xf32, #tpu.memory_space<vmem>>[vector<16xi32>, vector<16xi32>], vector<16xf32>,
      %gather3A_1865 = tpu.vector_load_idx %arg13[%add3A_1787, %broadcast_in_dim3A_1863] : memref<256x128xf32, #tpu.memory_space<vmem>>[vector<16xi32>, vector<16xi32>], vector<16xf32>,
      %mul3A_1866 = arith.mulf %gather3A_1864, %gather3A_1865 : vector<16xf32>
      %add3A_1867 = arith.addf %add3A_1861, %mul3A_1866 : vector<16xf32>
      %broadcast_in_dim3A_1868 = arith.constant 13 : i32
      %broadcast_in_dim3A_1869 = vector.broadcast %broadcast_in_dim3A_1868 : i32 to vector<16xi32>
      %gather3A_1870 = tpu.vector_load_idx %arg12[%add3A_1787, %broadcast_in_dim3A_1869] : memref<256x128xf32, #tpu.memory_space<vmem>>[vector<16xi32>, vector<16xi32>], vector<16xf32>,
      %gather3A_1871 = tpu.vector_load_idx %arg13[%add3A_1787, %broadcast_in_dim3A_1869] : memref<256x128xf32, #tpu.memory_space<vmem>>[vector<16xi32>, vector<16xi32>], vector<16xf32>,
      %mul3A_1872 = arith.mulf %gather3A_1870, %gather3A_1871 : vector<16xf32>
      %add3A_1873 = arith.addf %add3A_1867, %mul3A_1872 : vector<16xf32>
      %broadcast_in_dim3A_1874 = arith.constant 14 : i32
      %broadcast_in_dim3A_1875 = vector.broadcast %broadcast_in_dim3A_1874 : i32 to vector<16xi32>
      %gather3A_1876 = tpu.vector_load_idx %arg12[%add3A_1787, %broadcast_in_dim3A_1875] : memref<256x128xf32, #tpu.memory_space<vmem>>[vector<16xi32>, vector<16xi32>], vector<16xf32>,
      %gather3A_1877 = tpu.vector_load_idx %arg13[%add3A_1787, %broadcast_in_dim3A_1875] : memref<256x128xf32, #tpu.memory_space<vmem>>[vector<16xi32>, vector<16xi32>], vector<16xf32>,
      %mul3A_1878 = arith.mulf %gather3A_1876, %gather3A_1877 : vector<16xf32>
      %add3A_1879 = arith.addf %add3A_1873, %mul3A_1878 : vector<16xf32>
      %broadcast_in_dim3A_1880 = arith.constant 15 : i32
      %broadcast_in_dim3A_1881 = vector.broadcast %broadcast_in_dim3A_1880 : i32 to vector<16xi32>
      %gather3A_1882 = tpu.vector_load_idx %arg12[%add3A_1787, %broadcast_in_dim3A_1881] : memref<256x128xf32, #tpu.memory_space<vmem>>[vector<16xi32>, vector<16xi32>], vector<16xf32>,
      %gather3A_1883 = tpu.vector_load_idx %arg13[%add3A_1787, %broadcast_in_dim3A_1881] : memref<256x128xf32, #tpu.memory_space<vmem>>[vector<16xi32>, vector<16xi32>], vector<16xf32>,
      %mul3A_1884 = arith.mulf %gather3A_1882, %gather3A_1883 : vector<16xf32>
      %add3A_1885 = arith.addf %add3A_1879, %mul3A_1884 : vector<16xf32>
      %broadcast_in_dim3A_1886 = arith.constant 16 : i32
      %broadcast_in_dim3A_1887 = vector.broadcast %broadcast_in_dim3A_1886 : i32 to vector<16xi32>
      %gather3A_1888 = tpu.vector_load_idx %arg12[%add3A_1787, %broadcast_in_dim3A_1887] : memref<256x128xf32, #tpu.memory_space<vmem>>[vector<16xi32>, vector<16xi32>], vector<16xf32>,
      %gather3A_1889 = tpu.vector_load_idx %arg13[%add3A_1787, %broadcast_in_dim3A_1887] : memref<256x128xf32, #tpu.memory_space<vmem>>[vector<16xi32>, vector<16xi32>], vector<16xf32>,
      %mul3A_1890 = arith.mulf %gather3A_1888, %gather3A_1889 : vector<16xf32>
      %add3A_1891 = arith.addf %add3A_1885, %mul3A_1890 : vector<16xf32>
      %broadcast_in_dim3A_1892 = arith.constant 17 : i32
      %broadcast_in_dim3A_1893 = vector.broadcast %broadcast_in_dim3A_1892 : i32 to vector<16xi32>
      %gather3A_1894 = tpu.vector_load_idx %arg12[%add3A_1787, %broadcast_in_dim3A_1893] : memref<256x128xf32, #tpu.memory_space<vmem>>[vector<16xi32>, vector<16xi32>], vector<16xf32>,
      %gather3A_1895 = tpu.vector_load_idx %arg13[%add3A_1787, %broadcast_in_dim3A_1893] : memref<256x128xf32, #tpu.memory_space<vmem>>[vector<16xi32>, vector<16xi32>], vector<16xf32>,
      %mul3A_1896 = arith.mulf %gather3A_1894, %gather3A_1895 : vector<16xf32>
      %add3A_1897 = arith.addf %add3A_1891, %mul3A_1896 : vector<16xf32>
      %broadcast_in_dim3A_1898 = arith.constant 18 : i32
      %broadcast_in_dim3A_1899 = vector.broadcast %broadcast_in_dim3A_1898 : i32 to vector<16xi32>
      %gather3A_1900 = tpu.vector_load_idx %arg12[%add3A_1787, %broadcast_in_dim3A_1899] : memref<256x128xf32, #tpu.memory_space<vmem>>[vector<16xi32>, vector<16xi32>], vector<16xf32>,
      %gather3A_1901 = tpu.vector_load_idx %arg13[%add3A_1787, %broadcast_in_dim3A_1899] : memref<256x128xf32, #tpu.memory_space<vmem>>[vector<16xi32>, vector<16xi32>], vector<16xf32>,
      %mul3A_1902 = arith.mulf %gather3A_1900, %gather3A_1901 : vector<16xf32>
      %add3A_1903 = arith.addf %add3A_1897, %mul3A_1902 : vector<16xf32>
      %broadcast_in_dim3A_1904 = arith.constant 19 : i32
      %broadcast_in_dim3A_1905 = vector.broadcast %broadcast_in_dim3A_1904 : i32 to vector<16xi32>
      %gather3A_1906 = tpu.vector_load_idx %arg12[%add3A_1787, %broadcast_in_dim3A_1905] : memref<256x128xf32, #tpu.memory_space<vmem>>[vector<16xi32>, vector<16xi32>], vector<16xf32>,
      %gather3A_1907 = tpu.vector_load_idx %arg13[%add3A_1787, %broadcast_in_dim3A_1905] : memref<256x128xf32, #tpu.memory_space<vmem>>[vector<16xi32>, vector<16xi32>], vector<16xf32>,
      %mul3A_1908 = arith.mulf %gather3A_1906, %gather3A_1907 : vector<16xf32>
      %add3A_1909 = arith.addf %add3A_1903, %mul3A_1908 : vector<16xf32>
      %broadcast_in_dim3A_1910 = arith.constant 20 : i32
      %broadcast_in_dim3A_1911 = vector.broadcast %broadcast_in_dim3A_1910 : i32 to vector<16xi32>
      %gather3A_1912 = tpu.vector_load_idx %arg12[%add3A_1787, %broadcast_in_dim3A_1911] : memref<256x128xf32, #tpu.memory_space<vmem>>[vector<16xi32>, vector<16xi32>], vector<16xf32>,
      %gather3A_1913 = tpu.vector_load_idx %arg13[%add3A_1787, %broadcast_in_dim3A_1911] : memref<256x128xf32, #tpu.memory_space<vmem>>[vector<16xi32>, vector<16xi32>], vector<16xf32>,
      %mul3A_1914 = arith.mulf %gather3A_1912, %gather3A_1913 : vector<16xf32>
      %add3A_1915 = arith.addf %add3A_1909, %mul3A_1914 : vector<16xf32>
      %broadcast_in_dim3A_1916 = arith.constant 21 : i32
      %broadcast_in_dim3A_1917 = vector.broadcast %broadcast_in_dim3A_1916 : i32 to vector<16xi32>
      %gather3A_1918 = tpu.vector_load_idx %arg12[%add3A_1787, %broadcast_in_dim3A_1917] : memref<256x128xf32, #tpu.memory_space<vmem>>[vector<16xi32>, vector<16xi32>], vector<16xf32>,
      %gather3A_1919 = tpu.vector_load_idx %arg13[%add3A_1787, %broadcast_in_dim3A_1917] : memref<256x128xf32, #tpu.memory_space<vmem>>[vector<16xi32>, vector<16xi32>], vector<16xf32>,
      %mul3A_1920 = arith.mulf %gather3A_1918, %gather3A_1919 : vector<16xf32>
      %add3A_1921 = arith.addf %add3A_1915, %mul3A_1920 : vector<16xf32>
      %broadcast_in_dim3A_1922 = arith.constant 22 : i32
      %broadcast_in_dim3A_1923 = vector.broadcast %broadcast_in_dim3A_1922 : i32 to vector<16xi32>
      %gather3A_1924 = tpu.vector_load_idx %arg12[%add3A_1787, %broadcast_in_dim3A_1923] : memref<256x128xf32, #tpu.memory_space<vmem>>[vector<16xi32>, vector<16xi32>], vector<16xf32>,
      %gather3A_1925 = tpu.vector_load_idx %arg13[%add3A_1787, %broadcast_in_dim3A_1923] : memref<256x128xf32, #tpu.memory_space<vmem>>[vector<16xi32>, vector<16xi32>], vector<16xf32>,
      %mul3A_1926 = arith.mulf %gather3A_1924, %gather3A_1925 : vector<16xf32>
      %add3A_1927 = arith.addf %add3A_1921, %mul3A_1926 : vector<16xf32>
      %broadcast_in_dim3A_1928 = arith.constant 23 : i32
      %broadcast_in_dim3A_1929 = vector.broadcast %broadcast_in_dim3A_1928 : i32 to vector<16xi32>
      %gather3A_1930 = tpu.vector_load_idx %arg12[%add3A_1787, %broadcast_in_dim3A_1929] : memref<256x128xf32, #tpu.memory_space<vmem>>[vector<16xi32>, vector<16xi32>], vector<16xf32>,
      %gather3A_1931 = tpu.vector_load_idx %arg13[%add3A_1787, %broadcast_in_dim3A_1929] : memref<256x128xf32, #tpu.memory_space<vmem>>[vector<16xi32>, vector<16xi32>], vector<16xf32>,
      %mul3A_1932 = arith.mulf %gather3A_1930, %gather3A_1931 : vector<16xf32>
      %add3A_1933 = arith.addf %add3A_1927, %mul3A_1932 : vector<16xf32>
      %broadcast_in_dim3A_1934 = arith.constant 24 : i32
      %broadcast_in_dim3A_1935 = vector.broadcast %broadcast_in_dim3A_1934 : i32 to vector<16xi32>
      %gather3A_1936 = tpu.vector_load_idx %arg12[%add3A_1787, %broadcast_in_dim3A_1935] : memref<256x128xf32, #tpu.memory_space<vmem>>[vector<16xi32>, vector<16xi32>], vector<16xf32>,
      %gather3A_1937 = tpu.vector_load_idx %arg13[%add3A_1787, %broadcast_in_dim3A_1935] : memref<256x128xf32, #tpu.memory_space<vmem>>[vector<16xi32>, vector<16xi32>], vector<16xf32>,
      %mul3A_1938 = arith.mulf %gather3A_1936, %gather3A_1937 : vector<16xf32>
      %add3A_1939 = arith.addf %add3A_1933, %mul3A_1938 : vector<16xf32>
      %broadcast_in_dim3A_1940 = arith.constant 25 : i32
      %broadcast_in_dim3A_1941 = vector.broadcast %broadcast_in_dim3A_1940 : i32 to vector<16xi32>
      %gather3A_1942 = tpu.vector_load_idx %arg12[%add3A_1787, %broadcast_in_dim3A_1941] : memref<256x128xf32, #tpu.memory_space<vmem>>[vector<16xi32>, vector<16xi32>], vector<16xf32>,
      %gather3A_1943 = tpu.vector_load_idx %arg13[%add3A_1787, %broadcast_in_dim3A_1941] : memref<256x128xf32, #tpu.memory_space<vmem>>[vector<16xi32>, vector<16xi32>], vector<16xf32>,
      %mul3A_1944 = arith.mulf %gather3A_1942, %gather3A_1943 : vector<16xf32>
      %add3A_1945 = arith.addf %add3A_1939, %mul3A_1944 : vector<16xf32>
      %broadcast_in_dim3A_1946 = arith.constant 26 : i32
      %broadcast_in_dim3A_1947 = vector.broadcast %broadcast_in_dim3A_1946 : i32 to vector<16xi32>
      %gather3A_1948 = tpu.vector_load_idx %arg12[%add3A_1787, %broadcast_in_dim3A_1947] : memref<256x128xf32, #tpu.memory_space<vmem>>[vector<16xi32>, vector<16xi32>], vector<16xf32>,
      %gather3A_1949 = tpu.vector_load_idx %arg13[%add3A_1787, %broadcast_in_dim3A_1947] : memref<256x128xf32, #tpu.memory_space<vmem>>[vector<16xi32>, vector<16xi32>], vector<16xf32>,
      %mul3A_1950 = arith.mulf %gather3A_1948, %gather3A_1949 : vector<16xf32>
      %add3A_1951 = arith.addf %add3A_1945, %mul3A_1950 : vector<16xf32>
      %broadcast_in_dim3A_1952 = arith.constant 27 : i32
      %broadcast_in_dim3A_1953 = vector.broadcast %broadcast_in_dim3A_1952 : i32 to vector<16xi32>
      %gather3A_1954 = tpu.vector_load_idx %arg12[%add3A_1787, %broadcast_in_dim3A_1953] : memref<256x128xf32, #tpu.memory_space<vmem>>[vector<16xi32>, vector<16xi32>], vector<16xf32>,
      %gather3A_1955 = tpu.vector_load_idx %arg13[%add3A_1787, %broadcast_in_dim3A_1953] : memref<256x128xf32, #tpu.memory_space<vmem>>[vector<16xi32>, vector<16xi32>], vector<16xf32>,
      %mul3A_1956 = arith.mulf %gather3A_1954, %gather3A_1955 : vector<16xf32>
      %add3A_1957 = arith.addf %add3A_1951, %mul3A_1956 : vector<16xf32>
      %broadcast_in_dim3A_1958 = arith.constant 28 : i32
      %broadcast_in_dim3A_1959 = vector.broadcast %broadcast_in_dim3A_1958 : i32 to vector<16xi32>
      %gather3A_1960 = tpu.vector_load_idx %arg12[%add3A_1787, %broadcast_in_dim3A_1959] : memref<256x128xf32, #tpu.memory_space<vmem>>[vector<16xi32>, vector<16xi32>], vector<16xf32>,
      %gather3A_1961 = tpu.vector_load_idx %arg13[%add3A_1787, %broadcast_in_dim3A_1959] : memref<256x128xf32, #tpu.memory_space<vmem>>[vector<16xi32>, vector<16xi32>], vector<16xf32>,
      %mul3A_1962 = arith.mulf %gather3A_1960, %gather3A_1961 : vector<16xf32>
      %add3A_1963 = arith.addf %add3A_1957, %mul3A_1962 : vector<16xf32>
      %broadcast_in_dim3A_1964 = arith.constant 29 : i32
      %broadcast_in_dim3A_1965 = vector.broadcast %broadcast_in_dim3A_1964 : i32 to vector<16xi32>
      %gather3A_1966 = tpu.vector_load_idx %arg12[%add3A_1787, %broadcast_in_dim3A_1965] : memref<256x128xf32, #tpu.memory_space<vmem>>[vector<16xi32>, vector<16xi32>], vector<16xf32>,
      %gather3A_1967 = tpu.vector_load_idx %arg13[%add3A_1787, %broadcast_in_dim3A_1965] : memref<256x128xf32, #tpu.memory_space<vmem>>[vector<16xi32>, vector<16xi32>], vector<16xf32>,
      %mul3A_1968 = arith.mulf %gather3A_1966, %gather3A_1967 : vector<16xf32>
      %add3A_1969 = arith.addf %add3A_1963, %mul3A_1968 : vector<16xf32>
      %broadcast_in_dim3A_1970 = arith.constant 30 : i32
      %broadcast_in_dim3A_1971 = vector.broadcast %broadcast_in_dim3A_1970 : i32 to vector<16xi32>
      %gather3A_1972 = tpu.vector_load_idx %arg12[%add3A_1787, %broadcast_in_dim3A_1971] : memref<256x128xf32, #tpu.memory_space<vmem>>[vector<16xi32>, vector<16xi32>], vector<16xf32>,
      %gather3A_1973 = tpu.vector_load_idx %arg13[%add3A_1787, %broadcast_in_dim3A_1971] : memref<256x128xf32, #tpu.memory_space<vmem>>[vector<16xi32>, vector<16xi32>], vector<16xf32>,
      %mul3A_1974 = arith.mulf %gather3A_1972, %gather3A_1973 : vector<16xf32>
      %add3A_1975 = arith.addf %add3A_1969, %mul3A_1974 : vector<16xf32>
      %broadcast_in_dim3A_1976 = arith.constant 31 : i32
      %broadcast_in_dim3A_1977 = vector.broadcast %broadcast_in_dim3A_1976 : i32 to vector<16xi32>
      %gather3A_1978 = tpu.vector_load_idx %arg12[%add3A_1787, %broadcast_in_dim3A_1977] : memref<256x128xf32, #tpu.memory_space<vmem>>[vector<16xi32>, vector<16xi32>], vector<16xf32>,
      %gather3A_1979 = tpu.vector_load_idx %arg13[%add3A_1787, %broadcast_in_dim3A_1977] : memref<256x128xf32, #tpu.memory_space<vmem>>[vector<16xi32>, vector<16xi32>], vector<16xf32>,
      %mul3A_1980 = arith.mulf %gather3A_1978, %gather3A_1979 : vector<16xf32>
      %add3A_1981 = arith.addf %add3A_1975, %mul3A_1980 : vector<16xf32>
      %broadcast_in_dim3A_1982 = arith.constant 32 : i32
      %broadcast_in_dim3A_1983 = vector.broadcast %broadcast_in_dim3A_1982 : i32 to vector<16xi32>
      %gather3A_1984 = tpu.vector_load_idx %arg12[%add3A_1787, %broadcast_in_dim3A_1983] : memref<256x128xf32, #tpu.memory_space<vmem>>[vector<16xi32>, vector<16xi32>], vector<16xf32>,
      %gather3A_1985 = tpu.vector_load_idx %arg13[%add3A_1787, %broadcast_in_dim3A_1983] : memref<256x128xf32, #tpu.memory_space<vmem>>[vector<16xi32>, vector<16xi32>], vector<16xf32>,
      %mul3A_1986 = arith.mulf %gather3A_1984, %gather3A_1985 : vector<16xf32>
      %add3A_1987 = arith.addf %add3A_1981, %mul3A_1986 : vector<16xf32>
      %broadcast_in_dim3A_1988 = arith.constant 33 : i32
      %broadcast_in_dim3A_1989 = vector.broadcast %broadcast_in_dim3A_1988 : i32 to vector<16xi32>
      %gather3A_1990 = tpu.vector_load_idx %arg12[%add3A_1787, %broadcast_in_dim3A_1989] : memref<256x128xf32, #tpu.memory_space<vmem>>[vector<16xi32>, vector<16xi32>], vector<16xf32>,
      %gather3A_1991 = tpu.vector_load_idx %arg13[%add3A_1787, %broadcast_in_dim3A_1989] : memref<256x128xf32, #tpu.memory_space<vmem>>[vector<16xi32>, vector<16xi32>], vector<16xf32>,
      %mul3A_1992 = arith.mulf %gather3A_1990, %gather3A_1991 : vector<16xf32>
      %add3A_1993 = arith.addf %add3A_1987, %mul3A_1992 : vector<16xf32>
      %broadcast_in_dim3A_1994 = arith.constant 34 : i32
      %broadcast_in_dim3A_1995 = vector.broadcast %broadcast_in_dim3A_1994 : i32 to vector<16xi32>
      %gather3A_1996 = tpu.vector_load_idx %arg12[%add3A_1787, %broadcast_in_dim3A_1995] : memref<256x128xf32, #tpu.memory_space<vmem>>[vector<16xi32>, vector<16xi32>], vector<16xf32>,
      %gather3A_1997 = tpu.vector_load_idx %arg13[%add3A_1787, %broadcast_in_dim3A_1995] : memref<256x128xf32, #tpu.memory_space<vmem>>[vector<16xi32>, vector<16xi32>], vector<16xf32>,
      %mul3A_1998 = arith.mulf %gather3A_1996, %gather3A_1997 : vector<16xf32>
      %add3A_1999 = arith.addf %add3A_1993, %mul3A_1998 : vector<16xf32>
      %broadcast_in_dim3A_2000 = arith.constant 35 : i32
      %broadcast_in_dim3A_2001 = vector.broadcast %broadcast_in_dim3A_2000 : i32 to vector<16xi32>
      %gather3A_2002 = tpu.vector_load_idx %arg12[%add3A_1787, %broadcast_in_dim3A_2001] : memref<256x128xf32, #tpu.memory_space<vmem>>[vector<16xi32>, vector<16xi32>], vector<16xf32>,
      %gather3A_2003 = tpu.vector_load_idx %arg13[%add3A_1787, %broadcast_in_dim3A_2001] : memref<256x128xf32, #tpu.memory_space<vmem>>[vector<16xi32>, vector<16xi32>], vector<16xf32>,
      %mul3A_2004 = arith.mulf %gather3A_2002, %gather3A_2003 : vector<16xf32>
      %add3A_2005 = arith.addf %add3A_1999, %mul3A_2004 : vector<16xf32>
      %broadcast_in_dim3A_2006 = arith.constant 36 : i32
      %broadcast_in_dim3A_2007 = vector.broadcast %broadcast_in_dim3A_2006 : i32 to vector<16xi32>
      %gather3A_2008 = tpu.vector_load_idx %arg12[%add3A_1787, %broadcast_in_dim3A_2007] : memref<256x128xf32, #tpu.memory_space<vmem>>[vector<16xi32>, vector<16xi32>], vector<16xf32>,
      %gather3A_2009 = tpu.vector_load_idx %arg13[%add3A_1787, %broadcast_in_dim3A_2007] : memref<256x128xf32, #tpu.memory_space<vmem>>[vector<16xi32>, vector<16xi32>], vector<16xf32>,
      %mul3A_2010 = arith.mulf %gather3A_2008, %gather3A_2009 : vector<16xf32>
      %add3A_2011 = arith.addf %add3A_2005, %mul3A_2010 : vector<16xf32>
      %broadcast_in_dim3A_2012 = arith.constant 37 : i32
      %broadcast_in_dim3A_2013 = vector.broadcast %broadcast_in_dim3A_2012 : i32 to vector<16xi32>
      %gather3A_2014 = tpu.vector_load_idx %arg12[%add3A_1787, %broadcast_in_dim3A_2013] : memref<256x128xf32, #tpu.memory_space<vmem>>[vector<16xi32>, vector<16xi32>], vector<16xf32>,
      %gather3A_2015 = tpu.vector_load_idx %arg13[%add3A_1787, %broadcast_in_dim3A_2013] : memref<256x128xf32, #tpu.memory_space<vmem>>[vector<16xi32>, vector<16xi32>], vector<16xf32>,
      %mul3A_2016 = arith.mulf %gather3A_2014, %gather3A_2015 : vector<16xf32>
      %add3A_2017 = arith.addf %add3A_2011, %mul3A_2016 : vector<16xf32>
      %broadcast_in_dim3A_2018 = arith.constant 38 : i32
      %broadcast_in_dim3A_2019 = vector.broadcast %broadcast_in_dim3A_2018 : i32 to vector<16xi32>
      %gather3A_2020 = tpu.vector_load_idx %arg12[%add3A_1787, %broadcast_in_dim3A_2019] : memref<256x128xf32, #tpu.memory_space<vmem>>[vector<16xi32>, vector<16xi32>], vector<16xf32>,
      %gather3A_2021 = tpu.vector_load_idx %arg13[%add3A_1787, %broadcast_in_dim3A_2019] : memref<256x128xf32, #tpu.memory_space<vmem>>[vector<16xi32>, vector<16xi32>], vector<16xf32>,
      %mul3A_2022 = arith.mulf %gather3A_2020, %gather3A_2021 : vector<16xf32>
      %add3A_2023 = arith.addf %add3A_2017, %mul3A_2022 : vector<16xf32>
      %broadcast_in_dim3A_2024 = arith.constant 39 : i32
      %broadcast_in_dim3A_2025 = vector.broadcast %broadcast_in_dim3A_2024 : i32 to vector<16xi32>
      %gather3A_2026 = tpu.vector_load_idx %arg12[%add3A_1787, %broadcast_in_dim3A_2025] : memref<256x128xf32, #tpu.memory_space<vmem>>[vector<16xi32>, vector<16xi32>], vector<16xf32>,
      %gather3A_2027 = tpu.vector_load_idx %arg13[%add3A_1787, %broadcast_in_dim3A_2025] : memref<256x128xf32, #tpu.memory_space<vmem>>[vector<16xi32>, vector<16xi32>], vector<16xf32>,
      %mul3A_2028 = arith.mulf %gather3A_2026, %gather3A_2027 : vector<16xf32>
      %add3A_2029 = arith.addf %add3A_2023, %mul3A_2028 : vector<16xf32>
      %broadcast_in_dim3A_2030 = arith.constant 40 : i32
      %broadcast_in_dim3A_2031 = vector.broadcast %broadcast_in_dim3A_2030 : i32 to vector<16xi32>
      %gather3A_2032 = tpu.vector_load_idx %arg12[%add3A_1787, %broadcast_in_dim3A_2031] : memref<256x128xf32, #tpu.memory_space<vmem>>[vector<16xi32>, vector<16xi32>], vector<16xf32>,
      %gather3A_2033 = tpu.vector_load_idx %arg13[%add3A_1787, %broadcast_in_dim3A_2031] : memref<256x128xf32, #tpu.memory_space<vmem>>[vector<16xi32>, vector<16xi32>], vector<16xf32>,
      %mul3A_2034 = arith.mulf %gather3A_2032, %gather3A_2033 : vector<16xf32>
      %add3A_2035 = arith.addf %add3A_2029, %mul3A_2034 : vector<16xf32>
      %broadcast_in_dim3A_2036 = arith.constant 41 : i32
      %broadcast_in_dim3A_2037 = vector.broadcast %broadcast_in_dim3A_2036 : i32 to vector<16xi32>
      %gather3A_2038 = tpu.vector_load_idx %arg12[%add3A_1787, %broadcast_in_dim3A_2037] : memref<256x128xf32, #tpu.memory_space<vmem>>[vector<16xi32>, vector<16xi32>], vector<16xf32>,
      %gather3A_2039 = tpu.vector_load_idx %arg13[%add3A_1787, %broadcast_in_dim3A_2037] : memref<256x128xf32, #tpu.memory_space<vmem>>[vector<16xi32>, vector<16xi32>], vector<16xf32>,
      %mul3A_2040 = arith.mulf %gather3A_2038, %gather3A_2039 : vector<16xf32>
      %add3A_2041 = arith.addf %add3A_2035, %mul3A_2040 : vector<16xf32>
      %broadcast_in_dim3A_2042 = arith.constant 42 : i32
      %broadcast_in_dim3A_2043 = vector.broadcast %broadcast_in_dim3A_2042 : i32 to vector<16xi32>
      %gather3A_2044 = tpu.vector_load_idx %arg12[%add3A_1787, %broadcast_in_dim3A_2043] : memref<256x128xf32, #tpu.memory_space<vmem>>[vector<16xi32>, vector<16xi32>], vector<16xf32>,
      %gather3A_2045 = tpu.vector_load_idx %arg13[%add3A_1787, %broadcast_in_dim3A_2043] : memref<256x128xf32, #tpu.memory_space<vmem>>[vector<16xi32>, vector<16xi32>], vector<16xf32>,
      %mul3A_2046 = arith.mulf %gather3A_2044, %gather3A_2045 : vector<16xf32>
      %add3A_2047 = arith.addf %add3A_2041, %mul3A_2046 : vector<16xf32>
      %broadcast_in_dim3A_2048 = arith.constant 43 : i32
      %broadcast_in_dim3A_2049 = vector.broadcast %broadcast_in_dim3A_2048 : i32 to vector<16xi32>
      %gather3A_2050 = tpu.vector_load_idx %arg12[%add3A_1787, %broadcast_in_dim3A_2049] : memref<256x128xf32, #tpu.memory_space<vmem>>[vector<16xi32>, vector<16xi32>], vector<16xf32>,
      %gather3A_2051 = tpu.vector_load_idx %arg13[%add3A_1787, %broadcast_in_dim3A_2049] : memref<256x128xf32, #tpu.memory_space<vmem>>[vector<16xi32>, vector<16xi32>], vector<16xf32>,
      %mul3A_2052 = arith.mulf %gather3A_2050, %gather3A_2051 : vector<16xf32>
      %add3A_2053 = arith.addf %add3A_2047, %mul3A_2052 : vector<16xf32>
      %broadcast_in_dim3A_2054 = arith.constant 44 : i32
      %broadcast_in_dim3A_2055 = vector.broadcast %broadcast_in_dim3A_2054 : i32 to vector<16xi32>
      %gather3A_2056 = tpu.vector_load_idx %arg12[%add3A_1787, %broadcast_in_dim3A_2055] : memref<256x128xf32, #tpu.memory_space<vmem>>[vector<16xi32>, vector<16xi32>], vector<16xf32>,
      %gather3A_2057 = tpu.vector_load_idx %arg13[%add3A_1787, %broadcast_in_dim3A_2055] : memref<256x128xf32, #tpu.memory_space<vmem>>[vector<16xi32>, vector<16xi32>], vector<16xf32>,
      %mul3A_2058 = arith.mulf %gather3A_2056, %gather3A_2057 : vector<16xf32>
      %add3A_2059 = arith.addf %add3A_2053, %mul3A_2058 : vector<16xf32>
      %broadcast_in_dim3A_2060 = arith.constant 45 : i32
      %broadcast_in_dim3A_2061 = vector.broadcast %broadcast_in_dim3A_2060 : i32 to vector<16xi32>
      %gather3A_2062 = tpu.vector_load_idx %arg12[%add3A_1787, %broadcast_in_dim3A_2061] : memref<256x128xf32, #tpu.memory_space<vmem>>[vector<16xi32>, vector<16xi32>], vector<16xf32>,
      %gather3A_2063 = tpu.vector_load_idx %arg13[%add3A_1787, %broadcast_in_dim3A_2061] : memref<256x128xf32, #tpu.memory_space<vmem>>[vector<16xi32>, vector<16xi32>], vector<16xf32>,
      %mul3A_2064 = arith.mulf %gather3A_2062, %gather3A_2063 : vector<16xf32>
      %add3A_2065 = arith.addf %add3A_2059, %mul3A_2064 : vector<16xf32>
      %broadcast_in_dim3A_2066 = arith.constant 46 : i32
      %broadcast_in_dim3A_2067 = vector.broadcast %broadcast_in_dim3A_2066 : i32 to vector<16xi32>
      %gather3A_2068 = tpu.vector_load_idx %arg12[%add3A_1787, %broadcast_in_dim3A_2067] : memref<256x128xf32, #tpu.memory_space<vmem>>[vector<16xi32>, vector<16xi32>], vector<16xf32>,
      %gather3A_2069 = tpu.vector_load_idx %arg13[%add3A_1787, %broadcast_in_dim3A_2067] : memref<256x128xf32, #tpu.memory_space<vmem>>[vector<16xi32>, vector<16xi32>], vector<16xf32>,
      %mul3A_2070 = arith.mulf %gather3A_2068, %gather3A_2069 : vector<16xf32>
      %add3A_2071 = arith.addf %add3A_2065, %mul3A_2070 : vector<16xf32>
      %broadcast_in_dim3A_2072 = arith.constant 47 : i32
      %broadcast_in_dim3A_2073 = vector.broadcast %broadcast_in_dim3A_2072 : i32 to vector<16xi32>
      %gather3A_2074 = tpu.vector_load_idx %arg12[%add3A_1787, %broadcast_in_dim3A_2073] : memref<256x128xf32, #tpu.memory_space<vmem>>[vector<16xi32>, vector<16xi32>], vector<16xf32>,
      %gather3A_2075 = tpu.vector_load_idx %arg13[%add3A_1787, %broadcast_in_dim3A_2073] : memref<256x128xf32, #tpu.memory_space<vmem>>[vector<16xi32>, vector<16xi32>], vector<16xf32>,
      %mul3A_2076 = arith.mulf %gather3A_2074, %gather3A_2075 : vector<16xf32>
      %add3A_2077 = arith.addf %add3A_2071, %mul3A_2076 : vector<16xf32>
      %broadcast_in_dim3A_2078 = arith.constant 48 : i32
      %broadcast_in_dim3A_2079 = vector.broadcast %broadcast_in_dim3A_2078 : i32 to vector<16xi32>
      %gather3A_2080 = tpu.vector_load_idx %arg12[%add3A_1787, %broadcast_in_dim3A_2079] : memref<256x128xf32, #tpu.memory_space<vmem>>[vector<16xi32>, vector<16xi32>], vector<16xf32>,
      %gather3A_2081 = tpu.vector_load_idx %arg13[%add3A_1787, %broadcast_in_dim3A_2079] : memref<256x128xf32, #tpu.memory_space<vmem>>[vector<16xi32>, vector<16xi32>], vector<16xf32>,
      %mul3A_2082 = arith.mulf %gather3A_2080, %gather3A_2081 : vector<16xf32>
      %add3A_2083 = arith.addf %add3A_2077, %mul3A_2082 : vector<16xf32>
      %broadcast_in_dim3A_2084 = arith.constant 49 : i32
      %broadcast_in_dim3A_2085 = vector.broadcast %broadcast_in_dim3A_2084 : i32 to vector<16xi32>
      %gather3A_2086 = tpu.vector_load_idx %arg12[%add3A_1787, %broadcast_in_dim3A_2085] : memref<256x128xf32, #tpu.memory_space<vmem>>[vector<16xi32>, vector<16xi32>], vector<16xf32>,
      %gather3A_2087 = tpu.vector_load_idx %arg13[%add3A_1787, %broadcast_in_dim3A_2085] : memref<256x128xf32, #tpu.memory_space<vmem>>[vector<16xi32>, vector<16xi32>], vector<16xf32>,
      %mul3A_2088 = arith.mulf %gather3A_2086, %gather3A_2087 : vector<16xf32>
      %add3A_2089 = arith.addf %add3A_2083, %mul3A_2088 : vector<16xf32>
      %broadcast_in_dim3A_2090 = arith.constant 50 : i32
      %broadcast_in_dim3A_2091 = vector.broadcast %broadcast_in_dim3A_2090 : i32 to vector<16xi32>
      %gather3A_2092 = tpu.vector_load_idx %arg12[%add3A_1787, %broadcast_in_dim3A_2091] : memref<256x128xf32, #tpu.memory_space<vmem>>[vector<16xi32>, vector<16xi32>], vector<16xf32>,
      %gather3A_2093 = tpu.vector_load_idx %arg13[%add3A_1787, %broadcast_in_dim3A_2091] : memref<256x128xf32, #tpu.memory_space<vmem>>[vector<16xi32>, vector<16xi32>], vector<16xf32>,
      %mul3A_2094 = arith.mulf %gather3A_2092, %gather3A_2093 : vector<16xf32>
      %add3A_2095 = arith.addf %add3A_2089, %mul3A_2094 : vector<16xf32>
      %broadcast_in_dim3A_2096 = arith.constant 51 : i32
      %broadcast_in_dim3A_2097 = vector.broadcast %broadcast_in_dim3A_2096 : i32 to vector<16xi32>
      %gather3A_2098 = tpu.vector_load_idx %arg12[%add3A_1787, %broadcast_in_dim3A_2097] : memref<256x128xf32, #tpu.memory_space<vmem>>[vector<16xi32>, vector<16xi32>], vector<16xf32>,
      %gather3A_2099 = tpu.vector_load_idx %arg13[%add3A_1787, %broadcast_in_dim3A_2097] : memref<256x128xf32, #tpu.memory_space<vmem>>[vector<16xi32>, vector<16xi32>], vector<16xf32>,
      %mul3A_2100 = arith.mulf %gather3A_2098, %gather3A_2099 : vector<16xf32>
      %add3A_2101 = arith.addf %add3A_2095, %mul3A_2100 : vector<16xf32>
      %broadcast_in_dim3A_2102 = arith.constant 52 : i32
      %broadcast_in_dim3A_2103 = vector.broadcast %broadcast_in_dim3A_2102 : i32 to vector<16xi32>
      %gather3A_2104 = tpu.vector_load_idx %arg12[%add3A_1787, %broadcast_in_dim3A_2103] : memref<256x128xf32, #tpu.memory_space<vmem>>[vector<16xi32>, vector<16xi32>], vector<16xf32>,
      %gather3A_2105 = tpu.vector_load_idx %arg13[%add3A_1787, %broadcast_in_dim3A_2103] : memref<256x128xf32, #tpu.memory_space<vmem>>[vector<16xi32>, vector<16xi32>], vector<16xf32>,
      %mul3A_2106 = arith.mulf %gather3A_2104, %gather3A_2105 : vector<16xf32>
      %add3A_2107 = arith.addf %add3A_2101, %mul3A_2106 : vector<16xf32>
      %broadcast_in_dim3A_2108 = arith.constant 53 : i32
      %broadcast_in_dim3A_2109 = vector.broadcast %broadcast_in_dim3A_2108 : i32 to vector<16xi32>
      %gather3A_2110 = tpu.vector_load_idx %arg12[%add3A_1787, %broadcast_in_dim3A_2109] : memref<256x128xf32, #tpu.memory_space<vmem>>[vector<16xi32>, vector<16xi32>], vector<16xf32>,
      %gather3A_2111 = tpu.vector_load_idx %arg13[%add3A_1787, %broadcast_in_dim3A_2109] : memref<256x128xf32, #tpu.memory_space<vmem>>[vector<16xi32>, vector<16xi32>], vector<16xf32>,
      %mul3A_2112 = arith.mulf %gather3A_2110, %gather3A_2111 : vector<16xf32>
      %add3A_2113 = arith.addf %add3A_2107, %mul3A_2112 : vector<16xf32>
      %broadcast_in_dim3A_2114 = arith.constant 54 : i32
      %broadcast_in_dim3A_2115 = vector.broadcast %broadcast_in_dim3A_2114 : i32 to vector<16xi32>
      %gather3A_2116 = tpu.vector_load_idx %arg12[%add3A_1787, %broadcast_in_dim3A_2115] : memref<256x128xf32, #tpu.memory_space<vmem>>[vector<16xi32>, vector<16xi32>], vector<16xf32>,
      %gather3A_2117 = tpu.vector_load_idx %arg13[%add3A_1787, %broadcast_in_dim3A_2115] : memref<256x128xf32, #tpu.memory_space<vmem>>[vector<16xi32>, vector<16xi32>], vector<16xf32>,
      %mul3A_2118 = arith.mulf %gather3A_2116, %gather3A_2117 : vector<16xf32>
      %add3A_2119 = arith.addf %add3A_2113, %mul3A_2118 : vector<16xf32>
      %broadcast_in_dim3A_2120 = arith.constant 55 : i32
      %broadcast_in_dim3A_2121 = vector.broadcast %broadcast_in_dim3A_2120 : i32 to vector<16xi32>
      %gather3A_2122 = tpu.vector_load_idx %arg12[%add3A_1787, %broadcast_in_dim3A_2121] : memref<256x128xf32, #tpu.memory_space<vmem>>[vector<16xi32>, vector<16xi32>], vector<16xf32>,
      %gather3A_2123 = tpu.vector_load_idx %arg13[%add3A_1787, %broadcast_in_dim3A_2121] : memref<256x128xf32, #tpu.memory_space<vmem>>[vector<16xi32>, vector<16xi32>], vector<16xf32>,
      %mul3A_2124 = arith.mulf %gather3A_2122, %gather3A_2123 : vector<16xf32>
      %add3A_2125 = arith.addf %add3A_2119, %mul3A_2124 : vector<16xf32>
      %broadcast_in_dim3A_2126 = arith.constant 56 : i32
      %broadcast_in_dim3A_2127 = vector.broadcast %broadcast_in_dim3A_2126 : i32 to vector<16xi32>
      %gather3A_2128 = tpu.vector_load_idx %arg12[%add3A_1787, %broadcast_in_dim3A_2127] : memref<256x128xf32, #tpu.memory_space<vmem>>[vector<16xi32>, vector<16xi32>], vector<16xf32>,
      %gather3A_2129 = tpu.vector_load_idx %arg13[%add3A_1787, %broadcast_in_dim3A_2127] : memref<256x128xf32, #tpu.memory_space<vmem>>[vector<16xi32>, vector<16xi32>], vector<16xf32>,
      %mul3A_2130 = arith.mulf %gather3A_2128, %gather3A_2129 : vector<16xf32>
      %add3A_2131 = arith.addf %add3A_2125, %mul3A_2130 : vector<16xf32>
      %broadcast_in_dim3A_2132 = arith.constant 57 : i32
      %broadcast_in_dim3A_2133 = vector.broadcast %broadcast_in_dim3A_2132 : i32 to vector<16xi32>
      %gather3A_2134 = tpu.vector_load_idx %arg12[%add3A_1787, %broadcast_in_dim3A_2133] : memref<256x128xf32, #tpu.memory_space<vmem>>[vector<16xi32>, vector<16xi32>], vector<16xf32>,
      %gather3A_2135 = tpu.vector_load_idx %arg13[%add3A_1787, %broadcast_in_dim3A_2133] : memref<256x128xf32, #tpu.memory_space<vmem>>[vector<16xi32>, vector<16xi32>], vector<16xf32>,
      %mul3A_2136 = arith.mulf %gather3A_2134, %gather3A_2135 : vector<16xf32>
      %add3A_2137 = arith.addf %add3A_2131, %mul3A_2136 : vector<16xf32>
      %broadcast_in_dim3A_2138 = arith.constant 58 : i32
      %broadcast_in_dim3A_2139 = vector.broadcast %broadcast_in_dim3A_2138 : i32 to vector<16xi32>
      %gather3A_2140 = tpu.vector_load_idx %arg12[%add3A_1787, %broadcast_in_dim3A_2139] : memref<256x128xf32, #tpu.memory_space<vmem>>[vector<16xi32>, vector<16xi32>], vector<16xf32>,
      %gather3A_2141 = tpu.vector_load_idx %arg13[%add3A_1787, %broadcast_in_dim3A_2139] : memref<256x128xf32, #tpu.memory_space<vmem>>[vector<16xi32>, vector<16xi32>], vector<16xf32>,
      %mul3A_2142 = arith.mulf %gather3A_2140, %gather3A_2141 : vector<16xf32>
      %add3A_2143 = arith.addf %add3A_2137, %mul3A_2142 : vector<16xf32>
      %broadcast_in_dim3A_2144 = arith.constant 59 : i32
      %broadcast_in_dim3A_2145 = vector.broadcast %broadcast_in_dim3A_2144 : i32 to vector<16xi32>
      %gather3A_2146 = tpu.vector_load_idx %arg12[%add3A_1787, %broadcast_in_dim3A_2145] : memref<256x128xf32, #tpu.memory_space<vmem>>[vector<16xi32>, vector<16xi32>], vector<16xf32>,
      %gather3A_2147 = tpu.vector_load_idx %arg13[%add3A_1787, %broadcast_in_dim3A_2145] : memref<256x128xf32, #tpu.memory_space<vmem>>[vector<16xi32>, vector<16xi32>], vector<16xf32>,
      %mul3A_2148 = arith.mulf %gather3A_2146, %gather3A_2147 : vector<16xf32>
      %add3A_2149 = arith.addf %add3A_2143, %mul3A_2148 : vector<16xf32>
      %broadcast_in_dim3A_2150 = arith.constant 60 : i32
      %broadcast_in_dim3A_2151 = vector.broadcast %broadcast_in_dim3A_2150 : i32 to vector<16xi32>
      %gather3A_2152 = tpu.vector_load_idx %arg12[%add3A_1787, %broadcast_in_dim3A_2151] : memref<256x128xf32, #tpu.memory_space<vmem>>[vector<16xi32>, vector<16xi32>], vector<16xf32>,
      %gather3A_2153 = tpu.vector_load_idx %arg13[%add3A_1787, %broadcast_in_dim3A_2151] : memref<256x128xf32, #tpu.memory_space<vmem>>[vector<16xi32>, vector<16xi32>], vector<16xf32>,
      %mul3A_2154 = arith.mulf %gather3A_2152, %gather3A_2153 : vector<16xf32>
      %add3A_2155 = arith.addf %add3A_2149, %mul3A_2154 : vector<16xf32>
      %broadcast_in_dim3A_2156 = arith.constant 61 : i32
      %broadcast_in_dim3A_2157 = vector.broadcast %broadcast_in_dim3A_2156 : i32 to vector<16xi32>
      %gather3A_2158 = tpu.vector_load_idx %arg12[%add3A_1787, %broadcast_in_dim3A_2157] : memref<256x128xf32, #tpu.memory_space<vmem>>[vector<16xi32>, vector<16xi32>], vector<16xf32>,
      %gather3A_2159 = tpu.vector_load_idx %arg13[%add3A_1787, %broadcast_in_dim3A_2157] : memref<256x128xf32, #tpu.memory_space<vmem>>[vector<16xi32>, vector<16xi32>], vector<16xf32>,
      %mul3A_2160 = arith.mulf %gather3A_2158, %gather3A_2159 : vector<16xf32>
      %add3A_2161 = arith.addf %add3A_2155, %mul3A_2160 : vector<16xf32>
      %broadcast_in_dim3A_2162 = arith.constant 62 : i32
      %broadcast_in_dim3A_2163 = vector.broadcast %broadcast_in_dim3A_2162 : i32 to vector<16xi32>
      %gather3A_2164 = tpu.vector_load_idx %arg12[%add3A_1787, %broadcast_in_dim3A_2163] : memref<256x128xf32, #tpu.memory_space<vmem>>[vector<16xi32>, vector<16xi32>], vector<16xf32>,
      %gather3A_2165 = tpu.vector_load_idx %arg13[%add3A_1787, %broadcast_in_dim3A_2163] : memref<256x128xf32, #tpu.memory_space<vmem>>[vector<16xi32>, vector<16xi32>], vector<16xf32>,
      %mul3A_2166 = arith.mulf %gather3A_2164, %gather3A_2165 : vector<16xf32>
      %add3A_2167 = arith.addf %add3A_2161, %mul3A_2166 : vector<16xf32>
      %broadcast_in_dim3A_2168 = arith.constant 63 : i32
      %broadcast_in_dim3A_2169 = vector.broadcast %broadcast_in_dim3A_2168 : i32 to vector<16xi32>
      %gather3A_2170 = tpu.vector_load_idx %arg12[%add3A_1787, %broadcast_in_dim3A_2169] : memref<256x128xf32, #tpu.memory_space<vmem>>[vector<16xi32>, vector<16xi32>], vector<16xf32>,
      %gather3A_2171 = tpu.vector_load_idx %arg13[%add3A_1787, %broadcast_in_dim3A_2169] : memref<256x128xf32, #tpu.memory_space<vmem>>[vector<16xi32>, vector<16xi32>], vector<16xf32>,
      %mul3A_2172 = arith.mulf %gather3A_2170, %gather3A_2171 : vector<16xf32>
      %add3A_2173 = arith.addf %add3A_2167, %mul3A_2172 : vector<16xf32>
      %get3A_2174 = arith.index_cast %add3A_1781 : i32 to index
      %get3A_2175 = tpu.vector_load %arg14[%get3A_2174] {strides = array<i32>} : memref<512xf32, #tpu.memory_space<vmem>>, vector<16xf32>,
      %add3A_2176 = arith.addf %add3A_2173, %get3A_2175 : vector<16xf32>
      %get3A_2177 = arith.index_cast %add3A_1781 : i32 to index
      %get3A_2178 = tpu.vector_load %arg15[%get3A_2177] {strides = array<i32>} : memref<512xf32, #tpu.memory_space<vmem>>, vector<16xf32>,
      %add3A_2179 = arith.addf %add3A_2176, %get3A_2178 : vector<16xf32>
      %add3A_2180 = arith.addf %add3A_2179, %get3A_48 : vector<16xf32>
      %swap3A_2181 = arith.index_cast %add3A_1781 : i32 to index
      %swap3A_2182 = tpu.vector_load %arg17[%swap3A_2181] {strides = array<i32>} : memref<512xf32, #tpu.memory_space<vmem>>, vector<16xf32>,
      tpu.vector_store %arg17[%swap3A_2181], %add3A_2180 {strides = array<i32>} : memref<512xf32, #tpu.memory_space<vmem>>, vector<16xf32>,
      %mul3A_2183 = arith.constant 128 : i32
      %mul3A_2184 = arith.muli %scan3A_135, %mul3A_2183 : i32
      %add3A_2185 = arith.constant 80 : i32
      %add3A_2186 = arith.addi %mul3A_2184, %add3A_2185 : i32
      %mul3A_2187 = arith.constant 128 : i32
      %mul3A_2188 = arith.muli %rem3A_136, %mul3A_2187 : i32
      %add3A_2189 = arith.constant 80 : i32
      %add3A_2190 = arith.addi %mul3A_2188, %add3A_2189 : i32
      %add3A_2191 = vector.broadcast %add3A_2190 : i32 to vector<16xi32>
      %add3A_2192 = arith.addi %add3A_2191, %iota3A : vector<16xi32>
      %broadcast_in_dim3A_2193 = arith.constant 0.000000e+00 : f32
      %broadcast_in_dim3A_2194 = vector.broadcast %broadcast_in_dim3A_2193 : f32 to vector<16xf32>
      %broadcast_in_dim3A_2195 = arith.constant 0 : i32
      %broadcast_in_dim3A_2196 = vector.broadcast %broadcast_in_dim3A_2195 : i32 to vector<16xi32>
      %gather3A_2197 = tpu.vector_load_idx %arg12[%add3A_2192, %broadcast_in_dim3A_2196] : memref<256x128xf32, #tpu.memory_space<vmem>>[vector<16xi32>, vector<16xi32>], vector<16xf32>,
      %gather3A_2198 = tpu.vector_load_idx %arg13[%add3A_2192, %broadcast_in_dim3A_2196] : memref<256x128xf32, #tpu.memory_space<vmem>>[vector<16xi32>, vector<16xi32>], vector<16xf32>,
      %mul3A_2199 = arith.mulf %gather3A_2197, %gather3A_2198 : vector<16xf32>
      %add3A_2200 = arith.addf %broadcast_in_dim3A_2194, %mul3A_2199 : vector<16xf32>
      %broadcast_in_dim3A_2201 = arith.constant 1 : i32
      %broadcast_in_dim3A_2202 = vector.broadcast %broadcast_in_dim3A_2201 : i32 to vector<16xi32>
      %gather3A_2203 = tpu.vector_load_idx %arg12[%add3A_2192, %broadcast_in_dim3A_2202] : memref<256x128xf32, #tpu.memory_space<vmem>>[vector<16xi32>, vector<16xi32>], vector<16xf32>,
      %gather3A_2204 = tpu.vector_load_idx %arg13[%add3A_2192, %broadcast_in_dim3A_2202] : memref<256x128xf32, #tpu.memory_space<vmem>>[vector<16xi32>, vector<16xi32>], vector<16xf32>,
      %mul3A_2205 = arith.mulf %gather3A_2203, %gather3A_2204 : vector<16xf32>
      %add3A_2206 = arith.addf %add3A_2200, %mul3A_2205 : vector<16xf32>
      %broadcast_in_dim3A_2207 = arith.constant 2 : i32
      %broadcast_in_dim3A_2208 = vector.broadcast %broadcast_in_dim3A_2207 : i32 to vector<16xi32>
      %gather3A_2209 = tpu.vector_load_idx %arg12[%add3A_2192, %broadcast_in_dim3A_2208] : memref<256x128xf32, #tpu.memory_space<vmem>>[vector<16xi32>, vector<16xi32>], vector<16xf32>,
      %gather3A_2210 = tpu.vector_load_idx %arg13[%add3A_2192, %broadcast_in_dim3A_2208] : memref<256x128xf32, #tpu.memory_space<vmem>>[vector<16xi32>, vector<16xi32>], vector<16xf32>,
      %mul3A_2211 = arith.mulf %gather3A_2209, %gather3A_2210 : vector<16xf32>
      %add3A_2212 = arith.addf %add3A_2206, %mul3A_2211 : vector<16xf32>
      %broadcast_in_dim3A_2213 = arith.constant 3 : i32
      %broadcast_in_dim3A_2214 = vector.broadcast %broadcast_in_dim3A_2213 : i32 to vector<16xi32>
      %gather3A_2215 = tpu.vector_load_idx %arg12[%add3A_2192, %broadcast_in_dim3A_2214] : memref<256x128xf32, #tpu.memory_space<vmem>>[vector<16xi32>, vector<16xi32>], vector<16xf32>,
      %gather3A_2216 = tpu.vector_load_idx %arg13[%add3A_2192, %broadcast_in_dim3A_2214] : memref<256x128xf32, #tpu.memory_space<vmem>>[vector<16xi32>, vector<16xi32>], vector<16xf32>,
      %mul3A_2217 = arith.mulf %gather3A_2215, %gather3A_2216 : vector<16xf32>
      %add3A_2218 = arith.addf %add3A_2212, %mul3A_2217 : vector<16xf32>
      %broadcast_in_dim3A_2219 = arith.constant 4 : i32
      %broadcast_in_dim3A_2220 = vector.broadcast %broadcast_in_dim3A_2219 : i32 to vector<16xi32>
      %gather3A_2221 = tpu.vector_load_idx %arg12[%add3A_2192, %broadcast_in_dim3A_2220] : memref<256x128xf32, #tpu.memory_space<vmem>>[vector<16xi32>, vector<16xi32>], vector<16xf32>,
      %gather3A_2222 = tpu.vector_load_idx %arg13[%add3A_2192, %broadcast_in_dim3A_2220] : memref<256x128xf32, #tpu.memory_space<vmem>>[vector<16xi32>, vector<16xi32>], vector<16xf32>,
      %mul3A_2223 = arith.mulf %gather3A_2221, %gather3A_2222 : vector<16xf32>
      %add3A_2224 = arith.addf %add3A_2218, %mul3A_2223 : vector<16xf32>
      %broadcast_in_dim3A_2225 = arith.constant 5 : i32
      %broadcast_in_dim3A_2226 = vector.broadcast %broadcast_in_dim3A_2225 : i32 to vector<16xi32>
      %gather3A_2227 = tpu.vector_load_idx %arg12[%add3A_2192, %broadcast_in_dim3A_2226] : memref<256x128xf32, #tpu.memory_space<vmem>>[vector<16xi32>, vector<16xi32>], vector<16xf32>,
      %gather3A_2228 = tpu.vector_load_idx %arg13[%add3A_2192, %broadcast_in_dim3A_2226] : memref<256x128xf32, #tpu.memory_space<vmem>>[vector<16xi32>, vector<16xi32>], vector<16xf32>,
      %mul3A_2229 = arith.mulf %gather3A_2227, %gather3A_2228 : vector<16xf32>
      %add3A_2230 = arith.addf %add3A_2224, %mul3A_2229 : vector<16xf32>
      %broadcast_in_dim3A_2231 = arith.constant 6 : i32
      %broadcast_in_dim3A_2232 = vector.broadcast %broadcast_in_dim3A_2231 : i32 to vector<16xi32>
      %gather3A_2233 = tpu.vector_load_idx %arg12[%add3A_2192, %broadcast_in_dim3A_2232] : memref<256x128xf32, #tpu.memory_space<vmem>>[vector<16xi32>, vector<16xi32>], vector<16xf32>,
      %gather3A_2234 = tpu.vector_load_idx %arg13[%add3A_2192, %broadcast_in_dim3A_2232] : memref<256x128xf32, #tpu.memory_space<vmem>>[vector<16xi32>, vector<16xi32>], vector<16xf32>,
      %mul3A_2235 = arith.mulf %gather3A_2233, %gather3A_2234 : vector<16xf32>
      %add3A_2236 = arith.addf %add3A_2230, %mul3A_2235 : vector<16xf32>
      %broadcast_in_dim3A_2237 = arith.constant 7 : i32
      %broadcast_in_dim3A_2238 = vector.broadcast %broadcast_in_dim3A_2237 : i32 to vector<16xi32>
      %gather3A_2239 = tpu.vector_load_idx %arg12[%add3A_2192, %broadcast_in_dim3A_2238] : memref<256x128xf32, #tpu.memory_space<vmem>>[vector<16xi32>, vector<16xi32>], vector<16xf32>,
      %gather3A_2240 = tpu.vector_load_idx %arg13[%add3A_2192, %broadcast_in_dim3A_2238] : memref<256x128xf32, #tpu.memory_space<vmem>>[vector<16xi32>, vector<16xi32>], vector<16xf32>,
      %mul3A_2241 = arith.mulf %gather3A_2239, %gather3A_2240 : vector<16xf32>
      %add3A_2242 = arith.addf %add3A_2236, %mul3A_2241 : vector<16xf32>
      %broadcast_in_dim3A_2243 = arith.constant 8 : i32
      %broadcast_in_dim3A_2244 = vector.broadcast %broadcast_in_dim3A_2243 : i32 to vector<16xi32>
      %gather3A_2245 = tpu.vector_load_idx %arg12[%add3A_2192, %broadcast_in_dim3A_2244] : memref<256x128xf32, #tpu.memory_space<vmem>>[vector<16xi32>, vector<16xi32>], vector<16xf32>,
      %gather3A_2246 = tpu.vector_load_idx %arg13[%add3A_2192, %broadcast_in_dim3A_2244] : memref<256x128xf32, #tpu.memory_space<vmem>>[vector<16xi32>, vector<16xi32>], vector<16xf32>,
      %mul3A_2247 = arith.mulf %gather3A_2245, %gather3A_2246 : vector<16xf32>
      %add3A_2248 = arith.addf %add3A_2242, %mul3A_2247 : vector<16xf32>
      %broadcast_in_dim3A_2249 = arith.constant 9 : i32
      %broadcast_in_dim3A_2250 = vector.broadcast %broadcast_in_dim3A_2249 : i32 to vector<16xi32>
      %gather3A_2251 = tpu.vector_load_idx %arg12[%add3A_2192, %broadcast_in_dim3A_2250] : memref<256x128xf32, #tpu.memory_space<vmem>>[vector<16xi32>, vector<16xi32>], vector<16xf32>,
      %gather3A_2252 = tpu.vector_load_idx %arg13[%add3A_2192, %broadcast_in_dim3A_2250] : memref<256x128xf32, #tpu.memory_space<vmem>>[vector<16xi32>, vector<16xi32>], vector<16xf32>,
      %mul3A_2253 = arith.mulf %gather3A_2251, %gather3A_2252 : vector<16xf32>
      %add3A_2254 = arith.addf %add3A_2248, %mul3A_2253 : vector<16xf32>
      %broadcast_in_dim3A_2255 = arith.constant 10 : i32
      %broadcast_in_dim3A_2256 = vector.broadcast %broadcast_in_dim3A_2255 : i32 to vector<16xi32>
      %gather3A_2257 = tpu.vector_load_idx %arg12[%add3A_2192, %broadcast_in_dim3A_2256] : memref<256x128xf32, #tpu.memory_space<vmem>>[vector<16xi32>, vector<16xi32>], vector<16xf32>,
      %gather3A_2258 = tpu.vector_load_idx %arg13[%add3A_2192, %broadcast_in_dim3A_2256] : memref<256x128xf32, #tpu.memory_space<vmem>>[vector<16xi32>, vector<16xi32>], vector<16xf32>,
      %mul3A_2259 = arith.mulf %gather3A_2257, %gather3A_2258 : vector<16xf32>
      %add3A_2260 = arith.addf %add3A_2254, %mul3A_2259 : vector<16xf32>
      %broadcast_in_dim3A_2261 = arith.constant 11 : i32
      %broadcast_in_dim3A_2262 = vector.broadcast %broadcast_in_dim3A_2261 : i32 to vector<16xi32>
      %gather3A_2263 = tpu.vector_load_idx %arg12[%add3A_2192, %broadcast_in_dim3A_2262] : memref<256x128xf32, #tpu.memory_space<vmem>>[vector<16xi32>, vector<16xi32>], vector<16xf32>,
      %gather3A_2264 = tpu.vector_load_idx %arg13[%add3A_2192, %broadcast_in_dim3A_2262] : memref<256x128xf32, #tpu.memory_space<vmem>>[vector<16xi32>, vector<16xi32>], vector<16xf32>,
      %mul3A_2265 = arith.mulf %gather3A_2263, %gather3A_2264 : vector<16xf32>
      %add3A_2266 = arith.addf %add3A_2260, %mul3A_2265 : vector<16xf32>
      %broadcast_in_dim3A_2267 = arith.constant 12 : i32
      %broadcast_in_dim3A_2268 = vector.broadcast %broadcast_in_dim3A_2267 : i32 to vector<16xi32>
      %gather3A_2269 = tpu.vector_load_idx %arg12[%add3A_2192, %broadcast_in_dim3A_2268] : memref<256x128xf32, #tpu.memory_space<vmem>>[vector<16xi32>, vector<16xi32>], vector<16xf32>,
      %gather3A_2270 = tpu.vector_load_idx %arg13[%add3A_2192, %broadcast_in_dim3A_2268] : memref<256x128xf32, #tpu.memory_space<vmem>>[vector<16xi32>, vector<16xi32>], vector<16xf32>,
      %mul3A_2271 = arith.mulf %gather3A_2269, %gather3A_2270 : vector<16xf32>
      %add3A_2272 = arith.addf %add3A_2266, %mul3A_2271 : vector<16xf32>
      %broadcast_in_dim3A_2273 = arith.constant 13 : i32
      %broadcast_in_dim3A_2274 = vector.broadcast %broadcast_in_dim3A_2273 : i32 to vector<16xi32>
      %gather3A_2275 = tpu.vector_load_idx %arg12[%add3A_2192, %broadcast_in_dim3A_2274] : memref<256x128xf32, #tpu.memory_space<vmem>>[vector<16xi32>, vector<16xi32>], vector<16xf32>,
      %gather3A_2276 = tpu.vector_load_idx %arg13[%add3A_2192, %broadcast_in_dim3A_2274] : memref<256x128xf32, #tpu.memory_space<vmem>>[vector<16xi32>, vector<16xi32>], vector<16xf32>,
      %mul3A_2277 = arith.mulf %gather3A_2275, %gather3A_2276 : vector<16xf32>
      %add3A_2278 = arith.addf %add3A_2272, %mul3A_2277 : vector<16xf32>
      %broadcast_in_dim3A_2279 = arith.constant 14 : i32
      %broadcast_in_dim3A_2280 = vector.broadcast %broadcast_in_dim3A_2279 : i32 to vector<16xi32>
      %gather3A_2281 = tpu.vector_load_idx %arg12[%add3A_2192, %broadcast_in_dim3A_2280] : memref<256x128xf32, #tpu.memory_space<vmem>>[vector<16xi32>, vector<16xi32>], vector<16xf32>,
      %gather3A_2282 = tpu.vector_load_idx %arg13[%add3A_2192, %broadcast_in_dim3A_2280] : memref<256x128xf32, #tpu.memory_space<vmem>>[vector<16xi32>, vector<16xi32>], vector<16xf32>,
      %mul3A_2283 = arith.mulf %gather3A_2281, %gather3A_2282 : vector<16xf32>
      %add3A_2284 = arith.addf %add3A_2278, %mul3A_2283 : vector<16xf32>
      %broadcast_in_dim3A_2285 = arith.constant 15 : i32
      %broadcast_in_dim3A_2286 = vector.broadcast %broadcast_in_dim3A_2285 : i32 to vector<16xi32>
      %gather3A_2287 = tpu.vector_load_idx %arg12[%add3A_2192, %broadcast_in_dim3A_2286] : memref<256x128xf32, #tpu.memory_space<vmem>>[vector<16xi32>, vector<16xi32>], vector<16xf32>,
      %gather3A_2288 = tpu.vector_load_idx %arg13[%add3A_2192, %broadcast_in_dim3A_2286] : memref<256x128xf32, #tpu.memory_space<vmem>>[vector<16xi32>, vector<16xi32>], vector<16xf32>,
      %mul3A_2289 = arith.mulf %gather3A_2287, %gather3A_2288 : vector<16xf32>
      %add3A_2290 = arith.addf %add3A_2284, %mul3A_2289 : vector<16xf32>
      %broadcast_in_dim3A_2291 = arith.constant 16 : i32
      %broadcast_in_dim3A_2292 = vector.broadcast %broadcast_in_dim3A_2291 : i32 to vector<16xi32>
      %gather3A_2293 = tpu.vector_load_idx %arg12[%add3A_2192, %broadcast_in_dim3A_2292] : memref<256x128xf32, #tpu.memory_space<vmem>>[vector<16xi32>, vector<16xi32>], vector<16xf32>,
      %gather3A_2294 = tpu.vector_load_idx %arg13[%add3A_2192, %broadcast_in_dim3A_2292] : memref<256x128xf32, #tpu.memory_space<vmem>>[vector<16xi32>, vector<16xi32>], vector<16xf32>,
      %mul3A_2295 = arith.mulf %gather3A_2293, %gather3A_2294 : vector<16xf32>
      %add3A_2296 = arith.addf %add3A_2290, %mul3A_2295 : vector<16xf32>
      %broadcast_in_dim3A_2297 = arith.constant 17 : i32
      %broadcast_in_dim3A_2298 = vector.broadcast %broadcast_in_dim3A_2297 : i32 to vector<16xi32>
      %gather3A_2299 = tpu.vector_load_idx %arg12[%add3A_2192, %broadcast_in_dim3A_2298] : memref<256x128xf32, #tpu.memory_space<vmem>>[vector<16xi32>, vector<16xi32>], vector<16xf32>,
      %gather3A_2300 = tpu.vector_load_idx %arg13[%add3A_2192, %broadcast_in_dim3A_2298] : memref<256x128xf32, #tpu.memory_space<vmem>>[vector<16xi32>, vector<16xi32>], vector<16xf32>,
      %mul3A_2301 = arith.mulf %gather3A_2299, %gather3A_2300 : vector<16xf32>
      %add3A_2302 = arith.addf %add3A_2296, %mul3A_2301 : vector<16xf32>
      %broadcast_in_dim3A_2303 = arith.constant 18 : i32
      %broadcast_in_dim3A_2304 = vector.broadcast %broadcast_in_dim3A_2303 : i32 to vector<16xi32>
      %gather3A_2305 = tpu.vector_load_idx %arg12[%add3A_2192, %broadcast_in_dim3A_2304] : memref<256x128xf32, #tpu.memory_space<vmem>>[vector<16xi32>, vector<16xi32>], vector<16xf32>,
      %gather3A_2306 = tpu.vector_load_idx %arg13[%add3A_2192, %broadcast_in_dim3A_2304] : memref<256x128xf32, #tpu.memory_space<vmem>>[vector<16xi32>, vector<16xi32>], vector<16xf32>,
      %mul3A_2307 = arith.mulf %gather3A_2305, %gather3A_2306 : vector<16xf32>
      %add3A_2308 = arith.addf %add3A_2302, %mul3A_2307 : vector<16xf32>
      %broadcast_in_dim3A_2309 = arith.constant 19 : i32
      %broadcast_in_dim3A_2310 = vector.broadcast %broadcast_in_dim3A_2309 : i32 to vector<16xi32>
      %gather3A_2311 = tpu.vector_load_idx %arg12[%add3A_2192, %broadcast_in_dim3A_2310] : memref<256x128xf32, #tpu.memory_space<vmem>>[vector<16xi32>, vector<16xi32>], vector<16xf32>,
      %gather3A_2312 = tpu.vector_load_idx %arg13[%add3A_2192, %broadcast_in_dim3A_2310] : memref<256x128xf32, #tpu.memory_space<vmem>>[vector<16xi32>, vector<16xi32>], vector<16xf32>,
      %mul3A_2313 = arith.mulf %gather3A_2311, %gather3A_2312 : vector<16xf32>
      %add3A_2314 = arith.addf %add3A_2308, %mul3A_2313 : vector<16xf32>
      %broadcast_in_dim3A_2315 = arith.constant 20 : i32
      %broadcast_in_dim3A_2316 = vector.broadcast %broadcast_in_dim3A_2315 : i32 to vector<16xi32>
      %gather3A_2317 = tpu.vector_load_idx %arg12[%add3A_2192, %broadcast_in_dim3A_2316] : memref<256x128xf32, #tpu.memory_space<vmem>>[vector<16xi32>, vector<16xi32>], vector<16xf32>,
      %gather3A_2318 = tpu.vector_load_idx %arg13[%add3A_2192, %broadcast_in_dim3A_2316] : memref<256x128xf32, #tpu.memory_space<vmem>>[vector<16xi32>, vector<16xi32>], vector<16xf32>,
      %mul3A_2319 = arith.mulf %gather3A_2317, %gather3A_2318 : vector<16xf32>
      %add3A_2320 = arith.addf %add3A_2314, %mul3A_2319 : vector<16xf32>
      %broadcast_in_dim3A_2321 = arith.constant 21 : i32
      %broadcast_in_dim3A_2322 = vector.broadcast %broadcast_in_dim3A_2321 : i32 to vector<16xi32>
      %gather3A_2323 = tpu.vector_load_idx %arg12[%add3A_2192, %broadcast_in_dim3A_2322] : memref<256x128xf32, #tpu.memory_space<vmem>>[vector<16xi32>, vector<16xi32>], vector<16xf32>,
      %gather3A_2324 = tpu.vector_load_idx %arg13[%add3A_2192, %broadcast_in_dim3A_2322] : memref<256x128xf32, #tpu.memory_space<vmem>>[vector<16xi32>, vector<16xi32>], vector<16xf32>,
      %mul3A_2325 = arith.mulf %gather3A_2323, %gather3A_2324 : vector<16xf32>
      %add3A_2326 = arith.addf %add3A_2320, %mul3A_2325 : vector<16xf32>
      %broadcast_in_dim3A_2327 = arith.constant 22 : i32
      %broadcast_in_dim3A_2328 = vector.broadcast %broadcast_in_dim3A_2327 : i32 to vector<16xi32>
      %gather3A_2329 = tpu.vector_load_idx %arg12[%add3A_2192, %broadcast_in_dim3A_2328] : memref<256x128xf32, #tpu.memory_space<vmem>>[vector<16xi32>, vector<16xi32>], vector<16xf32>,
      %gather3A_2330 = tpu.vector_load_idx %arg13[%add3A_2192, %broadcast_in_dim3A_2328] : memref<256x128xf32, #tpu.memory_space<vmem>>[vector<16xi32>, vector<16xi32>], vector<16xf32>,
      %mul3A_2331 = arith.mulf %gather3A_2329, %gather3A_2330 : vector<16xf32>
      %add3A_2332 = arith.addf %add3A_2326, %mul3A_2331 : vector<16xf32>
      %broadcast_in_dim3A_2333 = arith.constant 23 : i32
      %broadcast_in_dim3A_2334 = vector.broadcast %broadcast_in_dim3A_2333 : i32 to vector<16xi32>
      %gather3A_2335 = tpu.vector_load_idx %arg12[%add3A_2192, %broadcast_in_dim3A_2334] : memref<256x128xf32, #tpu.memory_space<vmem>>[vector<16xi32>, vector<16xi32>], vector<16xf32>,
      %gather3A_2336 = tpu.vector_load_idx %arg13[%add3A_2192, %broadcast_in_dim3A_2334] : memref<256x128xf32, #tpu.memory_space<vmem>>[vector<16xi32>, vector<16xi32>], vector<16xf32>,
      %mul3A_2337 = arith.mulf %gather3A_2335, %gather3A_2336 : vector<16xf32>
      %add3A_2338 = arith.addf %add3A_2332, %mul3A_2337 : vector<16xf32>
      %broadcast_in_dim3A_2339 = arith.constant 24 : i32
      %broadcast_in_dim3A_2340 = vector.broadcast %broadcast_in_dim3A_2339 : i32 to vector<16xi32>
      %gather3A_2341 = tpu.vector_load_idx %arg12[%add3A_2192, %broadcast_in_dim3A_2340] : memref<256x128xf32, #tpu.memory_space<vmem>>[vector<16xi32>, vector<16xi32>], vector<16xf32>,
      %gather3A_2342 = tpu.vector_load_idx %arg13[%add3A_2192, %broadcast_in_dim3A_2340] : memref<256x128xf32, #tpu.memory_space<vmem>>[vector<16xi32>, vector<16xi32>], vector<16xf32>,
      %mul3A_2343 = arith.mulf %gather3A_2341, %gather3A_2342 : vector<16xf32>
      %add3A_2344 = arith.addf %add3A_2338, %mul3A_2343 : vector<16xf32>
      %broadcast_in_dim3A_2345 = arith.constant 25 : i32
      %broadcast_in_dim3A_2346 = vector.broadcast %broadcast_in_dim3A_2345 : i32 to vector<16xi32>
      %gather3A_2347 = tpu.vector_load_idx %arg12[%add3A_2192, %broadcast_in_dim3A_2346] : memref<256x128xf32, #tpu.memory_space<vmem>>[vector<16xi32>, vector<16xi32>], vector<16xf32>,
      %gather3A_2348 = tpu.vector_load_idx %arg13[%add3A_2192, %broadcast_in_dim3A_2346] : memref<256x128xf32, #tpu.memory_space<vmem>>[vector<16xi32>, vector<16xi32>], vector<16xf32>,
      %mul3A_2349 = arith.mulf %gather3A_2347, %gather3A_2348 : vector<16xf32>
      %add3A_2350 = arith.addf %add3A_2344, %mul3A_2349 : vector<16xf32>
      %broadcast_in_dim3A_2351 = arith.constant 26 : i32
      %broadcast_in_dim3A_2352 = vector.broadcast %broadcast_in_dim3A_2351 : i32 to vector<16xi32>
      %gather3A_2353 = tpu.vector_load_idx %arg12[%add3A_2192, %broadcast_in_dim3A_2352] : memref<256x128xf32, #tpu.memory_space<vmem>>[vector<16xi32>, vector<16xi32>], vector<16xf32>,
      %gather3A_2354 = tpu.vector_load_idx %arg13[%add3A_2192, %broadcast_in_dim3A_2352] : memref<256x128xf32, #tpu.memory_space<vmem>>[vector<16xi32>, vector<16xi32>], vector<16xf32>,
      %mul3A_2355 = arith.mulf %gather3A_2353, %gather3A_2354 : vector<16xf32>
      %add3A_2356 = arith.addf %add3A_2350, %mul3A_2355 : vector<16xf32>
      %broadcast_in_dim3A_2357 = arith.constant 27 : i32
      %broadcast_in_dim3A_2358 = vector.broadcast %broadcast_in_dim3A_2357 : i32 to vector<16xi32>
      %gather3A_2359 = tpu.vector_load_idx %arg12[%add3A_2192, %broadcast_in_dim3A_2358] : memref<256x128xf32, #tpu.memory_space<vmem>>[vector<16xi32>, vector<16xi32>], vector<16xf32>,
      %gather3A_2360 = tpu.vector_load_idx %arg13[%add3A_2192, %broadcast_in_dim3A_2358] : memref<256x128xf32, #tpu.memory_space<vmem>>[vector<16xi32>, vector<16xi32>], vector<16xf32>,
      %mul3A_2361 = arith.mulf %gather3A_2359, %gather3A_2360 : vector<16xf32>
      %add3A_2362 = arith.addf %add3A_2356, %mul3A_2361 : vector<16xf32>
      %broadcast_in_dim3A_2363 = arith.constant 28 : i32
      %broadcast_in_dim3A_2364 = vector.broadcast %broadcast_in_dim3A_2363 : i32 to vector<16xi32>
      %gather3A_2365 = tpu.vector_load_idx %arg12[%add3A_2192, %broadcast_in_dim3A_2364] : memref<256x128xf32, #tpu.memory_space<vmem>>[vector<16xi32>, vector<16xi32>], vector<16xf32>,
      %gather3A_2366 = tpu.vector_load_idx %arg13[%add3A_2192, %broadcast_in_dim3A_2364] : memref<256x128xf32, #tpu.memory_space<vmem>>[vector<16xi32>, vector<16xi32>], vector<16xf32>,
      %mul3A_2367 = arith.mulf %gather3A_2365, %gather3A_2366 : vector<16xf32>
      %add3A_2368 = arith.addf %add3A_2362, %mul3A_2367 : vector<16xf32>
      %broadcast_in_dim3A_2369 = arith.constant 29 : i32
      %broadcast_in_dim3A_2370 = vector.broadcast %broadcast_in_dim3A_2369 : i32 to vector<16xi32>
      %gather3A_2371 = tpu.vector_load_idx %arg12[%add3A_2192, %broadcast_in_dim3A_2370] : memref<256x128xf32, #tpu.memory_space<vmem>>[vector<16xi32>, vector<16xi32>], vector<16xf32>,
      %gather3A_2372 = tpu.vector_load_idx %arg13[%add3A_2192, %broadcast_in_dim3A_2370] : memref<256x128xf32, #tpu.memory_space<vmem>>[vector<16xi32>, vector<16xi32>], vector<16xf32>,
      %mul3A_2373 = arith.mulf %gather3A_2371, %gather3A_2372 : vector<16xf32>
      %add3A_2374 = arith.addf %add3A_2368, %mul3A_2373 : vector<16xf32>
      %broadcast_in_dim3A_2375 = arith.constant 30 : i32
      %broadcast_in_dim3A_2376 = vector.broadcast %broadcast_in_dim3A_2375 : i32 to vector<16xi32>
      %gather3A_2377 = tpu.vector_load_idx %arg12[%add3A_2192, %broadcast_in_dim3A_2376] : memref<256x128xf32, #tpu.memory_space<vmem>>[vector<16xi32>, vector<16xi32>], vector<16xf32>,
      %gather3A_2378 = tpu.vector_load_idx %arg13[%add3A_2192, %broadcast_in_dim3A_2376] : memref<256x128xf32, #tpu.memory_space<vmem>>[vector<16xi32>, vector<16xi32>], vector<16xf32>,
      %mul3A_2379 = arith.mulf %gather3A_2377, %gather3A_2378 : vector<16xf32>
      %add3A_2380 = arith.addf %add3A_2374, %mul3A_2379 : vector<16xf32>
      %broadcast_in_dim3A_2381 = arith.constant 31 : i32
      %broadcast_in_dim3A_2382 = vector.broadcast %broadcast_in_dim3A_2381 : i32 to vector<16xi32>
      %gather3A_2383 = tpu.vector_load_idx %arg12[%add3A_2192, %broadcast_in_dim3A_2382] : memref<256x128xf32, #tpu.memory_space<vmem>>[vector<16xi32>, vector<16xi32>], vector<16xf32>,
      %gather3A_2384 = tpu.vector_load_idx %arg13[%add3A_2192, %broadcast_in_dim3A_2382] : memref<256x128xf32, #tpu.memory_space<vmem>>[vector<16xi32>, vector<16xi32>], vector<16xf32>,
      %mul3A_2385 = arith.mulf %gather3A_2383, %gather3A_2384 : vector<16xf32>
      %add3A_2386 = arith.addf %add3A_2380, %mul3A_2385 : vector<16xf32>
      %broadcast_in_dim3A_2387 = arith.constant 32 : i32
      %broadcast_in_dim3A_2388 = vector.broadcast %broadcast_in_dim3A_2387 : i32 to vector<16xi32>
      %gather3A_2389 = tpu.vector_load_idx %arg12[%add3A_2192, %broadcast_in_dim3A_2388] : memref<256x128xf32, #tpu.memory_space<vmem>>[vector<16xi32>, vector<16xi32>], vector<16xf32>,
      %gather3A_2390 = tpu.vector_load_idx %arg13[%add3A_2192, %broadcast_in_dim3A_2388] : memref<256x128xf32, #tpu.memory_space<vmem>>[vector<16xi32>, vector<16xi32>], vector<16xf32>,
      %mul3A_2391 = arith.mulf %gather3A_2389, %gather3A_2390 : vector<16xf32>
      %add3A_2392 = arith.addf %add3A_2386, %mul3A_2391 : vector<16xf32>
      %broadcast_in_dim3A_2393 = arith.constant 33 : i32
      %broadcast_in_dim3A_2394 = vector.broadcast %broadcast_in_dim3A_2393 : i32 to vector<16xi32>
      %gather3A_2395 = tpu.vector_load_idx %arg12[%add3A_2192, %broadcast_in_dim3A_2394] : memref<256x128xf32, #tpu.memory_space<vmem>>[vector<16xi32>, vector<16xi32>], vector<16xf32>,
      %gather3A_2396 = tpu.vector_load_idx %arg13[%add3A_2192, %broadcast_in_dim3A_2394] : memref<256x128xf32, #tpu.memory_space<vmem>>[vector<16xi32>, vector<16xi32>], vector<16xf32>,
      %mul3A_2397 = arith.mulf %gather3A_2395, %gather3A_2396 : vector<16xf32>
      %add3A_2398 = arith.addf %add3A_2392, %mul3A_2397 : vector<16xf32>
      %broadcast_in_dim3A_2399 = arith.constant 34 : i32
      %broadcast_in_dim3A_2400 = vector.broadcast %broadcast_in_dim3A_2399 : i32 to vector<16xi32>
      %gather3A_2401 = tpu.vector_load_idx %arg12[%add3A_2192, %broadcast_in_dim3A_2400] : memref<256x128xf32, #tpu.memory_space<vmem>>[vector<16xi32>, vector<16xi32>], vector<16xf32>,
      %gather3A_2402 = tpu.vector_load_idx %arg13[%add3A_2192, %broadcast_in_dim3A_2400] : memref<256x128xf32, #tpu.memory_space<vmem>>[vector<16xi32>, vector<16xi32>], vector<16xf32>,
      %mul3A_2403 = arith.mulf %gather3A_2401, %gather3A_2402 : vector<16xf32>
      %add3A_2404 = arith.addf %add3A_2398, %mul3A_2403 : vector<16xf32>
      %broadcast_in_dim3A_2405 = arith.constant 35 : i32
      %broadcast_in_dim3A_2406 = vector.broadcast %broadcast_in_dim3A_2405 : i32 to vector<16xi32>
      %gather3A_2407 = tpu.vector_load_idx %arg12[%add3A_2192, %broadcast_in_dim3A_2406] : memref<256x128xf32, #tpu.memory_space<vmem>>[vector<16xi32>, vector<16xi32>], vector<16xf32>,
      %gather3A_2408 = tpu.vector_load_idx %arg13[%add3A_2192, %broadcast_in_dim3A_2406] : memref<256x128xf32, #tpu.memory_space<vmem>>[vector<16xi32>, vector<16xi32>], vector<16xf32>,
      %mul3A_2409 = arith.mulf %gather3A_2407, %gather3A_2408 : vector<16xf32>
      %add3A_2410 = arith.addf %add3A_2404, %mul3A_2409 : vector<16xf32>
      %broadcast_in_dim3A_2411 = arith.constant 36 : i32
      %broadcast_in_dim3A_2412 = vector.broadcast %broadcast_in_dim3A_2411 : i32 to vector<16xi32>
      %gather3A_2413 = tpu.vector_load_idx %arg12[%add3A_2192, %broadcast_in_dim3A_2412] : memref<256x128xf32, #tpu.memory_space<vmem>>[vector<16xi32>, vector<16xi32>], vector<16xf32>,
      %gather3A_2414 = tpu.vector_load_idx %arg13[%add3A_2192, %broadcast_in_dim3A_2412] : memref<256x128xf32, #tpu.memory_space<vmem>>[vector<16xi32>, vector<16xi32>], vector<16xf32>,
      %mul3A_2415 = arith.mulf %gather3A_2413, %gather3A_2414 : vector<16xf32>
      %add3A_2416 = arith.addf %add3A_2410, %mul3A_2415 : vector<16xf32>
      %broadcast_in_dim3A_2417 = arith.constant 37 : i32
      %broadcast_in_dim3A_2418 = vector.broadcast %broadcast_in_dim3A_2417 : i32 to vector<16xi32>
      %gather3A_2419 = tpu.vector_load_idx %arg12[%add3A_2192, %broadcast_in_dim3A_2418] : memref<256x128xf32, #tpu.memory_space<vmem>>[vector<16xi32>, vector<16xi32>], vector<16xf32>,
      %gather3A_2420 = tpu.vector_load_idx %arg13[%add3A_2192, %broadcast_in_dim3A_2418] : memref<256x128xf32, #tpu.memory_space<vmem>>[vector<16xi32>, vector<16xi32>], vector<16xf32>,
      %mul3A_2421 = arith.mulf %gather3A_2419, %gather3A_2420 : vector<16xf32>
      %add3A_2422 = arith.addf %add3A_2416, %mul3A_2421 : vector<16xf32>
      %broadcast_in_dim3A_2423 = arith.constant 38 : i32
      %broadcast_in_dim3A_2424 = vector.broadcast %broadcast_in_dim3A_2423 : i32 to vector<16xi32>
      %gather3A_2425 = tpu.vector_load_idx %arg12[%add3A_2192, %broadcast_in_dim3A_2424] : memref<256x128xf32, #tpu.memory_space<vmem>>[vector<16xi32>, vector<16xi32>], vector<16xf32>,
      %gather3A_2426 = tpu.vector_load_idx %arg13[%add3A_2192, %broadcast_in_dim3A_2424] : memref<256x128xf32, #tpu.memory_space<vmem>>[vector<16xi32>, vector<16xi32>], vector<16xf32>,
      %mul3A_2427 = arith.mulf %gather3A_2425, %gather3A_2426 : vector<16xf32>
      %add3A_2428 = arith.addf %add3A_2422, %mul3A_2427 : vector<16xf32>
      %broadcast_in_dim3A_2429 = arith.constant 39 : i32
      %broadcast_in_dim3A_2430 = vector.broadcast %broadcast_in_dim3A_2429 : i32 to vector<16xi32>
      %gather3A_2431 = tpu.vector_load_idx %arg12[%add3A_2192, %broadcast_in_dim3A_2430] : memref<256x128xf32, #tpu.memory_space<vmem>>[vector<16xi32>, vector<16xi32>], vector<16xf32>,
      %gather3A_2432 = tpu.vector_load_idx %arg13[%add3A_2192, %broadcast_in_dim3A_2430] : memref<256x128xf32, #tpu.memory_space<vmem>>[vector<16xi32>, vector<16xi32>], vector<16xf32>,
      %mul3A_2433 = arith.mulf %gather3A_2431, %gather3A_2432 : vector<16xf32>
      %add3A_2434 = arith.addf %add3A_2428, %mul3A_2433 : vector<16xf32>
      %broadcast_in_dim3A_2435 = arith.constant 40 : i32
      %broadcast_in_dim3A_2436 = vector.broadcast %broadcast_in_dim3A_2435 : i32 to vector<16xi32>
      %gather3A_2437 = tpu.vector_load_idx %arg12[%add3A_2192, %broadcast_in_dim3A_2436] : memref<256x128xf32, #tpu.memory_space<vmem>>[vector<16xi32>, vector<16xi32>], vector<16xf32>,
      %gather3A_2438 = tpu.vector_load_idx %arg13[%add3A_2192, %broadcast_in_dim3A_2436] : memref<256x128xf32, #tpu.memory_space<vmem>>[vector<16xi32>, vector<16xi32>], vector<16xf32>,
      %mul3A_2439 = arith.mulf %gather3A_2437, %gather3A_2438 : vector<16xf32>
      %add3A_2440 = arith.addf %add3A_2434, %mul3A_2439 : vector<16xf32>
      %broadcast_in_dim3A_2441 = arith.constant 41 : i32
      %broadcast_in_dim3A_2442 = vector.broadcast %broadcast_in_dim3A_2441 : i32 to vector<16xi32>
      %gather3A_2443 = tpu.vector_load_idx %arg12[%add3A_2192, %broadcast_in_dim3A_2442] : memref<256x128xf32, #tpu.memory_space<vmem>>[vector<16xi32>, vector<16xi32>], vector<16xf32>,
      %gather3A_2444 = tpu.vector_load_idx %arg13[%add3A_2192, %broadcast_in_dim3A_2442] : memref<256x128xf32, #tpu.memory_space<vmem>>[vector<16xi32>, vector<16xi32>], vector<16xf32>,
      %mul3A_2445 = arith.mulf %gather3A_2443, %gather3A_2444 : vector<16xf32>
      %add3A_2446 = arith.addf %add3A_2440, %mul3A_2445 : vector<16xf32>
      %broadcast_in_dim3A_2447 = arith.constant 42 : i32
      %broadcast_in_dim3A_2448 = vector.broadcast %broadcast_in_dim3A_2447 : i32 to vector<16xi32>
      %gather3A_2449 = tpu.vector_load_idx %arg12[%add3A_2192, %broadcast_in_dim3A_2448] : memref<256x128xf32, #tpu.memory_space<vmem>>[vector<16xi32>, vector<16xi32>], vector<16xf32>,
      %gather3A_2450 = tpu.vector_load_idx %arg13[%add3A_2192, %broadcast_in_dim3A_2448] : memref<256x128xf32, #tpu.memory_space<vmem>>[vector<16xi32>, vector<16xi32>], vector<16xf32>,
      %mul3A_2451 = arith.mulf %gather3A_2449, %gather3A_2450 : vector<16xf32>
      %add3A_2452 = arith.addf %add3A_2446, %mul3A_2451 : vector<16xf32>
      %broadcast_in_dim3A_2453 = arith.constant 43 : i32
      %broadcast_in_dim3A_2454 = vector.broadcast %broadcast_in_dim3A_2453 : i32 to vector<16xi32>
      %gather3A_2455 = tpu.vector_load_idx %arg12[%add3A_2192, %broadcast_in_dim3A_2454] : memref<256x128xf32, #tpu.memory_space<vmem>>[vector<16xi32>, vector<16xi32>], vector<16xf32>,
      %gather3A_2456 = tpu.vector_load_idx %arg13[%add3A_2192, %broadcast_in_dim3A_2454] : memref<256x128xf32, #tpu.memory_space<vmem>>[vector<16xi32>, vector<16xi32>], vector<16xf32>,
      %mul3A_2457 = arith.mulf %gather3A_2455, %gather3A_2456 : vector<16xf32>
      %add3A_2458 = arith.addf %add3A_2452, %mul3A_2457 : vector<16xf32>
      %broadcast_in_dim3A_2459 = arith.constant 44 : i32
      %broadcast_in_dim3A_2460 = vector.broadcast %broadcast_in_dim3A_2459 : i32 to vector<16xi32>
      %gather3A_2461 = tpu.vector_load_idx %arg12[%add3A_2192, %broadcast_in_dim3A_2460] : memref<256x128xf32, #tpu.memory_space<vmem>>[vector<16xi32>, vector<16xi32>], vector<16xf32>,
      %gather3A_2462 = tpu.vector_load_idx %arg13[%add3A_2192, %broadcast_in_dim3A_2460] : memref<256x128xf32, #tpu.memory_space<vmem>>[vector<16xi32>, vector<16xi32>], vector<16xf32>,
      %mul3A_2463 = arith.mulf %gather3A_2461, %gather3A_2462 : vector<16xf32>
      %add3A_2464 = arith.addf %add3A_2458, %mul3A_2463 : vector<16xf32>
      %broadcast_in_dim3A_2465 = arith.constant 45 : i32
      %broadcast_in_dim3A_2466 = vector.broadcast %broadcast_in_dim3A_2465 : i32 to vector<16xi32>
      %gather3A_2467 = tpu.vector_load_idx %arg12[%add3A_2192, %broadcast_in_dim3A_2466] : memref<256x128xf32, #tpu.memory_space<vmem>>[vector<16xi32>, vector<16xi32>], vector<16xf32>,
      %gather3A_2468 = tpu.vector_load_idx %arg13[%add3A_2192, %broadcast_in_dim3A_2466] : memref<256x128xf32, #tpu.memory_space<vmem>>[vector<16xi32>, vector<16xi32>], vector<16xf32>,
      %mul3A_2469 = arith.mulf %gather3A_2467, %gather3A_2468 : vector<16xf32>
      %add3A_2470 = arith.addf %add3A_2464, %mul3A_2469 : vector<16xf32>
      %broadcast_in_dim3A_2471 = arith.constant 46 : i32
      %broadcast_in_dim3A_2472 = vector.broadcast %broadcast_in_dim3A_2471 : i32 to vector<16xi32>
      %gather3A_2473 = tpu.vector_load_idx %arg12[%add3A_2192, %broadcast_in_dim3A_2472] : memref<256x128xf32, #tpu.memory_space<vmem>>[vector<16xi32>, vector<16xi32>], vector<16xf32>,
      %gather3A_2474 = tpu.vector_load_idx %arg13[%add3A_2192, %broadcast_in_dim3A_2472] : memref<256x128xf32, #tpu.memory_space<vmem>>[vector<16xi32>, vector<16xi32>], vector<16xf32>,
      %mul3A_2475 = arith.mulf %gather3A_2473, %gather3A_2474 : vector<16xf32>
      %add3A_2476 = arith.addf %add3A_2470, %mul3A_2475 : vector<16xf32>
      %broadcast_in_dim3A_2477 = arith.constant 47 : i32
      %broadcast_in_dim3A_2478 = vector.broadcast %broadcast_in_dim3A_2477 : i32 to vector<16xi32>
      %gather3A_2479 = tpu.vector_load_idx %arg12[%add3A_2192, %broadcast_in_dim3A_2478] : memref<256x128xf32, #tpu.memory_space<vmem>>[vector<16xi32>, vector<16xi32>], vector<16xf32>,
      %gather3A_2480 = tpu.vector_load_idx %arg13[%add3A_2192, %broadcast_in_dim3A_2478] : memref<256x128xf32, #tpu.memory_space<vmem>>[vector<16xi32>, vector<16xi32>], vector<16xf32>,
      %mul3A_2481 = arith.mulf %gather3A_2479, %gather3A_2480 : vector<16xf32>
      %add3A_2482 = arith.addf %add3A_2476, %mul3A_2481 : vector<16xf32>
      %broadcast_in_dim3A_2483 = arith.constant 48 : i32
      %broadcast_in_dim3A_2484 = vector.broadcast %broadcast_in_dim3A_2483 : i32 to vector<16xi32>
      %gather3A_2485 = tpu.vector_load_idx %arg12[%add3A_2192, %broadcast_in_dim3A_2484] : memref<256x128xf32, #tpu.memory_space<vmem>>[vector<16xi32>, vector<16xi32>], vector<16xf32>,
      %gather3A_2486 = tpu.vector_load_idx %arg13[%add3A_2192, %broadcast_in_dim3A_2484] : memref<256x128xf32, #tpu.memory_space<vmem>>[vector<16xi32>, vector<16xi32>], vector<16xf32>,
      %mul3A_2487 = arith.mulf %gather3A_2485, %gather3A_2486 : vector<16xf32>
      %add3A_2488 = arith.addf %add3A_2482, %mul3A_2487 : vector<16xf32>
      %broadcast_in_dim3A_2489 = arith.constant 49 : i32
      %broadcast_in_dim3A_2490 = vector.broadcast %broadcast_in_dim3A_2489 : i32 to vector<16xi32>
      %gather3A_2491 = tpu.vector_load_idx %arg12[%add3A_2192, %broadcast_in_dim3A_2490] : memref<256x128xf32, #tpu.memory_space<vmem>>[vector<16xi32>, vector<16xi32>], vector<16xf32>,
      %gather3A_2492 = tpu.vector_load_idx %arg13[%add3A_2192, %broadcast_in_dim3A_2490] : memref<256x128xf32, #tpu.memory_space<vmem>>[vector<16xi32>, vector<16xi32>], vector<16xf32>,
      %mul3A_2493 = arith.mulf %gather3A_2491, %gather3A_2492 : vector<16xf32>
      %add3A_2494 = arith.addf %add3A_2488, %mul3A_2493 : vector<16xf32>
      %broadcast_in_dim3A_2495 = arith.constant 50 : i32
      %broadcast_in_dim3A_2496 = vector.broadcast %broadcast_in_dim3A_2495 : i32 to vector<16xi32>
      %gather3A_2497 = tpu.vector_load_idx %arg12[%add3A_2192, %broadcast_in_dim3A_2496] : memref<256x128xf32, #tpu.memory_space<vmem>>[vector<16xi32>, vector<16xi32>], vector<16xf32>,
      %gather3A_2498 = tpu.vector_load_idx %arg13[%add3A_2192, %broadcast_in_dim3A_2496] : memref<256x128xf32, #tpu.memory_space<vmem>>[vector<16xi32>, vector<16xi32>], vector<16xf32>,
      %mul3A_2499 = arith.mulf %gather3A_2497, %gather3A_2498 : vector<16xf32>
      %add3A_2500 = arith.addf %add3A_2494, %mul3A_2499 : vector<16xf32>
      %broadcast_in_dim3A_2501 = arith.constant 51 : i32
      %broadcast_in_dim3A_2502 = vector.broadcast %broadcast_in_dim3A_2501 : i32 to vector<16xi32>
      %gather3A_2503 = tpu.vector_load_idx %arg12[%add3A_2192, %broadcast_in_dim3A_2502] : memref<256x128xf32, #tpu.memory_space<vmem>>[vector<16xi32>, vector<16xi32>], vector<16xf32>,
      %gather3A_2504 = tpu.vector_load_idx %arg13[%add3A_2192, %broadcast_in_dim3A_2502] : memref<256x128xf32, #tpu.memory_space<vmem>>[vector<16xi32>, vector<16xi32>], vector<16xf32>,
      %mul3A_2505 = arith.mulf %gather3A_2503, %gather3A_2504 : vector<16xf32>
      %add3A_2506 = arith.addf %add3A_2500, %mul3A_2505 : vector<16xf32>
      %broadcast_in_dim3A_2507 = arith.constant 52 : i32
      %broadcast_in_dim3A_2508 = vector.broadcast %broadcast_in_dim3A_2507 : i32 to vector<16xi32>
      %gather3A_2509 = tpu.vector_load_idx %arg12[%add3A_2192, %broadcast_in_dim3A_2508] : memref<256x128xf32, #tpu.memory_space<vmem>>[vector<16xi32>, vector<16xi32>], vector<16xf32>,
      %gather3A_2510 = tpu.vector_load_idx %arg13[%add3A_2192, %broadcast_in_dim3A_2508] : memref<256x128xf32, #tpu.memory_space<vmem>>[vector<16xi32>, vector<16xi32>], vector<16xf32>,
      %mul3A_2511 = arith.mulf %gather3A_2509, %gather3A_2510 : vector<16xf32>
      %add3A_2512 = arith.addf %add3A_2506, %mul3A_2511 : vector<16xf32>
      %broadcast_in_dim3A_2513 = arith.constant 53 : i32
      %broadcast_in_dim3A_2514 = vector.broadcast %broadcast_in_dim3A_2513 : i32 to vector<16xi32>
      %gather3A_2515 = tpu.vector_load_idx %arg12[%add3A_2192, %broadcast_in_dim3A_2514] : memref<256x128xf32, #tpu.memory_space<vmem>>[vector<16xi32>, vector<16xi32>], vector<16xf32>,
      %gather3A_2516 = tpu.vector_load_idx %arg13[%add3A_2192, %broadcast_in_dim3A_2514] : memref<256x128xf32, #tpu.memory_space<vmem>>[vector<16xi32>, vector<16xi32>], vector<16xf32>,
      %mul3A_2517 = arith.mulf %gather3A_2515, %gather3A_2516 : vector<16xf32>
      %add3A_2518 = arith.addf %add3A_2512, %mul3A_2517 : vector<16xf32>
      %broadcast_in_dim3A_2519 = arith.constant 54 : i32
      %broadcast_in_dim3A_2520 = vector.broadcast %broadcast_in_dim3A_2519 : i32 to vector<16xi32>
      %gather3A_2521 = tpu.vector_load_idx %arg12[%add3A_2192, %broadcast_in_dim3A_2520] : memref<256x128xf32, #tpu.memory_space<vmem>>[vector<16xi32>, vector<16xi32>], vector<16xf32>,
      %gather3A_2522 = tpu.vector_load_idx %arg13[%add3A_2192, %broadcast_in_dim3A_2520] : memref<256x128xf32, #tpu.memory_space<vmem>>[vector<16xi32>, vector<16xi32>], vector<16xf32>,
      %mul3A_2523 = arith.mulf %gather3A_2521, %gather3A_2522 : vector<16xf32>
      %add3A_2524 = arith.addf %add3A_2518, %mul3A_2523 : vector<16xf32>
      %broadcast_in_dim3A_2525 = arith.constant 55 : i32
      %broadcast_in_dim3A_2526 = vector.broadcast %broadcast_in_dim3A_2525 : i32 to vector<16xi32>
      %gather3A_2527 = tpu.vector_load_idx %arg12[%add3A_2192, %broadcast_in_dim3A_2526] : memref<256x128xf32, #tpu.memory_space<vmem>>[vector<16xi32>, vector<16xi32>], vector<16xf32>,
      %gather3A_2528 = tpu.vector_load_idx %arg13[%add3A_2192, %broadcast_in_dim3A_2526] : memref<256x128xf32, #tpu.memory_space<vmem>>[vector<16xi32>, vector<16xi32>], vector<16xf32>,
      %mul3A_2529 = arith.mulf %gather3A_2527, %gather3A_2528 : vector<16xf32>
      %add3A_2530 = arith.addf %add3A_2524, %mul3A_2529 : vector<16xf32>
      %broadcast_in_dim3A_2531 = arith.constant 56 : i32
      %broadcast_in_dim3A_2532 = vector.broadcast %broadcast_in_dim3A_2531 : i32 to vector<16xi32>
      %gather3A_2533 = tpu.vector_load_idx %arg12[%add3A_2192, %broadcast_in_dim3A_2532] : memref<256x128xf32, #tpu.memory_space<vmem>>[vector<16xi32>, vector<16xi32>], vector<16xf32>,
      %gather3A_2534 = tpu.vector_load_idx %arg13[%add3A_2192, %broadcast_in_dim3A_2532] : memref<256x128xf32, #tpu.memory_space<vmem>>[vector<16xi32>, vector<16xi32>], vector<16xf32>,
      %mul3A_2535 = arith.mulf %gather3A_2533, %gather3A_2534 : vector<16xf32>
      %add3A_2536 = arith.addf %add3A_2530, %mul3A_2535 : vector<16xf32>
      %broadcast_in_dim3A_2537 = arith.constant 57 : i32
      %broadcast_in_dim3A_2538 = vector.broadcast %broadcast_in_dim3A_2537 : i32 to vector<16xi32>
      %gather3A_2539 = tpu.vector_load_idx %arg12[%add3A_2192, %broadcast_in_dim3A_2538] : memref<256x128xf32, #tpu.memory_space<vmem>>[vector<16xi32>, vector<16xi32>], vector<16xf32>,
      %gather3A_2540 = tpu.vector_load_idx %arg13[%add3A_2192, %broadcast_in_dim3A_2538] : memref<256x128xf32, #tpu.memory_space<vmem>>[vector<16xi32>, vector<16xi32>], vector<16xf32>,
      %mul3A_2541 = arith.mulf %gather3A_2539, %gather3A_2540 : vector<16xf32>
      %add3A_2542 = arith.addf %add3A_2536, %mul3A_2541 : vector<16xf32>
      %broadcast_in_dim3A_2543 = arith.constant 58 : i32
      %broadcast_in_dim3A_2544 = vector.broadcast %broadcast_in_dim3A_2543 : i32 to vector<16xi32>
      %gather3A_2545 = tpu.vector_load_idx %arg12[%add3A_2192, %broadcast_in_dim3A_2544] : memref<256x128xf32, #tpu.memory_space<vmem>>[vector<16xi32>, vector<16xi32>], vector<16xf32>,
      %gather3A_2546 = tpu.vector_load_idx %arg13[%add3A_2192, %broadcast_in_dim3A_2544] : memref<256x128xf32, #tpu.memory_space<vmem>>[vector<16xi32>, vector<16xi32>], vector<16xf32>,
      %mul3A_2547 = arith.mulf %gather3A_2545, %gather3A_2546 : vector<16xf32>
      %add3A_2548 = arith.addf %add3A_2542, %mul3A_2547 : vector<16xf32>
      %broadcast_in_dim3A_2549 = arith.constant 59 : i32
      %broadcast_in_dim3A_2550 = vector.broadcast %broadcast_in_dim3A_2549 : i32 to vector<16xi32>
      %gather3A_2551 = tpu.vector_load_idx %arg12[%add3A_2192, %broadcast_in_dim3A_2550] : memref<256x128xf32, #tpu.memory_space<vmem>>[vector<16xi32>, vector<16xi32>], vector<16xf32>,
      %gather3A_2552 = tpu.vector_load_idx %arg13[%add3A_2192, %broadcast_in_dim3A_2550] : memref<256x128xf32, #tpu.memory_space<vmem>>[vector<16xi32>, vector<16xi32>], vector<16xf32>,
      %mul3A_2553 = arith.mulf %gather3A_2551, %gather3A_2552 : vector<16xf32>
      %add3A_2554 = arith.addf %add3A_2548, %mul3A_2553 : vector<16xf32>
      %broadcast_in_dim3A_2555 = arith.constant 60 : i32
      %broadcast_in_dim3A_2556 = vector.broadcast %broadcast_in_dim3A_2555 : i32 to vector<16xi32>
      %gather3A_2557 = tpu.vector_load_idx %arg12[%add3A_2192, %broadcast_in_dim3A_2556] : memref<256x128xf32, #tpu.memory_space<vmem>>[vector<16xi32>, vector<16xi32>], vector<16xf32>,
      %gather3A_2558 = tpu.vector_load_idx %arg13[%add3A_2192, %broadcast_in_dim3A_2556] : memref<256x128xf32, #tpu.memory_space<vmem>>[vector<16xi32>, vector<16xi32>], vector<16xf32>,
      %mul3A_2559 = arith.mulf %gather3A_2557, %gather3A_2558 : vector<16xf32>
      %add3A_2560 = arith.addf %add3A_2554, %mul3A_2559 : vector<16xf32>
      %broadcast_in_dim3A_2561 = arith.constant 61 : i32
      %broadcast_in_dim3A_2562 = vector.broadcast %broadcast_in_dim3A_2561 : i32 to vector<16xi32>
      %gather3A_2563 = tpu.vector_load_idx %arg12[%add3A_2192, %broadcast_in_dim3A_2562] : memref<256x128xf32, #tpu.memory_space<vmem>>[vector<16xi32>, vector<16xi32>], vector<16xf32>,
      %gather3A_2564 = tpu.vector_load_idx %arg13[%add3A_2192, %broadcast_in_dim3A_2562] : memref<256x128xf32, #tpu.memory_space<vmem>>[vector<16xi32>, vector<16xi32>], vector<16xf32>,
      %mul3A_2565 = arith.mulf %gather3A_2563, %gather3A_2564 : vector<16xf32>
      %add3A_2566 = arith.addf %add3A_2560, %mul3A_2565 : vector<16xf32>
      %broadcast_in_dim3A_2567 = arith.constant 62 : i32
      %broadcast_in_dim3A_2568 = vector.broadcast %broadcast_in_dim3A_2567 : i32 to vector<16xi32>
      %gather3A_2569 = tpu.vector_load_idx %arg12[%add3A_2192, %broadcast_in_dim3A_2568] : memref<256x128xf32, #tpu.memory_space<vmem>>[vector<16xi32>, vector<16xi32>], vector<16xf32>,
      %gather3A_2570 = tpu.vector_load_idx %arg13[%add3A_2192, %broadcast_in_dim3A_2568] : memref<256x128xf32, #tpu.memory_space<vmem>>[vector<16xi32>, vector<16xi32>], vector<16xf32>,
      %mul3A_2571 = arith.mulf %gather3A_2569, %gather3A_2570 : vector<16xf32>
      %add3A_2572 = arith.addf %add3A_2566, %mul3A_2571 : vector<16xf32>
      %broadcast_in_dim3A_2573 = arith.constant 63 : i32
      %broadcast_in_dim3A_2574 = vector.broadcast %broadcast_in_dim3A_2573 : i32 to vector<16xi32>
      %gather3A_2575 = tpu.vector_load_idx %arg12[%add3A_2192, %broadcast_in_dim3A_2574] : memref<256x128xf32, #tpu.memory_space<vmem>>[vector<16xi32>, vector<16xi32>], vector<16xf32>,
      %gather3A_2576 = tpu.vector_load_idx %arg13[%add3A_2192, %broadcast_in_dim3A_2574] : memref<256x128xf32, #tpu.memory_space<vmem>>[vector<16xi32>, vector<16xi32>], vector<16xf32>,
      %mul3A_2577 = arith.mulf %gather3A_2575, %gather3A_2576 : vector<16xf32>
      %add3A_2578 = arith.addf %add3A_2572, %mul3A_2577 : vector<16xf32>
      %get3A_2579 = arith.index_cast %add3A_2186 : i32 to index
      %get3A_2580 = tpu.vector_load %arg14[%get3A_2579] {strides = array<i32>} : memref<512xf32, #tpu.memory_space<vmem>>, vector<16xf32>,
      %add3A_2581 = arith.addf %add3A_2578, %get3A_2580 : vector<16xf32>
      %get3A_2582 = arith.index_cast %add3A_2186 : i32 to index
      %get3A_2583 = tpu.vector_load %arg15[%get3A_2582] {strides = array<i32>} : memref<512xf32, #tpu.memory_space<vmem>>, vector<16xf32>,
      %add3A_2584 = arith.addf %add3A_2581, %get3A_2583 : vector<16xf32>
      %add3A_2585 = arith.addf %add3A_2584, %get3A_48 : vector<16xf32>
      %swap3A_2586 = arith.index_cast %add3A_2186 : i32 to index
      %swap3A_2587 = tpu.vector_load %arg17[%swap3A_2586] {strides = array<i32>} : memref<512xf32, #tpu.memory_space<vmem>>, vector<16xf32>,
      tpu.vector_store %arg17[%swap3A_2586], %add3A_2585 {strides = array<i32>} : memref<512xf32, #tpu.memory_space<vmem>>, vector<16xf32>,
      %mul3A_2588 = arith.constant 128 : i32
      %mul3A_2589 = arith.muli %scan3A_135, %mul3A_2588 : i32
      %add3A_2590 = arith.constant 96 : i32
      %add3A_2591 = arith.addi %mul3A_2589, %add3A_2590 : i32
      %mul3A_2592 = arith.constant 128 : i32
      %mul3A_2593 = arith.muli %rem3A_136, %mul3A_2592 : i32
      %add3A_2594 = arith.constant 96 : i32
      %add3A_2595 = arith.addi %mul3A_2593, %add3A_2594 : i32
      %add3A_2596 = vector.broadcast %add3A_2595 : i32 to vector<16xi32>
      %add3A_2597 = arith.addi %add3A_2596, %iota3A : vector<16xi32>
      %broadcast_in_dim3A_2598 = arith.constant 0.000000e+00 : f32
      %broadcast_in_dim3A_2599 = vector.broadcast %broadcast_in_dim3A_2598 : f32 to vector<16xf32>
      %broadcast_in_dim3A_2600 = arith.constant 0 : i32
      %broadcast_in_dim3A_2601 = vector.broadcast %broadcast_in_dim3A_2600 : i32 to vector<16xi32>
      %gather3A_2602 = tpu.vector_load_idx %arg12[%add3A_2597, %broadcast_in_dim3A_2601] : memref<256x128xf32, #tpu.memory_space<vmem>>[vector<16xi32>, vector<16xi32>], vector<16xf32>,
      %gather3A_2603 = tpu.vector_load_idx %arg13[%add3A_2597, %broadcast_in_dim3A_2601] : memref<256x128xf32, #tpu.memory_space<vmem>>[vector<16xi32>, vector<16xi32>], vector<16xf32>,
      %mul3A_2604 = arith.mulf %gather3A_2602, %gather3A_2603 : vector<16xf32>
      %add3A_2605 = arith.addf %broadcast_in_dim3A_2599, %mul3A_2604 : vector<16xf32>
      %broadcast_in_dim3A_2606 = arith.constant 1 : i32
      %broadcast_in_dim3A_2607 = vector.broadcast %broadcast_in_dim3A_2606 : i32 to vector<16xi32>
      %gather3A_2608 = tpu.vector_load_idx %arg12[%add3A_2597, %broadcast_in_dim3A_2607] : memref<256x128xf32, #tpu.memory_space<vmem>>[vector<16xi32>, vector<16xi32>], vector<16xf32>,
      %gather3A_2609 = tpu.vector_load_idx %arg13[%add3A_2597, %broadcast_in_dim3A_2607] : memref<256x128xf32, #tpu.memory_space<vmem>>[vector<16xi32>, vector<16xi32>], vector<16xf32>,
      %mul3A_2610 = arith.mulf %gather3A_2608, %gather3A_2609 : vector<16xf32>
      %add3A_2611 = arith.addf %add3A_2605, %mul3A_2610 : vector<16xf32>
      %broadcast_in_dim3A_2612 = arith.constant 2 : i32
      %broadcast_in_dim3A_2613 = vector.broadcast %broadcast_in_dim3A_2612 : i32 to vector<16xi32>
      %gather3A_2614 = tpu.vector_load_idx %arg12[%add3A_2597, %broadcast_in_dim3A_2613] : memref<256x128xf32, #tpu.memory_space<vmem>>[vector<16xi32>, vector<16xi32>], vector<16xf32>,
      %gather3A_2615 = tpu.vector_load_idx %arg13[%add3A_2597, %broadcast_in_dim3A_2613] : memref<256x128xf32, #tpu.memory_space<vmem>>[vector<16xi32>, vector<16xi32>], vector<16xf32>,
      %mul3A_2616 = arith.mulf %gather3A_2614, %gather3A_2615 : vector<16xf32>
      %add3A_2617 = arith.addf %add3A_2611, %mul3A_2616 : vector<16xf32>
      %broadcast_in_dim3A_2618 = arith.constant 3 : i32
      %broadcast_in_dim3A_2619 = vector.broadcast %broadcast_in_dim3A_2618 : i32 to vector<16xi32>
      %gather3A_2620 = tpu.vector_load_idx %arg12[%add3A_2597, %broadcast_in_dim3A_2619] : memref<256x128xf32, #tpu.memory_space<vmem>>[vector<16xi32>, vector<16xi32>], vector<16xf32>,
      %gather3A_2621 = tpu.vector_load_idx %arg13[%add3A_2597, %broadcast_in_dim3A_2619] : memref<256x128xf32, #tpu.memory_space<vmem>>[vector<16xi32>, vector<16xi32>], vector<16xf32>,
      %mul3A_2622 = arith.mulf %gather3A_2620, %gather3A_2621 : vector<16xf32>
      %add3A_2623 = arith.addf %add3A_2617, %mul3A_2622 : vector<16xf32>
      %broadcast_in_dim3A_2624 = arith.constant 4 : i32
      %broadcast_in_dim3A_2625 = vector.broadcast %broadcast_in_dim3A_2624 : i32 to vector<16xi32>
      %gather3A_2626 = tpu.vector_load_idx %arg12[%add3A_2597, %broadcast_in_dim3A_2625] : memref<256x128xf32, #tpu.memory_space<vmem>>[vector<16xi32>, vector<16xi32>], vector<16xf32>,
      %gather3A_2627 = tpu.vector_load_idx %arg13[%add3A_2597, %broadcast_in_dim3A_2625] : memref<256x128xf32, #tpu.memory_space<vmem>>[vector<16xi32>, vector<16xi32>], vector<16xf32>,
      %mul3A_2628 = arith.mulf %gather3A_2626, %gather3A_2627 : vector<16xf32>
      %add3A_2629 = arith.addf %add3A_2623, %mul3A_2628 : vector<16xf32>
      %broadcast_in_dim3A_2630 = arith.constant 5 : i32
      %broadcast_in_dim3A_2631 = vector.broadcast %broadcast_in_dim3A_2630 : i32 to vector<16xi32>
      %gather3A_2632 = tpu.vector_load_idx %arg12[%add3A_2597, %broadcast_in_dim3A_2631] : memref<256x128xf32, #tpu.memory_space<vmem>>[vector<16xi32>, vector<16xi32>], vector<16xf32>,
      %gather3A_2633 = tpu.vector_load_idx %arg13[%add3A_2597, %broadcast_in_dim3A_2631] : memref<256x128xf32, #tpu.memory_space<vmem>>[vector<16xi32>, vector<16xi32>], vector<16xf32>,
      %mul3A_2634 = arith.mulf %gather3A_2632, %gather3A_2633 : vector<16xf32>
      %add3A_2635 = arith.addf %add3A_2629, %mul3A_2634 : vector<16xf32>
      %broadcast_in_dim3A_2636 = arith.constant 6 : i32
      %broadcast_in_dim3A_2637 = vector.broadcast %broadcast_in_dim3A_2636 : i32 to vector<16xi32>
      %gather3A_2638 = tpu.vector_load_idx %arg12[%add3A_2597, %broadcast_in_dim3A_2637] : memref<256x128xf32, #tpu.memory_space<vmem>>[vector<16xi32>, vector<16xi32>], vector<16xf32>,
      %gather3A_2639 = tpu.vector_load_idx %arg13[%add3A_2597, %broadcast_in_dim3A_2637] : memref<256x128xf32, #tpu.memory_space<vmem>>[vector<16xi32>, vector<16xi32>], vector<16xf32>,
      %mul3A_2640 = arith.mulf %gather3A_2638, %gather3A_2639 : vector<16xf32>
      %add3A_2641 = arith.addf %add3A_2635, %mul3A_2640 : vector<16xf32>
      %broadcast_in_dim3A_2642 = arith.constant 7 : i32
      %broadcast_in_dim3A_2643 = vector.broadcast %broadcast_in_dim3A_2642 : i32 to vector<16xi32>
      %gather3A_2644 = tpu.vector_load_idx %arg12[%add3A_2597, %broadcast_in_dim3A_2643] : memref<256x128xf32, #tpu.memory_space<vmem>>[vector<16xi32>, vector<16xi32>], vector<16xf32>,
      %gather3A_2645 = tpu.vector_load_idx %arg13[%add3A_2597, %broadcast_in_dim3A_2643] : memref<256x128xf32, #tpu.memory_space<vmem>>[vector<16xi32>, vector<16xi32>], vector<16xf32>,
      %mul3A_2646 = arith.mulf %gather3A_2644, %gather3A_2645 : vector<16xf32>
      %add3A_2647 = arith.addf %add3A_2641, %mul3A_2646 : vector<16xf32>
      %broadcast_in_dim3A_2648 = arith.constant 8 : i32
      %broadcast_in_dim3A_2649 = vector.broadcast %broadcast_in_dim3A_2648 : i32 to vector<16xi32>
      %gather3A_2650 = tpu.vector_load_idx %arg12[%add3A_2597, %broadcast_in_dim3A_2649] : memref<256x128xf32, #tpu.memory_space<vmem>>[vector<16xi32>, vector<16xi32>], vector<16xf32>,
      %gather3A_2651 = tpu.vector_load_idx %arg13[%add3A_2597, %broadcast_in_dim3A_2649] : memref<256x128xf32, #tpu.memory_space<vmem>>[vector<16xi32>, vector<16xi32>], vector<16xf32>,
      %mul3A_2652 = arith.mulf %gather3A_2650, %gather3A_2651 : vector<16xf32>
      %add3A_2653 = arith.addf %add3A_2647, %mul3A_2652 : vector<16xf32>
      %broadcast_in_dim3A_2654 = arith.constant 9 : i32
      %broadcast_in_dim3A_2655 = vector.broadcast %broadcast_in_dim3A_2654 : i32 to vector<16xi32>
      %gather3A_2656 = tpu.vector_load_idx %arg12[%add3A_2597, %broadcast_in_dim3A_2655] : memref<256x128xf32, #tpu.memory_space<vmem>>[vector<16xi32>, vector<16xi32>], vector<16xf32>,
      %gather3A_2657 = tpu.vector_load_idx %arg13[%add3A_2597, %broadcast_in_dim3A_2655] : memref<256x128xf32, #tpu.memory_space<vmem>>[vector<16xi32>, vector<16xi32>], vector<16xf32>,
      %mul3A_2658 = arith.mulf %gather3A_2656, %gather3A_2657 : vector<16xf32>
      %add3A_2659 = arith.addf %add3A_2653, %mul3A_2658 : vector<16xf32>
      %broadcast_in_dim3A_2660 = arith.constant 10 : i32
      %broadcast_in_dim3A_2661 = vector.broadcast %broadcast_in_dim3A_2660 : i32 to vector<16xi32>
      %gather3A_2662 = tpu.vector_load_idx %arg12[%add3A_2597, %broadcast_in_dim3A_2661] : memref<256x128xf32, #tpu.memory_space<vmem>>[vector<16xi32>, vector<16xi32>], vector<16xf32>,
      %gather3A_2663 = tpu.vector_load_idx %arg13[%add3A_2597, %broadcast_in_dim3A_2661] : memref<256x128xf32, #tpu.memory_space<vmem>>[vector<16xi32>, vector<16xi32>], vector<16xf32>,
      %mul3A_2664 = arith.mulf %gather3A_2662, %gather3A_2663 : vector<16xf32>
      %add3A_2665 = arith.addf %add3A_2659, %mul3A_2664 : vector<16xf32>
      %broadcast_in_dim3A_2666 = arith.constant 11 : i32
      %broadcast_in_dim3A_2667 = vector.broadcast %broadcast_in_dim3A_2666 : i32 to vector<16xi32>
      %gather3A_2668 = tpu.vector_load_idx %arg12[%add3A_2597, %broadcast_in_dim3A_2667] : memref<256x128xf32, #tpu.memory_space<vmem>>[vector<16xi32>, vector<16xi32>], vector<16xf32>,
      %gather3A_2669 = tpu.vector_load_idx %arg13[%add3A_2597, %broadcast_in_dim3A_2667] : memref<256x128xf32, #tpu.memory_space<vmem>>[vector<16xi32>, vector<16xi32>], vector<16xf32>,
      %mul3A_2670 = arith.mulf %gather3A_2668, %gather3A_2669 : vector<16xf32>
      %add3A_2671 = arith.addf %add3A_2665, %mul3A_2670 : vector<16xf32>
      %broadcast_in_dim3A_2672 = arith.constant 12 : i32
      %broadcast_in_dim3A_2673 = vector.broadcast %broadcast_in_dim3A_2672 : i32 to vector<16xi32>
      %gather3A_2674 = tpu.vector_load_idx %arg12[%add3A_2597, %broadcast_in_dim3A_2673] : memref<256x128xf32, #tpu.memory_space<vmem>>[vector<16xi32>, vector<16xi32>], vector<16xf32>,
      %gather3A_2675 = tpu.vector_load_idx %arg13[%add3A_2597, %broadcast_in_dim3A_2673] : memref<256x128xf32, #tpu.memory_space<vmem>>[vector<16xi32>, vector<16xi32>], vector<16xf32>,
      %mul3A_2676 = arith.mulf %gather3A_2674, %gather3A_2675 : vector<16xf32>
      %add3A_2677 = arith.addf %add3A_2671, %mul3A_2676 : vector<16xf32>
      %broadcast_in_dim3A_2678 = arith.constant 13 : i32
      %broadcast_in_dim3A_2679 = vector.broadcast %broadcast_in_dim3A_2678 : i32 to vector<16xi32>
      %gather3A_2680 = tpu.vector_load_idx %arg12[%add3A_2597, %broadcast_in_dim3A_2679] : memref<256x128xf32, #tpu.memory_space<vmem>>[vector<16xi32>, vector<16xi32>], vector<16xf32>,
      %gather3A_2681 = tpu.vector_load_idx %arg13[%add3A_2597, %broadcast_in_dim3A_2679] : memref<256x128xf32, #tpu.memory_space<vmem>>[vector<16xi32>, vector<16xi32>], vector<16xf32>,
      %mul3A_2682 = arith.mulf %gather3A_2680, %gather3A_2681 : vector<16xf32>
      %add3A_2683 = arith.addf %add3A_2677, %mul3A_2682 : vector<16xf32>
      %broadcast_in_dim3A_2684 = arith.constant 14 : i32
      %broadcast_in_dim3A_2685 = vector.broadcast %broadcast_in_dim3A_2684 : i32 to vector<16xi32>
      %gather3A_2686 = tpu.vector_load_idx %arg12[%add3A_2597, %broadcast_in_dim3A_2685] : memref<256x128xf32, #tpu.memory_space<vmem>>[vector<16xi32>, vector<16xi32>], vector<16xf32>,
      %gather3A_2687 = tpu.vector_load_idx %arg13[%add3A_2597, %broadcast_in_dim3A_2685] : memref<256x128xf32, #tpu.memory_space<vmem>>[vector<16xi32>, vector<16xi32>], vector<16xf32>,
      %mul3A_2688 = arith.mulf %gather3A_2686, %gather3A_2687 : vector<16xf32>
      %add3A_2689 = arith.addf %add3A_2683, %mul3A_2688 : vector<16xf32>
      %broadcast_in_dim3A_2690 = arith.constant 15 : i32
      %broadcast_in_dim3A_2691 = vector.broadcast %broadcast_in_dim3A_2690 : i32 to vector<16xi32>
      %gather3A_2692 = tpu.vector_load_idx %arg12[%add3A_2597, %broadcast_in_dim3A_2691] : memref<256x128xf32, #tpu.memory_space<vmem>>[vector<16xi32>, vector<16xi32>], vector<16xf32>,
      %gather3A_2693 = tpu.vector_load_idx %arg13[%add3A_2597, %broadcast_in_dim3A_2691] : memref<256x128xf32, #tpu.memory_space<vmem>>[vector<16xi32>, vector<16xi32>], vector<16xf32>,
      %mul3A_2694 = arith.mulf %gather3A_2692, %gather3A_2693 : vector<16xf32>
      %add3A_2695 = arith.addf %add3A_2689, %mul3A_2694 : vector<16xf32>
      %broadcast_in_dim3A_2696 = arith.constant 16 : i32
      %broadcast_in_dim3A_2697 = vector.broadcast %broadcast_in_dim3A_2696 : i32 to vector<16xi32>
      %gather3A_2698 = tpu.vector_load_idx %arg12[%add3A_2597, %broadcast_in_dim3A_2697] : memref<256x128xf32, #tpu.memory_space<vmem>>[vector<16xi32>, vector<16xi32>], vector<16xf32>,
      %gather3A_2699 = tpu.vector_load_idx %arg13[%add3A_2597, %broadcast_in_dim3A_2697] : memref<256x128xf32, #tpu.memory_space<vmem>>[vector<16xi32>, vector<16xi32>], vector<16xf32>,
      %mul3A_2700 = arith.mulf %gather3A_2698, %gather3A_2699 : vector<16xf32>
      %add3A_2701 = arith.addf %add3A_2695, %mul3A_2700 : vector<16xf32>
      %broadcast_in_dim3A_2702 = arith.constant 17 : i32
      %broadcast_in_dim3A_2703 = vector.broadcast %broadcast_in_dim3A_2702 : i32 to vector<16xi32>
      %gather3A_2704 = tpu.vector_load_idx %arg12[%add3A_2597, %broadcast_in_dim3A_2703] : memref<256x128xf32, #tpu.memory_space<vmem>>[vector<16xi32>, vector<16xi32>], vector<16xf32>,
      %gather3A_2705 = tpu.vector_load_idx %arg13[%add3A_2597, %broadcast_in_dim3A_2703] : memref<256x128xf32, #tpu.memory_space<vmem>>[vector<16xi32>, vector<16xi32>], vector<16xf32>,
      %mul3A_2706 = arith.mulf %gather3A_2704, %gather3A_2705 : vector<16xf32>
      %add3A_2707 = arith.addf %add3A_2701, %mul3A_2706 : vector<16xf32>
      %broadcast_in_dim3A_2708 = arith.constant 18 : i32
      %broadcast_in_dim3A_2709 = vector.broadcast %broadcast_in_dim3A_2708 : i32 to vector<16xi32>
      %gather3A_2710 = tpu.vector_load_idx %arg12[%add3A_2597, %broadcast_in_dim3A_2709] : memref<256x128xf32, #tpu.memory_space<vmem>>[vector<16xi32>, vector<16xi32>], vector<16xf32>,
      %gather3A_2711 = tpu.vector_load_idx %arg13[%add3A_2597, %broadcast_in_dim3A_2709] : memref<256x128xf32, #tpu.memory_space<vmem>>[vector<16xi32>, vector<16xi32>], vector<16xf32>,
      %mul3A_2712 = arith.mulf %gather3A_2710, %gather3A_2711 : vector<16xf32>
      %add3A_2713 = arith.addf %add3A_2707, %mul3A_2712 : vector<16xf32>
      %broadcast_in_dim3A_2714 = arith.constant 19 : i32
      %broadcast_in_dim3A_2715 = vector.broadcast %broadcast_in_dim3A_2714 : i32 to vector<16xi32>
      %gather3A_2716 = tpu.vector_load_idx %arg12[%add3A_2597, %broadcast_in_dim3A_2715] : memref<256x128xf32, #tpu.memory_space<vmem>>[vector<16xi32>, vector<16xi32>], vector<16xf32>,
      %gather3A_2717 = tpu.vector_load_idx %arg13[%add3A_2597, %broadcast_in_dim3A_2715] : memref<256x128xf32, #tpu.memory_space<vmem>>[vector<16xi32>, vector<16xi32>], vector<16xf32>,
      %mul3A_2718 = arith.mulf %gather3A_2716, %gather3A_2717 : vector<16xf32>
      %add3A_2719 = arith.addf %add3A_2713, %mul3A_2718 : vector<16xf32>
      %broadcast_in_dim3A_2720 = arith.constant 20 : i32
      %broadcast_in_dim3A_2721 = vector.broadcast %broadcast_in_dim3A_2720 : i32 to vector<16xi32>
      %gather3A_2722 = tpu.vector_load_idx %arg12[%add3A_2597, %broadcast_in_dim3A_2721] : memref<256x128xf32, #tpu.memory_space<vmem>>[vector<16xi32>, vector<16xi32>], vector<16xf32>,
      %gather3A_2723 = tpu.vector_load_idx %arg13[%add3A_2597, %broadcast_in_dim3A_2721] : memref<256x128xf32, #tpu.memory_space<vmem>>[vector<16xi32>, vector<16xi32>], vector<16xf32>,
      %mul3A_2724 = arith.mulf %gather3A_2722, %gather3A_2723 : vector<16xf32>
      %add3A_2725 = arith.addf %add3A_2719, %mul3A_2724 : vector<16xf32>
      %broadcast_in_dim3A_2726 = arith.constant 21 : i32
      %broadcast_in_dim3A_2727 = vector.broadcast %broadcast_in_dim3A_2726 : i32 to vector<16xi32>
      %gather3A_2728 = tpu.vector_load_idx %arg12[%add3A_2597, %broadcast_in_dim3A_2727] : memref<256x128xf32, #tpu.memory_space<vmem>>[vector<16xi32>, vector<16xi32>], vector<16xf32>,
      %gather3A_2729 = tpu.vector_load_idx %arg13[%add3A_2597, %broadcast_in_dim3A_2727] : memref<256x128xf32, #tpu.memory_space<vmem>>[vector<16xi32>, vector<16xi32>], vector<16xf32>,
      %mul3A_2730 = arith.mulf %gather3A_2728, %gather3A_2729 : vector<16xf32>
      %add3A_2731 = arith.addf %add3A_2725, %mul3A_2730 : vector<16xf32>
      %broadcast_in_dim3A_2732 = arith.constant 22 : i32
      %broadcast_in_dim3A_2733 = vector.broadcast %broadcast_in_dim3A_2732 : i32 to vector<16xi32>
      %gather3A_2734 = tpu.vector_load_idx %arg12[%add3A_2597, %broadcast_in_dim3A_2733] : memref<256x128xf32, #tpu.memory_space<vmem>>[vector<16xi32>, vector<16xi32>], vector<16xf32>,
      %gather3A_2735 = tpu.vector_load_idx %arg13[%add3A_2597, %broadcast_in_dim3A_2733] : memref<256x128xf32, #tpu.memory_space<vmem>>[vector<16xi32>, vector<16xi32>], vector<16xf32>,
      %mul3A_2736 = arith.mulf %gather3A_2734, %gather3A_2735 : vector<16xf32>
      %add3A_2737 = arith.addf %add3A_2731, %mul3A_2736 : vector<16xf32>
      %broadcast_in_dim3A_2738 = arith.constant 23 : i32
      %broadcast_in_dim3A_2739 = vector.broadcast %broadcast_in_dim3A_2738 : i32 to vector<16xi32>
      %gather3A_2740 = tpu.vector_load_idx %arg12[%add3A_2597, %broadcast_in_dim3A_2739] : memref<256x128xf32, #tpu.memory_space<vmem>>[vector<16xi32>, vector<16xi32>], vector<16xf32>,
      %gather3A_2741 = tpu.vector_load_idx %arg13[%add3A_2597, %broadcast_in_dim3A_2739] : memref<256x128xf32, #tpu.memory_space<vmem>>[vector<16xi32>, vector<16xi32>], vector<16xf32>,
      %mul3A_2742 = arith.mulf %gather3A_2740, %gather3A_2741 : vector<16xf32>
      %add3A_2743 = arith.addf %add3A_2737, %mul3A_2742 : vector<16xf32>
      %broadcast_in_dim3A_2744 = arith.constant 24 : i32
      %broadcast_in_dim3A_2745 = vector.broadcast %broadcast_in_dim3A_2744 : i32 to vector<16xi32>
      %gather3A_2746 = tpu.vector_load_idx %arg12[%add3A_2597, %broadcast_in_dim3A_2745] : memref<256x128xf32, #tpu.memory_space<vmem>>[vector<16xi32>, vector<16xi32>], vector<16xf32>,
      %gather3A_2747 = tpu.vector_load_idx %arg13[%add3A_2597, %broadcast_in_dim3A_2745] : memref<256x128xf32, #tpu.memory_space<vmem>>[vector<16xi32>, vector<16xi32>], vector<16xf32>,
      %mul3A_2748 = arith.mulf %gather3A_2746, %gather3A_2747 : vector<16xf32>
      %add3A_2749 = arith.addf %add3A_2743, %mul3A_2748 : vector<16xf32>
      %broadcast_in_dim3A_2750 = arith.constant 25 : i32
      %broadcast_in_dim3A_2751 = vector.broadcast %broadcast_in_dim3A_2750 : i32 to vector<16xi32>
      %gather3A_2752 = tpu.vector_load_idx %arg12[%add3A_2597, %broadcast_in_dim3A_2751] : memref<256x128xf32, #tpu.memory_space<vmem>>[vector<16xi32>, vector<16xi32>], vector<16xf32>,
      %gather3A_2753 = tpu.vector_load_idx %arg13[%add3A_2597, %broadcast_in_dim3A_2751] : memref<256x128xf32, #tpu.memory_space<vmem>>[vector<16xi32>, vector<16xi32>], vector<16xf32>,
      %mul3A_2754 = arith.mulf %gather3A_2752, %gather3A_2753 : vector<16xf32>
      %add3A_2755 = arith.addf %add3A_2749, %mul3A_2754 : vector<16xf32>
      %broadcast_in_dim3A_2756 = arith.constant 26 : i32
      %broadcast_in_dim3A_2757 = vector.broadcast %broadcast_in_dim3A_2756 : i32 to vector<16xi32>
      %gather3A_2758 = tpu.vector_load_idx %arg12[%add3A_2597, %broadcast_in_dim3A_2757] : memref<256x128xf32, #tpu.memory_space<vmem>>[vector<16xi32>, vector<16xi32>], vector<16xf32>,
      %gather3A_2759 = tpu.vector_load_idx %arg13[%add3A_2597, %broadcast_in_dim3A_2757] : memref<256x128xf32, #tpu.memory_space<vmem>>[vector<16xi32>, vector<16xi32>], vector<16xf32>,
      %mul3A_2760 = arith.mulf %gather3A_2758, %gather3A_2759 : vector<16xf32>
      %add3A_2761 = arith.addf %add3A_2755, %mul3A_2760 : vector<16xf32>
      %broadcast_in_dim3A_2762 = arith.constant 27 : i32
      %broadcast_in_dim3A_2763 = vector.broadcast %broadcast_in_dim3A_2762 : i32 to vector<16xi32>
      %gather3A_2764 = tpu.vector_load_idx %arg12[%add3A_2597, %broadcast_in_dim3A_2763] : memref<256x128xf32, #tpu.memory_space<vmem>>[vector<16xi32>, vector<16xi32>], vector<16xf32>,
      %gather3A_2765 = tpu.vector_load_idx %arg13[%add3A_2597, %broadcast_in_dim3A_2763] : memref<256x128xf32, #tpu.memory_space<vmem>>[vector<16xi32>, vector<16xi32>], vector<16xf32>,
      %mul3A_2766 = arith.mulf %gather3A_2764, %gather3A_2765 : vector<16xf32>
      %add3A_2767 = arith.addf %add3A_2761, %mul3A_2766 : vector<16xf32>
      %broadcast_in_dim3A_2768 = arith.constant 28 : i32
      %broadcast_in_dim3A_2769 = vector.broadcast %broadcast_in_dim3A_2768 : i32 to vector<16xi32>
      %gather3A_2770 = tpu.vector_load_idx %arg12[%add3A_2597, %broadcast_in_dim3A_2769] : memref<256x128xf32, #tpu.memory_space<vmem>>[vector<16xi32>, vector<16xi32>], vector<16xf32>,
      %gather3A_2771 = tpu.vector_load_idx %arg13[%add3A_2597, %broadcast_in_dim3A_2769] : memref<256x128xf32, #tpu.memory_space<vmem>>[vector<16xi32>, vector<16xi32>], vector<16xf32>,
      %mul3A_2772 = arith.mulf %gather3A_2770, %gather3A_2771 : vector<16xf32>
      %add3A_2773 = arith.addf %add3A_2767, %mul3A_2772 : vector<16xf32>
      %broadcast_in_dim3A_2774 = arith.constant 29 : i32
      %broadcast_in_dim3A_2775 = vector.broadcast %broadcast_in_dim3A_2774 : i32 to vector<16xi32>
      %gather3A_2776 = tpu.vector_load_idx %arg12[%add3A_2597, %broadcast_in_dim3A_2775] : memref<256x128xf32, #tpu.memory_space<vmem>>[vector<16xi32>, vector<16xi32>], vector<16xf32>,
      %gather3A_2777 = tpu.vector_load_idx %arg13[%add3A_2597, %broadcast_in_dim3A_2775] : memref<256x128xf32, #tpu.memory_space<vmem>>[vector<16xi32>, vector<16xi32>], vector<16xf32>,
      %mul3A_2778 = arith.mulf %gather3A_2776, %gather3A_2777 : vector<16xf32>
      %add3A_2779 = arith.addf %add3A_2773, %mul3A_2778 : vector<16xf32>
      %broadcast_in_dim3A_2780 = arith.constant 30 : i32
      %broadcast_in_dim3A_2781 = vector.broadcast %broadcast_in_dim3A_2780 : i32 to vector<16xi32>
      %gather3A_2782 = tpu.vector_load_idx %arg12[%add3A_2597, %broadcast_in_dim3A_2781] : memref<256x128xf32, #tpu.memory_space<vmem>>[vector<16xi32>, vector<16xi32>], vector<16xf32>,
      %gather3A_2783 = tpu.vector_load_idx %arg13[%add3A_2597, %broadcast_in_dim3A_2781] : memref<256x128xf32, #tpu.memory_space<vmem>>[vector<16xi32>, vector<16xi32>], vector<16xf32>,
      %mul3A_2784 = arith.mulf %gather3A_2782, %gather3A_2783 : vector<16xf32>
      %add3A_2785 = arith.addf %add3A_2779, %mul3A_2784 : vector<16xf32>
      %broadcast_in_dim3A_2786 = arith.constant 31 : i32
      %broadcast_in_dim3A_2787 = vector.broadcast %broadcast_in_dim3A_2786 : i32 to vector<16xi32>
      %gather3A_2788 = tpu.vector_load_idx %arg12[%add3A_2597, %broadcast_in_dim3A_2787] : memref<256x128xf32, #tpu.memory_space<vmem>>[vector<16xi32>, vector<16xi32>], vector<16xf32>,
      %gather3A_2789 = tpu.vector_load_idx %arg13[%add3A_2597, %broadcast_in_dim3A_2787] : memref<256x128xf32, #tpu.memory_space<vmem>>[vector<16xi32>, vector<16xi32>], vector<16xf32>,
      %mul3A_2790 = arith.mulf %gather3A_2788, %gather3A_2789 : vector<16xf32>
      %add3A_2791 = arith.addf %add3A_2785, %mul3A_2790 : vector<16xf32>
      %broadcast_in_dim3A_2792 = arith.constant 32 : i32
      %broadcast_in_dim3A_2793 = vector.broadcast %broadcast_in_dim3A_2792 : i32 to vector<16xi32>
      %gather3A_2794 = tpu.vector_load_idx %arg12[%add3A_2597, %broadcast_in_dim3A_2793] : memref<256x128xf32, #tpu.memory_space<vmem>>[vector<16xi32>, vector<16xi32>], vector<16xf32>,
      %gather3A_2795 = tpu.vector_load_idx %arg13[%add3A_2597, %broadcast_in_dim3A_2793] : memref<256x128xf32, #tpu.memory_space<vmem>>[vector<16xi32>, vector<16xi32>], vector<16xf32>,
      %mul3A_2796 = arith.mulf %gather3A_2794, %gather3A_2795 : vector<16xf32>
      %add3A_2797 = arith.addf %add3A_2791, %mul3A_2796 : vector<16xf32>
      %broadcast_in_dim3A_2798 = arith.constant 33 : i32
      %broadcast_in_dim3A_2799 = vector.broadcast %broadcast_in_dim3A_2798 : i32 to vector<16xi32>
      %gather3A_2800 = tpu.vector_load_idx %arg12[%add3A_2597, %broadcast_in_dim3A_2799] : memref<256x128xf32, #tpu.memory_space<vmem>>[vector<16xi32>, vector<16xi32>], vector<16xf32>,
      %gather3A_2801 = tpu.vector_load_idx %arg13[%add3A_2597, %broadcast_in_dim3A_2799] : memref<256x128xf32, #tpu.memory_space<vmem>>[vector<16xi32>, vector<16xi32>], vector<16xf32>,
      %mul3A_2802 = arith.mulf %gather3A_2800, %gather3A_2801 : vector<16xf32>
      %add3A_2803 = arith.addf %add3A_2797, %mul3A_2802 : vector<16xf32>
      %broadcast_in_dim3A_2804 = arith.constant 34 : i32
      %broadcast_in_dim3A_2805 = vector.broadcast %broadcast_in_dim3A_2804 : i32 to vector<16xi32>
      %gather3A_2806 = tpu.vector_load_idx %arg12[%add3A_2597, %broadcast_in_dim3A_2805] : memref<256x128xf32, #tpu.memory_space<vmem>>[vector<16xi32>, vector<16xi32>], vector<16xf32>,
      %gather3A_2807 = tpu.vector_load_idx %arg13[%add3A_2597, %broadcast_in_dim3A_2805] : memref<256x128xf32, #tpu.memory_space<vmem>>[vector<16xi32>, vector<16xi32>], vector<16xf32>,
      %mul3A_2808 = arith.mulf %gather3A_2806, %gather3A_2807 : vector<16xf32>
      %add3A_2809 = arith.addf %add3A_2803, %mul3A_2808 : vector<16xf32>
      %broadcast_in_dim3A_2810 = arith.constant 35 : i32
      %broadcast_in_dim3A_2811 = vector.broadcast %broadcast_in_dim3A_2810 : i32 to vector<16xi32>
      %gather3A_2812 = tpu.vector_load_idx %arg12[%add3A_2597, %broadcast_in_dim3A_2811] : memref<256x128xf32, #tpu.memory_space<vmem>>[vector<16xi32>, vector<16xi32>], vector<16xf32>,
      %gather3A_2813 = tpu.vector_load_idx %arg13[%add3A_2597, %broadcast_in_dim3A_2811] : memref<256x128xf32, #tpu.memory_space<vmem>>[vector<16xi32>, vector<16xi32>], vector<16xf32>,
      %mul3A_2814 = arith.mulf %gather3A_2812, %gather3A_2813 : vector<16xf32>
      %add3A_2815 = arith.addf %add3A_2809, %mul3A_2814 : vector<16xf32>
      %broadcast_in_dim3A_2816 = arith.constant 36 : i32
      %broadcast_in_dim3A_2817 = vector.broadcast %broadcast_in_dim3A_2816 : i32 to vector<16xi32>
      %gather3A_2818 = tpu.vector_load_idx %arg12[%add3A_2597, %broadcast_in_dim3A_2817] : memref<256x128xf32, #tpu.memory_space<vmem>>[vector<16xi32>, vector<16xi32>], vector<16xf32>,
      %gather3A_2819 = tpu.vector_load_idx %arg13[%add3A_2597, %broadcast_in_dim3A_2817] : memref<256x128xf32, #tpu.memory_space<vmem>>[vector<16xi32>, vector<16xi32>], vector<16xf32>,
      %mul3A_2820 = arith.mulf %gather3A_2818, %gather3A_2819 : vector<16xf32>
      %add3A_2821 = arith.addf %add3A_2815, %mul3A_2820 : vector<16xf32>
      %broadcast_in_dim3A_2822 = arith.constant 37 : i32
      %broadcast_in_dim3A_2823 = vector.broadcast %broadcast_in_dim3A_2822 : i32 to vector<16xi32>
      %gather3A_2824 = tpu.vector_load_idx %arg12[%add3A_2597, %broadcast_in_dim3A_2823] : memref<256x128xf32, #tpu.memory_space<vmem>>[vector<16xi32>, vector<16xi32>], vector<16xf32>,
      %gather3A_2825 = tpu.vector_load_idx %arg13[%add3A_2597, %broadcast_in_dim3A_2823] : memref<256x128xf32, #tpu.memory_space<vmem>>[vector<16xi32>, vector<16xi32>], vector<16xf32>,
      %mul3A_2826 = arith.mulf %gather3A_2824, %gather3A_2825 : vector<16xf32>
      %add3A_2827 = arith.addf %add3A_2821, %mul3A_2826 : vector<16xf32>
      %broadcast_in_dim3A_2828 = arith.constant 38 : i32
      %broadcast_in_dim3A_2829 = vector.broadcast %broadcast_in_dim3A_2828 : i32 to vector<16xi32>
      %gather3A_2830 = tpu.vector_load_idx %arg12[%add3A_2597, %broadcast_in_dim3A_2829] : memref<256x128xf32, #tpu.memory_space<vmem>>[vector<16xi32>, vector<16xi32>], vector<16xf32>,
      %gather3A_2831 = tpu.vector_load_idx %arg13[%add3A_2597, %broadcast_in_dim3A_2829] : memref<256x128xf32, #tpu.memory_space<vmem>>[vector<16xi32>, vector<16xi32>], vector<16xf32>,
      %mul3A_2832 = arith.mulf %gather3A_2830, %gather3A_2831 : vector<16xf32>
      %add3A_2833 = arith.addf %add3A_2827, %mul3A_2832 : vector<16xf32>
      %broadcast_in_dim3A_2834 = arith.constant 39 : i32
      %broadcast_in_dim3A_2835 = vector.broadcast %broadcast_in_dim3A_2834 : i32 to vector<16xi32>
      %gather3A_2836 = tpu.vector_load_idx %arg12[%add3A_2597, %broadcast_in_dim3A_2835] : memref<256x128xf32, #tpu.memory_space<vmem>>[vector<16xi32>, vector<16xi32>], vector<16xf32>,
      %gather3A_2837 = tpu.vector_load_idx %arg13[%add3A_2597, %broadcast_in_dim3A_2835] : memref<256x128xf32, #tpu.memory_space<vmem>>[vector<16xi32>, vector<16xi32>], vector<16xf32>,
      %mul3A_2838 = arith.mulf %gather3A_2836, %gather3A_2837 : vector<16xf32>
      %add3A_2839 = arith.addf %add3A_2833, %mul3A_2838 : vector<16xf32>
      %broadcast_in_dim3A_2840 = arith.constant 40 : i32
      %broadcast_in_dim3A_2841 = vector.broadcast %broadcast_in_dim3A_2840 : i32 to vector<16xi32>
      %gather3A_2842 = tpu.vector_load_idx %arg12[%add3A_2597, %broadcast_in_dim3A_2841] : memref<256x128xf32, #tpu.memory_space<vmem>>[vector<16xi32>, vector<16xi32>], vector<16xf32>,
      %gather3A_2843 = tpu.vector_load_idx %arg13[%add3A_2597, %broadcast_in_dim3A_2841] : memref<256x128xf32, #tpu.memory_space<vmem>>[vector<16xi32>, vector<16xi32>], vector<16xf32>,
      %mul3A_2844 = arith.mulf %gather3A_2842, %gather3A_2843 : vector<16xf32>
      %add3A_2845 = arith.addf %add3A_2839, %mul3A_2844 : vector<16xf32>
      %broadcast_in_dim3A_2846 = arith.constant 41 : i32
      %broadcast_in_dim3A_2847 = vector.broadcast %broadcast_in_dim3A_2846 : i32 to vector<16xi32>
      %gather3A_2848 = tpu.vector_load_idx %arg12[%add3A_2597, %broadcast_in_dim3A_2847] : memref<256x128xf32, #tpu.memory_space<vmem>>[vector<16xi32>, vector<16xi32>], vector<16xf32>,
      %gather3A_2849 = tpu.vector_load_idx %arg13[%add3A_2597, %broadcast_in_dim3A_2847] : memref<256x128xf32, #tpu.memory_space<vmem>>[vector<16xi32>, vector<16xi32>], vector<16xf32>,
      %mul3A_2850 = arith.mulf %gather3A_2848, %gather3A_2849 : vector<16xf32>
      %add3A_2851 = arith.addf %add3A_2845, %mul3A_2850 : vector<16xf32>
      %broadcast_in_dim3A_2852 = arith.constant 42 : i32
      %broadcast_in_dim3A_2853 = vector.broadcast %broadcast_in_dim3A_2852 : i32 to vector<16xi32>
      %gather3A_2854 = tpu.vector_load_idx %arg12[%add3A_2597, %broadcast_in_dim3A_2853] : memref<256x128xf32, #tpu.memory_space<vmem>>[vector<16xi32>, vector<16xi32>], vector<16xf32>,
      %gather3A_2855 = tpu.vector_load_idx %arg13[%add3A_2597, %broadcast_in_dim3A_2853] : memref<256x128xf32, #tpu.memory_space<vmem>>[vector<16xi32>, vector<16xi32>], vector<16xf32>,
      %mul3A_2856 = arith.mulf %gather3A_2854, %gather3A_2855 : vector<16xf32>
      %add3A_2857 = arith.addf %add3A_2851, %mul3A_2856 : vector<16xf32>
      %broadcast_in_dim3A_2858 = arith.constant 43 : i32
      %broadcast_in_dim3A_2859 = vector.broadcast %broadcast_in_dim3A_2858 : i32 to vector<16xi32>
      %gather3A_2860 = tpu.vector_load_idx %arg12[%add3A_2597, %broadcast_in_dim3A_2859] : memref<256x128xf32, #tpu.memory_space<vmem>>[vector<16xi32>, vector<16xi32>], vector<16xf32>,
      %gather3A_2861 = tpu.vector_load_idx %arg13[%add3A_2597, %broadcast_in_dim3A_2859] : memref<256x128xf32, #tpu.memory_space<vmem>>[vector<16xi32>, vector<16xi32>], vector<16xf32>,
      %mul3A_2862 = arith.mulf %gather3A_2860, %gather3A_2861 : vector<16xf32>
      %add3A_2863 = arith.addf %add3A_2857, %mul3A_2862 : vector<16xf32>
      %broadcast_in_dim3A_2864 = arith.constant 44 : i32
      %broadcast_in_dim3A_2865 = vector.broadcast %broadcast_in_dim3A_2864 : i32 to vector<16xi32>
      %gather3A_2866 = tpu.vector_load_idx %arg12[%add3A_2597, %broadcast_in_dim3A_2865] : memref<256x128xf32, #tpu.memory_space<vmem>>[vector<16xi32>, vector<16xi32>], vector<16xf32>,
      %gather3A_2867 = tpu.vector_load_idx %arg13[%add3A_2597, %broadcast_in_dim3A_2865] : memref<256x128xf32, #tpu.memory_space<vmem>>[vector<16xi32>, vector<16xi32>], vector<16xf32>,
      %mul3A_2868 = arith.mulf %gather3A_2866, %gather3A_2867 : vector<16xf32>
      %add3A_2869 = arith.addf %add3A_2863, %mul3A_2868 : vector<16xf32>
      %broadcast_in_dim3A_2870 = arith.constant 45 : i32
      %broadcast_in_dim3A_2871 = vector.broadcast %broadcast_in_dim3A_2870 : i32 to vector<16xi32>
      %gather3A_2872 = tpu.vector_load_idx %arg12[%add3A_2597, %broadcast_in_dim3A_2871] : memref<256x128xf32, #tpu.memory_space<vmem>>[vector<16xi32>, vector<16xi32>], vector<16xf32>,
      %gather3A_2873 = tpu.vector_load_idx %arg13[%add3A_2597, %broadcast_in_dim3A_2871] : memref<256x128xf32, #tpu.memory_space<vmem>>[vector<16xi32>, vector<16xi32>], vector<16xf32>,
      %mul3A_2874 = arith.mulf %gather3A_2872, %gather3A_2873 : vector<16xf32>
      %add3A_2875 = arith.addf %add3A_2869, %mul3A_2874 : vector<16xf32>
      %broadcast_in_dim3A_2876 = arith.constant 46 : i32
      %broadcast_in_dim3A_2877 = vector.broadcast %broadcast_in_dim3A_2876 : i32 to vector<16xi32>
      %gather3A_2878 = tpu.vector_load_idx %arg12[%add3A_2597, %broadcast_in_dim3A_2877] : memref<256x128xf32, #tpu.memory_space<vmem>>[vector<16xi32>, vector<16xi32>], vector<16xf32>,
      %gather3A_2879 = tpu.vector_load_idx %arg13[%add3A_2597, %broadcast_in_dim3A_2877] : memref<256x128xf32, #tpu.memory_space<vmem>>[vector<16xi32>, vector<16xi32>], vector<16xf32>,
      %mul3A_2880 = arith.mulf %gather3A_2878, %gather3A_2879 : vector<16xf32>
      %add3A_2881 = arith.addf %add3A_2875, %mul3A_2880 : vector<16xf32>
      %broadcast_in_dim3A_2882 = arith.constant 47 : i32
      %broadcast_in_dim3A_2883 = vector.broadcast %broadcast_in_dim3A_2882 : i32 to vector<16xi32>
      %gather3A_2884 = tpu.vector_load_idx %arg12[%add3A_2597, %broadcast_in_dim3A_2883] : memref<256x128xf32, #tpu.memory_space<vmem>>[vector<16xi32>, vector<16xi32>], vector<16xf32>,
      %gather3A_2885 = tpu.vector_load_idx %arg13[%add3A_2597, %broadcast_in_dim3A_2883] : memref<256x128xf32, #tpu.memory_space<vmem>>[vector<16xi32>, vector<16xi32>], vector<16xf32>,
      %mul3A_2886 = arith.mulf %gather3A_2884, %gather3A_2885 : vector<16xf32>
      %add3A_2887 = arith.addf %add3A_2881, %mul3A_2886 : vector<16xf32>
      %broadcast_in_dim3A_2888 = arith.constant 48 : i32
      %broadcast_in_dim3A_2889 = vector.broadcast %broadcast_in_dim3A_2888 : i32 to vector<16xi32>
      %gather3A_2890 = tpu.vector_load_idx %arg12[%add3A_2597, %broadcast_in_dim3A_2889] : memref<256x128xf32, #tpu.memory_space<vmem>>[vector<16xi32>, vector<16xi32>], vector<16xf32>,
      %gather3A_2891 = tpu.vector_load_idx %arg13[%add3A_2597, %broadcast_in_dim3A_2889] : memref<256x128xf32, #tpu.memory_space<vmem>>[vector<16xi32>, vector<16xi32>], vector<16xf32>,
      %mul3A_2892 = arith.mulf %gather3A_2890, %gather3A_2891 : vector<16xf32>
      %add3A_2893 = arith.addf %add3A_2887, %mul3A_2892 : vector<16xf32>
      %broadcast_in_dim3A_2894 = arith.constant 49 : i32
      %broadcast_in_dim3A_2895 = vector.broadcast %broadcast_in_dim3A_2894 : i32 to vector<16xi32>
      %gather3A_2896 = tpu.vector_load_idx %arg12[%add3A_2597, %broadcast_in_dim3A_2895] : memref<256x128xf32, #tpu.memory_space<vmem>>[vector<16xi32>, vector<16xi32>], vector<16xf32>,
      %gather3A_2897 = tpu.vector_load_idx %arg13[%add3A_2597, %broadcast_in_dim3A_2895] : memref<256x128xf32, #tpu.memory_space<vmem>>[vector<16xi32>, vector<16xi32>], vector<16xf32>,
      %mul3A_2898 = arith.mulf %gather3A_2896, %gather3A_2897 : vector<16xf32>
      %add3A_2899 = arith.addf %add3A_2893, %mul3A_2898 : vector<16xf32>
      %broadcast_in_dim3A_2900 = arith.constant 50 : i32
      %broadcast_in_dim3A_2901 = vector.broadcast %broadcast_in_dim3A_2900 : i32 to vector<16xi32>
      %gather3A_2902 = tpu.vector_load_idx %arg12[%add3A_2597, %broadcast_in_dim3A_2901] : memref<256x128xf32, #tpu.memory_space<vmem>>[vector<16xi32>, vector<16xi32>], vector<16xf32>,
      %gather3A_2903 = tpu.vector_load_idx %arg13[%add3A_2597, %broadcast_in_dim3A_2901] : memref<256x128xf32, #tpu.memory_space<vmem>>[vector<16xi32>, vector<16xi32>], vector<16xf32>,
      %mul3A_2904 = arith.mulf %gather3A_2902, %gather3A_2903 : vector<16xf32>
      %add3A_2905 = arith.addf %add3A_2899, %mul3A_2904 : vector<16xf32>
      %broadcast_in_dim3A_2906 = arith.constant 51 : i32
      %broadcast_in_dim3A_2907 = vector.broadcast %broadcast_in_dim3A_2906 : i32 to vector<16xi32>
      %gather3A_2908 = tpu.vector_load_idx %arg12[%add3A_2597, %broadcast_in_dim3A_2907] : memref<256x128xf32, #tpu.memory_space<vmem>>[vector<16xi32>, vector<16xi32>], vector<16xf32>,
      %gather3A_2909 = tpu.vector_load_idx %arg13[%add3A_2597, %broadcast_in_dim3A_2907] : memref<256x128xf32, #tpu.memory_space<vmem>>[vector<16xi32>, vector<16xi32>], vector<16xf32>,
      %mul3A_2910 = arith.mulf %gather3A_2908, %gather3A_2909 : vector<16xf32>
      %add3A_2911 = arith.addf %add3A_2905, %mul3A_2910 : vector<16xf32>
      %broadcast_in_dim3A_2912 = arith.constant 52 : i32
      %broadcast_in_dim3A_2913 = vector.broadcast %broadcast_in_dim3A_2912 : i32 to vector<16xi32>
      %gather3A_2914 = tpu.vector_load_idx %arg12[%add3A_2597, %broadcast_in_dim3A_2913] : memref<256x128xf32, #tpu.memory_space<vmem>>[vector<16xi32>, vector<16xi32>], vector<16xf32>,
      %gather3A_2915 = tpu.vector_load_idx %arg13[%add3A_2597, %broadcast_in_dim3A_2913] : memref<256x128xf32, #tpu.memory_space<vmem>>[vector<16xi32>, vector<16xi32>], vector<16xf32>,
      %mul3A_2916 = arith.mulf %gather3A_2914, %gather3A_2915 : vector<16xf32>
      %add3A_2917 = arith.addf %add3A_2911, %mul3A_2916 : vector<16xf32>
      %broadcast_in_dim3A_2918 = arith.constant 53 : i32
      %broadcast_in_dim3A_2919 = vector.broadcast %broadcast_in_dim3A_2918 : i32 to vector<16xi32>
      %gather3A_2920 = tpu.vector_load_idx %arg12[%add3A_2597, %broadcast_in_dim3A_2919] : memref<256x128xf32, #tpu.memory_space<vmem>>[vector<16xi32>, vector<16xi32>], vector<16xf32>,
      %gather3A_2921 = tpu.vector_load_idx %arg13[%add3A_2597, %broadcast_in_dim3A_2919] : memref<256x128xf32, #tpu.memory_space<vmem>>[vector<16xi32>, vector<16xi32>], vector<16xf32>,
      %mul3A_2922 = arith.mulf %gather3A_2920, %gather3A_2921 : vector<16xf32>
      %add3A_2923 = arith.addf %add3A_2917, %mul3A_2922 : vector<16xf32>
      %broadcast_in_dim3A_2924 = arith.constant 54 : i32
      %broadcast_in_dim3A_2925 = vector.broadcast %broadcast_in_dim3A_2924 : i32 to vector<16xi32>
      %gather3A_2926 = tpu.vector_load_idx %arg12[%add3A_2597, %broadcast_in_dim3A_2925] : memref<256x128xf32, #tpu.memory_space<vmem>>[vector<16xi32>, vector<16xi32>], vector<16xf32>,
      %gather3A_2927 = tpu.vector_load_idx %arg13[%add3A_2597, %broadcast_in_dim3A_2925] : memref<256x128xf32, #tpu.memory_space<vmem>>[vector<16xi32>, vector<16xi32>], vector<16xf32>,
      %mul3A_2928 = arith.mulf %gather3A_2926, %gather3A_2927 : vector<16xf32>
      %add3A_2929 = arith.addf %add3A_2923, %mul3A_2928 : vector<16xf32>
      %broadcast_in_dim3A_2930 = arith.constant 55 : i32
      %broadcast_in_dim3A_2931 = vector.broadcast %broadcast_in_dim3A_2930 : i32 to vector<16xi32>
      %gather3A_2932 = tpu.vector_load_idx %arg12[%add3A_2597, %broadcast_in_dim3A_2931] : memref<256x128xf32, #tpu.memory_space<vmem>>[vector<16xi32>, vector<16xi32>], vector<16xf32>,
      %gather3A_2933 = tpu.vector_load_idx %arg13[%add3A_2597, %broadcast_in_dim3A_2931] : memref<256x128xf32, #tpu.memory_space<vmem>>[vector<16xi32>, vector<16xi32>], vector<16xf32>,
      %mul3A_2934 = arith.mulf %gather3A_2932, %gather3A_2933 : vector<16xf32>
      %add3A_2935 = arith.addf %add3A_2929, %mul3A_2934 : vector<16xf32>
      %broadcast_in_dim3A_2936 = arith.constant 56 : i32
      %broadcast_in_dim3A_2937 = vector.broadcast %broadcast_in_dim3A_2936 : i32 to vector<16xi32>
      %gather3A_2938 = tpu.vector_load_idx %arg12[%add3A_2597, %broadcast_in_dim3A_2937] : memref<256x128xf32, #tpu.memory_space<vmem>>[vector<16xi32>, vector<16xi32>], vector<16xf32>,
      %gather3A_2939 = tpu.vector_load_idx %arg13[%add3A_2597, %broadcast_in_dim3A_2937] : memref<256x128xf32, #tpu.memory_space<vmem>>[vector<16xi32>, vector<16xi32>], vector<16xf32>,
      %mul3A_2940 = arith.mulf %gather3A_2938, %gather3A_2939 : vector<16xf32>
      %add3A_2941 = arith.addf %add3A_2935, %mul3A_2940 : vector<16xf32>
      %broadcast_in_dim3A_2942 = arith.constant 57 : i32
      %broadcast_in_dim3A_2943 = vector.broadcast %broadcast_in_dim3A_2942 : i32 to vector<16xi32>
      %gather3A_2944 = tpu.vector_load_idx %arg12[%add3A_2597, %broadcast_in_dim3A_2943] : memref<256x128xf32, #tpu.memory_space<vmem>>[vector<16xi32>, vector<16xi32>], vector<16xf32>,
      %gather3A_2945 = tpu.vector_load_idx %arg13[%add3A_2597, %broadcast_in_dim3A_2943] : memref<256x128xf32, #tpu.memory_space<vmem>>[vector<16xi32>, vector<16xi32>], vector<16xf32>,
      %mul3A_2946 = arith.mulf %gather3A_2944, %gather3A_2945 : vector<16xf32>
      %add3A_2947 = arith.addf %add3A_2941, %mul3A_2946 : vector<16xf32>
      %broadcast_in_dim3A_2948 = arith.constant 58 : i32
      %broadcast_in_dim3A_2949 = vector.broadcast %broadcast_in_dim3A_2948 : i32 to vector<16xi32>
      %gather3A_2950 = tpu.vector_load_idx %arg12[%add3A_2597, %broadcast_in_dim3A_2949] : memref<256x128xf32, #tpu.memory_space<vmem>>[vector<16xi32>, vector<16xi32>], vector<16xf32>,
      %gather3A_2951 = tpu.vector_load_idx %arg13[%add3A_2597, %broadcast_in_dim3A_2949] : memref<256x128xf32, #tpu.memory_space<vmem>>[vector<16xi32>, vector<16xi32>], vector<16xf32>,
      %mul3A_2952 = arith.mulf %gather3A_2950, %gather3A_2951 : vector<16xf32>
      %add3A_2953 = arith.addf %add3A_2947, %mul3A_2952 : vector<16xf32>
      %broadcast_in_dim3A_2954 = arith.constant 59 : i32
      %broadcast_in_dim3A_2955 = vector.broadcast %broadcast_in_dim3A_2954 : i32 to vector<16xi32>
      %gather3A_2956 = tpu.vector_load_idx %arg12[%add3A_2597, %broadcast_in_dim3A_2955] : memref<256x128xf32, #tpu.memory_space<vmem>>[vector<16xi32>, vector<16xi32>], vector<16xf32>,
      %gather3A_2957 = tpu.vector_load_idx %arg13[%add3A_2597, %broadcast_in_dim3A_2955] : memref<256x128xf32, #tpu.memory_space<vmem>>[vector<16xi32>, vector<16xi32>], vector<16xf32>,
      %mul3A_2958 = arith.mulf %gather3A_2956, %gather3A_2957 : vector<16xf32>
      %add3A_2959 = arith.addf %add3A_2953, %mul3A_2958 : vector<16xf32>
      %broadcast_in_dim3A_2960 = arith.constant 60 : i32
      %broadcast_in_dim3A_2961 = vector.broadcast %broadcast_in_dim3A_2960 : i32 to vector<16xi32>
      %gather3A_2962 = tpu.vector_load_idx %arg12[%add3A_2597, %broadcast_in_dim3A_2961] : memref<256x128xf32, #tpu.memory_space<vmem>>[vector<16xi32>, vector<16xi32>], vector<16xf32>,
      %gather3A_2963 = tpu.vector_load_idx %arg13[%add3A_2597, %broadcast_in_dim3A_2961] : memref<256x128xf32, #tpu.memory_space<vmem>>[vector<16xi32>, vector<16xi32>], vector<16xf32>,
      %mul3A_2964 = arith.mulf %gather3A_2962, %gather3A_2963 : vector<16xf32>
      %add3A_2965 = arith.addf %add3A_2959, %mul3A_2964 : vector<16xf32>
      %broadcast_in_dim3A_2966 = arith.constant 61 : i32
      %broadcast_in_dim3A_2967 = vector.broadcast %broadcast_in_dim3A_2966 : i32 to vector<16xi32>
      %gather3A_2968 = tpu.vector_load_idx %arg12[%add3A_2597, %broadcast_in_dim3A_2967] : memref<256x128xf32, #tpu.memory_space<vmem>>[vector<16xi32>, vector<16xi32>], vector<16xf32>,
      %gather3A_2969 = tpu.vector_load_idx %arg13[%add3A_2597, %broadcast_in_dim3A_2967] : memref<256x128xf32, #tpu.memory_space<vmem>>[vector<16xi32>, vector<16xi32>], vector<16xf32>,
      %mul3A_2970 = arith.mulf %gather3A_2968, %gather3A_2969 : vector<16xf32>
      %add3A_2971 = arith.addf %add3A_2965, %mul3A_2970 : vector<16xf32>
      %broadcast_in_dim3A_2972 = arith.constant 62 : i32
      %broadcast_in_dim3A_2973 = vector.broadcast %broadcast_in_dim3A_2972 : i32 to vector<16xi32>
      %gather3A_2974 = tpu.vector_load_idx %arg12[%add3A_2597, %broadcast_in_dim3A_2973] : memref<256x128xf32, #tpu.memory_space<vmem>>[vector<16xi32>, vector<16xi32>], vector<16xf32>,
      %gather3A_2975 = tpu.vector_load_idx %arg13[%add3A_2597, %broadcast_in_dim3A_2973] : memref<256x128xf32, #tpu.memory_space<vmem>>[vector<16xi32>, vector<16xi32>], vector<16xf32>,
      %mul3A_2976 = arith.mulf %gather3A_2974, %gather3A_2975 : vector<16xf32>
      %add3A_2977 = arith.addf %add3A_2971, %mul3A_2976 : vector<16xf32>
      %broadcast_in_dim3A_2978 = arith.constant 63 : i32
      %broadcast_in_dim3A_2979 = vector.broadcast %broadcast_in_dim3A_2978 : i32 to vector<16xi32>
      %gather3A_2980 = tpu.vector_load_idx %arg12[%add3A_2597, %broadcast_in_dim3A_2979] : memref<256x128xf32, #tpu.memory_space<vmem>>[vector<16xi32>, vector<16xi32>], vector<16xf32>,
      %gather3A_2981 = tpu.vector_load_idx %arg13[%add3A_2597, %broadcast_in_dim3A_2979] : memref<256x128xf32, #tpu.memory_space<vmem>>[vector<16xi32>, vector<16xi32>], vector<16xf32>,
      %mul3A_2982 = arith.mulf %gather3A_2980, %gather3A_2981 : vector<16xf32>
      %add3A_2983 = arith.addf %add3A_2977, %mul3A_2982 : vector<16xf32>
      %get3A_2984 = arith.index_cast %add3A_2591 : i32 to index
      %get3A_2985 = tpu.vector_load %arg14[%get3A_2984] {strides = array<i32>} : memref<512xf32, #tpu.memory_space<vmem>>, vector<16xf32>,
      %add3A_2986 = arith.addf %add3A_2983, %get3A_2985 : vector<16xf32>
      %get3A_2987 = arith.index_cast %add3A_2591 : i32 to index
      %get3A_2988 = tpu.vector_load %arg15[%get3A_2987] {strides = array<i32>} : memref<512xf32, #tpu.memory_space<vmem>>, vector<16xf32>,
      %add3A_2989 = arith.addf %add3A_2986, %get3A_2988 : vector<16xf32>
      %add3A_2990 = arith.addf %add3A_2989, %get3A_48 : vector<16xf32>
      %swap3A_2991 = arith.index_cast %add3A_2591 : i32 to index
      %swap3A_2992 = tpu.vector_load %arg17[%swap3A_2991] {strides = array<i32>} : memref<512xf32, #tpu.memory_space<vmem>>, vector<16xf32>,
      tpu.vector_store %arg17[%swap3A_2991], %add3A_2990 {strides = array<i32>} : memref<512xf32, #tpu.memory_space<vmem>>, vector<16xf32>,
      %mul3A_2993 = arith.constant 128 : i32
      %mul3A_2994 = arith.muli %scan3A_135, %mul3A_2993 : i32
      %add3A_2995 = arith.constant 112 : i32
      %add3A_2996 = arith.addi %mul3A_2994, %add3A_2995 : i32
      %mul3A_2997 = arith.constant 128 : i32
      %mul3A_2998 = arith.muli %rem3A_136, %mul3A_2997 : i32
      %add3A_2999 = arith.constant 112 : i32
      %add3A_3000 = arith.addi %mul3A_2998, %add3A_2999 : i32
      %add3A_3001 = vector.broadcast %add3A_3000 : i32 to vector<16xi32>
      %add3A_3002 = arith.addi %add3A_3001, %iota3A : vector<16xi32>
      %broadcast_in_dim3A_3003 = arith.constant 0.000000e+00 : f32
      %broadcast_in_dim3A_3004 = vector.broadcast %broadcast_in_dim3A_3003 : f32 to vector<16xf32>
      %broadcast_in_dim3A_3005 = arith.constant 0 : i32
      %broadcast_in_dim3A_3006 = vector.broadcast %broadcast_in_dim3A_3005 : i32 to vector<16xi32>
      %gather3A_3007 = tpu.vector_load_idx %arg12[%add3A_3002, %broadcast_in_dim3A_3006] : memref<256x128xf32, #tpu.memory_space<vmem>>[vector<16xi32>, vector<16xi32>], vector<16xf32>,
      %gather3A_3008 = tpu.vector_load_idx %arg13[%add3A_3002, %broadcast_in_dim3A_3006] : memref<256x128xf32, #tpu.memory_space<vmem>>[vector<16xi32>, vector<16xi32>], vector<16xf32>,
      %mul3A_3009 = arith.mulf %gather3A_3007, %gather3A_3008 : vector<16xf32>
      %add3A_3010 = arith.addf %broadcast_in_dim3A_3004, %mul3A_3009 : vector<16xf32>
      %broadcast_in_dim3A_3011 = arith.constant 1 : i32
      %broadcast_in_dim3A_3012 = vector.broadcast %broadcast_in_dim3A_3011 : i32 to vector<16xi32>
      %gather3A_3013 = tpu.vector_load_idx %arg12[%add3A_3002, %broadcast_in_dim3A_3012] : memref<256x128xf32, #tpu.memory_space<vmem>>[vector<16xi32>, vector<16xi32>], vector<16xf32>,
      %gather3A_3014 = tpu.vector_load_idx %arg13[%add3A_3002, %broadcast_in_dim3A_3012] : memref<256x128xf32, #tpu.memory_space<vmem>>[vector<16xi32>, vector<16xi32>], vector<16xf32>,
      %mul3A_3015 = arith.mulf %gather3A_3013, %gather3A_3014 : vector<16xf32>
      %add3A_3016 = arith.addf %add3A_3010, %mul3A_3015 : vector<16xf32>
      %broadcast_in_dim3A_3017 = arith.constant 2 : i32
      %broadcast_in_dim3A_3018 = vector.broadcast %broadcast_in_dim3A_3017 : i32 to vector<16xi32>
      %gather3A_3019 = tpu.vector_load_idx %arg12[%add3A_3002, %broadcast_in_dim3A_3018] : memref<256x128xf32, #tpu.memory_space<vmem>>[vector<16xi32>, vector<16xi32>], vector<16xf32>,
      %gather3A_3020 = tpu.vector_load_idx %arg13[%add3A_3002, %broadcast_in_dim3A_3018] : memref<256x128xf32, #tpu.memory_space<vmem>>[vector<16xi32>, vector<16xi32>], vector<16xf32>,
      %mul3A_3021 = arith.mulf %gather3A_3019, %gather3A_3020 : vector<16xf32>
      %add3A_3022 = arith.addf %add3A_3016, %mul3A_3021 : vector<16xf32>
      %broadcast_in_dim3A_3023 = arith.constant 3 : i32
      %broadcast_in_dim3A_3024 = vector.broadcast %broadcast_in_dim3A_3023 : i32 to vector<16xi32>
      %gather3A_3025 = tpu.vector_load_idx %arg12[%add3A_3002, %broadcast_in_dim3A_3024] : memref<256x128xf32, #tpu.memory_space<vmem>>[vector<16xi32>, vector<16xi32>], vector<16xf32>,
      %gather3A_3026 = tpu.vector_load_idx %arg13[%add3A_3002, %broadcast_in_dim3A_3024] : memref<256x128xf32, #tpu.memory_space<vmem>>[vector<16xi32>, vector<16xi32>], vector<16xf32>,
      %mul3A_3027 = arith.mulf %gather3A_3025, %gather3A_3026 : vector<16xf32>
      %add3A_3028 = arith.addf %add3A_3022, %mul3A_3027 : vector<16xf32>
      %broadcast_in_dim3A_3029 = arith.constant 4 : i32
      %broadcast_in_dim3A_3030 = vector.broadcast %broadcast_in_dim3A_3029 : i32 to vector<16xi32>
      %gather3A_3031 = tpu.vector_load_idx %arg12[%add3A_3002, %broadcast_in_dim3A_3030] : memref<256x128xf32, #tpu.memory_space<vmem>>[vector<16xi32>, vector<16xi32>], vector<16xf32>,
      %gather3A_3032 = tpu.vector_load_idx %arg13[%add3A_3002, %broadcast_in_dim3A_3030] : memref<256x128xf32, #tpu.memory_space<vmem>>[vector<16xi32>, vector<16xi32>], vector<16xf32>,
      %mul3A_3033 = arith.mulf %gather3A_3031, %gather3A_3032 : vector<16xf32>
      %add3A_3034 = arith.addf %add3A_3028, %mul3A_3033 : vector<16xf32>
      %broadcast_in_dim3A_3035 = arith.constant 5 : i32
      %broadcast_in_dim3A_3036 = vector.broadcast %broadcast_in_dim3A_3035 : i32 to vector<16xi32>
      %gather3A_3037 = tpu.vector_load_idx %arg12[%add3A_3002, %broadcast_in_dim3A_3036] : memref<256x128xf32, #tpu.memory_space<vmem>>[vector<16xi32>, vector<16xi32>], vector<16xf32>,
      %gather3A_3038 = tpu.vector_load_idx %arg13[%add3A_3002, %broadcast_in_dim3A_3036] : memref<256x128xf32, #tpu.memory_space<vmem>>[vector<16xi32>, vector<16xi32>], vector<16xf32>,
      %mul3A_3039 = arith.mulf %gather3A_3037, %gather3A_3038 : vector<16xf32>
      %add3A_3040 = arith.addf %add3A_3034, %mul3A_3039 : vector<16xf32>
      %broadcast_in_dim3A_3041 = arith.constant 6 : i32
      %broadcast_in_dim3A_3042 = vector.broadcast %broadcast_in_dim3A_3041 : i32 to vector<16xi32>
      %gather3A_3043 = tpu.vector_load_idx %arg12[%add3A_3002, %broadcast_in_dim3A_3042] : memref<256x128xf32, #tpu.memory_space<vmem>>[vector<16xi32>, vector<16xi32>], vector<16xf32>,
      %gather3A_3044 = tpu.vector_load_idx %arg13[%add3A_3002, %broadcast_in_dim3A_3042] : memref<256x128xf32, #tpu.memory_space<vmem>>[vector<16xi32>, vector<16xi32>], vector<16xf32>,
      %mul3A_3045 = arith.mulf %gather3A_3043, %gather3A_3044 : vector<16xf32>
      %add3A_3046 = arith.addf %add3A_3040, %mul3A_3045 : vector<16xf32>
      %broadcast_in_dim3A_3047 = arith.constant 7 : i32
      %broadcast_in_dim3A_3048 = vector.broadcast %broadcast_in_dim3A_3047 : i32 to vector<16xi32>
      %gather3A_3049 = tpu.vector_load_idx %arg12[%add3A_3002, %broadcast_in_dim3A_3048] : memref<256x128xf32, #tpu.memory_space<vmem>>[vector<16xi32>, vector<16xi32>], vector<16xf32>,
      %gather3A_3050 = tpu.vector_load_idx %arg13[%add3A_3002, %broadcast_in_dim3A_3048] : memref<256x128xf32, #tpu.memory_space<vmem>>[vector<16xi32>, vector<16xi32>], vector<16xf32>,
      %mul3A_3051 = arith.mulf %gather3A_3049, %gather3A_3050 : vector<16xf32>
      %add3A_3052 = arith.addf %add3A_3046, %mul3A_3051 : vector<16xf32>
      %broadcast_in_dim3A_3053 = arith.constant 8 : i32
      %broadcast_in_dim3A_3054 = vector.broadcast %broadcast_in_dim3A_3053 : i32 to vector<16xi32>
      %gather3A_3055 = tpu.vector_load_idx %arg12[%add3A_3002, %broadcast_in_dim3A_3054] : memref<256x128xf32, #tpu.memory_space<vmem>>[vector<16xi32>, vector<16xi32>], vector<16xf32>,
      %gather3A_3056 = tpu.vector_load_idx %arg13[%add3A_3002, %broadcast_in_dim3A_3054] : memref<256x128xf32, #tpu.memory_space<vmem>>[vector<16xi32>, vector<16xi32>], vector<16xf32>,
      %mul3A_3057 = arith.mulf %gather3A_3055, %gather3A_3056 : vector<16xf32>
      %add3A_3058 = arith.addf %add3A_3052, %mul3A_3057 : vector<16xf32>
      %broadcast_in_dim3A_3059 = arith.constant 9 : i32
      %broadcast_in_dim3A_3060 = vector.broadcast %broadcast_in_dim3A_3059 : i32 to vector<16xi32>
      %gather3A_3061 = tpu.vector_load_idx %arg12[%add3A_3002, %broadcast_in_dim3A_3060] : memref<256x128xf32, #tpu.memory_space<vmem>>[vector<16xi32>, vector<16xi32>], vector<16xf32>,
      %gather3A_3062 = tpu.vector_load_idx %arg13[%add3A_3002, %broadcast_in_dim3A_3060] : memref<256x128xf32, #tpu.memory_space<vmem>>[vector<16xi32>, vector<16xi32>], vector<16xf32>,
      %mul3A_3063 = arith.mulf %gather3A_3061, %gather3A_3062 : vector<16xf32>
      %add3A_3064 = arith.addf %add3A_3058, %mul3A_3063 : vector<16xf32>
      %broadcast_in_dim3A_3065 = arith.constant 10 : i32
      %broadcast_in_dim3A_3066 = vector.broadcast %broadcast_in_dim3A_3065 : i32 to vector<16xi32>
      %gather3A_3067 = tpu.vector_load_idx %arg12[%add3A_3002, %broadcast_in_dim3A_3066] : memref<256x128xf32, #tpu.memory_space<vmem>>[vector<16xi32>, vector<16xi32>], vector<16xf32>,
      %gather3A_3068 = tpu.vector_load_idx %arg13[%add3A_3002, %broadcast_in_dim3A_3066] : memref<256x128xf32, #tpu.memory_space<vmem>>[vector<16xi32>, vector<16xi32>], vector<16xf32>,
      %mul3A_3069 = arith.mulf %gather3A_3067, %gather3A_3068 : vector<16xf32>
      %add3A_3070 = arith.addf %add3A_3064, %mul3A_3069 : vector<16xf32>
      %broadcast_in_dim3A_3071 = arith.constant 11 : i32
      %broadcast_in_dim3A_3072 = vector.broadcast %broadcast_in_dim3A_3071 : i32 to vector<16xi32>
      %gather3A_3073 = tpu.vector_load_idx %arg12[%add3A_3002, %broadcast_in_dim3A_3072] : memref<256x128xf32, #tpu.memory_space<vmem>>[vector<16xi32>, vector<16xi32>], vector<16xf32>,
      %gather3A_3074 = tpu.vector_load_idx %arg13[%add3A_3002, %broadcast_in_dim3A_3072] : memref<256x128xf32, #tpu.memory_space<vmem>>[vector<16xi32>, vector<16xi32>], vector<16xf32>,
      %mul3A_3075 = arith.mulf %gather3A_3073, %gather3A_3074 : vector<16xf32>
      %add3A_3076 = arith.addf %add3A_3070, %mul3A_3075 : vector<16xf32>
      %broadcast_in_dim3A_3077 = arith.constant 12 : i32
      %broadcast_in_dim3A_3078 = vector.broadcast %broadcast_in_dim3A_3077 : i32 to vector<16xi32>
      %gather3A_3079 = tpu.vector_load_idx %arg12[%add3A_3002, %broadcast_in_dim3A_3078] : memref<256x128xf32, #tpu.memory_space<vmem>>[vector<16xi32>, vector<16xi32>], vector<16xf32>,
      %gather3A_3080 = tpu.vector_load_idx %arg13[%add3A_3002, %broadcast_in_dim3A_3078] : memref<256x128xf32, #tpu.memory_space<vmem>>[vector<16xi32>, vector<16xi32>], vector<16xf32>,
      %mul3A_3081 = arith.mulf %gather3A_3079, %gather3A_3080 : vector<16xf32>
      %add3A_3082 = arith.addf %add3A_3076, %mul3A_3081 : vector<16xf32>
      %broadcast_in_dim3A_3083 = arith.constant 13 : i32
      %broadcast_in_dim3A_3084 = vector.broadcast %broadcast_in_dim3A_3083 : i32 to vector<16xi32>
      %gather3A_3085 = tpu.vector_load_idx %arg12[%add3A_3002, %broadcast_in_dim3A_3084] : memref<256x128xf32, #tpu.memory_space<vmem>>[vector<16xi32>, vector<16xi32>], vector<16xf32>,
      %gather3A_3086 = tpu.vector_load_idx %arg13[%add3A_3002, %broadcast_in_dim3A_3084] : memref<256x128xf32, #tpu.memory_space<vmem>>[vector<16xi32>, vector<16xi32>], vector<16xf32>,
      %mul3A_3087 = arith.mulf %gather3A_3085, %gather3A_3086 : vector<16xf32>
      %add3A_3088 = arith.addf %add3A_3082, %mul3A_3087 : vector<16xf32>
      %broadcast_in_dim3A_3089 = arith.constant 14 : i32
      %broadcast_in_dim3A_3090 = vector.broadcast %broadcast_in_dim3A_3089 : i32 to vector<16xi32>
      %gather3A_3091 = tpu.vector_load_idx %arg12[%add3A_3002, %broadcast_in_dim3A_3090] : memref<256x128xf32, #tpu.memory_space<vmem>>[vector<16xi32>, vector<16xi32>], vector<16xf32>,
      %gather3A_3092 = tpu.vector_load_idx %arg13[%add3A_3002, %broadcast_in_dim3A_3090] : memref<256x128xf32, #tpu.memory_space<vmem>>[vector<16xi32>, vector<16xi32>], vector<16xf32>,
      %mul3A_3093 = arith.mulf %gather3A_3091, %gather3A_3092 : vector<16xf32>
      %add3A_3094 = arith.addf %add3A_3088, %mul3A_3093 : vector<16xf32>
      %broadcast_in_dim3A_3095 = arith.constant 15 : i32
      %broadcast_in_dim3A_3096 = vector.broadcast %broadcast_in_dim3A_3095 : i32 to vector<16xi32>
      %gather3A_3097 = tpu.vector_load_idx %arg12[%add3A_3002, %broadcast_in_dim3A_3096] : memref<256x128xf32, #tpu.memory_space<vmem>>[vector<16xi32>, vector<16xi32>], vector<16xf32>,
      %gather3A_3098 = tpu.vector_load_idx %arg13[%add3A_3002, %broadcast_in_dim3A_3096] : memref<256x128xf32, #tpu.memory_space<vmem>>[vector<16xi32>, vector<16xi32>], vector<16xf32>,
      %mul3A_3099 = arith.mulf %gather3A_3097, %gather3A_3098 : vector<16xf32>
      %add3A_3100 = arith.addf %add3A_3094, %mul3A_3099 : vector<16xf32>
      %broadcast_in_dim3A_3101 = arith.constant 16 : i32
      %broadcast_in_dim3A_3102 = vector.broadcast %broadcast_in_dim3A_3101 : i32 to vector<16xi32>
      %gather3A_3103 = tpu.vector_load_idx %arg12[%add3A_3002, %broadcast_in_dim3A_3102] : memref<256x128xf32, #tpu.memory_space<vmem>>[vector<16xi32>, vector<16xi32>], vector<16xf32>,
      %gather3A_3104 = tpu.vector_load_idx %arg13[%add3A_3002, %broadcast_in_dim3A_3102] : memref<256x128xf32, #tpu.memory_space<vmem>>[vector<16xi32>, vector<16xi32>], vector<16xf32>,
      %mul3A_3105 = arith.mulf %gather3A_3103, %gather3A_3104 : vector<16xf32>
      %add3A_3106 = arith.addf %add3A_3100, %mul3A_3105 : vector<16xf32>
      %broadcast_in_dim3A_3107 = arith.constant 17 : i32
      %broadcast_in_dim3A_3108 = vector.broadcast %broadcast_in_dim3A_3107 : i32 to vector<16xi32>
      %gather3A_3109 = tpu.vector_load_idx %arg12[%add3A_3002, %broadcast_in_dim3A_3108] : memref<256x128xf32, #tpu.memory_space<vmem>>[vector<16xi32>, vector<16xi32>], vector<16xf32>,
      %gather3A_3110 = tpu.vector_load_idx %arg13[%add3A_3002, %broadcast_in_dim3A_3108] : memref<256x128xf32, #tpu.memory_space<vmem>>[vector<16xi32>, vector<16xi32>], vector<16xf32>,
      %mul3A_3111 = arith.mulf %gather3A_3109, %gather3A_3110 : vector<16xf32>
      %add3A_3112 = arith.addf %add3A_3106, %mul3A_3111 : vector<16xf32>
      %broadcast_in_dim3A_3113 = arith.constant 18 : i32
      %broadcast_in_dim3A_3114 = vector.broadcast %broadcast_in_dim3A_3113 : i32 to vector<16xi32>
      %gather3A_3115 = tpu.vector_load_idx %arg12[%add3A_3002, %broadcast_in_dim3A_3114] : memref<256x128xf32, #tpu.memory_space<vmem>>[vector<16xi32>, vector<16xi32>], vector<16xf32>,
      %gather3A_3116 = tpu.vector_load_idx %arg13[%add3A_3002, %broadcast_in_dim3A_3114] : memref<256x128xf32, #tpu.memory_space<vmem>>[vector<16xi32>, vector<16xi32>], vector<16xf32>,
      %mul3A_3117 = arith.mulf %gather3A_3115, %gather3A_3116 : vector<16xf32>
      %add3A_3118 = arith.addf %add3A_3112, %mul3A_3117 : vector<16xf32>
      %broadcast_in_dim3A_3119 = arith.constant 19 : i32
      %broadcast_in_dim3A_3120 = vector.broadcast %broadcast_in_dim3A_3119 : i32 to vector<16xi32>
      %gather3A_3121 = tpu.vector_load_idx %arg12[%add3A_3002, %broadcast_in_dim3A_3120] : memref<256x128xf32, #tpu.memory_space<vmem>>[vector<16xi32>, vector<16xi32>], vector<16xf32>,
      %gather3A_3122 = tpu.vector_load_idx %arg13[%add3A_3002, %broadcast_in_dim3A_3120] : memref<256x128xf32, #tpu.memory_space<vmem>>[vector<16xi32>, vector<16xi32>], vector<16xf32>,
      %mul3A_3123 = arith.mulf %gather3A_3121, %gather3A_3122 : vector<16xf32>
      %add3A_3124 = arith.addf %add3A_3118, %mul3A_3123 : vector<16xf32>
      %broadcast_in_dim3A_3125 = arith.constant 20 : i32
      %broadcast_in_dim3A_3126 = vector.broadcast %broadcast_in_dim3A_3125 : i32 to vector<16xi32>
      %gather3A_3127 = tpu.vector_load_idx %arg12[%add3A_3002, %broadcast_in_dim3A_3126] : memref<256x128xf32, #tpu.memory_space<vmem>>[vector<16xi32>, vector<16xi32>], vector<16xf32>,
      %gather3A_3128 = tpu.vector_load_idx %arg13[%add3A_3002, %broadcast_in_dim3A_3126] : memref<256x128xf32, #tpu.memory_space<vmem>>[vector<16xi32>, vector<16xi32>], vector<16xf32>,
      %mul3A_3129 = arith.mulf %gather3A_3127, %gather3A_3128 : vector<16xf32>
      %add3A_3130 = arith.addf %add3A_3124, %mul3A_3129 : vector<16xf32>
      %broadcast_in_dim3A_3131 = arith.constant 21 : i32
      %broadcast_in_dim3A_3132 = vector.broadcast %broadcast_in_dim3A_3131 : i32 to vector<16xi32>
      %gather3A_3133 = tpu.vector_load_idx %arg12[%add3A_3002, %broadcast_in_dim3A_3132] : memref<256x128xf32, #tpu.memory_space<vmem>>[vector<16xi32>, vector<16xi32>], vector<16xf32>,
      %gather3A_3134 = tpu.vector_load_idx %arg13[%add3A_3002, %broadcast_in_dim3A_3132] : memref<256x128xf32, #tpu.memory_space<vmem>>[vector<16xi32>, vector<16xi32>], vector<16xf32>,
      %mul3A_3135 = arith.mulf %gather3A_3133, %gather3A_3134 : vector<16xf32>
      %add3A_3136 = arith.addf %add3A_3130, %mul3A_3135 : vector<16xf32>
      %broadcast_in_dim3A_3137 = arith.constant 22 : i32
      %broadcast_in_dim3A_3138 = vector.broadcast %broadcast_in_dim3A_3137 : i32 to vector<16xi32>
      %gather3A_3139 = tpu.vector_load_idx %arg12[%add3A_3002, %broadcast_in_dim3A_3138] : memref<256x128xf32, #tpu.memory_space<vmem>>[vector<16xi32>, vector<16xi32>], vector<16xf32>,
      %gather3A_3140 = tpu.vector_load_idx %arg13[%add3A_3002, %broadcast_in_dim3A_3138] : memref<256x128xf32, #tpu.memory_space<vmem>>[vector<16xi32>, vector<16xi32>], vector<16xf32>,
      %mul3A_3141 = arith.mulf %gather3A_3139, %gather3A_3140 : vector<16xf32>
      %add3A_3142 = arith.addf %add3A_3136, %mul3A_3141 : vector<16xf32>
      %broadcast_in_dim3A_3143 = arith.constant 23 : i32
      %broadcast_in_dim3A_3144 = vector.broadcast %broadcast_in_dim3A_3143 : i32 to vector<16xi32>
      %gather3A_3145 = tpu.vector_load_idx %arg12[%add3A_3002, %broadcast_in_dim3A_3144] : memref<256x128xf32, #tpu.memory_space<vmem>>[vector<16xi32>, vector<16xi32>], vector<16xf32>,
      %gather3A_3146 = tpu.vector_load_idx %arg13[%add3A_3002, %broadcast_in_dim3A_3144] : memref<256x128xf32, #tpu.memory_space<vmem>>[vector<16xi32>, vector<16xi32>], vector<16xf32>,
      %mul3A_3147 = arith.mulf %gather3A_3145, %gather3A_3146 : vector<16xf32>
      %add3A_3148 = arith.addf %add3A_3142, %mul3A_3147 : vector<16xf32>
      %broadcast_in_dim3A_3149 = arith.constant 24 : i32
      %broadcast_in_dim3A_3150 = vector.broadcast %broadcast_in_dim3A_3149 : i32 to vector<16xi32>
      %gather3A_3151 = tpu.vector_load_idx %arg12[%add3A_3002, %broadcast_in_dim3A_3150] : memref<256x128xf32, #tpu.memory_space<vmem>>[vector<16xi32>, vector<16xi32>], vector<16xf32>,
      %gather3A_3152 = tpu.vector_load_idx %arg13[%add3A_3002, %broadcast_in_dim3A_3150] : memref<256x128xf32, #tpu.memory_space<vmem>>[vector<16xi32>, vector<16xi32>], vector<16xf32>,
      %mul3A_3153 = arith.mulf %gather3A_3151, %gather3A_3152 : vector<16xf32>
      %add3A_3154 = arith.addf %add3A_3148, %mul3A_3153 : vector<16xf32>
      %broadcast_in_dim3A_3155 = arith.constant 25 : i32
      %broadcast_in_dim3A_3156 = vector.broadcast %broadcast_in_dim3A_3155 : i32 to vector<16xi32>
      %gather3A_3157 = tpu.vector_load_idx %arg12[%add3A_3002, %broadcast_in_dim3A_3156] : memref<256x128xf32, #tpu.memory_space<vmem>>[vector<16xi32>, vector<16xi32>], vector<16xf32>,
      %gather3A_3158 = tpu.vector_load_idx %arg13[%add3A_3002, %broadcast_in_dim3A_3156] : memref<256x128xf32, #tpu.memory_space<vmem>>[vector<16xi32>, vector<16xi32>], vector<16xf32>,
      %mul3A_3159 = arith.mulf %gather3A_3157, %gather3A_3158 : vector<16xf32>
      %add3A_3160 = arith.addf %add3A_3154, %mul3A_3159 : vector<16xf32>
      %broadcast_in_dim3A_3161 = arith.constant 26 : i32
      %broadcast_in_dim3A_3162 = vector.broadcast %broadcast_in_dim3A_3161 : i32 to vector<16xi32>
      %gather3A_3163 = tpu.vector_load_idx %arg12[%add3A_3002, %broadcast_in_dim3A_3162] : memref<256x128xf32, #tpu.memory_space<vmem>>[vector<16xi32>, vector<16xi32>], vector<16xf32>,
      %gather3A_3164 = tpu.vector_load_idx %arg13[%add3A_3002, %broadcast_in_dim3A_3162] : memref<256x128xf32, #tpu.memory_space<vmem>>[vector<16xi32>, vector<16xi32>], vector<16xf32>,
      %mul3A_3165 = arith.mulf %gather3A_3163, %gather3A_3164 : vector<16xf32>
      %add3A_3166 = arith.addf %add3A_3160, %mul3A_3165 : vector<16xf32>
      %broadcast_in_dim3A_3167 = arith.constant 27 : i32
      %broadcast_in_dim3A_3168 = vector.broadcast %broadcast_in_dim3A_3167 : i32 to vector<16xi32>
      %gather3A_3169 = tpu.vector_load_idx %arg12[%add3A_3002, %broadcast_in_dim3A_3168] : memref<256x128xf32, #tpu.memory_space<vmem>>[vector<16xi32>, vector<16xi32>], vector<16xf32>,
      %gather3A_3170 = tpu.vector_load_idx %arg13[%add3A_3002, %broadcast_in_dim3A_3168] : memref<256x128xf32, #tpu.memory_space<vmem>>[vector<16xi32>, vector<16xi32>], vector<16xf32>,
      %mul3A_3171 = arith.mulf %gather3A_3169, %gather3A_3170 : vector<16xf32>
      %add3A_3172 = arith.addf %add3A_3166, %mul3A_3171 : vector<16xf32>
      %broadcast_in_dim3A_3173 = arith.constant 28 : i32
      %broadcast_in_dim3A_3174 = vector.broadcast %broadcast_in_dim3A_3173 : i32 to vector<16xi32>
      %gather3A_3175 = tpu.vector_load_idx %arg12[%add3A_3002, %broadcast_in_dim3A_3174] : memref<256x128xf32, #tpu.memory_space<vmem>>[vector<16xi32>, vector<16xi32>], vector<16xf32>,
      %gather3A_3176 = tpu.vector_load_idx %arg13[%add3A_3002, %broadcast_in_dim3A_3174] : memref<256x128xf32, #tpu.memory_space<vmem>>[vector<16xi32>, vector<16xi32>], vector<16xf32>,
      %mul3A_3177 = arith.mulf %gather3A_3175, %gather3A_3176 : vector<16xf32>
      %add3A_3178 = arith.addf %add3A_3172, %mul3A_3177 : vector<16xf32>
      %broadcast_in_dim3A_3179 = arith.constant 29 : i32
      %broadcast_in_dim3A_3180 = vector.broadcast %broadcast_in_dim3A_3179 : i32 to vector<16xi32>
      %gather3A_3181 = tpu.vector_load_idx %arg12[%add3A_3002, %broadcast_in_dim3A_3180] : memref<256x128xf32, #tpu.memory_space<vmem>>[vector<16xi32>, vector<16xi32>], vector<16xf32>,
      %gather3A_3182 = tpu.vector_load_idx %arg13[%add3A_3002, %broadcast_in_dim3A_3180] : memref<256x128xf32, #tpu.memory_space<vmem>>[vector<16xi32>, vector<16xi32>], vector<16xf32>,
      %mul3A_3183 = arith.mulf %gather3A_3181, %gather3A_3182 : vector<16xf32>
      %add3A_3184 = arith.addf %add3A_3178, %mul3A_3183 : vector<16xf32>
      %broadcast_in_dim3A_3185 = arith.constant 30 : i32
      %broadcast_in_dim3A_3186 = vector.broadcast %broadcast_in_dim3A_3185 : i32 to vector<16xi32>
      %gather3A_3187 = tpu.vector_load_idx %arg12[%add3A_3002, %broadcast_in_dim3A_3186] : memref<256x128xf32, #tpu.memory_space<vmem>>[vector<16xi32>, vector<16xi32>], vector<16xf32>,
      %gather3A_3188 = tpu.vector_load_idx %arg13[%add3A_3002, %broadcast_in_dim3A_3186] : memref<256x128xf32, #tpu.memory_space<vmem>>[vector<16xi32>, vector<16xi32>], vector<16xf32>,
      %mul3A_3189 = arith.mulf %gather3A_3187, %gather3A_3188 : vector<16xf32>
      %add3A_3190 = arith.addf %add3A_3184, %mul3A_3189 : vector<16xf32>
      %broadcast_in_dim3A_3191 = arith.constant 31 : i32
      %broadcast_in_dim3A_3192 = vector.broadcast %broadcast_in_dim3A_3191 : i32 to vector<16xi32>
      %gather3A_3193 = tpu.vector_load_idx %arg12[%add3A_3002, %broadcast_in_dim3A_3192] : memref<256x128xf32, #tpu.memory_space<vmem>>[vector<16xi32>, vector<16xi32>], vector<16xf32>,
      %gather3A_3194 = tpu.vector_load_idx %arg13[%add3A_3002, %broadcast_in_dim3A_3192] : memref<256x128xf32, #tpu.memory_space<vmem>>[vector<16xi32>, vector<16xi32>], vector<16xf32>,
      %mul3A_3195 = arith.mulf %gather3A_3193, %gather3A_3194 : vector<16xf32>
      %add3A_3196 = arith.addf %add3A_3190, %mul3A_3195 : vector<16xf32>
      %broadcast_in_dim3A_3197 = arith.constant 32 : i32
      %broadcast_in_dim3A_3198 = vector.broadcast %broadcast_in_dim3A_3197 : i32 to vector<16xi32>
      %gather3A_3199 = tpu.vector_load_idx %arg12[%add3A_3002, %broadcast_in_dim3A_3198] : memref<256x128xf32, #tpu.memory_space<vmem>>[vector<16xi32>, vector<16xi32>], vector<16xf32>,
      %gather3A_3200 = tpu.vector_load_idx %arg13[%add3A_3002, %broadcast_in_dim3A_3198] : memref<256x128xf32, #tpu.memory_space<vmem>>[vector<16xi32>, vector<16xi32>], vector<16xf32>,
      %mul3A_3201 = arith.mulf %gather3A_3199, %gather3A_3200 : vector<16xf32>
      %add3A_3202 = arith.addf %add3A_3196, %mul3A_3201 : vector<16xf32>
      %broadcast_in_dim3A_3203 = arith.constant 33 : i32
      %broadcast_in_dim3A_3204 = vector.broadcast %broadcast_in_dim3A_3203 : i32 to vector<16xi32>
      %gather3A_3205 = tpu.vector_load_idx %arg12[%add3A_3002, %broadcast_in_dim3A_3204] : memref<256x128xf32, #tpu.memory_space<vmem>>[vector<16xi32>, vector<16xi32>], vector<16xf32>,
      %gather3A_3206 = tpu.vector_load_idx %arg13[%add3A_3002, %broadcast_in_dim3A_3204] : memref<256x128xf32, #tpu.memory_space<vmem>>[vector<16xi32>, vector<16xi32>], vector<16xf32>,
      %mul3A_3207 = arith.mulf %gather3A_3205, %gather3A_3206 : vector<16xf32>
      %add3A_3208 = arith.addf %add3A_3202, %mul3A_3207 : vector<16xf32>
      %broadcast_in_dim3A_3209 = arith.constant 34 : i32
      %broadcast_in_dim3A_3210 = vector.broadcast %broadcast_in_dim3A_3209 : i32 to vector<16xi32>
      %gather3A_3211 = tpu.vector_load_idx %arg12[%add3A_3002, %broadcast_in_dim3A_3210] : memref<256x128xf32, #tpu.memory_space<vmem>>[vector<16xi32>, vector<16xi32>], vector<16xf32>,
      %gather3A_3212 = tpu.vector_load_idx %arg13[%add3A_3002, %broadcast_in_dim3A_3210] : memref<256x128xf32, #tpu.memory_space<vmem>>[vector<16xi32>, vector<16xi32>], vector<16xf32>,
      %mul3A_3213 = arith.mulf %gather3A_3211, %gather3A_3212 : vector<16xf32>
      %add3A_3214 = arith.addf %add3A_3208, %mul3A_3213 : vector<16xf32>
      %broadcast_in_dim3A_3215 = arith.constant 35 : i32
      %broadcast_in_dim3A_3216 = vector.broadcast %broadcast_in_dim3A_3215 : i32 to vector<16xi32>
      %gather3A_3217 = tpu.vector_load_idx %arg12[%add3A_3002, %broadcast_in_dim3A_3216] : memref<256x128xf32, #tpu.memory_space<vmem>>[vector<16xi32>, vector<16xi32>], vector<16xf32>,
      %gather3A_3218 = tpu.vector_load_idx %arg13[%add3A_3002, %broadcast_in_dim3A_3216] : memref<256x128xf32, #tpu.memory_space<vmem>>[vector<16xi32>, vector<16xi32>], vector<16xf32>,
      %mul3A_3219 = arith.mulf %gather3A_3217, %gather3A_3218 : vector<16xf32>
      %add3A_3220 = arith.addf %add3A_3214, %mul3A_3219 : vector<16xf32>
      %broadcast_in_dim3A_3221 = arith.constant 36 : i32
      %broadcast_in_dim3A_3222 = vector.broadcast %broadcast_in_dim3A_3221 : i32 to vector<16xi32>
      %gather3A_3223 = tpu.vector_load_idx %arg12[%add3A_3002, %broadcast_in_dim3A_3222] : memref<256x128xf32, #tpu.memory_space<vmem>>[vector<16xi32>, vector<16xi32>], vector<16xf32>,
      %gather3A_3224 = tpu.vector_load_idx %arg13[%add3A_3002, %broadcast_in_dim3A_3222] : memref<256x128xf32, #tpu.memory_space<vmem>>[vector<16xi32>, vector<16xi32>], vector<16xf32>,
      %mul3A_3225 = arith.mulf %gather3A_3223, %gather3A_3224 : vector<16xf32>
      %add3A_3226 = arith.addf %add3A_3220, %mul3A_3225 : vector<16xf32>
      %broadcast_in_dim3A_3227 = arith.constant 37 : i32
      %broadcast_in_dim3A_3228 = vector.broadcast %broadcast_in_dim3A_3227 : i32 to vector<16xi32>
      %gather3A_3229 = tpu.vector_load_idx %arg12[%add3A_3002, %broadcast_in_dim3A_3228] : memref<256x128xf32, #tpu.memory_space<vmem>>[vector<16xi32>, vector<16xi32>], vector<16xf32>,
      %gather3A_3230 = tpu.vector_load_idx %arg13[%add3A_3002, %broadcast_in_dim3A_3228] : memref<256x128xf32, #tpu.memory_space<vmem>>[vector<16xi32>, vector<16xi32>], vector<16xf32>,
      %mul3A_3231 = arith.mulf %gather3A_3229, %gather3A_3230 : vector<16xf32>
      %add3A_3232 = arith.addf %add3A_3226, %mul3A_3231 : vector<16xf32>
      %broadcast_in_dim3A_3233 = arith.constant 38 : i32
      %broadcast_in_dim3A_3234 = vector.broadcast %broadcast_in_dim3A_3233 : i32 to vector<16xi32>
      %gather3A_3235 = tpu.vector_load_idx %arg12[%add3A_3002, %broadcast_in_dim3A_3234] : memref<256x128xf32, #tpu.memory_space<vmem>>[vector<16xi32>, vector<16xi32>], vector<16xf32>,
      %gather3A_3236 = tpu.vector_load_idx %arg13[%add3A_3002, %broadcast_in_dim3A_3234] : memref<256x128xf32, #tpu.memory_space<vmem>>[vector<16xi32>, vector<16xi32>], vector<16xf32>,
      %mul3A_3237 = arith.mulf %gather3A_3235, %gather3A_3236 : vector<16xf32>
      %add3A_3238 = arith.addf %add3A_3232, %mul3A_3237 : vector<16xf32>
      %broadcast_in_dim3A_3239 = arith.constant 39 : i32
      %broadcast_in_dim3A_3240 = vector.broadcast %broadcast_in_dim3A_3239 : i32 to vector<16xi32>
      %gather3A_3241 = tpu.vector_load_idx %arg12[%add3A_3002, %broadcast_in_dim3A_3240] : memref<256x128xf32, #tpu.memory_space<vmem>>[vector<16xi32>, vector<16xi32>], vector<16xf32>,
      %gather3A_3242 = tpu.vector_load_idx %arg13[%add3A_3002, %broadcast_in_dim3A_3240] : memref<256x128xf32, #tpu.memory_space<vmem>>[vector<16xi32>, vector<16xi32>], vector<16xf32>,
      %mul3A_3243 = arith.mulf %gather3A_3241, %gather3A_3242 : vector<16xf32>
      %add3A_3244 = arith.addf %add3A_3238, %mul3A_3243 : vector<16xf32>
      %broadcast_in_dim3A_3245 = arith.constant 40 : i32
      %broadcast_in_dim3A_3246 = vector.broadcast %broadcast_in_dim3A_3245 : i32 to vector<16xi32>
      %gather3A_3247 = tpu.vector_load_idx %arg12[%add3A_3002, %broadcast_in_dim3A_3246] : memref<256x128xf32, #tpu.memory_space<vmem>>[vector<16xi32>, vector<16xi32>], vector<16xf32>,
      %gather3A_3248 = tpu.vector_load_idx %arg13[%add3A_3002, %broadcast_in_dim3A_3246] : memref<256x128xf32, #tpu.memory_space<vmem>>[vector<16xi32>, vector<16xi32>], vector<16xf32>,
      %mul3A_3249 = arith.mulf %gather3A_3247, %gather3A_3248 : vector<16xf32>
      %add3A_3250 = arith.addf %add3A_3244, %mul3A_3249 : vector<16xf32>
      %broadcast_in_dim3A_3251 = arith.constant 41 : i32
      %broadcast_in_dim3A_3252 = vector.broadcast %broadcast_in_dim3A_3251 : i32 to vector<16xi32>
      %gather3A_3253 = tpu.vector_load_idx %arg12[%add3A_3002, %broadcast_in_dim3A_3252] : memref<256x128xf32, #tpu.memory_space<vmem>>[vector<16xi32>, vector<16xi32>], vector<16xf32>,
      %gather3A_3254 = tpu.vector_load_idx %arg13[%add3A_3002, %broadcast_in_dim3A_3252] : memref<256x128xf32, #tpu.memory_space<vmem>>[vector<16xi32>, vector<16xi32>], vector<16xf32>,
      %mul3A_3255 = arith.mulf %gather3A_3253, %gather3A_3254 : vector<16xf32>
      %add3A_3256 = arith.addf %add3A_3250, %mul3A_3255 : vector<16xf32>
      %broadcast_in_dim3A_3257 = arith.constant 42 : i32
      %broadcast_in_dim3A_3258 = vector.broadcast %broadcast_in_dim3A_3257 : i32 to vector<16xi32>
      %gather3A_3259 = tpu.vector_load_idx %arg12[%add3A_3002, %broadcast_in_dim3A_3258] : memref<256x128xf32, #tpu.memory_space<vmem>>[vector<16xi32>, vector<16xi32>], vector<16xf32>,
      %gather3A_3260 = tpu.vector_load_idx %arg13[%add3A_3002, %broadcast_in_dim3A_3258] : memref<256x128xf32, #tpu.memory_space<vmem>>[vector<16xi32>, vector<16xi32>], vector<16xf32>,
      %mul3A_3261 = arith.mulf %gather3A_3259, %gather3A_3260 : vector<16xf32>
      %add3A_3262 = arith.addf %add3A_3256, %mul3A_3261 : vector<16xf32>
      %broadcast_in_dim3A_3263 = arith.constant 43 : i32
      %broadcast_in_dim3A_3264 = vector.broadcast %broadcast_in_dim3A_3263 : i32 to vector<16xi32>
      %gather3A_3265 = tpu.vector_load_idx %arg12[%add3A_3002, %broadcast_in_dim3A_3264] : memref<256x128xf32, #tpu.memory_space<vmem>>[vector<16xi32>, vector<16xi32>], vector<16xf32>,
      %gather3A_3266 = tpu.vector_load_idx %arg13[%add3A_3002, %broadcast_in_dim3A_3264] : memref<256x128xf32, #tpu.memory_space<vmem>>[vector<16xi32>, vector<16xi32>], vector<16xf32>,
      %mul3A_3267 = arith.mulf %gather3A_3265, %gather3A_3266 : vector<16xf32>
      %add3A_3268 = arith.addf %add3A_3262, %mul3A_3267 : vector<16xf32>
      %broadcast_in_dim3A_3269 = arith.constant 44 : i32
      %broadcast_in_dim3A_3270 = vector.broadcast %broadcast_in_dim3A_3269 : i32 to vector<16xi32>
      %gather3A_3271 = tpu.vector_load_idx %arg12[%add3A_3002, %broadcast_in_dim3A_3270] : memref<256x128xf32, #tpu.memory_space<vmem>>[vector<16xi32>, vector<16xi32>], vector<16xf32>,
      %gather3A_3272 = tpu.vector_load_idx %arg13[%add3A_3002, %broadcast_in_dim3A_3270] : memref<256x128xf32, #tpu.memory_space<vmem>>[vector<16xi32>, vector<16xi32>], vector<16xf32>,
      %mul3A_3273 = arith.mulf %gather3A_3271, %gather3A_3272 : vector<16xf32>
      %add3A_3274 = arith.addf %add3A_3268, %mul3A_3273 : vector<16xf32>
      %broadcast_in_dim3A_3275 = arith.constant 45 : i32
      %broadcast_in_dim3A_3276 = vector.broadcast %broadcast_in_dim3A_3275 : i32 to vector<16xi32>
      %gather3A_3277 = tpu.vector_load_idx %arg12[%add3A_3002, %broadcast_in_dim3A_3276] : memref<256x128xf32, #tpu.memory_space<vmem>>[vector<16xi32>, vector<16xi32>], vector<16xf32>,
      %gather3A_3278 = tpu.vector_load_idx %arg13[%add3A_3002, %broadcast_in_dim3A_3276] : memref<256x128xf32, #tpu.memory_space<vmem>>[vector<16xi32>, vector<16xi32>], vector<16xf32>,
      %mul3A_3279 = arith.mulf %gather3A_3277, %gather3A_3278 : vector<16xf32>
      %add3A_3280 = arith.addf %add3A_3274, %mul3A_3279 : vector<16xf32>
      %broadcast_in_dim3A_3281 = arith.constant 46 : i32
      %broadcast_in_dim3A_3282 = vector.broadcast %broadcast_in_dim3A_3281 : i32 to vector<16xi32>
      %gather3A_3283 = tpu.vector_load_idx %arg12[%add3A_3002, %broadcast_in_dim3A_3282] : memref<256x128xf32, #tpu.memory_space<vmem>>[vector<16xi32>, vector<16xi32>], vector<16xf32>,
      %gather3A_3284 = tpu.vector_load_idx %arg13[%add3A_3002, %broadcast_in_dim3A_3282] : memref<256x128xf32, #tpu.memory_space<vmem>>[vector<16xi32>, vector<16xi32>], vector<16xf32>,
      %mul3A_3285 = arith.mulf %gather3A_3283, %gather3A_3284 : vector<16xf32>
      %add3A_3286 = arith.addf %add3A_3280, %mul3A_3285 : vector<16xf32>
      %broadcast_in_dim3A_3287 = arith.constant 47 : i32
      %broadcast_in_dim3A_3288 = vector.broadcast %broadcast_in_dim3A_3287 : i32 to vector<16xi32>
      %gather3A_3289 = tpu.vector_load_idx %arg12[%add3A_3002, %broadcast_in_dim3A_3288] : memref<256x128xf32, #tpu.memory_space<vmem>>[vector<16xi32>, vector<16xi32>], vector<16xf32>,
      %gather3A_3290 = tpu.vector_load_idx %arg13[%add3A_3002, %broadcast_in_dim3A_3288] : memref<256x128xf32, #tpu.memory_space<vmem>>[vector<16xi32>, vector<16xi32>], vector<16xf32>,
      %mul3A_3291 = arith.mulf %gather3A_3289, %gather3A_3290 : vector<16xf32>
      %add3A_3292 = arith.addf %add3A_3286, %mul3A_3291 : vector<16xf32>
      %broadcast_in_dim3A_3293 = arith.constant 48 : i32
      %broadcast_in_dim3A_3294 = vector.broadcast %broadcast_in_dim3A_3293 : i32 to vector<16xi32>
      %gather3A_3295 = tpu.vector_load_idx %arg12[%add3A_3002, %broadcast_in_dim3A_3294] : memref<256x128xf32, #tpu.memory_space<vmem>>[vector<16xi32>, vector<16xi32>], vector<16xf32>,
      %gather3A_3296 = tpu.vector_load_idx %arg13[%add3A_3002, %broadcast_in_dim3A_3294] : memref<256x128xf32, #tpu.memory_space<vmem>>[vector<16xi32>, vector<16xi32>], vector<16xf32>,
      %mul3A_3297 = arith.mulf %gather3A_3295, %gather3A_3296 : vector<16xf32>
      %add3A_3298 = arith.addf %add3A_3292, %mul3A_3297 : vector<16xf32>
      %broadcast_in_dim3A_3299 = arith.constant 49 : i32
      %broadcast_in_dim3A_3300 = vector.broadcast %broadcast_in_dim3A_3299 : i32 to vector<16xi32>
      %gather3A_3301 = tpu.vector_load_idx %arg12[%add3A_3002, %broadcast_in_dim3A_3300] : memref<256x128xf32, #tpu.memory_space<vmem>>[vector<16xi32>, vector<16xi32>], vector<16xf32>,
      %gather3A_3302 = tpu.vector_load_idx %arg13[%add3A_3002, %broadcast_in_dim3A_3300] : memref<256x128xf32, #tpu.memory_space<vmem>>[vector<16xi32>, vector<16xi32>], vector<16xf32>,
      %mul3A_3303 = arith.mulf %gather3A_3301, %gather3A_3302 : vector<16xf32>
      %add3A_3304 = arith.addf %add3A_3298, %mul3A_3303 : vector<16xf32>
      %broadcast_in_dim3A_3305 = arith.constant 50 : i32
      %broadcast_in_dim3A_3306 = vector.broadcast %broadcast_in_dim3A_3305 : i32 to vector<16xi32>
      %gather3A_3307 = tpu.vector_load_idx %arg12[%add3A_3002, %broadcast_in_dim3A_3306] : memref<256x128xf32, #tpu.memory_space<vmem>>[vector<16xi32>, vector<16xi32>], vector<16xf32>,
      %gather3A_3308 = tpu.vector_load_idx %arg13[%add3A_3002, %broadcast_in_dim3A_3306] : memref<256x128xf32, #tpu.memory_space<vmem>>[vector<16xi32>, vector<16xi32>], vector<16xf32>,
      %mul3A_3309 = arith.mulf %gather3A_3307, %gather3A_3308 : vector<16xf32>
      %add3A_3310 = arith.addf %add3A_3304, %mul3A_3309 : vector<16xf32>
      %broadcast_in_dim3A_3311 = arith.constant 51 : i32
      %broadcast_in_dim3A_3312 = vector.broadcast %broadcast_in_dim3A_3311 : i32 to vector<16xi32>
      %gather3A_3313 = tpu.vector_load_idx %arg12[%add3A_3002, %broadcast_in_dim3A_3312] : memref<256x128xf32, #tpu.memory_space<vmem>>[vector<16xi32>, vector<16xi32>], vector<16xf32>,
      %gather3A_3314 = tpu.vector_load_idx %arg13[%add3A_3002, %broadcast_in_dim3A_3312] : memref<256x128xf32, #tpu.memory_space<vmem>>[vector<16xi32>, vector<16xi32>], vector<16xf32>,
      %mul3A_3315 = arith.mulf %gather3A_3313, %gather3A_3314 : vector<16xf32>
      %add3A_3316 = arith.addf %add3A_3310, %mul3A_3315 : vector<16xf32>
      %broadcast_in_dim3A_3317 = arith.constant 52 : i32
      %broadcast_in_dim3A_3318 = vector.broadcast %broadcast_in_dim3A_3317 : i32 to vector<16xi32>
      %gather3A_3319 = tpu.vector_load_idx %arg12[%add3A_3002, %broadcast_in_dim3A_3318] : memref<256x128xf32, #tpu.memory_space<vmem>>[vector<16xi32>, vector<16xi32>], vector<16xf32>,
      %gather3A_3320 = tpu.vector_load_idx %arg13[%add3A_3002, %broadcast_in_dim3A_3318] : memref<256x128xf32, #tpu.memory_space<vmem>>[vector<16xi32>, vector<16xi32>], vector<16xf32>,
      %mul3A_3321 = arith.mulf %gather3A_3319, %gather3A_3320 : vector<16xf32>
      %add3A_3322 = arith.addf %add3A_3316, %mul3A_3321 : vector<16xf32>
      %broadcast_in_dim3A_3323 = arith.constant 53 : i32
      %broadcast_in_dim3A_3324 = vector.broadcast %broadcast_in_dim3A_3323 : i32 to vector<16xi32>
      %gather3A_3325 = tpu.vector_load_idx %arg12[%add3A_3002, %broadcast_in_dim3A_3324] : memref<256x128xf32, #tpu.memory_space<vmem>>[vector<16xi32>, vector<16xi32>], vector<16xf32>,
      %gather3A_3326 = tpu.vector_load_idx %arg13[%add3A_3002, %broadcast_in_dim3A_3324] : memref<256x128xf32, #tpu.memory_space<vmem>>[vector<16xi32>, vector<16xi32>], vector<16xf32>,
      %mul3A_3327 = arith.mulf %gather3A_3325, %gather3A_3326 : vector<16xf32>
      %add3A_3328 = arith.addf %add3A_3322, %mul3A_3327 : vector<16xf32>
      %broadcast_in_dim3A_3329 = arith.constant 54 : i32
      %broadcast_in_dim3A_3330 = vector.broadcast %broadcast_in_dim3A_3329 : i32 to vector<16xi32>
      %gather3A_3331 = tpu.vector_load_idx %arg12[%add3A_3002, %broadcast_in_dim3A_3330] : memref<256x128xf32, #tpu.memory_space<vmem>>[vector<16xi32>, vector<16xi32>], vector<16xf32>,
      %gather3A_3332 = tpu.vector_load_idx %arg13[%add3A_3002, %broadcast_in_dim3A_3330] : memref<256x128xf32, #tpu.memory_space<vmem>>[vector<16xi32>, vector<16xi32>], vector<16xf32>,
      %mul3A_3333 = arith.mulf %gather3A_3331, %gather3A_3332 : vector<16xf32>
      %add3A_3334 = arith.addf %add3A_3328, %mul3A_3333 : vector<16xf32>
      %broadcast_in_dim3A_3335 = arith.constant 55 : i32
      %broadcast_in_dim3A_3336 = vector.broadcast %broadcast_in_dim3A_3335 : i32 to vector<16xi32>
      %gather3A_3337 = tpu.vector_load_idx %arg12[%add3A_3002, %broadcast_in_dim3A_3336] : memref<256x128xf32, #tpu.memory_space<vmem>>[vector<16xi32>, vector<16xi32>], vector<16xf32>,
      %gather3A_3338 = tpu.vector_load_idx %arg13[%add3A_3002, %broadcast_in_dim3A_3336] : memref<256x128xf32, #tpu.memory_space<vmem>>[vector<16xi32>, vector<16xi32>], vector<16xf32>,
      %mul3A_3339 = arith.mulf %gather3A_3337, %gather3A_3338 : vector<16xf32>
      %add3A_3340 = arith.addf %add3A_3334, %mul3A_3339 : vector<16xf32>
      %broadcast_in_dim3A_3341 = arith.constant 56 : i32
      %broadcast_in_dim3A_3342 = vector.broadcast %broadcast_in_dim3A_3341 : i32 to vector<16xi32>
      %gather3A_3343 = tpu.vector_load_idx %arg12[%add3A_3002, %broadcast_in_dim3A_3342] : memref<256x128xf32, #tpu.memory_space<vmem>>[vector<16xi32>, vector<16xi32>], vector<16xf32>,
      %gather3A_3344 = tpu.vector_load_idx %arg13[%add3A_3002, %broadcast_in_dim3A_3342] : memref<256x128xf32, #tpu.memory_space<vmem>>[vector<16xi32>, vector<16xi32>], vector<16xf32>,
      %mul3A_3345 = arith.mulf %gather3A_3343, %gather3A_3344 : vector<16xf32>
      %add3A_3346 = arith.addf %add3A_3340, %mul3A_3345 : vector<16xf32>
      %broadcast_in_dim3A_3347 = arith.constant 57 : i32
      %broadcast_in_dim3A_3348 = vector.broadcast %broadcast_in_dim3A_3347 : i32 to vector<16xi32>
      %gather3A_3349 = tpu.vector_load_idx %arg12[%add3A_3002, %broadcast_in_dim3A_3348] : memref<256x128xf32, #tpu.memory_space<vmem>>[vector<16xi32>, vector<16xi32>], vector<16xf32>,
      %gather3A_3350 = tpu.vector_load_idx %arg13[%add3A_3002, %broadcast_in_dim3A_3348] : memref<256x128xf32, #tpu.memory_space<vmem>>[vector<16xi32>, vector<16xi32>], vector<16xf32>,
      %mul3A_3351 = arith.mulf %gather3A_3349, %gather3A_3350 : vector<16xf32>
      %add3A_3352 = arith.addf %add3A_3346, %mul3A_3351 : vector<16xf32>
      %broadcast_in_dim3A_3353 = arith.constant 58 : i32
      %broadcast_in_dim3A_3354 = vector.broadcast %broadcast_in_dim3A_3353 : i32 to vector<16xi32>
      %gather3A_3355 = tpu.vector_load_idx %arg12[%add3A_3002, %broadcast_in_dim3A_3354] : memref<256x128xf32, #tpu.memory_space<vmem>>[vector<16xi32>, vector<16xi32>], vector<16xf32>,
      %gather3A_3356 = tpu.vector_load_idx %arg13[%add3A_3002, %broadcast_in_dim3A_3354] : memref<256x128xf32, #tpu.memory_space<vmem>>[vector<16xi32>, vector<16xi32>], vector<16xf32>,
      %mul3A_3357 = arith.mulf %gather3A_3355, %gather3A_3356 : vector<16xf32>
      %add3A_3358 = arith.addf %add3A_3352, %mul3A_3357 : vector<16xf32>
      %broadcast_in_dim3A_3359 = arith.constant 59 : i32
      %broadcast_in_dim3A_3360 = vector.broadcast %broadcast_in_dim3A_3359 : i32 to vector<16xi32>
      %gather3A_3361 = tpu.vector_load_idx %arg12[%add3A_3002, %broadcast_in_dim3A_3360] : memref<256x128xf32, #tpu.memory_space<vmem>>[vector<16xi32>, vector<16xi32>], vector<16xf32>,
      %gather3A_3362 = tpu.vector_load_idx %arg13[%add3A_3002, %broadcast_in_dim3A_3360] : memref<256x128xf32, #tpu.memory_space<vmem>>[vector<16xi32>, vector<16xi32>], vector<16xf32>,
      %mul3A_3363 = arith.mulf %gather3A_3361, %gather3A_3362 : vector<16xf32>
      %add3A_3364 = arith.addf %add3A_3358, %mul3A_3363 : vector<16xf32>
      %broadcast_in_dim3A_3365 = arith.constant 60 : i32
      %broadcast_in_dim3A_3366 = vector.broadcast %broadcast_in_dim3A_3365 : i32 to vector<16xi32>
      %gather3A_3367 = tpu.vector_load_idx %arg12[%add3A_3002, %broadcast_in_dim3A_3366] : memref<256x128xf32, #tpu.memory_space<vmem>>[vector<16xi32>, vector<16xi32>], vector<16xf32>,
      %gather3A_3368 = tpu.vector_load_idx %arg13[%add3A_3002, %broadcast_in_dim3A_3366] : memref<256x128xf32, #tpu.memory_space<vmem>>[vector<16xi32>, vector<16xi32>], vector<16xf32>,
      %mul3A_3369 = arith.mulf %gather3A_3367, %gather3A_3368 : vector<16xf32>
      %add3A_3370 = arith.addf %add3A_3364, %mul3A_3369 : vector<16xf32>
      %broadcast_in_dim3A_3371 = arith.constant 61 : i32
      %broadcast_in_dim3A_3372 = vector.broadcast %broadcast_in_dim3A_3371 : i32 to vector<16xi32>
      %gather3A_3373 = tpu.vector_load_idx %arg12[%add3A_3002, %broadcast_in_dim3A_3372] : memref<256x128xf32, #tpu.memory_space<vmem>>[vector<16xi32>, vector<16xi32>], vector<16xf32>,
      %gather3A_3374 = tpu.vector_load_idx %arg13[%add3A_3002, %broadcast_in_dim3A_3372] : memref<256x128xf32, #tpu.memory_space<vmem>>[vector<16xi32>, vector<16xi32>], vector<16xf32>,
      %mul3A_3375 = arith.mulf %gather3A_3373, %gather3A_3374 : vector<16xf32>
      %add3A_3376 = arith.addf %add3A_3370, %mul3A_3375 : vector<16xf32>
      %broadcast_in_dim3A_3377 = arith.constant 62 : i32
      %broadcast_in_dim3A_3378 = vector.broadcast %broadcast_in_dim3A_3377 : i32 to vector<16xi32>
      %gather3A_3379 = tpu.vector_load_idx %arg12[%add3A_3002, %broadcast_in_dim3A_3378] : memref<256x128xf32, #tpu.memory_space<vmem>>[vector<16xi32>, vector<16xi32>], vector<16xf32>,
      %gather3A_3380 = tpu.vector_load_idx %arg13[%add3A_3002, %broadcast_in_dim3A_3378] : memref<256x128xf32, #tpu.memory_space<vmem>>[vector<16xi32>, vector<16xi32>], vector<16xf32>,
      %mul3A_3381 = arith.mulf %gather3A_3379, %gather3A_3380 : vector<16xf32>
      %add3A_3382 = arith.addf %add3A_3376, %mul3A_3381 : vector<16xf32>
      %broadcast_in_dim3A_3383 = arith.constant 63 : i32
      %broadcast_in_dim3A_3384 = vector.broadcast %broadcast_in_dim3A_3383 : i32 to vector<16xi32>
      %gather3A_3385 = tpu.vector_load_idx %arg12[%add3A_3002, %broadcast_in_dim3A_3384] : memref<256x128xf32, #tpu.memory_space<vmem>>[vector<16xi32>, vector<16xi32>], vector<16xf32>,
      %gather3A_3386 = tpu.vector_load_idx %arg13[%add3A_3002, %broadcast_in_dim3A_3384] : memref<256x128xf32, #tpu.memory_space<vmem>>[vector<16xi32>, vector<16xi32>], vector<16xf32>,
      %mul3A_3387 = arith.mulf %gather3A_3385, %gather3A_3386 : vector<16xf32>
      %add3A_3388 = arith.addf %add3A_3382, %mul3A_3387 : vector<16xf32>
      %get3A_3389 = arith.index_cast %add3A_2996 : i32 to index
      %get3A_3390 = tpu.vector_load %arg14[%get3A_3389] {strides = array<i32>} : memref<512xf32, #tpu.memory_space<vmem>>, vector<16xf32>,
      %add3A_3391 = arith.addf %add3A_3388, %get3A_3390 : vector<16xf32>
      %get3A_3392 = arith.index_cast %add3A_2996 : i32 to index
      %get3A_3393 = tpu.vector_load %arg15[%get3A_3392] {strides = array<i32>} : memref<512xf32, #tpu.memory_space<vmem>>, vector<16xf32>,
      %add3A_3394 = arith.addf %add3A_3391, %get3A_3393 : vector<16xf32>
      %add3A_3395 = arith.addf %add3A_3394, %get3A_48 : vector<16xf32>
      %swap3A_3396 = arith.index_cast %add3A_2996 : i32 to index
      %swap3A_3397 = tpu.vector_load %arg17[%swap3A_3396] {strides = array<i32>} : memref<512xf32, #tpu.memory_space<vmem>>, vector<16xf32>,
      tpu.vector_store %arg17[%swap3A_3396], %add3A_3395 {strides = array<i32>} : memref<512xf32, #tpu.memory_space<vmem>>, vector<16xf32>,
      %add3A_3398 = arith.constant 2 : i32
      %add3A_3399 = arith.addi %scan3A_135, %add3A_3398 : i32
      %lt3A = arith.constant 4 : i32
      %lt3A_3400 = arith.cmpi slt, %add3A_3399, %lt3A : i32
      %convert_element_type3A = arith.extui %lt3A_3400 : i1 to i32
      %cond3A = arith.constant 0 : i32
      %cond3A_3401 = arith.cmpi ne, %convert_element_type3A, %cond3A : i32
      scf.if %cond3A_3401 {
        %add3A_3402 = arith.constant 2 : i32
        %add3A_3403 = arith.addi %scan3A_135, %add3A_3402 : i32
        %mul3A_3404 = arith.constant 128 : i32
        %mul3A_3405 = arith.muli %add3A_3403, %mul3A_3404 : i32
        %mul3A_3406 = arith.constant 128 : i32
        %mul3A_3407 = arith.muli %rem3A_136, %mul3A_3406 : i32
        %dma_start3A_3408 = arith.constant 0 : i32
        %dma_start3A_3409 = tpu.memref_slice %arg12[%mul3A_3407, %dma_start3A_3408] : memref<256x128xf32, #tpu.memory_space<vmem>> -> memref<128x128xf32, #tpu.memory_space<vmem>>
        %dma_start3A_3410 = tpu.memref_slice %arg10[%mul3A_3405] : memref<512xi32, #tpu.memory_space<vmem>> -> memref<128xi32, #tpu.memory_space<vmem>>
        %dma_start3A_3411 = arith.constant 0 : i32
        %dma_start3A_3412 = arith.constant 0 : i32
        %dma_start3A_3413 = tpu.memref_slice %arg4[%dma_start3A_3411, %dma_start3A_3412] : memref<1000000x128xf32, #tpu.memory_space<hbm>> -> memref<1000000x128xf32, #tpu.memory_space<hbm>>
        tpu.enqueue_indirect_dma source(%dma_start3A_3413 : memref<1000000x128xf32, #tpu.memory_space<hbm>>) target(%dma_start3A_3409 : memref<128x128xf32, #tpu.memory_space<vmem>>) offsets(%dma_start3A_3410 : memref<128xi32, #tpu.memory_space<vmem>>) semaphore(%arg18 : memref<!tpu.dma_semaphore, #tpu.memory_space<semaphore_mem>>)
        %dma_start3A_3414 = arith.constant 0 : i32
        %dma_start3A_3415 = tpu.memref_slice %arg13[%mul3A_3407, %dma_start3A_3414] : memref<256x128xf32, #tpu.memory_space<vmem>> -> memref<128x128xf32, #tpu.memory_space<vmem>>
        %dma_start3A_3416 = tpu.memref_slice %arg11[%mul3A_3405] : memref<512xi32, #tpu.memory_space<vmem>> -> memref<128xi32, #tpu.memory_space<vmem>>
        %dma_start3A_3417 = arith.constant 0 : i32
        %dma_start3A_3418 = arith.constant 0 : i32
        %dma_start3A_3419 = tpu.memref_slice %arg5[%dma_start3A_3417, %dma_start3A_3418] : memref<1000000x128xf32, #tpu.memory_space<hbm>> -> memref<1000000x128xf32, #tpu.memory_space<hbm>>
        tpu.enqueue_indirect_dma source(%dma_start3A_3419 : memref<1000000x128xf32, #tpu.memory_space<hbm>>) target(%dma_start3A_3415 : memref<128x128xf32, #tpu.memory_space<vmem>>) offsets(%dma_start3A_3416 : memref<128xi32, #tpu.memory_space<vmem>>) semaphore(%arg18 : memref<!tpu.dma_semaphore, #tpu.memory_space<semaphore_mem>>)
      } else {
      }
    }
    %scan3A_132 = arith.constant 4 : i32
    %mul3A_133 = arith.constant 512 : i32
    %mul3A_134 = arith.muli %add3A, %mul3A_133 : i32
    "tpu.region"() ({
      %run_scoped3A = tpu.sem_alloc : memref<!tpu.dma_semaphore, #tpu.memory_space<semaphore_mem>>
      %dma_start3A_135 = tpu.memref_slice %arg9[%mul3A_134] : memref<16384xf32, #tpu.memory_space<hbm>> -> memref<512xf32, #tpu.memory_space<hbm>>
      %dma_start3A_136 = tpu.memref_slice %arg9[%mul3A_134] : memref<16384xf32, #tpu.memory_space<hbm>> -> memref<512xf32, #tpu.memory_space<hbm>>
      tpu.enqueue_dma source(%arg17 : memref<512xf32, #tpu.memory_space<vmem>>) target(%dma_start3A_136 : memref<512xf32, #tpu.memory_space<hbm>>) target_semaphore(%run_scoped3A : memref<!tpu.dma_semaphore, #tpu.memory_space<semaphore_mem>>)
      %dma_wait3A_137 = tpu.memref_slice %arg9[%mul3A_134] : memref<16384xf32, #tpu.memory_space<hbm>> -> memref<512xf32, #tpu.memory_space<hbm>>
      %dma_wait3A_138 = tpu.memref_slice %arg9[%mul3A_134] : memref<16384xf32, #tpu.memory_space<hbm>> -> memref<512xf32, #tpu.memory_space<hbm>>
      tpu.wait_dma2 semaphore(%run_scoped3A : memref<!tpu.dma_semaphore, #tpu.memory_space<semaphore_mem>>) src(%arg17 : memref<512xf32, #tpu.memory_space<vmem>>) dst(%dma_wait3A_138 : memref<512xf32, #tpu.memory_space<hbm>>)
      tpu.yield
    }) : () -> ()
    return
  }
}

</mosaic_0001>

<sc_bundles>
// kernel: kernel.3.cloned.1.call-start
scs
__scs_entry_jumppad:
0x0: {  	(pc) =	sbr.rel $0x88, $3  }
0x1: {  	(tag) =	ssettag $0x0;
	lr =	simm.s32 $0x1  }
0x2: {  	[smem:$0x3F9A] =	sst lr;
	_ =	strace $0xD0000000  }
0x3: {  	_ = 	snop  }
0x4: {  	_ = 	snop  }
0x5: {  	_ = 	snop  }
0x6: {  	_ = 	snop  }
0x7: {  	_ = 	snop  }
__scs_overlays_trampoline_lowered:
0x8: {  	[smem:$0x3FA9] =	sst s0  }
0x9: {  	[smem:$0x3FAA] =	sst s1  }
0xa: {  	[smem:$0x3FAB] =	sst s2  }
0xb: {  	[smem:$0x3FAC] =	sst s3  }
0xc: {  	[smem:$0x3FAD] =	sst s4  }
0xd: {  	[smem:$0x3FAE] =	sst s5  }
0xe: {  	[smem:$0x3FAF] =	sst s6  }
0xf: {  	[smem:$0x3FB0] =	sst s7  }
0x10: {  	[smem:$0x3FB1] =	sst s8  }
0x11: {  	[smem:$0x3FB2] =	sst s9;
	s0 =	simm.s32 @!p0 $0x0  }
0x12: {  	s1 =	sld [smem:$0x3F98];
	s0 =	simm.s32 @p0 $0x1  }
0x13: {  	[smem:$0x3FB3] =	sst s0;
	s0 =	simm.s32 @!p1 $0x0  }
0x14: {  	s2 =	sld [smem:$0x3F97];
	s0 =	simm.s32 @p1 $0x1  }
0x15: {  	[smem:$0x3FB4] =	sst s0;
	s0 =	simm.s32 @!p2 $0x0  }
0x16: {  	s3 =	sld [smem:$0x3FDB];
	s0 =	simm.s32 @p2 $0x1  }
0x17: {  	s4 =	simm.s32 $0x1BF5;
	[smem:$0x3FB6] =	sst s0  }
0x18: {  	s0 =	sld [smem:$0x3F99];
	_ =	swait.ge [sflag:s4], $0x0  }
0x19: {  	s7 =	sld [smem:$0x3F9A]  }
0x1a: {  	s8 =	sadd.s32 $0xFFFFE003, lr  }
0x1b: {  	s9 =	sadd.s32 $0xFFFFFEF7, lr;
	s5 =	simm.s32 $0xFFFFFFFF;
	p2 =	slt.u32 s8, $0xFFFFF086  }
0x1c: {  	p1 =	slt.u32 s9, $0xF7A;
	s5 =	simm.s32 @!p2 $0x0  }
0x1d: {  	s5 =	simm.s32 @p1 $0x1;
	p0 =	seq.s32 s7, s2  }
0x1e: {  	s7 =	smul.u32 @!p0 $0xF7A, s2;
	p2 =	seq.s32 @!p0 s5, $0x0  }
0x1f: {  	s9 =	smul.u32 $0xF7A, s1;
	s8 =	simm.s32 @!p0 $0x1BF5;
	p2 =	por !p2, p0  }
0x20: {  	[sflag:s8] =	ssyncset.s32 @!p0 $0xFFFFF086;
	s6 =	sadd.s32 @!p0 s3, s7;
	s7 =	simm.s32 @!p0 $0x108  }
0x21: {  	s3 =	sadd.s32 s3, s9;
	s6 =	sadd.s32 @!p0 $0x88, s6;
	s7 =	simm.s32 @p2 $0x1082  }
0x22: {  	[simem:s7], [sflag:s8] =	dma.local @!p0 [hbm:s6], $0xF7A  }
0x23: {  	s9 =	sor.u32 $0xD0000000, s2;
	s6 =	simm.s32 $0x108;
	_ =	swait.ge @!p0 [sflag:s8], $0x0  }
0x24: {  	s3 =	sadd.s32 $0x88, s3;
	s6 =	simm.s32 @!p1 $0x1082;
	[sflag:s4] =	ssyncset.s32 $0xFFFFF086  }
0x25: {  	[simem:s6], [sflag:s4] =	dma.local [hbm:s3], $0xF7A  }
0x26: {  	[smem:$0x3F9A] =	sst s1;
	(tag) =	ssettag s2;
	_ =	strace s9  }
0x27: {  	s1 =	sld [smem:$0x3FAA]  }
0x28: {  	s2 =	sld [smem:$0x3FAB]  }
0x29: {  	s4 =	sld [smem:$0x3FAD]  }
0x2a: {  	p0 =	seq.s32 s5, $0x0;
	s5 =	sld [smem:$0x3FAE]  }
0x2b: {  	s6 =	sld [smem:$0x3FAF]  }
0x2c: {  	s7 =	sld [smem:$0x3FB0]  }
0x2d: {  	s3 =	simm.s32 $0x108;
	s8 =	sld [smem:$0x3FB1]  }
0x2e: {  	s3 =	simm.s32 @!p0 $0x1082;
	s9 =	sld [smem:$0x3FB2]  }
0x2f: {  	lr =	sadd.s32 s0, s3;
	s0 =	sld [smem:$0x3FA9]  }
0x30: {  	s3 =	sld [smem:$0x3FAC]  }
0x31: {  	[smem:$0x3FB5] =	sst s10  }
0x32: {  	s10 =	sld [smem:$0x3FB3];
	_ =	sdelay $0x3  }
0x33: {  	p0 =	seq.s32 s10, $0x1;
	s10 =	sld [smem:$0x3FB5];
	_ =	sdelay $0x3  }
0x34: {  	[smem:$0x3FB5] =	sst s10  }
0x35: {  	s10 =	sld [smem:$0x3FB4];
	_ =	sdelay $0x3  }
0x36: {  	p1 =	seq.s32 s10, $0x1;
	s10 =	sld [smem:$0x3FB5];
	_ =	sdelay $0x3  }
0x37: {  	[smem:$0x3FB5] =	sst s10  }
0x38: {  	s10 =	sld [smem:$0x3FB6]  }
0x39: {  	_ = 	snop;
	(pc) =	sbr.ind lr, $3  }
0x3a: {  	_ = 	snop  }
0x3b: {  	_ = 	snop  }
0x3c: {  	p2 =	seq.s32 s10, $0x1;
	s10 =	sld [smem:$0x3FB5]  }
0x3d: {  	_ =	shalt  }
0x3e: {  	_ =	shalt  }
0x3f: {  	_ =	shalt  }
0x40: {  	_ =	shalt  }
0x41: {  	_ =	shalt  }
0x42: {  	_ =	shalt  }
0x43: {  	_ =	shalt  }
0x44: {  	_ =	shalt  }
0x45: {  	_ =	shalt  }
0x46: {  	_ =	shalt  }
0x47: {  	_ =	shalt  }
0x48: {  	_ =	shalt  }
0x49: {  	_ =	shalt  }
0x4a: {  	_ =	shalt  }
0x4b: {  	_ =	shalt  }
0x4c: {  	_ =	shalt  }
0x4d: {  	_ =	shalt  }
0x4e: {  	_ =	shalt  }
0x4f: {  	_ =	shalt  }
0x50: {  	_ =	shalt  }
0x51: {  	_ =	shalt  }
0x52: {  	_ =	shalt  }
0x53: {  	_ =	shalt  }
0x54: {  	_ =	shalt  }
0x55: {  	_ =	shalt  }
0x56: {  	_ =	shalt  }
0x57: {  	_ =	shalt  }
0x58: {  	_ =	shalt  }
0x59: {  	_ =	shalt  }
0x5a: {  	_ =	shalt  }
0x5b: {  	_ =	shalt  }
0x5c: {  	_ =	shalt  }
0x5d: {  	_ =	shalt  }
0x5e: {  	_ =	shalt  }
0x5f: {  	_ =	shalt  }
0x60: {  	_ =	shalt  }
0x61: {  	_ =	shalt  }
0x62: {  	_ =	shalt  }
0x63: {  	_ =	shalt  }
0x64: {  	_ =	shalt  }
0x65: {  	_ =	shalt  }
0x66: {  	_ =	shalt  }
0x67: {  	_ =	shalt  }
0x68: {  	_ =	shalt  }
0x69: {  	_ =	shalt  }
0x6a: {  	_ =	shalt  }
0x6b: {  	_ =	shalt  }
0x6c: {  	_ =	shalt  }
0x6d: {  	_ =	shalt  }
0x6e: {  	_ =	shalt  }
0x6f: {  	_ =	shalt  }
0x70: {  	_ =	shalt  }
0x71: {  	_ =	shalt  }
0x72: {  	_ =	shalt  }
0x73: {  	_ =	shalt  }
0x74: {  	_ =	shalt  }
0x75: {  	_ =	shalt  }
0x76: {  	_ =	shalt  }
0x77: {  	_ =	shalt  }
0x78: {  	_ =	shalt  }
0x79: {  	_ =	shalt  }
0x7a: {  	_ =	shalt  }
0x7b: {  	_ =	shalt  }
0x7c: {  	_ =	shalt  }
0x7d: {  	_ =	shalt  }
0x7e: {  	_ =	shalt  }
0x7f: {  	_ =	shalt  }
0x80: {  	_ =	shalt  }
0x81: {  	_ =	shalt  }
0x82: {  	_ =	shalt  }
0x83: {  	_ =	shalt  }
0x84: {  	_ =	shalt  }
0x85: {  	_ =	shalt  }
0x86: {  	_ =	shalt  }
0x87: {  	_ =	shalt  }
.Lfunc_end0:
.L_simem_size_0:
called_computation_lowered:
.L_overlay_start_0:
0x88: {  	s2 =	sld [smem:$0x3FD9]  }
0x89: {  	s3 =	sld [smem:$0x3FFE];
	_ =	sdelay $0x1  }
0x8a: {  	s1 =	srdreg.scid  }
0x8b: {  	s0 =	sand.u32 $0x1, s1  }
0x8c: {  	s17 =	sshll.u32 s0, $0xA;
	s2 =	sadd.s32 s3, s2  }
0x8d: {  	s2 =	sadd.s32 s2, s17  }
0x8e: {  	[smem:$0x3FC1] =	sst s2  }
0x8f: {  	_ = 	snop  }
0x90: {  	s2 =	sld [smem:$0x3FD0];
	(tm) =	ssettm $0x1  }
0x91: {  	s18 =	sld [smem:$0x3FFB];
	_ =	sdelay $0x3  }
0x92: {  	_ =	strace s18  }
0x93: {  	s3 =	sld [smem:$0x3FFC];
	_ =	sdelay $0x3  }
0x94: {  	_ =	strace s3  }
0x95: {  	s3 =	sld [smem:$0x3FFD];
	_ =	sdelay $0x3  }
0x96: {  	_ =	strace s3  }
0x97: {  	_ =	strace $0x8FFFFFFF  }
0x98: {  	s19 =	sld [smem:$0x3FDB];
	_ =	sdelay $0x1  }
0x99: {  	s4 =	simm.s32 $_scs_section_size  }
0x9a: {  	s5 =	simm.s32 $_size__tile_overlayer_lowered;
	s6 =	simm.s32 $_tile_overlayer_lowered  }
0x9b: {  	s22 =	simm.s32 $0x1BFF;
	s21 =	sshll.u32 s6, $0x1;
	s3 =	sadd.s32 s4, s19  }
0x9c: {  	s7 =	simm.s32 $0x0;
	s20 =	sshll.u32 s5, $0x1;
	s5 =	sadd.s32 s21, s3  }
0x9d: {  	[timem:s7], [sflag:s22] =	dma.local [hbm:s5], s20  }
0x9e: {  	_ =	swait.ge [sflag:s22], s20  }
0x9f: {  	s4 =	ssub.s32 $0x0, s20;
	[sflag:s22] =	ssyncset.done $0x0  }
0xa0: {  	[sflag:s22] =	ssyncadd.s32 s4;
	_ =	sdelay $0x1  }
0xa1: {  	s23 =	simm.s32 $0x1B8B  }
0xa2: {  	_ =	swait.ge [sflag:s23], $0x1  }
0xa3: {  	[sflag:s23] =	ssyncset.done $0x0  }
0xa4: {  	s25 =	simm.s32 $0x1B8E;
	s24 =	sld [smem:$0x3FFE];
	[sflag:s23] =	ssyncadd.s32 $0xFFFFFFFF  }
0xa5: {  	s26 =	simm.s32 $execute0_lowered;
	[smem:$0x3FD2] =	sst s25  }
0xa6: {  	s5 =	sshll.u32 s26, $0x1;
	_ =	strace $0x80000046;
	[dreg:$0x1] =	wrdreg $0xFFFFFFFF  }
0xa7: {  	s28 =	simm.s32 $_size_execute0_lowered;
	s3 =	sadd.s32 s3, s5;
	[dreg:$0x0] =	wrdreg $0x0  }
0xa8: {  	s5 =	sshll.u32 s28, $0x1;
	[dreg:$0x2] =	wrdreg s3  }
0xa9: {  	[dreg:$0x3] =	wrdreg s5  }
0xaa: {  	[dreg:$0x4] =	wrdreg $0xC0  }
0xab: {  	_ =	task [dreg:s7], $0x5FFFF  }
0xac: {  	[dreg:$0x1] =	wrdreg $0xFFFFFFFF  }
0xad: {  	[dreg:$0x0] =	wrdreg $0x60  }
0xae: {  	[dreg:$0x2] =	wrdreg s24  }
0xaf: {  	[dreg:$0x3] =	wrdreg s2  }
0xb0: {  	[dreg:$0x4] =	wrdreg $0x9  }
0xb1: {  	_ =	task.clear_ibuf [dreg:s7], $0x5FFFF;
	_ =	strace $0x90000046  }
0xb2: {  	s29 =	simm.s32 $0x9;
	_ =	strace $0x80000048  }
0xb3: {  	_ =	swait.ge [sflag:s29], $0x1  }
0xb4: {  	[sflag:s29] =	ssyncadd.s32 $0xFFFFFFFF  }
0xb5: {  	_ =	strace $0x90000048  }
0xb6: {  	_ =	sfence  }
0xb7: {  	s30 =	sld [smem:$0x0];
	_ =	sdelay $0x2  }
0xb8: {  	s31 =	sshll.u32 s1, $0xD;
	s1 =	sshrl.u32 s1, $0x2  }
0xb9: {  	s3 =	sand.u32 $0x4000, s31;
	s1 =	sadd.s32 s1, s30  }
0xba: {  	s0 =	sor.u32 s3, s0;
	s1 =	sshll.u32 s1, $0x11  }
0xbb: {  	s0 =	sor.u32 s1, s0  }
0xbc: {  	s0 =	sadd.s32 $0x8F2B, s0  }
0xbd: {  	[sflag:s0] =	ssyncadd.remote.s32 $0x1  }
0xbe: {  	_ =	sfence.sel $0xFFFF  }
0xbf: {  	[dreg:$0x0] =	wrdreg $0xFFFFFFFF;
	(pc) =	sbr.abs _section_cstart, $3  }
0xc0: {  	[dreg:$0x1] =	wrdreg $0xFFFFFFFF  }
0xc1: {  	_ =	task.clear_ibuf [dreg:s7], $0x2FFFF;
	_ =	strace $0x9FFFFFFF  }
0xc2: {  	(tm) =	ssettm $0x7FFFFFFF  }
0xc3: {  	_ =	shalt  }
tec
execute0_lowered:
.L_overlay_start_1:
0x0: {  	(tag) =	ssettag $0x1  }
0x1: {  	s0 =	rddreg [dreg:$0x0];
	s1 =	srdreg.scid  }
0x2: {  	s3 =	stileid.u32;
	s10 =	rddreg [dreg:$0x1];
	s12 =	simm.s32 $0x80  }
0x3: {  	s13 =	simm.s32 $0x3;
	s14 =	simm.s32 $0x200;
	s19 =	simm.s32 $0x280  }
0x4: {  	s29 =	simm.s32 $0x10780;
	s30 =	simm.s32 $0x4400;
	s31 =	simm.s32 $0xC400  }
0x5: {  	s15 =	simm.s32 $0x400;
	s16 =	simm.s32 $0x8400;
	s17 =	simm.s32 $0x10880  }
0x6: {  	s18 =	simm.s32 $0x0;
	s1 =	sand.u32 $0x1, s1;
	s2 =	sshll.u32 s3, $0x1  }
0x7: {  	s3 =	sshll.u32 s3, $0x7;
	s5 =	sadd.s32 $0xF42600, s0;
	s6 =	sadd.s32 $0xF61000, s0  }
0x8: {  	s7 =	sadd.s32 $0xF80A00, s0;
	s11 =	sor.u32 s1, s2;
	s2 =	simm.s32 $0x0  }
0x9: {  	s1 =	ssub.s32 $0x2, s1;
	s4 =	sshll.u32 s11, $0x4;
	[smem:$0x7FF] =	sst s2  }
0xa: {  	s8 =	sshrl.u32 s1, $0x1;
	s28 =	sshll.u32 s11, $0x6;
	s3 =	sor.u32 s3, s4  }
0xb: {  	_ =	strace $0x80000047;
	s4 =	sadd.s32 $0x200, s0;
	s26 =	ssub.s32 s1, s8  }
0xc: {  	s10 =	sadd.s32 s10, s28;
	s1 =	simm.s32 $0x2;
	s3 =	sand.u32 $0x670, s3  }
0xd: {  	v0 =	vlaneseq.u32;
	s11 =	smax.u32 s26, $0x1;
	s9 =	sadd.s32 s3, s0;
	s3 =	sadd.s32 $0x1E84A00, s0  }
0xe: {  	v0 =	vmul.u32 $0x80, v0;
	s0 =	simm.s32 $0x1;
	s8 =	sadd.s32 $0xF7FA00, s9;
	s9 =	sadd.s32 $0xF80200, s9  }
.LBB2_1:
0xf: {  	[tilespmem:s2], [sflag:$0x3] =	stream.strided.gather [hbm4b:s8+s12], $0x200, s15, s12, $0x38;
	[tilespmem:$0x10A80] =	vst v63  }
0x10: {  	_ =	swait.ge [sflag:s13], $0x200  }
0x11: {  	[sflag:s13] =	ssyncset.done $0x0  }
0x12: {  	[sflag:s13] =	ssyncadd.s32 $0xFFFFFE00  }
0x13: {  	[tilespmem:s14], [sflag:$0x3] =	stream.strided.gather [hbm4b:s9+s12], $0x200, s15, s12, $0x38;
	[tilespmem:$0x10A80] =	vst v63  }
0x14: {  	_ =	swait.ge [sflag:s13], $0x200  }
0x15: {  	[sflag:s13] =	ssyncset.done $0x0  }
0x16: {  	s20 =	simm.s32 $0x10800;
	[sflag:s13] =	ssyncadd.s32 $0xFFFFFE00  }
0x17: {  	[tilespmem:s20], [sflag:$0x3] =	stream.linear.gather [hbm4b:s7+s2], $0x80, $0x38;
	[tilespmem:$0x10A80] =	vst v63  }
0x18: {  	_ =	swait.ge [sflag:s13], $0x80  }
0x19: {  	[sflag:s13] =	ssyncset.done $0x0  }
0x1a: {  	s25 =	simm.s32 $0x10400;
	[sflag:s13] =	ssyncadd.s32 $0xFFFFFF80  }
0x1b: {  	[tilespmem:s25], [sflag:$0x2] =	stream.indirect.gather [hbm4b:s5+s12], $0x1, s2, s12, $0xb8;
	[tilespmem:$0x10A80] =	vst v63  }
0x1c: {  	s26 =	simm.s32 $0x10600  }
0x1d: {  	[tilespmem:s26], [sflag:$0x2] =	stream.indirect.gather [hbm4b:s6+s12], $0x1, s14, s12, $0xb8;
	[tilespmem:$0x10A80] =	vst v63  }
0x1e: {  	s28 =	simm.s32 $0x10480  }
0x1f: {  	[tilespmem:s28], [sflag:$0x2] =	stream.indirect.gather [hbm4b:s5+s12], $0x1, s12, s12, $0xb8;
	[tilespmem:$0x10A80] =	vst v63  }
0x20: {  	s21 =	simm.s32 $0x10680  }
0x21: {  	[tilespmem:s21], [sflag:$0x2] =	stream.indirect.gather [hbm4b:s6+s12], $0x1, s19, s12, $0xb8;
	[tilespmem:$0x10A80] =	vst v63  }
0x22: {  	s22 =	simm.s32 $0x100;
	s21 =	simm.s32 $0x10500  }
0x23: {  	[tilespmem:s21], [sflag:$0x2] =	stream.indirect.gather [hbm4b:s5+s12], $0x1, s22, s12, $0xb8;
	[tilespmem:$0x10A80] =	vst v63  }
0x24: {  	s23 =	simm.s32 $0x300;
	s24 =	simm.s32 $0x10700  }
0x25: {  	[tilespmem:s24], [sflag:$0x2] =	stream.indirect.gather [hbm4b:s6+s12], $0x1, s23, s12, $0xb8;
	[tilespmem:$0x10A80] =	vst v63  }
0x26: {  	s25 =	simm.s32 $0x180;
	s26 =	simm.s32 $0x10580  }
0x27: {  	[tilespmem:s26], [sflag:$0x2] =	stream.indirect.gather [hbm4b:s5+s12], $0x1, s25, s12, $0xb8;
	[tilespmem:$0x10A80] =	vst v63  }
0x28: {  	s28 =	simm.s32 $0x380  }
0x29: {  	[tilespmem:s29], [sflag:$0x2] =	stream.indirect.gather [hbm4b:s6+s12], $0x1, s28, s12, $0xb8;
	[tilespmem:$0x10A80] =	vst v63  }
0x2a: {  	_ = 	snop  }
0x2b: {  	v1 =	vld [tilespmem:$0x10800];
	[tilespmem:s15], [sflag:$0x1] =	stream.indirect.gather [hbm4b:s3+s12], $0x80, s2, s12, $0xb8  }
0x2c: {  	_ = 	snop  }
0x2d: {  	[tilespmem:s16], [sflag:$0x1] =	stream.indirect.gather [hbm4b:s4+s12], $0x80, s14, s12, $0xb8;
	[tilespmem:$0x10A80] =	vst v63  }
0x2e: {  	_ = 	snop  }
0x2f: {  	[tilespmem:s30], [sflag:$0x1] =	stream.indirect.gather [hbm4b:s3+s12], $0x80, s12, s12, $0xb8;
	[tilespmem:$0x10A80] =	vst v63  }
0x30: {  	_ = 	snop  }
0x31: {  	[tilespmem:s31], [sflag:$0x1] =	stream.indirect.gather [hbm4b:s4+s12], $0x80, s19, s12, $0xb8;
	[tilespmem:$0x10A80] =	vst v63  }
0x32: {  	_ =	swait.ge [sflag:s1], $0x80  }
0x33: {  	[sflag:s1] =	ssyncset.done $0x0  }
0x34: {  	[sflag:s1] =	ssyncadd.s32 $0xFFFFFF80  }
0x35: {  	_ =	swait.ge [sflag:s1], $0x80  }
0x36: {  	[sflag:s1] =	ssyncset.done $0x0  }
0x37: {  	[sflag:s1] =	ssyncadd.s32 $0xFFFFFF80  }
0x38: {  	_ =	swait.ge [sflag:s1], $0x80  }
0x39: {  	[sflag:s1] =	ssyncset.done $0x0  }
0x3a: {  	[sflag:s1] =	ssyncadd.s32 $0xFFFFFF80  }
0x3b: {  	_ =	swait.ge [sflag:s1], $0x80  }
0x3c: {  	[sflag:s1] =	ssyncset.done $0x0  }
0x3d: {  	[sflag:s1] =	ssyncadd.s32 $0xFFFFFF80  }
0x3e: {  	_ =	swait.ge [sflag:s1], $0x80  }
0x3f: {  	[sflag:s1] =	ssyncset.done $0x0  }
0x40: {  	[sflag:s1] =	ssyncadd.s32 $0xFFFFFF80  }
0x41: {  	_ =	swait.ge [sflag:s1], $0x80  }
0x42: {  	[sflag:s1] =	ssyncset.done $0x0  }
0x43: {  	[sflag:s1] =	ssyncadd.s32 $0xFFFFFF80  }
0x44: {  	_ =	swait.ge [sflag:s1], $0x80  }
0x45: {  	[sflag:s1] =	ssyncset.done $0x0  }
0x46: {  	[sflag:s1] =	ssyncadd.s32 $0xFFFFFF80  }
0x47: {  	s20 =	simm.s32 $0x0;
	_ =	swait.ge [sflag:s1], $0x80  }
0x48: {  	s21 =	simm.s32 $0x0;
	s22 =	simm.s32 $0x400;
	[sflag:s1] =	ssyncset.done $0x0  }
0x49: {  	s23 =	simm.s32 $0x8400;
	s24 =	simm.s32 $0x0;
	[sflag:s1] =	ssyncadd.s32 $0xFFFFFF80  }
.LBB2_2:
0x4a: {  	s26 =	sand.u32 $0x80, s20  }
0x4b: {  	v2 =	vmov s26  }
0x4c: {  	_ =	swait.ge [sflag:s0], $0x4000;
	v2 =	vshll.u32 v2, $0x7  }
0x4d: {  	[sflag:s0] =	ssyncset.done $0x0;
	v2 =	vor.u32 v0, v2  }
0x4e: {  	[sflag:s0] =	ssyncadd.s32 $0xFFFFC000  }
0x4f: {  	_ =	swait.ge [sflag:s0], $0x4000;
	v3 =	vor.u32 $0x1, v2  }
0x50: {  	[sflag:s0] =	ssyncset.done $0x0  }
0x51: {  	v4 =	vor.u32 $0x2, v2;
	[sflag:s0] =	ssyncadd.s32 $0xFFFFC000  }
0x52: {  	v5 =	vld.idx.msk [tilespmem:v2+s15+$0x0], $0xffff  }
0x53: {  	v7 =	vor.u32 $0x3, v2;
	v6 =	vld.idx.msk [tilespmem:v2+s16+$0x0], $0xffff  }
0x54: {  	v8 =	vld.idx.msk [tilespmem:v3+s15+$0x0], $0xffff  }
0x55: {  	v9 =	vor.u32 $0x4, v2;
	v3 =	vld.idx.msk [tilespmem:v3+s16+$0x0], $0xffff  }
0x56: {  	v10 =	vld.idx.msk [tilespmem:v4+s15+$0x0], $0xffff  }
0x57: {  	v11 =	vor.u32 $0x5, v2;
	v4 =	vld.idx.msk [tilespmem:v4+s16+$0x0], $0xffff  }
0x58: {  	v32 =	vld.idx.msk [tilespmem:v7+s15+$0x0], $0xffff;
	v5 =	vmul.f32 v6, v5  }
0x59: {  	v12 =	vor.u32 $0x6, v2;
	v7 =	vld.idx.msk [tilespmem:v7+s16+$0x0], $0xffff  }
0x5a: {  	v33 =	vld.idx.msk [tilespmem:v9+s15+$0x0], $0xffff;
	v3 =	vmul.f32 v3, v8;
	v5 =	vadd.f32 $0.0e+00, v5  }
0x5b: {  	v13 =	vor.u32 $0x7, v2;
	v9 =	vld.idx.msk [tilespmem:v9+s16+$0x0], $0xffff  }
0x5c: {  	v34 =	vld.idx.msk [tilespmem:v11+s15+$0x0], $0xffff;
	v4 =	vmul.f32 v4, v10;
	v3 =	vadd.f32 v3, v5  }
0x5d: {  	v36 =	vor.u32 $0x8, v2;
	v35 =	vld.idx.msk [tilespmem:v11+s16+$0x0], $0xffff  }
0x5e: {  	v38 =	vld.idx.msk [tilespmem:v12+s15+$0x0], $0xffff;
	v37 =	vmul.f32 v7, v32;
	v3 =	vadd.f32 v4, v3  }
0x5f: {  	v40 =	vor.u32 $0x9, v2;
	v39 =	vld.idx.msk [tilespmem:v12+s16+$0x0], $0xffff  }
0x60: {  	v42 =	vld.idx.msk [tilespmem:v13+s15+$0x0], $0xffff;
	v41 =	vmul.f32 v9, v33;
	v3 =	vadd.f32 v37, v3  }
0x61: {  	v44 =	vor.u32 $0xA, v2;
	v43 =	vld.idx.msk [tilespmem:v13+s16+$0x0], $0xffff  }
0x62: {  	v46 =	vld.idx.msk [tilespmem:v36+s15+$0x0], $0xffff;
	v45 =	vmul.f32 v35, v34;
	v3 =	vadd.f32 v41, v3  }
0x63: {  	v48 =	vor.u32 $0xB, v2;
	v47 =	vld.idx.msk [tilespmem:v36+s16+$0x0], $0xffff  }
0x64: {  	v50 =	vld.idx.msk [tilespmem:v40+s15+$0x0], $0xffff;
	v49 =	vmul.f32 v39, v38;
	v3 =	vadd.f32 v45, v3  }
0x65: {  	v52 =	vor.u32 $0xC, v2;
	v51 =	vld.idx.msk [tilespmem:v40+s16+$0x0], $0xffff  }
0x66: {  	v54 =	vld.idx.msk [tilespmem:v44+s15+$0x0], $0xffff;
	v53 =	vmul.f32 v43, v42;
	v3 =	vadd.f32 v49, v3  }
0x67: {  	v56 =	vor.u32 $0xD, v2;
	v55 =	vld.idx.msk [tilespmem:v44+s16+$0x0], $0xffff  }
0x68: {  	v58 =	vld.idx.msk [tilespmem:v48+s15+$0x0], $0xffff;
	v57 =	vmul.f32 v47, v46;
	v3 =	vadd.f32 v53, v3  }
0x69: {  	v60 =	vor.u32 $0xE, v2;
	v59 =	vld.idx.msk [tilespmem:v48+s16+$0x0], $0xffff  }
0x6a: {  	v62 =	vld.idx.msk [tilespmem:v52+s15+$0x0], $0xffff;
	v61 =	vmul.f32 v51, v50;
	v3 =	vadd.f32 v57, v3  }
0x6b: {  	v16 =	vor.u32 $0xF, v2;
	v63 =	vld.idx.msk [tilespmem:v52+s16+$0x0], $0xffff  }
0x6c: {  	v18 =	vld.idx.msk [tilespmem:v56+s15+$0x0], $0xffff;
	v17 =	vmul.f32 v55, v54;
	v3 =	vadd.f32 v61, v3  }
0x6d: {  	v20 =	vor.u32 $0x10, v2;
	v19 =	vld.idx.msk [tilespmem:v56+s16+$0x0], $0xffff  }
0x6e: {  	v22 =	vld.idx.msk [tilespmem:v60+s15+$0x0], $0xffff;
	v21 =	vmul.f32 v59, v58;
	v3 =	vadd.f32 v17, v3  }
0x6f: {  	v24 =	vor.u32 $0x11, v2;
	v23 =	vld.idx.msk [tilespmem:v60+s16+$0x0], $0xffff  }
0x70: {  	v26 =	vld.idx.msk [tilespmem:v16+s15+$0x0], $0xffff;
	v25 =	vmul.f32 v63, v62;
	v3 =	vadd.f32 v21, v3  }
0x71: {  	v28 =	vor.u32 $0x12, v2;
	v27 =	vld.idx.msk [tilespmem:v16+s16+$0x0], $0xffff  }
0x72: {  	v30 =	vld.idx.msk [tilespmem:v20+s15+$0x0], $0xffff;
	v29 =	vmul.f32 v19, v18;
	v3 =	vadd.f32 v25, v3  }
0x73: {  	v31 =	vld.idx.msk [tilespmem:v20+s16+$0x0], $0xffff;
	v32 =	vor.u32 $0x13, v2  }
0x74: {  	v33 =	vmul.f32 v23, v22;
	v34 =	vld.idx.msk [tilespmem:v24+s15+$0x0], $0xffff;
	v3 =	vadd.f32 v29, v3  }
0x75: {  	v36 =	vor.u32 $0x14, v2;
	v35 =	vld.idx.msk [tilespmem:v24+s16+$0x0], $0xffff  }
0x76: {  	v38 =	vld.idx.msk [tilespmem:v28+s15+$0x0], $0xffff;
	v37 =	vmul.f32 v27, v26;
	v3 =	vadd.f32 v33, v3  }
0x77: {  	v40 =	vor.u32 $0x15, v2;
	v39 =	vld.idx.msk [tilespmem:v28+s16+$0x0], $0xffff  }
0x78: {  	v42 =	vld.idx.msk [tilespmem:v32+s15+$0x0], $0xffff;
	v41 =	vmul.f32 v31, v30;
	v3 =	vadd.f32 v37, v3  }
0x79: {  	v44 =	vor.u32 $0x16, v2;
	v43 =	vld.idx.msk [tilespmem:v32+s16+$0x0], $0xffff  }
0x7a: {  	v46 =	vld.idx.msk [tilespmem:v36+s15+$0x0], $0xffff;
	v45 =	vmul.f32 v35, v34;
	v3 =	vadd.f32 v41, v3  }
0x7b: {  	v48 =	vor.u32 $0x17, v2;
	v47 =	vld.idx.msk [tilespmem:v36+s16+$0x0], $0xffff  }
0x7c: {  	v50 =	vld.idx.msk [tilespmem:v40+s15+$0x0], $0xffff;
	v49 =	vmul.f32 v39, v38;
	v3 =	vadd.f32 v45, v3  }
0x7d: {  	v52 =	vor.u32 $0x18, v2;
	v51 =	vld.idx.msk [tilespmem:v40+s16+$0x0], $0xffff  }
0x7e: {  	v54 =	vld.idx.msk [tilespmem:v44+s15+$0x0], $0xffff;
	v53 =	vmul.f32 v43, v42;
	v3 =	vadd.f32 v49, v3  }
0x7f: {  	v56 =	vor.u32 $0x19, v2;
	v55 =	vld.idx.msk [tilespmem:v44+s16+$0x0], $0xffff  }
0x80: {  	v58 =	vld.idx.msk [tilespmem:v48+s15+$0x0], $0xffff;
	v57 =	vmul.f32 v47, v46;
	v3 =	vadd.f32 v53, v3  }
0x81: {  	v60 =	vor.u32 $0x1A, v2;
	v59 =	vld.idx.msk [tilespmem:v48+s16+$0x0], $0xffff  }
0x82: {  	v62 =	vld.idx.msk [tilespmem:v52+s15+$0x0], $0xffff;
	v61 =	vmul.f32 v51, v50;
	v3 =	vadd.f32 v57, v3  }
0x83: {  	v16 =	vor.u32 $0x1B, v2;
	v63 =	vld.idx.msk [tilespmem:v52+s16+$0x0], $0xffff  }
0x84: {  	v18 =	vld.idx.msk [tilespmem:v56+s15+$0x0], $0xffff;
	v17 =	vmul.f32 v55, v54;
	v3 =	vadd.f32 v61, v3  }
0x85: {  	v20 =	vor.u32 $0x1C, v2;
	v19 =	vld.idx.msk [tilespmem:v56+s16+$0x0], $0xffff  }
0x86: {  	v22 =	vld.idx.msk [tilespmem:v60+s15+$0x0], $0xffff;
	v21 =	vmul.f32 v59, v58;
	v3 =	vadd.f32 v17, v3  }
0x87: {  	v24 =	vor.u32 $0x1D, v2;
	v23 =	vld.idx.msk [tilespmem:v60+s16+$0x0], $0xffff  }
0x88: {  	v26 =	vld.idx.msk [tilespmem:v16+s15+$0x0], $0xffff;
	v25 =	vmul.f32 v63, v62;
	v3 =	vadd.f32 v21, v3  }
0x89: {  	v28 =	vor.u32 $0x1E, v2;
	v27 =	vld.idx.msk [tilespmem:v16+s16+$0x0], $0xffff  }
0x8a: {  	v30 =	vld.idx.msk [tilespmem:v20+s15+$0x0], $0xffff;
	v29 =	vmul.f32 v19, v18;
	v3 =	vadd.f32 v25, v3  }
0x8b: {  	v32 =	vor.u32 $0x1F, v2;
	v31 =	vld.idx.msk [tilespmem:v20+s16+$0x0], $0xffff  }
0x8c: {  	v34 =	vld.idx.msk [tilespmem:v24+s15+$0x0], $0xffff;
	v33 =	vmul.f32 v23, v22;
	v3 =	vadd.f32 v29, v3  }
0x8d: {  	v36 =	vor.u32 $0x20, v2;
	v35 =	vld.idx.msk [tilespmem:v24+s16+$0x0], $0xffff  }
0x8e: {  	v38 =	vld.idx.msk [tilespmem:v28+s15+$0x0], $0xffff;
	v37 =	vmul.f32 v27, v26;
	v3 =	vadd.f32 v33, v3  }
0x8f: {  	v40 =	vor.u32 $0x21, v2;
	v39 =	vld.idx.msk [tilespmem:v28+s16+$0x0], $0xffff  }
0x90: {  	v42 =	vld.idx.msk [tilespmem:v32+s15+$0x0], $0xffff;
	v41 =	vmul.f32 v31, v30;
	v3 =	vadd.f32 v37, v3  }
0x91: {  	v44 =	vor.u32 $0x22, v2;
	v43 =	vld.idx.msk [tilespmem:v32+s16+$0x0], $0xffff  }
0x92: {  	v46 =	vld.idx.msk [tilespmem:v36+s15+$0x0], $0xffff;
	v45 =	vmul.f32 v35, v34;
	v3 =	vadd.f32 v41, v3  }
0x93: {  	v48 =	vor.u32 $0x23, v2;
	v47 =	vld.idx.msk [tilespmem:v36+s16+$0x0], $0xffff  }
0x94: {  	v50 =	vld.idx.msk [tilespmem:v40+s15+$0x0], $0xffff;
	v49 =	vmul.f32 v39, v38;
	v3 =	vadd.f32 v45, v3  }
0x95: {  	v52 =	vor.u32 $0x24, v2;
	v51 =	vld.idx.msk [tilespmem:v40+s16+$0x0], $0xffff  }
0x96: {  	v54 =	vld.idx.msk [tilespmem:v44+s15+$0x0], $0xffff;
	v53 =	vmul.f32 v43, v42;
	v3 =	vadd.f32 v49, v3  }
0x97: {  	v56 =	vor.u32 $0x25, v2;
	v55 =	vld.idx.msk [tilespmem:v44+s16+$0x0], $0xffff  }
0x98: {  	v58 =	vld.idx.msk [tilespmem:v48+s15+$0x0], $0xffff;
	v57 =	vmul.f32 v47, v46;
	v3 =	vadd.f32 v53, v3  }
0x99: {  	v60 =	vor.u32 $0x26, v2;
	v59 =	vld.idx.msk [tilespmem:v48+s16+$0x0], $0xffff  }
0x9a: {  	v62 =	vld.idx.msk [tilespmem:v52+s15+$0x0], $0xffff;
	v61 =	vmul.f32 v51, v50;
	v3 =	vadd.f32 v57, v3  }
0x9b: {  	v16 =	vor.u32 $0x27, v2;
	v63 =	vld.idx.msk [tilespmem:v52+s16+$0x0], $0xffff  }
0x9c: {  	v18 =	vld.idx.msk [tilespmem:v56+s15+$0x0], $0xffff;
	v17 =	vmul.f32 v55, v54;
	v3 =	vadd.f32 v61, v3  }
0x9d: {  	v20 =	vor.u32 $0x28, v2;
	v19 =	vld.idx.msk [tilespmem:v56+s16+$0x0], $0xffff  }
0x9e: {  	v22 =	vld.idx.msk [tilespmem:v60+s15+$0x0], $0xffff;
	v21 =	vmul.f32 v59, v58;
	v3 =	vadd.f32 v17, v3  }
0x9f: {  	v24 =	vor.u32 $0x29, v2;
	v23 =	vld.idx.msk [tilespmem:v60+s16+$0x0], $0xffff  }
0xa0: {  	v26 =	vld.idx.msk [tilespmem:v16+s15+$0x0], $0xffff;
	v25 =	vmul.f32 v63, v62;
	v3 =	vadd.f32 v21, v3  }
0xa1: {  	v28 =	vor.u32 $0x2A, v2;
	v27 =	vld.idx.msk [tilespmem:v16+s16+$0x0], $0xffff  }
0xa2: {  	v30 =	vld.idx.msk [tilespmem:v20+s15+$0x0], $0xffff;
	v29 =	vmul.f32 v19, v18;
	v3 =	vadd.f32 v25, v3  }
0xa3: {  	v32 =	vor.u32 $0x2B, v2;
	v31 =	vld.idx.msk [tilespmem:v20+s16+$0x0], $0xffff  }
0xa4: {  	v34 =	vld.idx.msk [tilespmem:v24+s15+$0x0], $0xffff;
	v33 =	vmul.f32 v23, v22;
	v3 =	vadd.f32 v29, v3  }
0xa5: {  	v36 =	vor.u32 $0x2C, v2;
	v35 =	vld.idx.msk [tilespmem:v24+s16+$0x0], $0xffff  }
0xa6: {  	v38 =	vld.idx.msk [tilespmem:v28+s15+$0x0], $0xffff;
	v37 =	vmul.f32 v27, v26;
	v3 =	vadd.f32 v33, v3  }
0xa7: {  	v40 =	vor.u32 $0x2D, v2;
	v39 =	vld.idx.msk [tilespmem:v28+s16+$0x0], $0xffff  }
0xa8: {  	v42 =	vld.idx.msk [tilespmem:v32+s15+$0x0], $0xffff;
	v41 =	vmul.f32 v31, v30;
	v3 =	vadd.f32 v37, v3  }
0xa9: {  	v44 =	vor.u32 $0x2E, v2;
	v43 =	vld.idx.msk [tilespmem:v32+s16+$0x0], $0xffff  }
0xaa: {  	v46 =	vld.idx.msk [tilespmem:v36+s15+$0x0], $0xffff;
	v45 =	vmul.f32 v35, v34;
	v3 =	vadd.f32 v41, v3  }
0xab: {  	v48 =	vor.u32 $0x2F, v2;
	v47 =	vld.idx.msk [tilespmem:v36+s16+$0x0], $0xffff  }
0xac: {  	v50 =	vld.idx.msk [tilespmem:v40+s15+$0x0], $0xffff;
	v49 =	vmul.f32 v39, v38;
	v3 =	vadd.f32 v45, v3  }
0xad: {  	v52 =	vor.u32 $0x30, v2;
	v51 =	vld.idx.msk [tilespmem:v40+s16+$0x0], $0xffff  }
0xae: {  	v54 =	vld.idx.msk [tilespmem:v44+s15+$0x0], $0xffff;
	v53 =	vmul.f32 v43, v42;
	v3 =	vadd.f32 v49, v3  }
0xaf: {  	v56 =	vor.u32 $0x31, v2;
	v55 =	vld.idx.msk [tilespmem:v44+s16+$0x0], $0xffff  }
0xb0: {  	v58 =	vld.idx.msk [tilespmem:v48+s15+$0x0], $0xffff;
	v57 =	vmul.f32 v47, v46;
	v3 =	vadd.f32 v53, v3  }
0xb1: {  	v60 =	vor.u32 $0x32, v2;
	v59 =	vld.idx.msk [tilespmem:v48+s16+$0x0], $0xffff  }
0xb2: {  	v62 =	vld.idx.msk [tilespmem:v52+s15+$0x0], $0xffff;
	v61 =	vmul.f32 v51, v50;
	v3 =	vadd.f32 v57, v3  }
0xb3: {  	v16 =	vor.u32 $0x33, v2;
	v63 =	vld.idx.msk [tilespmem:v52+s16+$0x0], $0xffff  }
0xb4: {  	v18 =	vld.idx.msk [tilespmem:v56+s15+$0x0], $0xffff;
	v17 =	vmul.f32 v55, v54;
	v3 =	vadd.f32 v61, v3  }
0xb5: {  	v20 =	vor.u32 $0x34, v2;
	v19 =	vld.idx.msk [tilespmem:v56+s16+$0x0], $0xffff  }
0xb6: {  	v22 =	vld.idx.msk [tilespmem:v60+s15+$0x0], $0xffff;
	v21 =	vmul.f32 v59, v58;
	v3 =	vadd.f32 v17, v3  }
0xb7: {  	v24 =	vor.u32 $0x35, v2;
	v23 =	vld.idx.msk [tilespmem:v60+s16+$0x0], $0xffff  }
0xb8: {  	v26 =	vld.idx.msk [tilespmem:v16+s15+$0x0], $0xffff;
	v25 =	vmul.f32 v63, v62;
	v3 =	vadd.f32 v21, v3  }
0xb9: {  	v28 =	vor.u32 $0x36, v2;
	v27 =	vld.idx.msk [tilespmem:v16+s16+$0x0], $0xffff  }
0xba: {  	v30 =	vld.idx.msk [tilespmem:v20+s15+$0x0], $0xffff;
	v29 =	vmul.f32 v19, v18;
	v3 =	vadd.f32 v25, v3  }
0xbb: {  	v32 =	vor.u32 $0x37, v2;
	v31 =	vld.idx.msk [tilespmem:v20+s16+$0x0], $0xffff  }
0xbc: {  	v34 =	vld.idx.msk [tilespmem:v24+s15+$0x0], $0xffff;
	v33 =	vmul.f32 v23, v22;
	v3 =	vadd.f32 v29, v3  }
0xbd: {  	v36 =	vor.u32 $0x38, v2;
	v35 =	vld.idx.msk [tilespmem:v24+s16+$0x0], $0xffff  }
0xbe: {  	v38 =	vld.idx.msk [tilespmem:v28+s15+$0x0], $0xffff;
	v37 =	vmul.f32 v27, v26;
	v3 =	vadd.f32 v33, v3  }
0xbf: {  	v40 =	vor.u32 $0x39, v2;
	v39 =	vld.idx.msk [tilespmem:v28+s16+$0x0], $0xffff  }
0xc0: {  	v42 =	vld.idx.msk [tilespmem:v32+s15+$0x0], $0xffff;
	v41 =	vmul.f32 v31, v30;
	v3 =	vadd.f32 v37, v3  }
0xc1: {  	v44 =	vor.u32 $0x3A, v2;
	v43 =	vld.idx.msk [tilespmem:v32+s16+$0x0], $0xffff  }
0xc2: {  	v46 =	vld.idx.msk [tilespmem:v36+s15+$0x0], $0xffff;
	v45 =	vmul.f32 v35, v34;
	v3 =	vadd.f32 v41, v3  }
0xc3: {  	v48 =	vor.u32 $0x3B, v2;
	v47 =	vld.idx.msk [tilespmem:v36+s16+$0x0], $0xffff  }
0xc4: {  	v50 =	vld.idx.msk [tilespmem:v40+s15+$0x0], $0xffff;
	v49 =	vmul.f32 v39, v38;
	v3 =	vadd.f32 v45, v3  }
0xc5: {  	v52 =	vor.u32 $0x3C, v2;
	v51 =	vld.idx.msk [tilespmem:v40+s16+$0x0], $0xffff  }
0xc6: {  	v54 =	vld.idx.msk [tilespmem:v44+s15+$0x0], $0xffff;
	v53 =	vmul.f32 v43, v42;
	v3 =	vadd.f32 v49, v3  }
0xc7: {  	v56 =	vor.u32 $0x3D, v2;
	v55 =	vld.idx.msk [tilespmem:v44+s16+$0x0], $0xffff  }
0xc8: {  	v58 =	vld.idx.msk [tilespmem:v48+s15+$0x0], $0xffff;
	v57 =	vmul.f32 v47, v46;
	v3 =	vadd.f32 v53, v3  }
0xc9: {  	v60 =	vor.u32 $0x3E, v2;
	v59 =	vld.idx.msk [tilespmem:v48+s16+$0x0], $0xffff  }
0xca: {  	v62 =	vld.idx.msk [tilespmem:v52+s15+$0x0], $0xffff;
	v61 =	vmul.f32 v51, v50;
	v3 =	vadd.f32 v57, v3  }
0xcb: {  	v2 =	vor.u32 $0x3F, v2;
	v63 =	vld.idx.msk [tilespmem:v52+s16+$0x0], $0xffff  }
0xcc: {  	v14 =	vld.idx.msk [tilespmem:v56+s15+$0x0], $0xffff;
	v12 =	vmul.f32 v55, v54;
	v3 =	vadd.f32 v61, v3  }
0xcd: {  	v15 =	vld.idx.msk [tilespmem:v56+s16+$0x0], $0xffff  }
0xce: {  	v18 =	vld.idx.msk [tilespmem:v60+s16+$0x0], $0xffff;
	v16 =	vmul.f32 v59, v58;
	v3 =	vadd.f32 v12, v3  }
0xcf: {  	v17 =	vld.idx.msk [tilespmem:v60+s15+$0x0], $0xffff  }
0xd0: {  	v20 =	vld.idx.msk [tilespmem:v2+s15+$0x0], $0xffff;
	v19 =	vmul.f32 v63, v62;
	v3 =	vadd.f32 v16, v3  }
0xd1: {  	v2 =	vld.idx.msk [tilespmem:v2+s16+$0x0], $0xffff  }
0xd2: {  	v21 =	vmul.f32 v15, v14;
	v3 =	vadd.f32 v19, v3;
	_ =	sdelay $0x1  }
0xd3: {  	s25 =	sshra.s32 s21, $0x2;
	v22 =	vmul.f32 v18, v17;
	v3 =	vadd.f32 v21, v3  }
0xd4: {  	v23 =	vld [tilespmem:s25+$0x10400]  }
0xd5: {  	v2 =	vmul.f32 v2, v20;
	v3 =	vadd.f32 v22, v3  }
0xd6: {  	v24 =	vld [tilespmem:s25+$0x10600]  }
0xd7: {  	v2 =	vadd.f32 v2, v3  }
0xd8: {  	s28 =	sor.u32 $0x10, s26  }
0xd9: {  	v3 =	vmov s28;
	v2 =	vadd.f32 v2, v23  }
0xda: {  	v3 =	vshll.u32 v3, $0x7  }
0xdb: {  	v4 =	vadd.f32 v2, v24;
	v2 =	vor.u32 v0, v3;
	_ =	sdelay $0x1  }
0xdc: {  	v25 =	vor.u32 $0x1, v2;
	v3 =	vadd.f32 v4, v1;
	_ =	sdelay $0x1  }
0xdd: {  	[tilespmem:s25+$0x10880] =	vst v3;
	v3 =	vor.u32 $0x2, v2  }
0xde: {  	v26 =	vld.idx.msk [tilespmem:v2+s15+$0x0], $0xffff  }
0xdf: {  	v28 =	vor.u32 $0x3, v2;
	v27 =	vld.idx.msk [tilespmem:v2+s16+$0x0], $0xffff  }
0xe0: {  	v29 =	vld.idx.msk [tilespmem:v25+s15+$0x0], $0xffff  }
0xe1: {  	v30 =	vor.u32 $0x4, v2;
	v4 =	vld.idx.msk [tilespmem:v25+s16+$0x0], $0xffff  }
0xe2: {  	v31 =	vld.idx.msk [tilespmem:v3+s15+$0x0], $0xffff  }
0xe3: {  	v32 =	vor.u32 $0x5, v2;
	v3 =	vld.idx.msk [tilespmem:v3+s16+$0x0], $0xffff  }
0xe4: {  	v33 =	vld.idx.msk [tilespmem:v28+s15+$0x0], $0xffff;
	v5 =	vmul.f32 v27, v26  }
0xe5: {  	v34 =	vor.u32 $0x6, v2;
	v7 =	vld.idx.msk [tilespmem:v28+s16+$0x0], $0xffff  }
0xe6: {  	v35 =	vld.idx.msk [tilespmem:v30+s15+$0x0], $0xffff;
	v4 =	vmul.f32 v4, v29;
	v5 =	vadd.f32 $0.0e+00, v5  }
0xe7: {  	v36 =	vor.u32 $0x7, v2;
	v9 =	vld.idx.msk [tilespmem:v30+s16+$0x0], $0xffff  }
0xe8: {  	v37 =	vld.idx.msk [tilespmem:v32+s15+$0x0], $0xffff;
	v4 =	vadd.f32 v4, v5;
	v3 =	vmul.f32 v3, v31  }
0xe9: {  	v39 =	vor.u32 $0x8, v2;
	v38 =	vld.idx.msk [tilespmem:v32+s16+$0x0], $0xffff  }
0xea: {  	v41 =	vld.idx.msk [tilespmem:v34+s15+$0x0], $0xffff;
	v40 =	vmul.f32 v7, v33;
	v3 =	vadd.f32 v3, v4  }
0xeb: {  	v43 =	vor.u32 $0x9, v2;
	v42 =	vld.idx.msk [tilespmem:v34+s16+$0x0], $0xffff  }
0xec: {  	v45 =	vld.idx.msk [tilespmem:v36+s15+$0x0], $0xffff;
	v44 =	vmul.f32 v9, v35;
	v3 =	vadd.f32 v40, v3  }
0xed: {  	v47 =	vor.u32 $0xA, v2;
	v46 =	vld.idx.msk [tilespmem:v36+s16+$0x0], $0xffff  }
0xee: {  	v49 =	vld.idx.msk [tilespmem:v39+s15+$0x0], $0xffff;
	v48 =	vmul.f32 v38, v37;
	v3 =	vadd.f32 v44, v3  }
0xef: {  	v51 =	vor.u32 $0xB, v2;
	v50 =	vld.idx.msk [tilespmem:v39+s16+$0x0], $0xffff  }
0xf0: {  	v53 =	vld.idx.msk [tilespmem:v43+s15+$0x0], $0xffff;
	v52 =	vmul.f32 v42, v41;
	v3 =	vadd.f32 v48, v3  }
0xf1: {  	v55 =	vor.u32 $0xC, v2;
	v54 =	vld.idx.msk [tilespmem:v43+s16+$0x0], $0xffff  }
0xf2: {  	v57 =	vld.idx.msk [tilespmem:v47+s15+$0x0], $0xffff;
	v56 =	vmul.f32 v46, v45;
	v3 =	vadd.f32 v52, v3  }
0xf3: {  	v59 =	vor.u32 $0xD, v2;
	v58 =	vld.idx.msk [tilespmem:v47+s16+$0x0], $0xffff  }
0xf4: {  	v61 =	vld.idx.msk [tilespmem:v51+s15+$0x0], $0xffff;
	v60 =	vmul.f32 v50, v49;
	v3 =	vadd.f32 v56, v3  }
0xf5: {  	v63 =	vor.u32 $0xE, v2;
	v62 =	vld.idx.msk [tilespmem:v51+s16+$0x0], $0xffff  }
0xf6: {  	v17 =	vld.idx.msk [tilespmem:v55+s15+$0x0], $0xffff;
	v16 =	vmul.f32 v54, v53;
	v3 =	vadd.f32 v60, v3  }
0xf7: {  	v19 =	vor.u32 $0xF, v2;
	v18 =	vld.idx.msk [tilespmem:v55+s16+$0x0], $0xffff  }
0xf8: {  	v21 =	vld.idx.msk [tilespmem:v59+s15+$0x0], $0xffff;
	v20 =	vmul.f32 v58, v57;
	v3 =	vadd.f32 v16, v3  }
0xf9: {  	v23 =	vor.u32 $0x10, v2;
	v22 =	vld.idx.msk [tilespmem:v59+s16+$0x0], $0xffff  }
0xfa: {  	v25 =	vld.idx.msk [tilespmem:v63+s15+$0x0], $0xffff;
	v24 =	vmul.f32 v62, v61;
	v3 =	vadd.f32 v20, v3  }
0xfb: {  	v26 =	vld.idx.msk [tilespmem:v63+s16+$0x0], $0xffff;
	v27 =	vor.u32 $0x11, v2  }
0xfc: {  	v30 =	vld.idx.msk [tilespmem:v19+s16+$0x0], $0xffff;
	v28 =	vmul.f32 v18, v17;
	v3 =	vadd.f32 v24, v3  }
0xfd: {  	v29 =	vld.idx.msk [tilespmem:v19+s15+$0x0], $0xffff;
	v31 =	vor.u32 $0x12, v2  }
0xfe: {  	v34 =	vld.idx.msk [tilespmem:v23+s16+$0x0], $0xffff;
	v32 =	vmul.f32 v22, v21;
	v3 =	vadd.f32 v28, v3  }
0xff: {  	v33 =	vld.idx.msk [tilespmem:v23+s15+$0x0], $0xffff;
	v35 =	vor.u32 $0x13, v2  }
0x100: {  	v36 =	vmul.f32 v26, v25;
	v37 =	vld.idx.msk [tilespmem:v27+s15+$0x0], $0xffff;
	v3 =	vadd.f32 v32, v3  }
0x101: {  	v39 =	vor.u32 $0x14, v2;
	v38 =	vld.idx.msk [tilespmem:v27+s16+$0x0], $0xffff  }
0x102: {  	v40 =	vmul.f32 v30, v29;
	v41 =	vld.idx.msk [tilespmem:v31+s15+$0x0], $0xffff;
	v3 =	vadd.f32 v36, v3  }
0x103: {  	v43 =	vor.u32 $0x15, v2;
	v42 =	vld.idx.msk [tilespmem:v31+s16+$0x0], $0xffff  }
0x104: {  	v45 =	vld.idx.msk [tilespmem:v35+s15+$0x0], $0xffff;
	v44 =	vmul.f32 v34, v33;
	v3 =	vadd.f32 v40, v3  }
0x105: {  	v47 =	vor.u32 $0x16, v2;
	v46 =	vld.idx.msk [tilespmem:v35+s16+$0x0], $0xffff  }
0x106: {  	v49 =	vld.idx.msk [tilespmem:v39+s15+$0x0], $0xffff;
	v48 =	vmul.f32 v38, v37;
	v3 =	vadd.f32 v44, v3  }
0x107: {  	v51 =	vor.u32 $0x17, v2;
	v50 =	vld.idx.msk [tilespmem:v39+s16+$0x0], $0xffff  }
0x108: {  	v53 =	vld.idx.msk [tilespmem:v43+s15+$0x0], $0xffff;
	v52 =	vmul.f32 v42, v41;
	v3 =	vadd.f32 v48, v3  }
0x109: {  	v55 =	vor.u32 $0x18, v2;
	v54 =	vld.idx.msk [tilespmem:v43+s16+$0x0], $0xffff  }
0x10a: {  	v57 =	vld.idx.msk [tilespmem:v47+s15+$0x0], $0xffff;
	v56 =	vmul.f32 v46, v45;
	v3 =	vadd.f32 v52, v3  }
0x10b: {  	v59 =	vor.u32 $0x19, v2;
	v58 =	vld.idx.msk [tilespmem:v47+s16+$0x0], $0xffff  }
0x10c: {  	v61 =	vld.idx.msk [tilespmem:v51+s15+$0x0], $0xffff;
	v60 =	vmul.f32 v50, v49;
	v3 =	vadd.f32 v56, v3  }
0x10d: {  	v63 =	vor.u32 $0x1A, v2;
	v62 =	vld.idx.msk [tilespmem:v51+s16+$0x0], $0xffff  }
0x10e: {  	v17 =	vld.idx.msk [tilespmem:v55+s15+$0x0], $0xffff;
	v16 =	vmul.f32 v54, v53;
	v3 =	vadd.f32 v60, v3  }
0x10f: {  	v18 =	vld.idx.msk [tilespmem:v55+s16+$0x0], $0xffff;
	v19 =	vor.u32 $0x1B, v2  }
0x110: {  	v21 =	vld.idx.msk [tilespmem:v59+s15+$0x0], $0xffff;
	v20 =	vmul.f32 v58, v57;
	v3 =	vadd.f32 v16, v3  }
0x111: {  	v22 =	vld.idx.msk [tilespmem:v59+s16+$0x0], $0xffff;
	v23 =	vor.u32 $0x1C, v2  }
0x112: {  	v25 =	vld.idx.msk [tilespmem:v63+s15+$0x0], $0xffff;
	v24 =	vmul.f32 v62, v61;
	v3 =	vadd.f32 v20, v3  }
0x113: {  	v26 =	vld.idx.msk [tilespmem:v63+s16+$0x0], $0xffff;
	v27 =	vor.u32 $0x1D, v2  }
0x114: {  	v29 =	vld.idx.msk [tilespmem:v19+s15+$0x0], $0xffff;
	v28 =	vmul.f32 v18, v17;
	v3 =	vadd.f32 v24, v3  }
0x115: {  	v30 =	vld.idx.msk [tilespmem:v19+s16+$0x0], $0xffff;
	v31 =	vor.u32 $0x1E, v2  }
0x116: {  	v33 =	vld.idx.msk [tilespmem:v23+s15+$0x0], $0xffff;
	v32 =	vmul.f32 v22, v21;
	v3 =	vadd.f32 v28, v3  }
0x117: {  	v35 =	vor.u32 $0x1F, v2;
	v34 =	vld.idx.msk [tilespmem:v23+s16+$0x0], $0xffff  }
0x118: {  	v37 =	vld.idx.msk [tilespmem:v27+s15+$0x0], $0xffff;
	v36 =	vmul.f32 v26, v25;
	v3 =	vadd.f32 v32, v3  }
0x119: {  	v39 =	vor.u32 $0x20, v2;
	v38 =	vld.idx.msk [tilespmem:v27+s16+$0x0], $0xffff  }
0x11a: {  	v41 =	vld.idx.msk [tilespmem:v31+s15+$0x0], $0xffff;
	v40 =	vmul.f32 v30, v29;
	v3 =	vadd.f32 v36, v3  }
0x11b: {  	v43 =	vor.u32 $0x21, v2;
	v42 =	vld.idx.msk [tilespmem:v31+s16+$0x0], $0xffff  }
0x11c: {  	v45 =	vld.idx.msk [tilespmem:v35+s15+$0x0], $0xffff;
	v44 =	vmul.f32 v34, v33;
	v3 =	vadd.f32 v40, v3  }
0x11d: {  	v47 =	vor.u32 $0x22, v2;
	v46 =	vld.idx.msk [tilespmem:v35+s16+$0x0], $0xffff  }
0x11e: {  	v49 =	vld.idx.msk [tilespmem:v39+s15+$0x0], $0xffff;
	v48 =	vmul.f32 v38, v37;
	v3 =	vadd.f32 v44, v3  }
0x11f: {  	v51 =	vor.u32 $0x23, v2;
	v50 =	vld.idx.msk [tilespmem:v39+s16+$0x0], $0xffff  }
0x120: {  	v53 =	vld.idx.msk [tilespmem:v43+s15+$0x0], $0xffff;
	v52 =	vmul.f32 v42, v41;
	v3 =	vadd.f32 v48, v3  }
0x121: {  	v55 =	vor.u32 $0x24, v2;
	v54 =	vld.idx.msk [tilespmem:v43+s16+$0x0], $0xffff  }
0x122: {  	v57 =	vld.idx.msk [tilespmem:v47+s15+$0x0], $0xffff;
	v56 =	vmul.f32 v46, v45;
	v3 =	vadd.f32 v52, v3  }
0x123: {  	v59 =	vor.u32 $0x25, v2;
	v58 =	vld.idx.msk [tilespmem:v47+s16+$0x0], $0xffff  }
0x124: {  	v61 =	vld.idx.msk [tilespmem:v51+s15+$0x0], $0xffff;
	v60 =	vmul.f32 v50, v49;
	v3 =	vadd.f32 v56, v3  }
0x125: {  	v63 =	vor.u32 $0x26, v2;
	v62 =	vld.idx.msk [tilespmem:v51+s16+$0x0], $0xffff  }
0x126: {  	v17 =	vld.idx.msk [tilespmem:v55+s15+$0x0], $0xffff;
	v16 =	vmul.f32 v54, v53;
	v3 =	vadd.f32 v60, v3  }
0x127: {  	v19 =	vor.u32 $0x27, v2;
	v18 =	vld.idx.msk [tilespmem:v55+s16+$0x0], $0xffff  }
0x128: {  	v21 =	vld.idx.msk [tilespmem:v59+s15+$0x0], $0xffff;
	v20 =	vmul.f32 v58, v57;
	v3 =	vadd.f32 v16, v3  }
0x129: {  	v23 =	vor.u32 $0x28, v2;
	v22 =	vld.idx.msk [tilespmem:v59+s16+$0x0], $0xffff  }
0x12a: {  	v25 =	vld.idx.msk [tilespmem:v63+s15+$0x0], $0xffff;
	v24 =	vmul.f32 v62, v61;
	v3 =	vadd.f32 v20, v3  }
0x12b: {  	v27 =	vor.u32 $0x29, v2;
	v26 =	vld.idx.msk [tilespmem:v63+s16+$0x0], $0xffff  }
0x12c: {  	v29 =	vld.idx.msk [tilespmem:v19+s15+$0x0], $0xffff;
	v28 =	vmul.f32 v18, v17;
	v3 =	vadd.f32 v24, v3  }
0x12d: {  	v31 =	vor.u32 $0x2A, v2;
	v30 =	vld.idx.msk [tilespmem:v19+s16+$0x0], $0xffff  }
0x12e: {  	v33 =	vld.idx.msk [tilespmem:v23+s15+$0x0], $0xffff;
	v32 =	vmul.f32 v22, v21;
	v3 =	vadd.f32 v28, v3  }
0x12f: {  	v35 =	vor.u32 $0x2B, v2;
	v34 =	vld.idx.msk [tilespmem:v23+s16+$0x0], $0xffff  }
0x130: {  	v37 =	vld.idx.msk [tilespmem:v27+s15+$0x0], $0xffff;
	v36 =	vmul.f32 v26, v25;
	v3 =	vadd.f32 v32, v3  }
0x131: {  	v39 =	vor.u32 $0x2C, v2;
	v38 =	vld.idx.msk [tilespmem:v27+s16+$0x0], $0xffff  }
0x132: {  	v41 =	vld.idx.msk [tilespmem:v31+s15+$0x0], $0xffff;
	v40 =	vmul.f32 v30, v29;
	v3 =	vadd.f32 v36, v3  }
0x133: {  	v43 =	vor.u32 $0x2D, v2;
	v42 =	vld.idx.msk [tilespmem:v31+s16+$0x0], $0xffff  }
0x134: {  	v45 =	vld.idx.msk [tilespmem:v35+s15+$0x0], $0xffff;
	v44 =	vmul.f32 v34, v33;
	v3 =	vadd.f32 v40, v3  }
0x135: {  	v47 =	vor.u32 $0x2E, v2;
	v46 =	vld.idx.msk [tilespmem:v35+s16+$0x0], $0xffff  }
0x136: {  	v49 =	vld.idx.msk [tilespmem:v39+s15+$0x0], $0xffff;
	v48 =	vmul.f32 v38, v37;
	v3 =	vadd.f32 v44, v3  }
0x137: {  	v51 =	vor.u32 $0x2F, v2;
	v50 =	vld.idx.msk [tilespmem:v39+s16+$0x0], $0xffff  }
0x138: {  	v53 =	vld.idx.msk [tilespmem:v43+s15+$0x0], $0xffff;
	v52 =	vmul.f32 v42, v41;
	v3 =	vadd.f32 v48, v3  }
0x139: {  	v55 =	vor.u32 $0x30, v2;
	v54 =	vld.idx.msk [tilespmem:v43+s16+$0x0], $0xffff  }
0x13a: {  	v57 =	vld.idx.msk [tilespmem:v47+s15+$0x0], $0xffff;
	v56 =	vmul.f32 v46, v45;
	v3 =	vadd.f32 v52, v3  }
0x13b: {  	v59 =	vor.u32 $0x31, v2;
	v58 =	vld.idx.msk [tilespmem:v47+s16+$0x0], $0xffff  }
0x13c: {  	v61 =	vld.idx.msk [tilespmem:v51+s15+$0x0], $0xffff;
	v60 =	vmul.f32 v50, v49;
	v3 =	vadd.f32 v56, v3  }
0x13d: {  	v63 =	vor.u32 $0x32, v2;
	v62 =	vld.idx.msk [tilespmem:v51+s16+$0x0], $0xffff  }
0x13e: {  	v17 =	vld.idx.msk [tilespmem:v55+s15+$0x0], $0xffff;
	v16 =	vmul.f32 v54, v53;
	v3 =	vadd.f32 v60, v3  }
0x13f: {  	v19 =	vor.u32 $0x33, v2;
	v18 =	vld.idx.msk [tilespmem:v55+s16+$0x0], $0xffff  }
0x140: {  	v21 =	vld.idx.msk [tilespmem:v59+s15+$0x0], $0xffff;
	v20 =	vmul.f32 v58, v57;
	v3 =	vadd.f32 v16, v3  }
0x141: {  	v23 =	vor.u32 $0x34, v2;
	v22 =	vld.idx.msk [tilespmem:v59+s16+$0x0], $0xffff  }
0x142: {  	v25 =	vld.idx.msk [tilespmem:v63+s15+$0x0], $0xffff;
	v24 =	vmul.f32 v62, v61;
	v3 =	vadd.f32 v20, v3  }
0x143: {  	v27 =	vor.u32 $0x35, v2;
	v26 =	vld.idx.msk [tilespmem:v63+s16+$0x0], $0xffff  }
0x144: {  	v29 =	vld.idx.msk [tilespmem:v19+s15+$0x0], $0xffff;
	v28 =	vmul.f32 v18, v17;
	v3 =	vadd.f32 v24, v3  }
0x145: {  	v31 =	vor.u32 $0x36, v2;
	v30 =	vld.idx.msk [tilespmem:v19+s16+$0x0], $0xffff  }
0x146: {  	v33 =	vld.idx.msk [tilespmem:v23+s15+$0x0], $0xffff;
	v32 =	vmul.f32 v22, v21;
	v3 =	vadd.f32 v28, v3  }
0x147: {  	v35 =	vor.u32 $0x37, v2;
	v34 =	vld.idx.msk [tilespmem:v23+s16+$0x0], $0xffff  }
0x148: {  	v37 =	vld.idx.msk [tilespmem:v27+s15+$0x0], $0xffff;
	v36 =	vmul.f32 v26, v25;
	v3 =	vadd.f32 v32, v3  }
0x149: {  	v39 =	vor.u32 $0x38, v2;
	v38 =	vld.idx.msk [tilespmem:v27+s16+$0x0], $0xffff  }
0x14a: {  	v41 =	vld.idx.msk [tilespmem:v31+s15+$0x0], $0xffff;
	v40 =	vmul.f32 v30, v29;
	v3 =	vadd.f32 v36, v3  }
0x14b: {  	v43 =	vor.u32 $0x39, v2;
	v42 =	vld.idx.msk [tilespmem:v31+s16+$0x0], $0xffff  }
0x14c: {  	v45 =	vld.idx.msk [tilespmem:v35+s15+$0x0], $0xffff;
	v44 =	vmul.f32 v34, v33;
	v3 =	vadd.f32 v40, v3  }
0x14d: {  	v47 =	vor.u32 $0x3A, v2;
	v46 =	vld.idx.msk [tilespmem:v35+s16+$0x0], $0xffff  }
0x14e: {  	v49 =	vld.idx.msk [tilespmem:v39+s15+$0x0], $0xffff;
	v48 =	vmul.f32 v38, v37;
	v3 =	vadd.f32 v44, v3  }
0x14f: {  	v51 =	vor.u32 $0x3B, v2;
	v50 =	vld.idx.msk [tilespmem:v39+s16+$0x0], $0xffff  }
0x150: {  	v53 =	vld.idx.msk [tilespmem:v43+s15+$0x0], $0xffff;
	v52 =	vmul.f32 v42, v41;
	v3 =	vadd.f32 v48, v3  }
0x151: {  	v55 =	vor.u32 $0x3C, v2;
	v54 =	vld.idx.msk [tilespmem:v43+s16+$0x0], $0xffff  }
0x152: {  	v57 =	vld.idx.msk [tilespmem:v47+s15+$0x0], $0xffff;
	v56 =	vmul.f32 v46, v45;
	v3 =	vadd.f32 v52, v3  }
0x153: {  	v59 =	vor.u32 $0x3D, v2;
	v58 =	vld.idx.msk [tilespmem:v47+s16+$0x0], $0xffff  }
0x154: {  	v61 =	vld.idx.msk [tilespmem:v51+s15+$0x0], $0xffff;
	v60 =	vmul.f32 v50, v49;
	v3 =	vadd.f32 v56, v3  }
0x155: {  	v63 =	vor.u32 $0x3E, v2;
	v62 =	vld.idx.msk [tilespmem:v51+s16+$0x0], $0xffff  }
0x156: {  	v15 =	vld.idx.msk [tilespmem:v55+s15+$0x0], $0xffff;
	v14 =	vmul.f32 v54, v53;
	v3 =	vadd.f32 v60, v3  }
0x157: {  	v2 =	vor.u32 $0x3F, v2;
	v16 =	vld.idx.msk [tilespmem:v55+s16+$0x0], $0xffff  }
0x158: {  	v19 =	vld.idx.msk [tilespmem:v59+s16+$0x0], $0xffff;
	v17 =	vmul.f32 v58, v57;
	v3 =	vadd.f32 v14, v3  }
0x159: {  	v18 =	vld.idx.msk [tilespmem:v59+s15+$0x0], $0xffff  }
0x15a: {  	v21 =	vld.idx.msk [tilespmem:v63+s15+$0x0], $0xffff;
	v20 =	vmul.f32 v62, v61;
	v3 =	vadd.f32 v17, v3  }
0x15b: {  	v22 =	vld.idx.msk [tilespmem:v63+s16+$0x0], $0xffff  }
0x15c: {  	v24 =	vld.idx.msk [tilespmem:v2+s15+$0x0], $0xffff;
	v23 =	vmul.f32 v16, v15;
	v3 =	vadd.f32 v20, v3  }
0x15d: {  	v2 =	vld.idx.msk [tilespmem:v2+s16+$0x0], $0xffff  }
0x15e: {  	v25 =	vmul.f32 v19, v18;
	v3 =	vadd.f32 v23, v3;
	_ =	sdelay $0x1  }
0x15f: {  	v26 =	vmul.f32 v22, v21;
	v3 =	vadd.f32 v25, v3  }
0x160: {  	v27 =	vld [tilespmem:s25+$0x10410]  }
0x161: {  	v2 =	vmul.f32 v2, v24;
	v3 =	vadd.f32 v26, v3  }
0x162: {  	v28 =	vld [tilespmem:s25+$0x10610]  }
0x163: {  	v2 =	vadd.f32 v2, v3  }
0x164: {  	s28 =	sor.u32 $0x20, s26  }
0x165: {  	v3 =	vmov s28;
	v2 =	vadd.f32 v2, v27  }
0x166: {  	v3 =	vshll.u32 v3, $0x7  }
0x167: {  	v4 =	vadd.f32 v2, v28;
	v2 =	vor.u32 v0, v3;
	_ =	sdelay $0x1  }
0x168: {  	v29 =	vor.u32 $0x1, v2;
	v3 =	vadd.f32 v4, v1;
	_ =	sdelay $0x1  }
0x169: {  	[tilespmem:s25+$0x10890] =	vst v3;
	v3 =	vor.u32 $0x2, v2  }
0x16a: {  	v30 =	vld.idx.msk [tilespmem:v2+s15+$0x0], $0xffff  }
0x16b: {  	v32 =	vor.u32 $0x3, v2;
	v31 =	vld.idx.msk [tilespmem:v2+s16+$0x0], $0xffff  }
0x16c: {  	v33 =	vld.idx.msk [tilespmem:v29+s15+$0x0], $0xffff  }
0x16d: {  	v34 =	vor.u32 $0x4, v2;
	v4 =	vld.idx.msk [tilespmem:v29+s16+$0x0], $0xffff  }
0x16e: {  	v35 =	vld.idx.msk [tilespmem:v3+s15+$0x0], $0xffff  }
0x16f: {  	v36 =	vor.u32 $0x5, v2;
	v3 =	vld.idx.msk [tilespmem:v3+s16+$0x0], $0xffff  }
0x170: {  	v37 =	vld.idx.msk [tilespmem:v32+s15+$0x0], $0xffff;
	v5 =	vmul.f32 v31, v30  }
0x171: {  	v38 =	vor.u32 $0x6, v2;
	v7 =	vld.idx.msk [tilespmem:v32+s16+$0x0], $0xffff  }
0x172: {  	v39 =	vld.idx.msk [tilespmem:v34+s15+$0x0], $0xffff;
	v4 =	vmul.f32 v4, v33;
	v5 =	vadd.f32 $0.0e+00, v5  }
0x173: {  	v40 =	vor.u32 $0x7, v2;
	v9 =	vld.idx.msk [tilespmem:v34+s16+$0x0], $0xffff  }
0x174: {  	v41 =	vld.idx.msk [tilespmem:v36+s15+$0x0], $0xffff;
	v4 =	vadd.f32 v4, v5;
	v3 =	vmul.f32 v3, v35  }
0x175: {  	v43 =	vor.u32 $0x8, v2;
	v42 =	vld.idx.msk [tilespmem:v36+s16+$0x0], $0xffff  }
0x176: {  	v45 =	vld.idx.msk [tilespmem:v38+s15+$0x0], $0xffff;
	v44 =	vmul.f32 v7, v37;
	v3 =	vadd.f32 v3, v4  }
0x177: {  	v47 =	vor.u32 $0x9, v2;
	v46 =	vld.idx.msk [tilespmem:v38+s16+$0x0], $0xffff  }
0x178: {  	v49 =	vld.idx.msk [tilespmem:v40+s15+$0x0], $0xffff;
	v48 =	vmul.f32 v9, v39;
	v3 =	vadd.f32 v44, v3  }
0x179: {  	v51 =	vor.u32 $0xA, v2;
	v50 =	vld.idx.msk [tilespmem:v40+s16+$0x0], $0xffff  }
0x17a: {  	v53 =	vld.idx.msk [tilespmem:v43+s15+$0x0], $0xffff;
	v52 =	vmul.f32 v42, v41;
	v3 =	vadd.f32 v48, v3  }
0x17b: {  	v55 =	vor.u32 $0xB, v2;
	v54 =	vld.idx.msk [tilespmem:v43+s16+$0x0], $0xffff  }
0x17c: {  	v57 =	vld.idx.msk [tilespmem:v47+s15+$0x0], $0xffff;
	v56 =	vmul.f32 v46, v45;
	v3 =	vadd.f32 v52, v3  }
0x17d: {  	v59 =	vor.u32 $0xC, v2;
	v58 =	vld.idx.msk [tilespmem:v47+s16+$0x0], $0xffff  }
0x17e: {  	v61 =	vld.idx.msk [tilespmem:v51+s15+$0x0], $0xffff;
	v60 =	vmul.f32 v50, v49;
	v3 =	vadd.f32 v56, v3  }
0x17f: {  	v63 =	vor.u32 $0xD, v2;
	v62 =	vld.idx.msk [tilespmem:v51+s16+$0x0], $0xffff  }
0x180: {  	v17 =	vld.idx.msk [tilespmem:v55+s15+$0x0], $0xffff;
	v16 =	vmul.f32 v54, v53;
	v3 =	vadd.f32 v60, v3  }
0x181: {  	v19 =	vor.u32 $0xE, v2;
	v18 =	vld.idx.msk [tilespmem:v55+s16+$0x0], $0xffff  }
0x182: {  	v21 =	vld.idx.msk [tilespmem:v59+s15+$0x0], $0xffff;
	v20 =	vmul.f32 v58, v57;
	v3 =	vadd.f32 v16, v3  }
0x183: {  	v23 =	vor.u32 $0xF, v2;
	v22 =	vld.idx.msk [tilespmem:v59+s16+$0x0], $0xffff  }
0x184: {  	v25 =	vld.idx.msk [tilespmem:v63+s15+$0x0], $0xffff;
	v24 =	vmul.f32 v62, v61;
	v3 =	vadd.f32 v20, v3  }
0x185: {  	v27 =	vor.u32 $0x10, v2;
	v26 =	vld.idx.msk [tilespmem:v63+s16+$0x0], $0xffff  }
0x186: {  	v29 =	vld.idx.msk [tilespmem:v19+s15+$0x0], $0xffff;
	v28 =	vmul.f32 v18, v17;
	v3 =	vadd.f32 v24, v3  }
0x187: {  	v30 =	vld.idx.msk [tilespmem:v19+s16+$0x0], $0xffff;
	v31 =	vor.u32 $0x11, v2  }
0x188: {  	v34 =	vld.idx.msk [tilespmem:v23+s16+$0x0], $0xffff;
	v32 =	vmul.f32 v22, v21;
	v3 =	vadd.f32 v28, v3  }
0x189: {  	v33 =	vld.idx.msk [tilespmem:v23+s15+$0x0], $0xffff;
	v35 =	vor.u32 $0x12, v2  }
0x18a: {  	v38 =	vld.idx.msk [tilespmem:v27+s16+$0x0], $0xffff;
	v36 =	vmul.f32 v26, v25;
	v3 =	vadd.f32 v32, v3  }
0x18b: {  	v37 =	vld.idx.msk [tilespmem:v27+s15+$0x0], $0xffff;
	v39 =	vor.u32 $0x13, v2  }
0x18c: {  	v40 =	vmul.f32 v30, v29;
	v41 =	vld.idx.msk [tilespmem:v31+s15+$0x0], $0xffff;
	v3 =	vadd.f32 v36, v3  }
0x18d: {  	v43 =	vor.u32 $0x14, v2;
	v42 =	vld.idx.msk [tilespmem:v31+s16+$0x0], $0xffff  }
0x18e: {  	v44 =	vmul.f32 v34, v33;
	v45 =	vld.idx.msk [tilespmem:v35+s15+$0x0], $0xffff;
	v3 =	vadd.f32 v40, v3  }
0x18f: {  	v47 =	vor.u32 $0x15, v2;
	v46 =	vld.idx.msk [tilespmem:v35+s16+$0x0], $0xffff  }
0x190: {  	v49 =	vld.idx.msk [tilespmem:v39+s15+$0x0], $0xffff;
	v48 =	vmul.f32 v38, v37;
	v3 =	vadd.f32 v44, v3  }
0x191: {  	v51 =	vor.u32 $0x16, v2;
	v50 =	vld.idx.msk [tilespmem:v39+s16+$0x0], $0xffff  }
0x192: {  	v53 =	vld.idx.msk [tilespmem:v43+s15+$0x0], $0xffff;
	v52 =	vmul.f32 v42, v41;
	v3 =	vadd.f32 v48, v3  }
0x193: {  	v55 =	vor.u32 $0x17, v2;
	v54 =	vld.idx.msk [tilespmem:v43+s16+$0x0], $0xffff  }
0x194: {  	v57 =	vld.idx.msk [tilespmem:v47+s15+$0x0], $0xffff;
	v56 =	vmul.f32 v46, v45;
	v3 =	vadd.f32 v52, v3  }
0x195: {  	v59 =	vor.u32 $0x18, v2;
	v58 =	vld.idx.msk [tilespmem:v47+s16+$0x0], $0xffff  }
0x196: {  	v61 =	vld.idx.msk [tilespmem:v51+s15+$0x0], $0xffff;
	v60 =	vmul.f32 v50, v49;
	v3 =	vadd.f32 v56, v3  }
0x197: {  	v63 =	vor.u32 $0x19, v2;
	v62 =	vld.idx.msk [tilespmem:v51+s16+$0x0], $0xffff  }
0x198: {  	v17 =	vld.idx.msk [tilespmem:v55+s15+$0x0], $0xffff;
	v16 =	vmul.f32 v54, v53;
	v3 =	vadd.f32 v60, v3  }
0x199: {  	v19 =	vor.u32 $0x1A, v2;
	v18 =	vld.idx.msk [tilespmem:v55+s16+$0x0], $0xffff  }
0x19a: {  	v21 =	vld.idx.msk [tilespmem:v59+s15+$0x0], $0xffff;
	v20 =	vmul.f32 v58, v57;
	v3 =	vadd.f32 v16, v3  }
0x19b: {  	v22 =	vld.idx.msk [tilespmem:v59+s16+$0x0], $0xffff;
	v23 =	vor.u32 $0x1B, v2  }
0x19c: {  	v25 =	vld.idx.msk [tilespmem:v63+s15+$0x0], $0xffff;
	v24 =	vmul.f32 v62, v61;
	v3 =	vadd.f32 v20, v3  }
0x19d: {  	v26 =	vld.idx.msk [tilespmem:v63+s16+$0x0], $0xffff;
	v27 =	vor.u32 $0x1C, v2  }
0x19e: {  	v29 =	vld.idx.msk [tilespmem:v19+s15+$0x0], $0xffff;
	v28 =	vmul.f32 v18, v17;
	v3 =	vadd.f32 v24, v3  }
0x19f: {  	v30 =	vld.idx.msk [tilespmem:v19+s16+$0x0], $0xffff;
	v31 =	vor.u32 $0x1D, v2  }
0x1a0: {  	v33 =	vld.idx.msk [tilespmem:v23+s15+$0x0], $0xffff;
	v32 =	vmul.f32 v22, v21;
	v3 =	vadd.f32 v28, v3  }
0x1a1: {  	v34 =	vld.idx.msk [tilespmem:v23+s16+$0x0], $0xffff;
	v35 =	vor.u32 $0x1E, v2  }
0x1a2: {  	v37 =	vld.idx.msk [tilespmem:v27+s15+$0x0], $0xffff;
	v36 =	vmul.f32 v26, v25;
	v3 =	vadd.f32 v32, v3  }
0x1a3: {  	v39 =	vor.u32 $0x1F, v2;
	v38 =	vld.idx.msk [tilespmem:v27+s16+$0x0], $0xffff  }
0x1a4: {  	v41 =	vld.idx.msk [tilespmem:v31+s15+$0x0], $0xffff;
	v40 =	vmul.f32 v30, v29;
	v3 =	vadd.f32 v36, v3  }
0x1a5: {  	v43 =	vor.u32 $0x20, v2;
	v42 =	vld.idx.msk [tilespmem:v31+s16+$0x0], $0xffff  }
0x1a6: {  	v45 =	vld.idx.msk [tilespmem:v35+s15+$0x0], $0xffff;
	v44 =	vmul.f32 v34, v33;
	v3 =	vadd.f32 v40, v3  }
0x1a7: {  	v47 =	vor.u32 $0x21, v2;
	v46 =	vld.idx.msk [tilespmem:v35+s16+$0x0], $0xffff  }
0x1a8: {  	v49 =	vld.idx.msk [tilespmem:v39+s15+$0x0], $0xffff;
	v48 =	vmul.f32 v38, v37;
	v3 =	vadd.f32 v44, v3  }
0x1a9: {  	v51 =	vor.u32 $0x22, v2;
	v50 =	vld.idx.msk [tilespmem:v39+s16+$0x0], $0xffff  }
0x1aa: {  	v53 =	vld.idx.msk [tilespmem:v43+s15+$0x0], $0xffff;
	v52 =	vmul.f32 v42, v41;
	v3 =	vadd.f32 v48, v3  }
0x1ab: {  	v55 =	vor.u32 $0x23, v2;
	v54 =	vld.idx.msk [tilespmem:v43+s16+$0x0], $0xffff  }
0x1ac: {  	v57 =	vld.idx.msk [tilespmem:v47+s15+$0x0], $0xffff;
	v56 =	vmul.f32 v46, v45;
	v3 =	vadd.f32 v52, v3  }
0x1ad: {  	v59 =	vor.u32 $0x24, v2;
	v58 =	vld.idx.msk [tilespmem:v47+s16+$0x0], $0xffff  }
0x1ae: {  	v61 =	vld.idx.msk [tilespmem:v51+s15+$0x0], $0xffff;
	v60 =	vmul.f32 v50, v49;
	v3 =	vadd.f32 v56, v3  }
0x1af: {  	v63 =	vor.u32 $0x25, v2;
	v62 =	vld.idx.msk [tilespmem:v51+s16+$0x0], $0xffff  }
0x1b0: {  	v17 =	vld.idx.msk [tilespmem:v55+s15+$0x0], $0xffff;
	v16 =	vmul.f32 v54, v53;
	v3 =	vadd.f32 v60, v3  }
0x1b1: {  	v19 =	vor.u32 $0x26, v2;
	v18 =	vld.idx.msk [tilespmem:v55+s16+$0x0], $0xffff  }
0x1b2: {  	v21 =	vld.idx.msk [tilespmem:v59+s15+$0x0], $0xffff;
	v20 =	vmul.f32 v58, v57;
	v3 =	vadd.f32 v16, v3  }
0x1b3: {  	v23 =	vor.u32 $0x27, v2;
	v22 =	vld.idx.msk [tilespmem:v59+s16+$0x0], $0xffff  }
0x1b4: {  	v25 =	vld.idx.msk [tilespmem:v63+s15+$0x0], $0xffff;
	v24 =	vmul.f32 v62, v61;
	v3 =	vadd.f32 v20, v3  }
0x1b5: {  	v27 =	vor.u32 $0x28, v2;
	v26 =	vld.idx.msk [tilespmem:v63+s16+$0x0], $0xffff  }
0x1b6: {  	v29 =	vld.idx.msk [tilespmem:v19+s15+$0x0], $0xffff;
	v28 =	vmul.f32 v18, v17;
	v3 =	vadd.f32 v24, v3  }
0x1b7: {  	v31 =	vor.u32 $0x29, v2;
	v30 =	vld.idx.msk [tilespmem:v19+s16+$0x0], $0xffff  }
0x1b8: {  	v33 =	vld.idx.msk [tilespmem:v23+s15+$0x0], $0xffff;
	v32 =	vmul.f32 v22, v21;
	v3 =	vadd.f32 v28, v3  }
0x1b9: {  	v35 =	vor.u32 $0x2A, v2;
	v34 =	vld.idx.msk [tilespmem:v23+s16+$0x0], $0xffff  }
0x1ba: {  	v37 =	vld.idx.msk [tilespmem:v27+s15+$0x0], $0xffff;
	v36 =	vmul.f32 v26, v25;
	v3 =	vadd.f32 v32, v3  }
0x1bb: {  	v39 =	vor.u32 $0x2B, v2;
	v38 =	vld.idx.msk [tilespmem:v27+s16+$0x0], $0xffff  }
0x1bc: {  	v41 =	vld.idx.msk [tilespmem:v31+s15+$0x0], $0xffff;
	v40 =	vmul.f32 v30, v29;
	v3 =	vadd.f32 v36, v3  }
0x1bd: {  	v43 =	vor.u32 $0x2C, v2;
	v42 =	vld.idx.msk [tilespmem:v31+s16+$0x0], $0xffff  }
0x1be: {  	v45 =	vld.idx.msk [tilespmem:v35+s15+$0x0], $0xffff;
	v44 =	vmul.f32 v34, v33;
	v3 =	vadd.f32 v40, v3  }
0x1bf: {  	v47 =	vor.u32 $0x2D, v2;
	v46 =	vld.idx.msk [tilespmem:v35+s16+$0x0], $0xffff  }
0x1c0: {  	v49 =	vld.idx.msk [tilespmem:v39+s15+$0x0], $0xffff;
	v48 =	vmul.f32 v38, v37;
	v3 =	vadd.f32 v44, v3  }
0x1c1: {  	v51 =	vor.u32 $0x2E, v2;
	v50 =	vld.idx.msk [tilespmem:v39+s16+$0x0], $0xffff  }
0x1c2: {  	v53 =	vld.idx.msk [tilespmem:v43+s15+$0x0], $0xffff;
	v52 =	vmul.f32 v42, v41;
	v3 =	vadd.f32 v48, v3  }
0x1c3: {  	v55 =	vor.u32 $0x2F, v2;
	v54 =	vld.idx.msk [tilespmem:v43+s16+$0x0], $0xffff  }
0x1c4: {  	v57 =	vld.idx.msk [tilespmem:v47+s15+$0x0], $0xffff;
	v56 =	vmul.f32 v46, v45;
	v3 =	vadd.f32 v52, v3  }
0x1c5: {  	v59 =	vor.u32 $0x30, v2;
	v58 =	vld.idx.msk [tilespmem:v47+s16+$0x0], $0xffff  }
0x1c6: {  	v61 =	vld.idx.msk [tilespmem:v51+s15+$0x0], $0xffff;
	v60 =	vmul.f32 v50, v49;
	v3 =	vadd.f32 v56, v3  }
0x1c7: {  	v63 =	vor.u32 $0x31, v2;
	v62 =	vld.idx.msk [tilespmem:v51+s16+$0x0], $0xffff  }
0x1c8: {  	v17 =	vld.idx.msk [tilespmem:v55+s15+$0x0], $0xffff;
	v16 =	vmul.f32 v54, v53;
	v3 =	vadd.f32 v60, v3  }
0x1c9: {  	v19 =	vor.u32 $0x32, v2;
	v18 =	vld.idx.msk [tilespmem:v55+s16+$0x0], $0xffff  }
0x1ca: {  	v21 =	vld.idx.msk [tilespmem:v59+s15+$0x0], $0xffff;
	v20 =	vmul.f32 v58, v57;
	v3 =	vadd.f32 v16, v3  }
0x1cb: {  	v23 =	vor.u32 $0x33, v2;
	v22 =	vld.idx.msk [tilespmem:v59+s16+$0x0], $0xffff  }
0x1cc: {  	v25 =	vld.idx.msk [tilespmem:v63+s15+$0x0], $0xffff;
	v24 =	vmul.f32 v62, v61;
	v3 =	vadd.f32 v20, v3  }
0x1cd: {  	v27 =	vor.u32 $0x34, v2;
	v26 =	vld.idx.msk [tilespmem:v63+s16+$0x0], $0xffff  }
0x1ce: {  	v29 =	vld.idx.msk [tilespmem:v19+s15+$0x0], $0xffff;
	v28 =	vmul.f32 v18, v17;
	v3 =	vadd.f32 v24, v3  }
0x1cf: {  	v31 =	vor.u32 $0x35, v2;
	v30 =	vld.idx.msk [tilespmem:v19+s16+$0x0], $0xffff  }
0x1d0: {  	v33 =	vld.idx.msk [tilespmem:v23+s15+$0x0], $0xffff;
	v32 =	vmul.f32 v22, v21;
	v3 =	vadd.f32 v28, v3  }
0x1d1: {  	v35 =	vor.u32 $0x36, v2;
	v34 =	vld.idx.msk [tilespmem:v23+s16+$0x0], $0xffff  }
0x1d2: {  	v37 =	vld.idx.msk [tilespmem:v27+s15+$0x0], $0xffff;
	v36 =	vmul.f32 v26, v25;
	v3 =	vadd.f32 v32, v3  }
0x1d3: {  	v39 =	vor.u32 $0x37, v2;
	v38 =	vld.idx.msk [tilespmem:v27+s16+$0x0], $0xffff  }
0x1d4: {  	v41 =	vld.idx.msk [tilespmem:v31+s15+$0x0], $0xffff;
	v40 =	vmul.f32 v30, v29;
	v3 =	vadd.f32 v36, v3  }
0x1d5: {  	v43 =	vor.u32 $0x38, v2;
	v42 =	vld.idx.msk [tilespmem:v31+s16+$0x0], $0xffff  }
0x1d6: {  	v45 =	vld.idx.msk [tilespmem:v35+s15+$0x0], $0xffff;
	v44 =	vmul.f32 v34, v33;
	v3 =	vadd.f32 v40, v3  }
0x1d7: {  	v47 =	vor.u32 $0x39, v2;
	v46 =	vld.idx.msk [tilespmem:v35+s16+$0x0], $0xffff  }
0x1d8: {  	v49 =	vld.idx.msk [tilespmem:v39+s15+$0x0], $0xffff;
	v48 =	vmul.f32 v38, v37;
	v3 =	vadd.f32 v44, v3  }
0x1d9: {  	v51 =	vor.u32 $0x3A, v2;
	v50 =	vld.idx.msk [tilespmem:v39+s16+$0x0], $0xffff  }
0x1da: {  	v53 =	vld.idx.msk [tilespmem:v43+s15+$0x0], $0xffff;
	v52 =	vmul.f32 v42, v41;
	v3 =	vadd.f32 v48, v3  }
0x1db: {  	v55 =	vor.u32 $0x3B, v2;
	v54 =	vld.idx.msk [tilespmem:v43+s16+$0x0], $0xffff  }
0x1dc: {  	v57 =	vld.idx.msk [tilespmem:v47+s15+$0x0], $0xffff;
	v56 =	vmul.f32 v46, v45;
	v3 =	vadd.f32 v52, v3  }
0x1dd: {  	v59 =	vor.u32 $0x3C, v2;
	v58 =	vld.idx.msk [tilespmem:v47+s16+$0x0], $0xffff  }
0x1de: {  	v61 =	vld.idx.msk [tilespmem:v51+s15+$0x0], $0xffff;
	v60 =	vmul.f32 v50, v49;
	v3 =	vadd.f32 v56, v3  }
0x1df: {  	v63 =	vor.u32 $0x3D, v2;
	v62 =	vld.idx.msk [tilespmem:v51+s16+$0x0], $0xffff  }
0x1e0: {  	v17 =	vld.idx.msk [tilespmem:v55+s15+$0x0], $0xffff;
	v16 =	vmul.f32 v54, v53;
	v3 =	vadd.f32 v60, v3  }
0x1e1: {  	v19 =	vor.u32 $0x3E, v2;
	v18 =	vld.idx.msk [tilespmem:v55+s16+$0x0], $0xffff  }
0x1e2: {  	v21 =	vld.idx.msk [tilespmem:v59+s15+$0x0], $0xffff;
	v20 =	vmul.f32 v58, v57;
	v3 =	vadd.f32 v16, v3  }
0x1e3: {  	v2 =	vor.u32 $0x3F, v2;
	v22 =	vld.idx.msk [tilespmem:v59+s16+$0x0], $0xffff  }
0x1e4: {  	v23 =	vmul.f32 v62, v61;
	v25 =	vld.idx.msk [tilespmem:v63+s16+$0x0], $0xffff;
	v3 =	vadd.f32 v20, v3  }
0x1e5: {  	v24 =	vld.idx.msk [tilespmem:v63+s15+$0x0], $0xffff  }
0x1e6: {  	v27 =	vld.idx.msk [tilespmem:v19+s15+$0x0], $0xffff;
	v26 =	vmul.f32 v18, v17;
	v3 =	vadd.f32 v23, v3  }
0x1e7: {  	v28 =	vld.idx.msk [tilespmem:v19+s16+$0x0], $0xffff  }
0x1e8: {  	v30 =	vld.idx.msk [tilespmem:v2+s15+$0x0], $0xffff;
	v29 =	vmul.f32 v22, v21;
	v3 =	vadd.f32 v26, v3  }
0x1e9: {  	v2 =	vld.idx.msk [tilespmem:v2+s16+$0x0], $0xffff  }
0x1ea: {  	v31 =	vmul.f32 v25, v24;
	v3 =	vadd.f32 v29, v3;
	_ =	sdelay $0x1  }
0x1eb: {  	v32 =	vmul.f32 v28, v27;
	v3 =	vadd.f32 v31, v3  }
0x1ec: {  	v33 =	vld [tilespmem:s25+$0x10420]  }
0x1ed: {  	v2 =	vmul.f32 v2, v30;
	v3 =	vadd.f32 v32, v3  }
0x1ee: {  	v34 =	vld [tilespmem:s25+$0x10620]  }
0x1ef: {  	v2 =	vadd.f32 v2, v3  }
0x1f0: {  	s28 =	sor.u32 $0x30, s26  }
0x1f1: {  	v3 =	vmov s28;
	v2 =	vadd.f32 v2, v33  }
0x1f2: {  	v3 =	vshll.u32 v3, $0x7  }
0x1f3: {  	v4 =	vadd.f32 v2, v34;
	v2 =	vor.u32 v0, v3;
	_ =	sdelay $0x1  }
0x1f4: {  	v35 =	vor.u32 $0x1, v2;
	v3 =	vadd.f32 v4, v1;
	_ =	sdelay $0x1  }
0x1f5: {  	[tilespmem:s25+$0x108A0] =	vst v3;
	v3 =	vor.u32 $0x2, v2  }
0x1f6: {  	v36 =	vld.idx.msk [tilespmem:v2+s15+$0x0], $0xffff  }
0x1f7: {  	v38 =	vor.u32 $0x3, v2;
	v37 =	vld.idx.msk [tilespmem:v2+s16+$0x0], $0xffff  }
0x1f8: {  	v39 =	vld.idx.msk [tilespmem:v35+s15+$0x0], $0xffff  }
0x1f9: {  	v40 =	vor.u32 $0x4, v2;
	v4 =	vld.idx.msk [tilespmem:v35+s16+$0x0], $0xffff  }
0x1fa: {  	v41 =	vld.idx.msk [tilespmem:v3+s15+$0x0], $0xffff  }
0x1fb: {  	v42 =	vor.u32 $0x5, v2;
	v3 =	vld.idx.msk [tilespmem:v3+s16+$0x0], $0xffff  }
0x1fc: {  	v43 =	vld.idx.msk [tilespmem:v38+s15+$0x0], $0xffff;
	v5 =	vmul.f32 v37, v36  }
0x1fd: {  	v44 =	vor.u32 $0x6, v2;
	v7 =	vld.idx.msk [tilespmem:v38+s16+$0x0], $0xffff  }
0x1fe: {  	v45 =	vld.idx.msk [tilespmem:v40+s15+$0x0], $0xffff;
	v4 =	vmul.f32 v4, v39;
	v5 =	vadd.f32 $0.0e+00, v5  }
0x1ff: {  	v46 =	vor.u32 $0x7, v2;
	v9 =	vld.idx.msk [tilespmem:v40+s16+$0x0], $0xffff  }
0x200: {  	v47 =	vld.idx.msk [tilespmem:v42+s15+$0x0], $0xffff;
	v4 =	vadd.f32 v4, v5;
	v3 =	vmul.f32 v3, v41  }
0x201: {  	v49 =	vor.u32 $0x8, v2;
	v48 =	vld.idx.msk [tilespmem:v42+s16+$0x0], $0xffff  }
0x202: {  	v51 =	vld.idx.msk [tilespmem:v44+s15+$0x0], $0xffff;
	v50 =	vmul.f32 v7, v43;
	v3 =	vadd.f32 v3, v4  }
0x203: {  	v53 =	vor.u32 $0x9, v2;
	v52 =	vld.idx.msk [tilespmem:v44+s16+$0x0], $0xffff  }
0x204: {  	v55 =	vld.idx.msk [tilespmem:v46+s15+$0x0], $0xffff;
	v54 =	vmul.f32 v9, v45;
	v3 =	vadd.f32 v50, v3  }
0x205: {  	v57 =	vor.u32 $0xA, v2;
	v56 =	vld.idx.msk [tilespmem:v46+s16+$0x0], $0xffff  }
0x206: {  	v59 =	vld.idx.msk [tilespmem:v49+s15+$0x0], $0xffff;
	v58 =	vmul.f32 v48, v47;
	v3 =	vadd.f32 v54, v3  }
0x207: {  	v61 =	vor.u32 $0xB, v2;
	v60 =	vld.idx.msk [tilespmem:v49+s16+$0x0], $0xffff  }
0x208: {  	v63 =	vld.idx.msk [tilespmem:v53+s15+$0x0], $0xffff;
	v62 =	vmul.f32 v52, v51;
	v3 =	vadd.f32 v58, v3  }
0x209: {  	v17 =	vor.u32 $0xC, v2;
	v16 =	vld.idx.msk [tilespmem:v53+s16+$0x0], $0xffff  }
0x20a: {  	v19 =	vld.idx.msk [tilespmem:v57+s15+$0x0], $0xffff;
	v18 =	vmul.f32 v56, v55;
	v3 =	vadd.f32 v62, v3  }
0x20b: {  	v21 =	vor.u32 $0xD, v2;
	v20 =	vld.idx.msk [tilespmem:v57+s16+$0x0], $0xffff  }
0x20c: {  	v23 =	vld.idx.msk [tilespmem:v61+s15+$0x0], $0xffff;
	v22 =	vmul.f32 v60, v59;
	v3 =	vadd.f32 v18, v3  }
0x20d: {  	v25 =	vor.u32 $0xE, v2;
	v24 =	vld.idx.msk [tilespmem:v61+s16+$0x0], $0xffff  }
0x20e: {  	v27 =	vld.idx.msk [tilespmem:v17+s15+$0x0], $0xffff;
	v26 =	vmul.f32 v16, v63;
	v3 =	vadd.f32 v22, v3  }
0x20f: {  	v29 =	vor.u32 $0xF, v2;
	v28 =	vld.idx.msk [tilespmem:v17+s16+$0x0], $0xffff  }
0x210: {  	v31 =	vld.idx.msk [tilespmem:v21+s15+$0x0], $0xffff;
	v30 =	vmul.f32 v20, v19;
	v3 =	vadd.f32 v26, v3  }
0x211: {  	v33 =	vor.u32 $0x10, v2;
	v32 =	vld.idx.msk [tilespmem:v21+s16+$0x0], $0xffff  }
0x212: {  	v35 =	vld.idx.msk [tilespmem:v25+s15+$0x0], $0xffff;
	v34 =	vmul.f32 v24, v23;
	v3 =	vadd.f32 v30, v3  }
0x213: {  	v36 =	vld.idx.msk [tilespmem:v25+s16+$0x0], $0xffff;
	v37 =	vor.u32 $0x11, v2  }
0x214: {  	v40 =	vld.idx.msk [tilespmem:v29+s16+$0x0], $0xffff;
	v38 =	vmul.f32 v28, v27;
	v3 =	vadd.f32 v34, v3  }
0x215: {  	v39 =	vld.idx.msk [tilespmem:v29+s15+$0x0], $0xffff;
	v41 =	vor.u32 $0x12, v2  }
0x216: {  	v44 =	vld.idx.msk [tilespmem:v33+s16+$0x0], $0xffff;
	v42 =	vmul.f32 v32, v31;
	v3 =	vadd.f32 v38, v3  }
0x217: {  	v43 =	vld.idx.msk [tilespmem:v33+s15+$0x0], $0xffff;
	v45 =	vor.u32 $0x13, v2  }
0x218: {  	v46 =	vmul.f32 v36, v35;
	v47 =	vld.idx.msk [tilespmem:v37+s15+$0x0], $0xffff;
	v3 =	vadd.f32 v42, v3  }
0x219: {  	v49 =	vor.u32 $0x14, v2;
	v48 =	vld.idx.msk [tilespmem:v37+s16+$0x0], $0xffff  }
0x21a: {  	v50 =	vmul.f32 v40, v39;
	v51 =	vld.idx.msk [tilespmem:v41+s15+$0x0], $0xffff;
	v3 =	vadd.f32 v46, v3  }
0x21b: {  	v53 =	vor.u32 $0x15, v2;
	v52 =	vld.idx.msk [tilespmem:v41+s16+$0x0], $0xffff  }
0x21c: {  	v55 =	vld.idx.msk [tilespmem:v45+s15+$0x0], $0xffff;
	v54 =	vmul.f32 v44, v43;
	v3 =	vadd.f32 v50, v3  }
0x21d: {  	v57 =	vor.u32 $0x16, v2;
	v56 =	vld.idx.msk [tilespmem:v45+s16+$0x0], $0xffff  }
0x21e: {  	v59 =	vld.idx.msk [tilespmem:v49+s15+$0x0], $0xffff;
	v58 =	vmul.f32 v48, v47;
	v3 =	vadd.f32 v54, v3  }
0x21f: {  	v61 =	vor.u32 $0x17, v2;
	v60 =	vld.idx.msk [tilespmem:v49+s16+$0x0], $0xffff  }
0x220: {  	v63 =	vld.idx.msk [tilespmem:v53+s15+$0x0], $0xffff;
	v62 =	vmul.f32 v52, v51;
	v3 =	vadd.f32 v58, v3  }
0x221: {  	v17 =	vor.u32 $0x18, v2;
	v16 =	vld.idx.msk [tilespmem:v53+s16+$0x0], $0xffff  }
0x222: {  	v19 =	vld.idx.msk [tilespmem:v57+s15+$0x0], $0xffff;
	v18 =	vmul.f32 v56, v55;
	v3 =	vadd.f32 v62, v3  }
0x223: {  	v21 =	vor.u32 $0x19, v2;
	v20 =	vld.idx.msk [tilespmem:v57+s16+$0x0], $0xffff  }
0x224: {  	v23 =	vld.idx.msk [tilespmem:v61+s15+$0x0], $0xffff;
	v22 =	vmul.f32 v60, v59;
	v3 =	vadd.f32 v18, v3  }
0x225: {  	v25 =	vor.u32 $0x1A, v2;
	v24 =	vld.idx.msk [tilespmem:v61+s16+$0x0], $0xffff  }
0x226: {  	v27 =	vld.idx.msk [tilespmem:v17+s15+$0x0], $0xffff;
	v26 =	vmul.f32 v16, v63;
	v3 =	vadd.f32 v22, v3  }
0x227: {  	v28 =	vld.idx.msk [tilespmem:v17+s16+$0x0], $0xffff;
	v29 =	vor.u32 $0x1B, v2  }
0x228: {  	v31 =	vld.idx.msk [tilespmem:v21+s15+$0x0], $0xffff;
	v30 =	vmul.f32 v20, v19;
	v3 =	vadd.f32 v26, v3  }
0x229: {  	v32 =	vld.idx.msk [tilespmem:v21+s16+$0x0], $0xffff;
	v33 =	vor.u32 $0x1C, v2  }
0x22a: {  	v35 =	vld.idx.msk [tilespmem:v25+s15+$0x0], $0xffff;
	v34 =	vmul.f32 v24, v23;
	v3 =	vadd.f32 v30, v3  }
0x22b: {  	v36 =	vld.idx.msk [tilespmem:v25+s16+$0x0], $0xffff;
	v37 =	vor.u32 $0x1D, v2  }
0x22c: {  	v39 =	vld.idx.msk [tilespmem:v29+s15+$0x0], $0xffff;
	v38 =	vmul.f32 v28, v27;
	v3 =	vadd.f32 v34, v3  }
0x22d: {  	v40 =	vld.idx.msk [tilespmem:v29+s16+$0x0], $0xffff;
	v41 =	vor.u32 $0x1E, v2  }
0x22e: {  	v43 =	vld.idx.msk [tilespmem:v33+s15+$0x0], $0xffff;
	v42 =	vmul.f32 v32, v31;
	v3 =	vadd.f32 v38, v3  }
0x22f: {  	v45 =	vor.u32 $0x1F, v2;
	v44 =	vld.idx.msk [tilespmem:v33+s16+$0x0], $0xffff  }
0x230: {  	v47 =	vld.idx.msk [tilespmem:v37+s15+$0x0], $0xffff;
	v46 =	vmul.f32 v36, v35;
	v3 =	vadd.f32 v42, v3  }
0x231: {  	v49 =	vor.u32 $0x20, v2;
	v48 =	vld.idx.msk [tilespmem:v37+s16+$0x0], $0xffff  }
0x232: {  	v51 =	vld.idx.msk [tilespmem:v41+s15+$0x0], $0xffff;
	v50 =	vmul.f32 v40, v39;
	v3 =	vadd.f32 v46, v3  }
0x233: {  	v53 =	vor.u32 $0x21, v2;
	v52 =	vld.idx.msk [tilespmem:v41+s16+$0x0], $0xffff  }
0x234: {  	v55 =	vld.idx.msk [tilespmem:v45+s15+$0x0], $0xffff;
	v54 =	vmul.f32 v44, v43;
	v3 =	vadd.f32 v50, v3  }
0x235: {  	v57 =	vor.u32 $0x22, v2;
	v56 =	vld.idx.msk [tilespmem:v45+s16+$0x0], $0xffff  }
0x236: {  	v59 =	vld.idx.msk [tilespmem:v49+s15+$0x0], $0xffff;
	v58 =	vmul.f32 v48, v47;
	v3 =	vadd.f32 v54, v3  }
0x237: {  	v61 =	vor.u32 $0x23, v2;
	v60 =	vld.idx.msk [tilespmem:v49+s16+$0x0], $0xffff  }
0x238: {  	v63 =	vld.idx.msk [tilespmem:v53+s15+$0x0], $0xffff;
	v62 =	vmul.f32 v52, v51;
	v3 =	vadd.f32 v58, v3  }
0x239: {  	v17 =	vor.u32 $0x24, v2;
	v16 =	vld.idx.msk [tilespmem:v53+s16+$0x0], $0xffff  }
0x23a: {  	v19 =	vld.idx.msk [tilespmem:v57+s15+$0x0], $0xffff;
	v18 =	vmul.f32 v56, v55;
	v3 =	vadd.f32 v62, v3  }
0x23b: {  	v21 =	vor.u32 $0x25, v2;
	v20 =	vld.idx.msk [tilespmem:v57+s16+$0x0], $0xffff  }
0x23c: {  	v23 =	vld.idx.msk [tilespmem:v61+s15+$0x0], $0xffff;
	v22 =	vmul.f32 v60, v59;
	v3 =	vadd.f32 v18, v3  }
0x23d: {  	v25 =	vor.u32 $0x26, v2;
	v24 =	vld.idx.msk [tilespmem:v61+s16+$0x0], $0xffff  }
0x23e: {  	v27 =	vld.idx.msk [tilespmem:v17+s15+$0x0], $0xffff;
	v26 =	vmul.f32 v16, v63;
	v3 =	vadd.f32 v22, v3  }
0x23f: {  	v29 =	vor.u32 $0x27, v2;
	v28 =	vld.idx.msk [tilespmem:v17+s16+$0x0], $0xffff  }
0x240: {  	v31 =	vld.idx.msk [tilespmem:v21+s15+$0x0], $0xffff;
	v30 =	vmul.f32 v20, v19;
	v3 =	vadd.f32 v26, v3  }
0x241: {  	v33 =	vor.u32 $0x28, v2;
	v32 =	vld.idx.msk [tilespmem:v21+s16+$0x0], $0xffff  }
0x242: {  	v35 =	vld.idx.msk [tilespmem:v25+s15+$0x0], $0xffff;
	v34 =	vmul.f32 v24, v23;
	v3 =	vadd.f32 v30, v3  }
0x243: {  	v37 =	vor.u32 $0x29, v2;
	v36 =	vld.idx.msk [tilespmem:v25+s16+$0x0], $0xffff  }
0x244: {  	v39 =	vld.idx.msk [tilespmem:v29+s15+$0x0], $0xffff;
	v38 =	vmul.f32 v28, v27;
	v3 =	vadd.f32 v34, v3  }
0x245: {  	v41 =	vor.u32 $0x2A, v2;
	v40 =	vld.idx.msk [tilespmem:v29+s16+$0x0], $0xffff  }
0x246: {  	v43 =	vld.idx.msk [tilespmem:v33+s15+$0x0], $0xffff;
	v42 =	vmul.f32 v32, v31;
	v3 =	vadd.f32 v38, v3  }
0x247: {  	v45 =	vor.u32 $0x2B, v2;
	v44 =	vld.idx.msk [tilespmem:v33+s16+$0x0], $0xffff  }
0x248: {  	v47 =	vld.idx.msk [tilespmem:v37+s15+$0x0], $0xffff;
	v46 =	vmul.f32 v36, v35;
	v3 =	vadd.f32 v42, v3  }
0x249: {  	v49 =	vor.u32 $0x2C, v2;
	v48 =	vld.idx.msk [tilespmem:v37+s16+$0x0], $0xffff  }
0x24a: {  	v51 =	vld.idx.msk [tilespmem:v41+s15+$0x0], $0xffff;
	v50 =	vmul.f32 v40, v39;
	v3 =	vadd.f32 v46, v3  }
0x24b: {  	v53 =	vor.u32 $0x2D, v2;
	v52 =	vld.idx.msk [tilespmem:v41+s16+$0x0], $0xffff  }
0x24c: {  	v55 =	vld.idx.msk [tilespmem:v45+s15+$0x0], $0xffff;
	v54 =	vmul.f32 v44, v43;
	v3 =	vadd.f32 v50, v3  }
0x24d: {  	v57 =	vor.u32 $0x2E, v2;
	v56 =	vld.idx.msk [tilespmem:v45+s16+$0x0], $0xffff  }
0x24e: {  	v59 =	vld.idx.msk [tilespmem:v49+s15+$0x0], $0xffff;
	v58 =	vmul.f32 v48, v47;
	v3 =	vadd.f32 v54, v3  }
0x24f: {  	v61 =	vor.u32 $0x2F, v2;
	v60 =	vld.idx.msk [tilespmem:v49+s16+$0x0], $0xffff  }
0x250: {  	v63 =	vld.idx.msk [tilespmem:v53+s15+$0x0], $0xffff;
	v62 =	vmul.f32 v52, v51;
	v3 =	vadd.f32 v58, v3  }
0x251: {  	v17 =	vor.u32 $0x30, v2;
	v16 =	vld.idx.msk [tilespmem:v53+s16+$0x0], $0xffff  }
0x252: {  	v19 =	vld.idx.msk [tilespmem:v57+s15+$0x0], $0xffff;
	v18 =	vmul.f32 v56, v55;
	v3 =	vadd.f32 v62, v3  }
0x253: {  	v21 =	vor.u32 $0x31, v2;
	v20 =	vld.idx.msk [tilespmem:v57+s16+$0x0], $0xffff  }
0x254: {  	v23 =	vld.idx.msk [tilespmem:v61+s15+$0x0], $0xffff;
	v22 =	vmul.f32 v60, v59;
	v3 =	vadd.f32 v18, v3  }
0x255: {  	v25 =	vor.u32 $0x32, v2;
	v24 =	vld.idx.msk [tilespmem:v61+s16+$0x0], $0xffff  }
0x256: {  	v27 =	vld.idx.msk [tilespmem:v17+s15+$0x0], $0xffff;
	v26 =	vmul.f32 v16, v63;
	v3 =	vadd.f32 v22, v3  }
0x257: {  	v29 =	vor.u32 $0x33, v2;
	v28 =	vld.idx.msk [tilespmem:v17+s16+$0x0], $0xffff  }
0x258: {  	v31 =	vld.idx.msk [tilespmem:v21+s15+$0x0], $0xffff;
	v30 =	vmul.f32 v20, v19;
	v3 =	vadd.f32 v26, v3  }
0x259: {  	v33 =	vor.u32 $0x34, v2;
	v32 =	vld.idx.msk [tilespmem:v21+s16+$0x0], $0xffff  }
0x25a: {  	v35 =	vld.idx.msk [tilespmem:v25+s15+$0x0], $0xffff;
	v34 =	vmul.f32 v24, v23;
	v3 =	vadd.f32 v30, v3  }
0x25b: {  	v37 =	vor.u32 $0x35, v2;
	v36 =	vld.idx.msk [tilespmem:v25+s16+$0x0], $0xffff  }
0x25c: {  	v39 =	vld.idx.msk [tilespmem:v29+s15+$0x0], $0xffff;
	v38 =	vmul.f32 v28, v27;
	v3 =	vadd.f32 v34, v3  }
0x25d: {  	v41 =	vor.u32 $0x36, v2;
	v40 =	vld.idx.msk [tilespmem:v29+s16+$0x0], $0xffff  }
0x25e: {  	v43 =	vld.idx.msk [tilespmem:v33+s15+$0x0], $0xffff;
	v42 =	vmul.f32 v32, v31;
	v3 =	vadd.f32 v38, v3  }
0x25f: {  	v45 =	vor.u32 $0x37, v2;
	v44 =	vld.idx.msk [tilespmem:v33+s16+$0x0], $0xffff  }
0x260: {  	v47 =	vld.idx.msk [tilespmem:v37+s15+$0x0], $0xffff;
	v46 =	vmul.f32 v36, v35;
	v3 =	vadd.f32 v42, v3  }
0x261: {  	v49 =	vor.u32 $0x38, v2;
	v48 =	vld.idx.msk [tilespmem:v37+s16+$0x0], $0xffff  }
0x262: {  	v51 =	vld.idx.msk [tilespmem:v41+s15+$0x0], $0xffff;
	v50 =	vmul.f32 v40, v39;
	v3 =	vadd.f32 v46, v3  }
0x263: {  	v53 =	vor.u32 $0x39, v2;
	v52 =	vld.idx.msk [tilespmem:v41+s16+$0x0], $0xffff  }
0x264: {  	v55 =	vld.idx.msk [tilespmem:v45+s15+$0x0], $0xffff;
	v54 =	vmul.f32 v44, v43;
	v3 =	vadd.f32 v50, v3  }
0x265: {  	v57 =	vor.u32 $0x3A, v2;
	v56 =	vld.idx.msk [tilespmem:v45+s16+$0x0], $0xffff  }
0x266: {  	v59 =	vld.idx.msk [tilespmem:v49+s15+$0x0], $0xffff;
	v58 =	vmul.f32 v48, v47;
	v3 =	vadd.f32 v54, v3  }
0x267: {  	v61 =	vor.u32 $0x3B, v2;
	v60 =	vld.idx.msk [tilespmem:v49+s16+$0x0], $0xffff  }
0x268: {  	v63 =	vld.idx.msk [tilespmem:v53+s15+$0x0], $0xffff;
	v62 =	vmul.f32 v52, v51;
	v3 =	vadd.f32 v58, v3  }
0x269: {  	v17 =	vor.u32 $0x3C, v2;
	v16 =	vld.idx.msk [tilespmem:v53+s16+$0x0], $0xffff  }
0x26a: {  	v19 =	vld.idx.msk [tilespmem:v57+s15+$0x0], $0xffff;
	v18 =	vmul.f32 v56, v55;
	v3 =	vadd.f32 v62, v3  }
0x26b: {  	v21 =	vor.u32 $0x3D, v2;
	v20 =	vld.idx.msk [tilespmem:v57+s16+$0x0], $0xffff  }
0x26c: {  	v23 =	vld.idx.msk [tilespmem:v61+s15+$0x0], $0xffff;
	v22 =	vmul.f32 v60, v59;
	v3 =	vadd.f32 v18, v3  }
0x26d: {  	v25 =	vor.u32 $0x3E, v2;
	v24 =	vld.idx.msk [tilespmem:v61+s16+$0x0], $0xffff  }
0x26e: {  	v27 =	vld.idx.msk [tilespmem:v17+s15+$0x0], $0xffff;
	v26 =	vmul.f32 v16, v63;
	v3 =	vadd.f32 v22, v3  }
0x26f: {  	v2 =	vor.u32 $0x3F, v2;
	v28 =	vld.idx.msk [tilespmem:v17+s16+$0x0], $0xffff  }
0x270: {  	v29 =	vmul.f32 v20, v19;
	v31 =	vld.idx.msk [tilespmem:v21+s16+$0x0], $0xffff;
	v3 =	vadd.f32 v26, v3  }
0x271: {  	v30 =	vld.idx.msk [tilespmem:v21+s15+$0x0], $0xffff  }
0x272: {  	v33 =	vld.idx.msk [tilespmem:v25+s15+$0x0], $0xffff;
	v32 =	vmul.f32 v24, v23;
	v3 =	vadd.f32 v29, v3  }
0x273: {  	v34 =	vld.idx.msk [tilespmem:v25+s16+$0x0], $0xffff  }
0x274: {  	v36 =	vld.idx.msk [tilespmem:v2+s15+$0x0], $0xffff;
	v35 =	vmul.f32 v28, v27;
	v3 =	vadd.f32 v32, v3  }
0x275: {  	v2 =	vld.idx.msk [tilespmem:v2+s16+$0x0], $0xffff  }
0x276: {  	v37 =	vmul.f32 v31, v30;
	v3 =	vadd.f32 v35, v3;
	_ =	sdelay $0x1  }
0x277: {  	v38 =	vmul.f32 v34, v33;
	v3 =	vadd.f32 v37, v3  }
0x278: {  	v39 =	vld [tilespmem:s25+$0x10430]  }
0x279: {  	v2 =	vmul.f32 v2, v36;
	v3 =	vadd.f32 v38, v3  }
0x27a: {  	v40 =	vld [tilespmem:s25+$0x10630]  }
0x27b: {  	v2 =	vadd.f32 v2, v3  }
0x27c: {  	s28 =	sor.u32 $0x40, s26  }
0x27d: {  	v3 =	vmov s28;
	v2 =	vadd.f32 v2, v39  }
0x27e: {  	v3 =	vshll.u32 v3, $0x7  }
0x27f: {  	v4 =	vadd.f32 v2, v40;
	v2 =	vor.u32 v0, v3;
	_ =	sdelay $0x1  }
0x280: {  	v41 =	vor.u32 $0x1, v2;
	v3 =	vadd.f32 v4, v1;
	_ =	sdelay $0x1  }
0x281: {  	[tilespmem:s25+$0x108B0] =	vst v3;
	v3 =	vor.u32 $0x2, v2  }
0x282: {  	v42 =	vld.idx.msk [tilespmem:v2+s15+$0x0], $0xffff  }
0x283: {  	v44 =	vor.u32 $0x3, v2;
	v43 =	vld.idx.msk [tilespmem:v2+s16+$0x0], $0xffff  }
0x284: {  	v45 =	vld.idx.msk [tilespmem:v41+s15+$0x0], $0xffff  }
0x285: {  	v46 =	vor.u32 $0x4, v2;
	v4 =	vld.idx.msk [tilespmem:v41+s16+$0x0], $0xffff  }
0x286: {  	v47 =	vld.idx.msk [tilespmem:v3+s15+$0x0], $0xffff  }
0x287: {  	v48 =	vor.u32 $0x5, v2;
	v3 =	vld.idx.msk [tilespmem:v3+s16+$0x0], $0xffff  }
0x288: {  	v49 =	vld.idx.msk [tilespmem:v44+s15+$0x0], $0xffff;
	v5 =	vmul.f32 v43, v42  }
0x289: {  	v50 =	vor.u32 $0x6, v2;
	v7 =	vld.idx.msk [tilespmem:v44+s16+$0x0], $0xffff  }
0x28a: {  	v51 =	vld.idx.msk [tilespmem:v46+s15+$0x0], $0xffff;
	v4 =	vmul.f32 v4, v45;
	v5 =	vadd.f32 $0.0e+00, v5  }
0x28b: {  	v52 =	vor.u32 $0x7, v2;
	v9 =	vld.idx.msk [tilespmem:v46+s16+$0x0], $0xffff  }
0x28c: {  	v53 =	vld.idx.msk [tilespmem:v48+s15+$0x0], $0xffff;
	v4 =	vadd.f32 v4, v5;
	v3 =	vmul.f32 v3, v47  }
0x28d: {  	v55 =	vor.u32 $0x8, v2;
	v54 =	vld.idx.msk [tilespmem:v48+s16+$0x0], $0xffff  }
0x28e: {  	v57 =	vld.idx.msk [tilespmem:v50+s15+$0x0], $0xffff;
	v56 =	vmul.f32 v7, v49;
	v3 =	vadd.f32 v3, v4  }
0x28f: {  	v59 =	vor.u32 $0x9, v2;
	v58 =	vld.idx.msk [tilespmem:v50+s16+$0x0], $0xffff  }
0x290: {  	v61 =	vld.idx.msk [tilespmem:v52+s15+$0x0], $0xffff;
	v60 =	vmul.f32 v9, v51;
	v3 =	vadd.f32 v56, v3  }
0x291: {  	v63 =	vor.u32 $0xA, v2;
	v62 =	vld.idx.msk [tilespmem:v52+s16+$0x0], $0xffff  }
0x292: {  	v17 =	vld.idx.msk [tilespmem:v55+s15+$0x0], $0xffff;
	v16 =	vmul.f32 v54, v53;
	v3 =	vadd.f32 v60, v3  }
0x293: {  	v19 =	vor.u32 $0xB, v2;
	v18 =	vld.idx.msk [tilespmem:v55+s16+$0x0], $0xffff  }
0x294: {  	v21 =	vld.idx.msk [tilespmem:v59+s15+$0x0], $0xffff;
	v20 =	vmul.f32 v58, v57;
	v3 =	vadd.f32 v16, v3  }
0x295: {  	v23 =	vor.u32 $0xC, v2;
	v22 =	vld.idx.msk [tilespmem:v59+s16+$0x0], $0xffff  }
0x296: {  	v25 =	vld.idx.msk [tilespmem:v63+s15+$0x0], $0xffff;
	v24 =	vmul.f32 v62, v61;
	v3 =	vadd.f32 v20, v3  }
0x297: {  	v27 =	vor.u32 $0xD, v2;
	v26 =	vld.idx.msk [tilespmem:v63+s16+$0x0], $0xffff  }
0x298: {  	v29 =	vld.idx.msk [tilespmem:v19+s15+$0x0], $0xffff;
	v28 =	vmul.f32 v18, v17;
	v3 =	vadd.f32 v24, v3  }
0x299: {  	v31 =	vor.u32 $0xE, v2;
	v30 =	vld.idx.msk [tilespmem:v19+s16+$0x0], $0xffff  }
0x29a: {  	v33 =	vld.idx.msk [tilespmem:v23+s15+$0x0], $0xffff;
	v32 =	vmul.f32 v22, v21;
	v3 =	vadd.f32 v28, v3  }
0x29b: {  	v35 =	vor.u32 $0xF, v2;
	v34 =	vld.idx.msk [tilespmem:v23+s16+$0x0], $0xffff  }
0x29c: {  	v37 =	vld.idx.msk [tilespmem:v27+s15+$0x0], $0xffff;
	v36 =	vmul.f32 v26, v25;
	v3 =	vadd.f32 v32, v3  }
0x29d: {  	v39 =	vor.u32 $0x10, v2;
	v38 =	vld.idx.msk [tilespmem:v27+s16+$0x0], $0xffff  }
0x29e: {  	v41 =	vld.idx.msk [tilespmem:v31+s15+$0x0], $0xffff;
	v40 =	vmul.f32 v30, v29;
	v3 =	vadd.f32 v36, v3  }
0x29f: {  	v42 =	vld.idx.msk [tilespmem:v31+s16+$0x0], $0xffff;
	v43 =	vor.u32 $0x11, v2  }
0x2a0: {  	v46 =	vld.idx.msk [tilespmem:v35+s16+$0x0], $0xffff;
	v44 =	vmul.f32 v34, v33;
	v3 =	vadd.f32 v40, v3  }
0x2a1: {  	v45 =	vld.idx.msk [tilespmem:v35+s15+$0x0], $0xffff;
	v47 =	vor.u32 $0x12, v2  }
0x2a2: {  	v50 =	vld.idx.msk [tilespmem:v39+s16+$0x0], $0xffff;
	v48 =	vmul.f32 v38, v37;
	v3 =	vadd.f32 v44, v3  }
0x2a3: {  	v49 =	vld.idx.msk [tilespmem:v39+s15+$0x0], $0xffff;
	v51 =	vor.u32 $0x13, v2  }
0x2a4: {  	v52 =	vmul.f32 v42, v41;
	v53 =	vld.idx.msk [tilespmem:v43+s15+$0x0], $0xffff;
	v3 =	vadd.f32 v48, v3  }
0x2a5: {  	v55 =	vor.u32 $0x14, v2;
	v54 =	vld.idx.msk [tilespmem:v43+s16+$0x0], $0xffff  }
0x2a6: {  	v56 =	vmul.f32 v46, v45;
	v57 =	vld.idx.msk [tilespmem:v47+s15+$0x0], $0xffff;
	v3 =	vadd.f32 v52, v3  }
0x2a7: {  	v59 =	vor.u32 $0x15, v2;
	v58 =	vld.idx.msk [tilespmem:v47+s16+$0x0], $0xffff  }
0x2a8: {  	v61 =	vld.idx.msk [tilespmem:v51+s15+$0x0], $0xffff;
	v60 =	vmul.f32 v50, v49;
	v3 =	vadd.f32 v56, v3  }
0x2a9: {  	v63 =	vor.u32 $0x16, v2;
	v62 =	vld.idx.msk [tilespmem:v51+s16+$0x0], $0xffff  }
0x2aa: {  	v17 =	vld.idx.msk [tilespmem:v55+s15+$0x0], $0xffff;
	v16 =	vmul.f32 v54, v53;
	v3 =	vadd.f32 v60, v3  }
0x2ab: {  	v19 =	vor.u32 $0x17, v2;
	v18 =	vld.idx.msk [tilespmem:v55+s16+$0x0], $0xffff  }
0x2ac: {  	v21 =	vld.idx.msk [tilespmem:v59+s15+$0x0], $0xffff;
	v20 =	vmul.f32 v58, v57;
	v3 =	vadd.f32 v16, v3  }
0x2ad: {  	v23 =	vor.u32 $0x18, v2;
	v22 =	vld.idx.msk [tilespmem:v59+s16+$0x0], $0xffff  }
0x2ae: {  	v25 =	vld.idx.msk [tilespmem:v63+s15+$0x0], $0xffff;
	v24 =	vmul.f32 v62, v61;
	v3 =	vadd.f32 v20, v3  }
0x2af: {  	v27 =	vor.u32 $0x19, v2;
	v26 =	vld.idx.msk [tilespmem:v63+s16+$0x0], $0xffff  }
0x2b0: {  	v29 =	vld.idx.msk [tilespmem:v19+s15+$0x0], $0xffff;
	v28 =	vmul.f32 v18, v17;
	v3 =	vadd.f32 v24, v3  }
0x2b1: {  	v31 =	vor.u32 $0x1A, v2;
	v30 =	vld.idx.msk [tilespmem:v19+s16+$0x0], $0xffff  }
0x2b2: {  	v33 =	vld.idx.msk [tilespmem:v23+s15+$0x0], $0xffff;
	v32 =	vmul.f32 v22, v21;
	v3 =	vadd.f32 v28, v3  }
0x2b3: {  	v34 =	vld.idx.msk [tilespmem:v23+s16+$0x0], $0xffff;
	v35 =	vor.u32 $0x1B, v2  }
0x2b4: {  	v37 =	vld.idx.msk [tilespmem:v27+s15+$0x0], $0xffff;
	v36 =	vmul.f32 v26, v25;
	v3 =	vadd.f32 v32, v3  }
0x2b5: {  	v39 =	vor.u32 $0x1C, v2;
	v38 =	vld.idx.msk [tilespmem:v27+s16+$0x0], $0xffff  }
0x2b6: {  	v41 =	vld.idx.msk [tilespmem:v31+s15+$0x0], $0xffff;
	v40 =	vmul.f32 v30, v29;
	v3 =	vadd.f32 v36, v3  }
0x2b7: {  	v42 =	vld.idx.msk [tilespmem:v31+s16+$0x0], $0xffff;
	v43 =	vor.u32 $0x1D, v2  }
0x2b8: {  	v45 =	vld.idx.msk [tilespmem:v35+s15+$0x0], $0xffff;
	v44 =	vmul.f32 v34, v33;
	v3 =	vadd.f32 v40, v3  }
0x2b9: {  	v46 =	vld.idx.msk [tilespmem:v35+s16+$0x0], $0xffff;
	v47 =	vor.u32 $0x1E, v2  }
0x2ba: {  	v49 =	vld.idx.msk [tilespmem:v39+s15+$0x0], $0xffff;
	v48 =	vmul.f32 v38, v37;
	v3 =	vadd.f32 v44, v3  }
0x2bb: {  	v51 =	vor.u32 $0x1F, v2;
	v50 =	vld.idx.msk [tilespmem:v39+s16+$0x0], $0xffff  }
0x2bc: {  	v53 =	vld.idx.msk [tilespmem:v43+s15+$0x0], $0xffff;
	v52 =	vmul.f32 v42, v41;
	v3 =	vadd.f32 v48, v3  }
0x2bd: {  	v55 =	vor.u32 $0x20, v2;
	v54 =	vld.idx.msk [tilespmem:v43+s16+$0x0], $0xffff  }
0x2be: {  	v57 =	vld.idx.msk [tilespmem:v47+s15+$0x0], $0xffff;
	v56 =	vmul.f32 v46, v45;
	v3 =	vadd.f32 v52, v3  }
0x2bf: {  	v59 =	vor.u32 $0x21, v2;
	v58 =	vld.idx.msk [tilespmem:v47+s16+$0x0], $0xffff  }
0x2c0: {  	v61 =	vld.idx.msk [tilespmem:v51+s15+$0x0], $0xffff;
	v60 =	vmul.f32 v50, v49;
	v3 =	vadd.f32 v56, v3  }
0x2c1: {  	v63 =	vor.u32 $0x22, v2;
	v62 =	vld.idx.msk [tilespmem:v51+s16+$0x0], $0xffff  }
0x2c2: {  	v17 =	vld.idx.msk [tilespmem:v55+s15+$0x0], $0xffff;
	v16 =	vmul.f32 v54, v53;
	v3 =	vadd.f32 v60, v3  }
0x2c3: {  	v19 =	vor.u32 $0x23, v2;
	v18 =	vld.idx.msk [tilespmem:v55+s16+$0x0], $0xffff  }
0x2c4: {  	v21 =	vld.idx.msk [tilespmem:v59+s15+$0x0], $0xffff;
	v20 =	vmul.f32 v58, v57;
	v3 =	vadd.f32 v16, v3  }
0x2c5: {  	v23 =	vor.u32 $0x24, v2;
	v22 =	vld.idx.msk [tilespmem:v59+s16+$0x0], $0xffff  }
0x2c6: {  	v25 =	vld.idx.msk [tilespmem:v63+s15+$0x0], $0xffff;
	v24 =	vmul.f32 v62, v61;
	v3 =	vadd.f32 v20, v3  }
0x2c7: {  	v27 =	vor.u32 $0x25, v2;
	v26 =	vld.idx.msk [tilespmem:v63+s16+$0x0], $0xffff  }
0x2c8: {  	v29 =	vld.idx.msk [tilespmem:v19+s15+$0x0], $0xffff;
	v28 =	vmul.f32 v18, v17;
	v3 =	vadd.f32 v24, v3  }
0x2c9: {  	v31 =	vor.u32 $0x26, v2;
	v30 =	vld.idx.msk [tilespmem:v19+s16+$0x0], $0xffff  }
0x2ca: {  	v33 =	vld.idx.msk [tilespmem:v23+s15+$0x0], $0xffff;
	v32 =	vmul.f32 v22, v21;
	v3 =	vadd.f32 v28, v3  }
0x2cb: {  	v35 =	vor.u32 $0x27, v2;
	v34 =	vld.idx.msk [tilespmem:v23+s16+$0x0], $0xffff  }
0x2cc: {  	v37 =	vld.idx.msk [tilespmem:v27+s15+$0x0], $0xffff;
	v36 =	vmul.f32 v26, v25;
	v3 =	vadd.f32 v32, v3  }
0x2cd: {  	v39 =	vor.u32 $0x28, v2;
	v38 =	vld.idx.msk [tilespmem:v27+s16+$0x0], $0xffff  }
0x2ce: {  	v41 =	vld.idx.msk [tilespmem:v31+s15+$0x0], $0xffff;
	v40 =	vmul.f32 v30, v29;
	v3 =	vadd.f32 v36, v3  }
0x2cf: {  	v43 =	vor.u32 $0x29, v2;
	v42 =	vld.idx.msk [tilespmem:v31+s16+$0x0], $0xffff  }
0x2d0: {  	v45 =	vld.idx.msk [tilespmem:v35+s15+$0x0], $0xffff;
	v44 =	vmul.f32 v34, v33;
	v3 =	vadd.f32 v40, v3  }
0x2d1: {  	v47 =	vor.u32 $0x2A, v2;
	v46 =	vld.idx.msk [tilespmem:v35+s16+$0x0], $0xffff  }
0x2d2: {  	v49 =	vld.idx.msk [tilespmem:v39+s15+$0x0], $0xffff;
	v48 =	vmul.f32 v38, v37;
	v3 =	vadd.f32 v44, v3  }
0x2d3: {  	v51 =	vor.u32 $0x2B, v2;
	v50 =	vld.idx.msk [tilespmem:v39+s16+$0x0], $0xffff  }
0x2d4: {  	v53 =	vld.idx.msk [tilespmem:v43+s15+$0x0], $0xffff;
	v52 =	vmul.f32 v42, v41;
	v3 =	vadd.f32 v48, v3  }
0x2d5: {  	v55 =	vor.u32 $0x2C, v2;
	v54 =	vld.idx.msk [tilespmem:v43+s16+$0x0], $0xffff  }
0x2d6: {  	v57 =	vld.idx.msk [tilespmem:v47+s15+$0x0], $0xffff;
	v56 =	vmul.f32 v46, v45;
	v3 =	vadd.f32 v52, v3  }
0x2d7: {  	v59 =	vor.u32 $0x2D, v2;
	v58 =	vld.idx.msk [tilespmem:v47+s16+$0x0], $0xffff  }
0x2d8: {  	v61 =	vld.idx.msk [tilespmem:v51+s15+$0x0], $0xffff;
	v60 =	vmul.f32 v50, v49;
	v3 =	vadd.f32 v56, v3  }
0x2d9: {  	v63 =	vor.u32 $0x2E, v2;
	v62 =	vld.idx.msk [tilespmem:v51+s16+$0x0], $0xffff  }
0x2da: {  	v17 =	vld.idx.msk [tilespmem:v55+s15+$0x0], $0xffff;
	v16 =	vmul.f32 v54, v53;
	v3 =	vadd.f32 v60, v3  }
0x2db: {  	v19 =	vor.u32 $0x2F, v2;
	v18 =	vld.idx.msk [tilespmem:v55+s16+$0x0], $0xffff  }
0x2dc: {  	v21 =	vld.idx.msk [tilespmem:v59+s15+$0x0], $0xffff;
	v20 =	vmul.f32 v58, v57;
	v3 =	vadd.f32 v16, v3  }
0x2dd: {  	v23 =	vor.u32 $0x30, v2;
	v22 =	vld.idx.msk [tilespmem:v59+s16+$0x0], $0xffff  }
0x2de: {  	v25 =	vld.idx.msk [tilespmem:v63+s15+$0x0], $0xffff;
	v24 =	vmul.f32 v62, v61;
	v3 =	vadd.f32 v20, v3  }
0x2df: {  	v27 =	vor.u32 $0x31, v2;
	v26 =	vld.idx.msk [tilespmem:v63+s16+$0x0], $0xffff  }
0x2e0: {  	v29 =	vld.idx.msk [tilespmem:v19+s15+$0x0], $0xffff;
	v28 =	vmul.f32 v18, v17;
	v3 =	vadd.f32 v24, v3  }
0x2e1: {  	v31 =	vor.u32 $0x32, v2;
	v30 =	vld.idx.msk [tilespmem:v19+s16+$0x0], $0xffff  }
0x2e2: {  	v33 =	vld.idx.msk [tilespmem:v23+s15+$0x0], $0xffff;
	v32 =	vmul.f32 v22, v21;
	v3 =	vadd.f32 v28, v3  }
0x2e3: {  	v35 =	vor.u32 $0x33, v2;
	v34 =	vld.idx.msk [tilespmem:v23+s16+$0x0], $0xffff  }
0x2e4: {  	v37 =	vld.idx.msk [tilespmem:v27+s15+$0x0], $0xffff;
	v36 =	vmul.f32 v26, v25;
	v3 =	vadd.f32 v32, v3  }
0x2e5: {  	v39 =	vor.u32 $0x34, v2;
	v38 =	vld.idx.msk [tilespmem:v27+s16+$0x0], $0xffff  }
0x2e6: {  	v41 =	vld.idx.msk [tilespmem:v31+s15+$0x0], $0xffff;
	v40 =	vmul.f32 v30, v29;
	v3 =	vadd.f32 v36, v3  }
0x2e7: {  	v43 =	vor.u32 $0x35, v2;
	v42 =	vld.idx.msk [tilespmem:v31+s16+$0x0], $0xffff  }
0x2e8: {  	v45 =	vld.idx.msk [tilespmem:v35+s15+$0x0], $0xffff;
	v44 =	vmul.f32 v34, v33;
	v3 =	vadd.f32 v40, v3  }
0x2e9: {  	v47 =	vor.u32 $0x36, v2;
	v46 =	vld.idx.msk [tilespmem:v35+s16+$0x0], $0xffff  }
0x2ea: {  	v49 =	vld.idx.msk [tilespmem:v39+s15+$0x0], $0xffff;
	v48 =	vmul.f32 v38, v37;
	v3 =	vadd.f32 v44, v3  }
0x2eb: {  	v51 =	vor.u32 $0x37, v2;
	v50 =	vld.idx.msk [tilespmem:v39+s16+$0x0], $0xffff  }
0x2ec: {  	v53 =	vld.idx.msk [tilespmem:v43+s15+$0x0], $0xffff;
	v52 =	vmul.f32 v42, v41;
	v3 =	vadd.f32 v48, v3  }
0x2ed: {  	v55 =	vor.u32 $0x38, v2;
	v54 =	vld.idx.msk [tilespmem:v43+s16+$0x0], $0xffff  }
0x2ee: {  	v57 =	vld.idx.msk [tilespmem:v47+s15+$0x0], $0xffff;
	v56 =	vmul.f32 v46, v45;
	v3 =	vadd.f32 v52, v3  }
0x2ef: {  	v59 =	vor.u32 $0x39, v2;
	v58 =	vld.idx.msk [tilespmem:v47+s16+$0x0], $0xffff  }
0x2f0: {  	v61 =	vld.idx.msk [tilespmem:v51+s15+$0x0], $0xffff;
	v60 =	vmul.f32 v50, v49;
	v3 =	vadd.f32 v56, v3  }
0x2f1: {  	v63 =	vor.u32 $0x3A, v2;
	v62 =	vld.idx.msk [tilespmem:v51+s16+$0x0], $0xffff  }
0x2f2: {  	v17 =	vld.idx.msk [tilespmem:v55+s15+$0x0], $0xffff;
	v16 =	vmul.f32 v54, v53;
	v3 =	vadd.f32 v60, v3  }
0x2f3: {  	v19 =	vor.u32 $0x3B, v2;
	v18 =	vld.idx.msk [tilespmem:v55+s16+$0x0], $0xffff  }
0x2f4: {  	v21 =	vld.idx.msk [tilespmem:v59+s15+$0x0], $0xffff;
	v20 =	vmul.f32 v58, v57;
	v3 =	vadd.f32 v16, v3  }
0x2f5: {  	v23 =	vor.u32 $0x3C, v2;
	v22 =	vld.idx.msk [tilespmem:v59+s16+$0x0], $0xffff  }
0x2f6: {  	v25 =	vld.idx.msk [tilespmem:v63+s15+$0x0], $0xffff;
	v24 =	vmul.f32 v62, v61;
	v3 =	vadd.f32 v20, v3  }
0x2f7: {  	v27 =	vor.u32 $0x3D, v2;
	v26 =	vld.idx.msk [tilespmem:v63+s16+$0x0], $0xffff  }
0x2f8: {  	v29 =	vld.idx.msk [tilespmem:v19+s15+$0x0], $0xffff;
	v28 =	vmul.f32 v18, v17;
	v3 =	vadd.f32 v24, v3  }
0x2f9: {  	v31 =	vor.u32 $0x3E, v2;
	v30 =	vld.idx.msk [tilespmem:v19+s16+$0x0], $0xffff  }
0x2fa: {  	v33 =	vld.idx.msk [tilespmem:v23+s15+$0x0], $0xffff;
	v32 =	vmul.f32 v22, v21;
	v3 =	vadd.f32 v28, v3  }
0x2fb: {  	v2 =	vor.u32 $0x3F, v2;
	v34 =	vld.idx.msk [tilespmem:v23+s16+$0x0], $0xffff  }
0x2fc: {  	v35 =	vmul.f32 v26, v25;
	v37 =	vld.idx.msk [tilespmem:v27+s16+$0x0], $0xffff;
	v3 =	vadd.f32 v32, v3  }
0x2fd: {  	v36 =	vld.idx.msk [tilespmem:v27+s15+$0x0], $0xffff  }
0x2fe: {  	v39 =	vld.idx.msk [tilespmem:v31+s15+$0x0], $0xffff;
	v38 =	vmul.f32 v30, v29;
	v3 =	vadd.f32 v35, v3  }
0x2ff: {  	v40 =	vld.idx.msk [tilespmem:v31+s16+$0x0], $0xffff  }
0x300: {  	v42 =	vld.idx.msk [tilespmem:v2+s15+$0x0], $0xffff;
	v41 =	vmul.f32 v34, v33;
	v3 =	vadd.f32 v38, v3  }
0x301: {  	v2 =	vld.idx.msk [tilespmem:v2+s16+$0x0], $0xffff  }
0x302: {  	v43 =	vmul.f32 v37, v36;
	v3 =	vadd.f32 v41, v3;
	_ =	sdelay $0x1  }
0x303: {  	v44 =	vmul.f32 v40, v39;
	v3 =	vadd.f32 v43, v3  }
0x304: {  	v45 =	vld [tilespmem:s25+$0x10440]  }
0x305: {  	v2 =	vmul.f32 v2, v42;
	v3 =	vadd.f32 v44, v3  }
0x306: {  	v46 =	vld [tilespmem:s25+$0x10640]  }
0x307: {  	v2 =	vadd.f32 v2, v3  }
0x308: {  	s28 =	sor.u32 $0x50, s26  }
0x309: {  	v3 =	vmov s28;
	v2 =	vadd.f32 v2, v45  }
0x30a: {  	v3 =	vshll.u32 v3, $0x7  }
0x30b: {  	v4 =	vadd.f32 v2, v46;
	v2 =	vor.u32 v0, v3;
	_ =	sdelay $0x1  }
0x30c: {  	v47 =	vor.u32 $0x1, v2;
	v3 =	vadd.f32 v4, v1;
	_ =	sdelay $0x1  }
0x30d: {  	[tilespmem:s25+$0x108C0] =	vst v3;
	v3 =	vor.u32 $0x2, v2  }
0x30e: {  	v48 =	vld.idx.msk [tilespmem:v2+s15+$0x0], $0xffff  }
0x30f: {  	v50 =	vor.u32 $0x3, v2;
	v49 =	vld.idx.msk [tilespmem:v2+s16+$0x0], $0xffff  }
0x310: {  	v51 =	vld.idx.msk [tilespmem:v47+s15+$0x0], $0xffff  }
0x311: {  	v52 =	vor.u32 $0x4, v2;
	v4 =	vld.idx.msk [tilespmem:v47+s16+$0x0], $0xffff  }
0x312: {  	v53 =	vld.idx.msk [tilespmem:v3+s15+$0x0], $0xffff  }
0x313: {  	v54 =	vor.u32 $0x5, v2;
	v3 =	vld.idx.msk [tilespmem:v3+s16+$0x0], $0xffff  }
0x314: {  	v55 =	vld.idx.msk [tilespmem:v50+s15+$0x0], $0xffff;
	v5 =	vmul.f32 v49, v48  }
0x315: {  	v56 =	vor.u32 $0x6, v2;
	v7 =	vld.idx.msk [tilespmem:v50+s16+$0x0], $0xffff  }
0x316: {  	v57 =	vld.idx.msk [tilespmem:v52+s15+$0x0], $0xffff;
	v4 =	vmul.f32 v4, v51;
	v5 =	vadd.f32 $0.0e+00, v5  }
0x317: {  	v58 =	vor.u32 $0x7, v2;
	v9 =	vld.idx.msk [tilespmem:v52+s16+$0x0], $0xffff  }
0x318: {  	v59 =	vld.idx.msk [tilespmem:v54+s15+$0x0], $0xffff;
	v4 =	vadd.f32 v4, v5;
	v3 =	vmul.f32 v3, v53  }
0x319: {  	v61 =	vor.u32 $0x8, v2;
	v60 =	vld.idx.msk [tilespmem:v54+s16+$0x0], $0xffff  }
0x31a: {  	v63 =	vld.idx.msk [tilespmem:v56+s15+$0x0], $0xffff;
	v62 =	vmul.f32 v7, v55;
	v3 =	vadd.f32 v3, v4  }
0x31b: {  	v17 =	vor.u32 $0x9, v2;
	v16 =	vld.idx.msk [tilespmem:v56+s16+$0x0], $0xffff  }
0x31c: {  	v19 =	vld.idx.msk [tilespmem:v58+s15+$0x0], $0xffff;
	v18 =	vmul.f32 v9, v57;
	v3 =	vadd.f32 v62, v3  }
0x31d: {  	v21 =	vor.u32 $0xA, v2;
	v20 =	vld.idx.msk [tilespmem:v58+s16+$0x0], $0xffff  }
0x31e: {  	v23 =	vld.idx.msk [tilespmem:v61+s15+$0x0], $0xffff;
	v22 =	vmul.f32 v60, v59;
	v3 =	vadd.f32 v18, v3  }
0x31f: {  	v25 =	vor.u32 $0xB, v2;
	v24 =	vld.idx.msk [tilespmem:v61+s16+$0x0], $0xffff  }
0x320: {  	v27 =	vld.idx.msk [tilespmem:v17+s15+$0x0], $0xffff;
	v26 =	vmul.f32 v16, v63;
	v3 =	vadd.f32 v22, v3  }
0x321: {  	v29 =	vor.u32 $0xC, v2;
	v28 =	vld.idx.msk [tilespmem:v17+s16+$0x0], $0xffff  }
0x322: {  	v31 =	vld.idx.msk [tilespmem:v21+s15+$0x0], $0xffff;
	v30 =	vmul.f32 v20, v19;
	v3 =	vadd.f32 v26, v3  }
0x323: {  	v33 =	vor.u32 $0xD, v2;
	v32 =	vld.idx.msk [tilespmem:v21+s16+$0x0], $0xffff  }
0x324: {  	v35 =	vld.idx.msk [tilespmem:v25+s15+$0x0], $0xffff;
	v34 =	vmul.f32 v24, v23;
	v3 =	vadd.f32 v30, v3  }
0x325: {  	v37 =	vor.u32 $0xE, v2;
	v36 =	vld.idx.msk [tilespmem:v25+s16+$0x0], $0xffff  }
0x326: {  	v39 =	vld.idx.msk [tilespmem:v29+s15+$0x0], $0xffff;
	v38 =	vmul.f32 v28, v27;
	v3 =	vadd.f32 v34, v3  }
0x327: {  	v41 =	vor.u32 $0xF, v2;
	v40 =	vld.idx.msk [tilespmem:v29+s16+$0x0], $0xffff  }
0x328: {  	v43 =	vld.idx.msk [tilespmem:v33+s15+$0x0], $0xffff;
	v42 =	vmul.f32 v32, v31;
	v3 =	vadd.f32 v38, v3  }
0x329: {  	v45 =	vor.u32 $0x10, v2;
	v44 =	vld.idx.msk [tilespmem:v33+s16+$0x0], $0xffff  }
0x32a: {  	v47 =	vld.idx.msk [tilespmem:v37+s15+$0x0], $0xffff;
	v46 =	vmul.f32 v36, v35;
	v3 =	vadd.f32 v42, v3  }
0x32b: {  	v48 =	vld.idx.msk [tilespmem:v37+s16+$0x0], $0xffff;
	v49 =	vor.u32 $0x11, v2  }
0x32c: {  	v52 =	vld.idx.msk [tilespmem:v41+s16+$0x0], $0xffff;
	v50 =	vmul.f32 v40, v39;
	v3 =	vadd.f32 v46, v3  }
0x32d: {  	v51 =	vld.idx.msk [tilespmem:v41+s15+$0x0], $0xffff;
	v53 =	vor.u32 $0x12, v2  }
0x32e: {  	v56 =	vld.idx.msk [tilespmem:v45+s16+$0x0], $0xffff;
	v54 =	vmul.f32 v44, v43;
	v3 =	vadd.f32 v50, v3  }
0x32f: {  	v55 =	vld.idx.msk [tilespmem:v45+s15+$0x0], $0xffff;
	v57 =	vor.u32 $0x13, v2  }
0x330: {  	v58 =	vmul.f32 v48, v47;
	v59 =	vld.idx.msk [tilespmem:v49+s15+$0x0], $0xffff;
	v3 =	vadd.f32 v54, v3  }
0x331: {  	v61 =	vor.u32 $0x14, v2;
	v60 =	vld.idx.msk [tilespmem:v49+s16+$0x0], $0xffff  }
0x332: {  	v62 =	vmul.f32 v52, v51;
	v63 =	vld.idx.msk [tilespmem:v53+s15+$0x0], $0xffff;
	v3 =	vadd.f32 v58, v3  }
0x333: {  	v17 =	vor.u32 $0x15, v2;
	v16 =	vld.idx.msk [tilespmem:v53+s16+$0x0], $0xffff  }
0x334: {  	v19 =	vld.idx.msk [tilespmem:v57+s15+$0x0], $0xffff;
	v18 =	vmul.f32 v56, v55;
	v3 =	vadd.f32 v62, v3  }
0x335: {  	v21 =	vor.u32 $0x16, v2;
	v20 =	vld.idx.msk [tilespmem:v57+s16+$0x0], $0xffff  }
0x336: {  	v23 =	vld.idx.msk [tilespmem:v61+s15+$0x0], $0xffff;
	v22 =	vmul.f32 v60, v59;
	v3 =	vadd.f32 v18, v3  }
0x337: {  	v25 =	vor.u32 $0x17, v2;
	v24 =	vld.idx.msk [tilespmem:v61+s16+$0x0], $0xffff  }
0x338: {  	v27 =	vld.idx.msk [tilespmem:v17+s15+$0x0], $0xffff;
	v26 =	vmul.f32 v16, v63;
	v3 =	vadd.f32 v22, v3  }
0x339: {  	v29 =	vor.u32 $0x18, v2;
	v28 =	vld.idx.msk [tilespmem:v17+s16+$0x0], $0xffff  }
0x33a: {  	v31 =	vld.idx.msk [tilespmem:v21+s15+$0x0], $0xffff;
	v30 =	vmul.f32 v20, v19;
	v3 =	vadd.f32 v26, v3  }
0x33b: {  	v33 =	vor.u32 $0x19, v2;
	v32 =	vld.idx.msk [tilespmem:v21+s16+$0x0], $0xffff  }
0x33c: {  	v35 =	vld.idx.msk [tilespmem:v25+s15+$0x0], $0xffff;
	v34 =	vmul.f32 v24, v23;
	v3 =	vadd.f32 v30, v3  }
0x33d: {  	v37 =	vor.u32 $0x1A, v2;
	v36 =	vld.idx.msk [tilespmem:v25+s16+$0x0], $0xffff  }
0x33e: {  	v39 =	vld.idx.msk [tilespmem:v29+s15+$0x0], $0xffff;
	v38 =	vmul.f32 v28, v27;
	v3 =	vadd.f32 v34, v3  }
0x33f: {  	v40 =	vld.idx.msk [tilespmem:v29+s16+$0x0], $0xffff;
	v41 =	vor.u32 $0x1B, v2  }
0x340: {  	v43 =	vld.idx.msk [tilespmem:v33+s15+$0x0], $0xffff;
	v42 =	vmul.f32 v32, v31;
	v3 =	vadd.f32 v38, v3  }
0x341: {  	v44 =	vld.idx.msk [tilespmem:v33+s16+$0x0], $0xffff;
	v45 =	vor.u32 $0x1C, v2  }
0x342: {  	v47 =	vld.idx.msk [tilespmem:v37+s15+$0x0], $0xffff;
	v46 =	vmul.f32 v36, v35;
	v3 =	vadd.f32 v42, v3  }
0x343: {  	v48 =	vld.idx.msk [tilespmem:v37+s16+$0x0], $0xffff;
	v49 =	vor.u32 $0x1D, v2  }
0x344: {  	v51 =	vld.idx.msk [tilespmem:v41+s15+$0x0], $0xffff;
	v50 =	vmul.f32 v40, v39;
	v3 =	vadd.f32 v46, v3  }
0x345: {  	v52 =	vld.idx.msk [tilespmem:v41+s16+$0x0], $0xffff;
	v53 =	vor.u32 $0x1E, v2  }
0x346: {  	v55 =	vld.idx.msk [tilespmem:v45+s15+$0x0], $0xffff;
	v54 =	vmul.f32 v44, v43;
	v3 =	vadd.f32 v50, v3  }
0x347: {  	v57 =	vor.u32 $0x1F, v2;
	v56 =	vld.idx.msk [tilespmem:v45+s16+$0x0], $0xffff  }
0x348: {  	v59 =	vld.idx.msk [tilespmem:v49+s15+$0x0], $0xffff;
	v58 =	vmul.f32 v48, v47;
	v3 =	vadd.f32 v54, v3  }
0x349: {  	v61 =	vor.u32 $0x20, v2;
	v60 =	vld.idx.msk [tilespmem:v49+s16+$0x0], $0xffff  }
0x34a: {  	v63 =	vld.idx.msk [tilespmem:v53+s15+$0x0], $0xffff;
	v62 =	vmul.f32 v52, v51;
	v3 =	vadd.f32 v58, v3  }
0x34b: {  	v17 =	vor.u32 $0x21, v2;
	v16 =	vld.idx.msk [tilespmem:v53+s16+$0x0], $0xffff  }
0x34c: {  	v19 =	vld.idx.msk [tilespmem:v57+s15+$0x0], $0xffff;
	v18 =	vmul.f32 v56, v55;
	v3 =	vadd.f32 v62, v3  }
0x34d: {  	v21 =	vor.u32 $0x22, v2;
	v20 =	vld.idx.msk [tilespmem:v57+s16+$0x0], $0xffff  }
0x34e: {  	v23 =	vld.idx.msk [tilespmem:v61+s15+$0x0], $0xffff;
	v22 =	vmul.f32 v60, v59;
	v3 =	vadd.f32 v18, v3  }
0x34f: {  	v25 =	vor.u32 $0x23, v2;
	v24 =	vld.idx.msk [tilespmem:v61+s16+$0x0], $0xffff  }
0x350: {  	v27 =	vld.idx.msk [tilespmem:v17+s15+$0x0], $0xffff;
	v26 =	vmul.f32 v16, v63;
	v3 =	vadd.f32 v22, v3  }
0x351: {  	v29 =	vor.u32 $0x24, v2;
	v28 =	vld.idx.msk [tilespmem:v17+s16+$0x0], $0xffff  }
0x352: {  	v31 =	vld.idx.msk [tilespmem:v21+s15+$0x0], $0xffff;
	v30 =	vmul.f32 v20, v19;
	v3 =	vadd.f32 v26, v3  }
0x353: {  	v33 =	vor.u32 $0x25, v2;
	v32 =	vld.idx.msk [tilespmem:v21+s16+$0x0], $0xffff  }
0x354: {  	v35 =	vld.idx.msk [tilespmem:v25+s15+$0x0], $0xffff;
	v34 =	vmul.f32 v24, v23;
	v3 =	vadd.f32 v30, v3  }
0x355: {  	v37 =	vor.u32 $0x26, v2;
	v36 =	vld.idx.msk [tilespmem:v25+s16+$0x0], $0xffff  }
0x356: {  	v39 =	vld.idx.msk [tilespmem:v29+s15+$0x0], $0xffff;
	v38 =	vmul.f32 v28, v27;
	v3 =	vadd.f32 v34, v3  }
0x357: {  	v41 =	vor.u32 $0x27, v2;
	v40 =	vld.idx.msk [tilespmem:v29+s16+$0x0], $0xffff  }
0x358: {  	v43 =	vld.idx.msk [tilespmem:v33+s15+$0x0], $0xffff;
	v42 =	vmul.f32 v32, v31;
	v3 =	vadd.f32 v38, v3  }
0x359: {  	v45 =	vor.u32 $0x28, v2;
	v44 =	vld.idx.msk [tilespmem:v33+s16+$0x0], $0xffff  }
0x35a: {  	v47 =	vld.idx.msk [tilespmem:v37+s15+$0x0], $0xffff;
	v46 =	vmul.f32 v36, v35;
	v3 =	vadd.f32 v42, v3  }
0x35b: {  	v49 =	vor.u32 $0x29, v2;
	v48 =	vld.idx.msk [tilespmem:v37+s16+$0x0], $0xffff  }
0x35c: {  	v51 =	vld.idx.msk [tilespmem:v41+s15+$0x0], $0xffff;
	v50 =	vmul.f32 v40, v39;
	v3 =	vadd.f32 v46, v3  }
0x35d: {  	v53 =	vor.u32 $0x2A, v2;
	v52 =	vld.idx.msk [tilespmem:v41+s16+$0x0], $0xffff  }
0x35e: {  	v55 =	vld.idx.msk [tilespmem:v45+s15+$0x0], $0xffff;
	v54 =	vmul.f32 v44, v43;
	v3 =	vadd.f32 v50, v3  }
0x35f: {  	v57 =	vor.u32 $0x2B, v2;
	v56 =	vld.idx.msk [tilespmem:v45+s16+$0x0], $0xffff  }
0x360: {  	v59 =	vld.idx.msk [tilespmem:v49+s15+$0x0], $0xffff;
	v58 =	vmul.f32 v48, v47;
	v3 =	vadd.f32 v54, v3  }
0x361: {  	v61 =	vor.u32 $0x2C, v2;
	v60 =	vld.idx.msk [tilespmem:v49+s16+$0x0], $0xffff  }
0x362: {  	v63 =	vld.idx.msk [tilespmem:v53+s15+$0x0], $0xffff;
	v62 =	vmul.f32 v52, v51;
	v3 =	vadd.f32 v58, v3  }
0x363: {  	v17 =	vor.u32 $0x2D, v2;
	v16 =	vld.idx.msk [tilespmem:v53+s16+$0x0], $0xffff  }
0x364: {  	v19 =	vld.idx.msk [tilespmem:v57+s15+$0x0], $0xffff;
	v18 =	vmul.f32 v56, v55;
	v3 =	vadd.f32 v62, v3  }
0x365: {  	v21 =	vor.u32 $0x2E, v2;
	v20 =	vld.idx.msk [tilespmem:v57+s16+$0x0], $0xffff  }
0x366: {  	v23 =	vld.idx.msk [tilespmem:v61+s15+$0x0], $0xffff;
	v22 =	vmul.f32 v60, v59;
	v3 =	vadd.f32 v18, v3  }
0x367: {  	v25 =	vor.u32 $0x2F, v2;
	v24 =	vld.idx.msk [tilespmem:v61+s16+$0x0], $0xffff  }
0x368: {  	v27 =	vld.idx.msk [tilespmem:v17+s15+$0x0], $0xffff;
	v26 =	vmul.f32 v16, v63;
	v3 =	vadd.f32 v22, v3  }
0x369: {  	v29 =	vor.u32 $0x30, v2;
	v28 =	vld.idx.msk [tilespmem:v17+s16+$0x0], $0xffff  }
0x36a: {  	v31 =	vld.idx.msk [tilespmem:v21+s15+$0x0], $0xffff;
	v30 =	vmul.f32 v20, v19;
	v3 =	vadd.f32 v26, v3  }
0x36b: {  	v33 =	vor.u32 $0x31, v2;
	v32 =	vld.idx.msk [tilespmem:v21+s16+$0x0], $0xffff  }
0x36c: {  	v35 =	vld.idx.msk [tilespmem:v25+s15+$0x0], $0xffff;
	v34 =	vmul.f32 v24, v23;
	v3 =	vadd.f32 v30, v3  }
0x36d: {  	v37 =	vor.u32 $0x32, v2;
	v36 =	vld.idx.msk [tilespmem:v25+s16+$0x0], $0xffff  }
0x36e: {  	v39 =	vld.idx.msk [tilespmem:v29+s15+$0x0], $0xffff;
	v38 =	vmul.f32 v28, v27;
	v3 =	vadd.f32 v34, v3  }
0x36f: {  	v41 =	vor.u32 $0x33, v2;
	v40 =	vld.idx.msk [tilespmem:v29+s16+$0x0], $0xffff  }
0x370: {  	v43 =	vld.idx.msk [tilespmem:v33+s15+$0x0], $0xffff;
	v42 =	vmul.f32 v32, v31;
	v3 =	vadd.f32 v38, v3  }
0x371: {  	v45 =	vor.u32 $0x34, v2;
	v44 =	vld.idx.msk [tilespmem:v33+s16+$0x0], $0xffff  }
0x372: {  	v47 =	vld.idx.msk [tilespmem:v37+s15+$0x0], $0xffff;
	v46 =	vmul.f32 v36, v35;
	v3 =	vadd.f32 v42, v3  }
0x373: {  	v49 =	vor.u32 $0x35, v2;
	v48 =	vld.idx.msk [tilespmem:v37+s16+$0x0], $0xffff  }
0x374: {  	v51 =	vld.idx.msk [tilespmem:v41+s15+$0x0], $0xffff;
	v50 =	vmul.f32 v40, v39;
	v3 =	vadd.f32 v46, v3  }
0x375: {  	v53 =	vor.u32 $0x36, v2;
	v52 =	vld.idx.msk [tilespmem:v41+s16+$0x0], $0xffff  }
0x376: {  	v55 =	vld.idx.msk [tilespmem:v45+s15+$0x0], $0xffff;
	v54 =	vmul.f32 v44, v43;
	v3 =	vadd.f32 v50, v3  }
0x377: {  	v57 =	vor.u32 $0x37, v2;
	v56 =	vld.idx.msk [tilespmem:v45+s16+$0x0], $0xffff  }
0x378: {  	v59 =	vld.idx.msk [tilespmem:v49+s15+$0x0], $0xffff;
	v58 =	vmul.f32 v48, v47;
	v3 =	vadd.f32 v54, v3  }
0x379: {  	v61 =	vor.u32 $0x38, v2;
	v60 =	vld.idx.msk [tilespmem:v49+s16+$0x0], $0xffff  }
0x37a: {  	v63 =	vld.idx.msk [tilespmem:v53+s15+$0x0], $0xffff;
	v62 =	vmul.f32 v52, v51;
	v3 =	vadd.f32 v58, v3  }
0x37b: {  	v17 =	vor.u32 $0x39, v2;
	v16 =	vld.idx.msk [tilespmem:v53+s16+$0x0], $0xffff  }
0x37c: {  	v19 =	vld.idx.msk [tilespmem:v57+s15+$0x0], $0xffff;
	v18 =	vmul.f32 v56, v55;
	v3 =	vadd.f32 v62, v3  }
0x37d: {  	v21 =	vor.u32 $0x3A, v2;
	v20 =	vld.idx.msk [tilespmem:v57+s16+$0x0], $0xffff  }
0x37e: {  	v23 =	vld.idx.msk [tilespmem:v61+s15+$0x0], $0xffff;
	v22 =	vmul.f32 v60, v59;
	v3 =	vadd.f32 v18, v3  }
0x37f: {  	v25 =	vor.u32 $0x3B, v2;
	v24 =	vld.idx.msk [tilespmem:v61+s16+$0x0], $0xffff  }
0x380: {  	v27 =	vld.idx.msk [tilespmem:v17+s15+$0x0], $0xffff;
	v26 =	vmul.f32 v16, v63;
	v3 =	vadd.f32 v22, v3  }
0x381: {  	v29 =	vor.u32 $0x3C, v2;
	v28 =	vld.idx.msk [tilespmem:v17+s16+$0x0], $0xffff  }
0x382: {  	v31 =	vld.idx.msk [tilespmem:v21+s15+$0x0], $0xffff;
	v30 =	vmul.f32 v20, v19;
	v3 =	vadd.f32 v26, v3  }
0x383: {  	v33 =	vor.u32 $0x3D, v2;
	v32 =	vld.idx.msk [tilespmem:v21+s16+$0x0], $0xffff  }
0x384: {  	v35 =	vld.idx.msk [tilespmem:v25+s15+$0x0], $0xffff;
	v34 =	vmul.f32 v24, v23;
	v3 =	vadd.f32 v30, v3  }
0x385: {  	v37 =	vor.u32 $0x3E, v2;
	v36 =	vld.idx.msk [tilespmem:v25+s16+$0x0], $0xffff  }
0x386: {  	v39 =	vld.idx.msk [tilespmem:v29+s15+$0x0], $0xffff;
	v38 =	vmul.f32 v28, v27;
	v3 =	vadd.f32 v34, v3  }
0x387: {  	v2 =	vor.u32 $0x3F, v2;
	v40 =	vld.idx.msk [tilespmem:v29+s16+$0x0], $0xffff  }
0x388: {  	v41 =	vmul.f32 v32, v31;
	v43 =	vld.idx.msk [tilespmem:v33+s16+$0x0], $0xffff;
	v3 =	vadd.f32 v38, v3  }
0x389: {  	v42 =	vld.idx.msk [tilespmem:v33+s15+$0x0], $0xffff  }
0x38a: {  	v45 =	vld.idx.msk [tilespmem:v37+s15+$0x0], $0xffff;
	v44 =	vmul.f32 v36, v35;
	v3 =	vadd.f32 v41, v3  }
0x38b: {  	v46 =	vld.idx.msk [tilespmem:v37+s16+$0x0], $0xffff  }
0x38c: {  	v48 =	vld.idx.msk [tilespmem:v2+s15+$0x0], $0xffff;
	v47 =	vmul.f32 v40, v39;
	v3 =	vadd.f32 v44, v3  }
0x38d: {  	v2 =	vld.idx.msk [tilespmem:v2+s16+$0x0], $0xffff  }
0x38e: {  	v49 =	vmul.f32 v43, v42;
	v3 =	vadd.f32 v47, v3;
	_ =	sdelay $0x1  }
0x38f: {  	v50 =	vmul.f32 v46, v45;
	v3 =	vadd.f32 v49, v3  }
0x390: {  	v51 =	vld [tilespmem:s25+$0x10450]  }
0x391: {  	v2 =	vmul.f32 v2, v48;
	v3 =	vadd.f32 v50, v3  }
0x392: {  	v52 =	vld [tilespmem:s25+$0x10650]  }
0x393: {  	v2 =	vadd.f32 v2, v3  }
0x394: {  	s28 =	sor.u32 $0x60, s26  }
0x395: {  	v3 =	vmov s28;
	v2 =	vadd.f32 v2, v51  }
0x396: {  	v3 =	vshll.u32 v3, $0x7  }
0x397: {  	v4 =	vadd.f32 v2, v52;
	v2 =	vor.u32 v0, v3;
	_ =	sdelay $0x1  }
0x398: {  	v53 =	vor.u32 $0x1, v2;
	v3 =	vadd.f32 v4, v1;
	_ =	sdelay $0x1  }
0x399: {  	[tilespmem:s25+$0x108D0] =	vst v3;
	v3 =	vor.u32 $0x2, v2  }
0x39a: {  	v54 =	vld.idx.msk [tilespmem:v2+s15+$0x0], $0xffff  }
0x39b: {  	v56 =	vor.u32 $0x3, v2;
	v55 =	vld.idx.msk [tilespmem:v2+s16+$0x0], $0xffff  }
0x39c: {  	v57 =	vld.idx.msk [tilespmem:v53+s15+$0x0], $0xffff  }
0x39d: {  	v58 =	vor.u32 $0x4, v2;
	v4 =	vld.idx.msk [tilespmem:v53+s16+$0x0], $0xffff  }
0x39e: {  	v59 =	vld.idx.msk [tilespmem:v3+s15+$0x0], $0xffff  }
0x39f: {  	v60 =	vor.u32 $0x5, v2;
	v3 =	vld.idx.msk [tilespmem:v3+s16+$0x0], $0xffff  }
0x3a0: {  	v61 =	vld.idx.msk [tilespmem:v56+s15+$0x0], $0xffff;
	v5 =	vmul.f32 v55, v54  }
0x3a1: {  	v62 =	vor.u32 $0x6, v2;
	v7 =	vld.idx.msk [tilespmem:v56+s16+$0x0], $0xffff  }
0x3a2: {  	v63 =	vld.idx.msk [tilespmem:v58+s15+$0x0], $0xffff;
	v4 =	vmul.f32 v4, v57;
	v5 =	vadd.f32 $0.0e+00, v5  }
0x3a3: {  	v16 =	vor.u32 $0x7, v2;
	v9 =	vld.idx.msk [tilespmem:v58+s16+$0x0], $0xffff  }
0x3a4: {  	v17 =	vld.idx.msk [tilespmem:v60+s15+$0x0], $0xffff;
	v4 =	vadd.f32 v4, v5;
	v3 =	vmul.f32 v3, v59  }
0x3a5: {  	v19 =	vor.u32 $0x8, v2;
	v18 =	vld.idx.msk [tilespmem:v60+s16+$0x0], $0xffff  }
0x3a6: {  	v21 =	vld.idx.msk [tilespmem:v62+s15+$0x0], $0xffff;
	v20 =	vmul.f32 v7, v61;
	v3 =	vadd.f32 v3, v4  }
0x3a7: {  	v23 =	vor.u32 $0x9, v2;
	v22 =	vld.idx.msk [tilespmem:v62+s16+$0x0], $0xffff  }
0x3a8: {  	v25 =	vld.idx.msk [tilespmem:v16+s15+$0x0], $0xffff;
	v24 =	vmul.f32 v9, v63;
	v3 =	vadd.f32 v20, v3  }
0x3a9: {  	v27 =	vor.u32 $0xA, v2;
	v26 =	vld.idx.msk [tilespmem:v16+s16+$0x0], $0xffff  }
0x3aa: {  	v29 =	vld.idx.msk [tilespmem:v19+s15+$0x0], $0xffff;
	v28 =	vmul.f32 v18, v17;
	v3 =	vadd.f32 v24, v3  }
0x3ab: {  	v31 =	vor.u32 $0xB, v2;
	v30 =	vld.idx.msk [tilespmem:v19+s16+$0x0], $0xffff  }
0x3ac: {  	v33 =	vld.idx.msk [tilespmem:v23+s15+$0x0], $0xffff;
	v32 =	vmul.f32 v22, v21;
	v3 =	vadd.f32 v28, v3  }
0x3ad: {  	v35 =	vor.u32 $0xC, v2;
	v34 =	vld.idx.msk [tilespmem:v23+s16+$0x0], $0xffff  }
0x3ae: {  	v37 =	vld.idx.msk [tilespmem:v27+s15+$0x0], $0xffff;
	v36 =	vmul.f32 v26, v25;
	v3 =	vadd.f32 v32, v3  }
0x3af: {  	v39 =	vor.u32 $0xD, v2;
	v38 =	vld.idx.msk [tilespmem:v27+s16+$0x0], $0xffff  }
0x3b0: {  	v41 =	vld.idx.msk [tilespmem:v31+s15+$0x0], $0xffff;
	v40 =	vmul.f32 v30, v29;
	v3 =	vadd.f32 v36, v3  }
0x3b1: {  	v43 =	vor.u32 $0xE, v2;
	v42 =	vld.idx.msk [tilespmem:v31+s16+$0x0], $0xffff  }
0x3b2: {  	v45 =	vld.idx.msk [tilespmem:v35+s15+$0x0], $0xffff;
	v44 =	vmul.f32 v34, v33;
	v3 =	vadd.f32 v40, v3  }
0x3b3: {  	v47 =	vor.u32 $0xF, v2;
	v46 =	vld.idx.msk [tilespmem:v35+s16+$0x0], $0xffff  }
0x3b4: {  	v49 =	vld.idx.msk [tilespmem:v39+s15+$0x0], $0xffff;
	v48 =	vmul.f32 v38, v37;
	v3 =	vadd.f32 v44, v3  }
0x3b5: {  	v51 =	vor.u32 $0x10, v2;
	v50 =	vld.idx.msk [tilespmem:v39+s16+$0x0], $0xffff  }
0x3b6: {  	v53 =	vld.idx.msk [tilespmem:v43+s15+$0x0], $0xffff;
	v52 =	vmul.f32 v42, v41;
	v3 =	vadd.f32 v48, v3  }
0x3b7: {  	v54 =	vld.idx.msk [tilespmem:v43+s16+$0x0], $0xffff;
	v55 =	vor.u32 $0x11, v2  }
0x3b8: {  	v58 =	vld.idx.msk [tilespmem:v47+s16+$0x0], $0xffff;
	v56 =	vmul.f32 v46, v45;
	v3 =	vadd.f32 v52, v3  }
0x3b9: {  	v57 =	vld.idx.msk [tilespmem:v47+s15+$0x0], $0xffff;
	v59 =	vor.u32 $0x12, v2  }
0x3ba: {  	v62 =	vld.idx.msk [tilespmem:v51+s16+$0x0], $0xffff;
	v60 =	vmul.f32 v50, v49;
	v3 =	vadd.f32 v56, v3  }
0x3bb: {  	v61 =	vld.idx.msk [tilespmem:v51+s15+$0x0], $0xffff;
	v63 =	vor.u32 $0x13, v2  }
0x3bc: {  	v16 =	vmul.f32 v54, v53;
	v17 =	vld.idx.msk [tilespmem:v55+s15+$0x0], $0xffff;
	v3 =	vadd.f32 v60, v3  }
0x3bd: {  	v19 =	vor.u32 $0x14, v2;
	v18 =	vld.idx.msk [tilespmem:v55+s16+$0x0], $0xffff  }
0x3be: {  	v20 =	vmul.f32 v58, v57;
	v21 =	vld.idx.msk [tilespmem:v59+s15+$0x0], $0xffff;
	v3 =	vadd.f32 v16, v3  }
0x3bf: {  	v23 =	vor.u32 $0x15, v2;
	v22 =	vld.idx.msk [tilespmem:v59+s16+$0x0], $0xffff  }
0x3c0: {  	v25 =	vld.idx.msk [tilespmem:v63+s15+$0x0], $0xffff;
	v24 =	vmul.f32 v62, v61;
	v3 =	vadd.f32 v20, v3  }
0x3c1: {  	v27 =	vor.u32 $0x16, v2;
	v26 =	vld.idx.msk [tilespmem:v63+s16+$0x0], $0xffff  }
0x3c2: {  	v29 =	vld.idx.msk [tilespmem:v19+s15+$0x0], $0xffff;
	v28 =	vmul.f32 v18, v17;
	v3 =	vadd.f32 v24, v3  }
0x3c3: {  	v31 =	vor.u32 $0x17, v2;
	v30 =	vld.idx.msk [tilespmem:v19+s16+$0x0], $0xffff  }
0x3c4: {  	v33 =	vld.idx.msk [tilespmem:v23+s15+$0x0], $0xffff;
	v32 =	vmul.f32 v22, v21;
	v3 =	vadd.f32 v28, v3  }
0x3c5: {  	v35 =	vor.u32 $0x18, v2;
	v34 =	vld.idx.msk [tilespmem:v23+s16+$0x0], $0xffff  }
0x3c6: {  	v37 =	vld.idx.msk [tilespmem:v27+s15+$0x0], $0xffff;
	v36 =	vmul.f32 v26, v25;
	v3 =	vadd.f32 v32, v3  }
0x3c7: {  	v39 =	vor.u32 $0x19, v2;
	v38 =	vld.idx.msk [tilespmem:v27+s16+$0x0], $0xffff  }
0x3c8: {  	v41 =	vld.idx.msk [tilespmem:v31+s15+$0x0], $0xffff;
	v40 =	vmul.f32 v30, v29;
	v3 =	vadd.f32 v36, v3  }
0x3c9: {  	v43 =	vor.u32 $0x1A, v2;
	v42 =	vld.idx.msk [tilespmem:v31+s16+$0x0], $0xffff  }
0x3ca: {  	v45 =	vld.idx.msk [tilespmem:v35+s15+$0x0], $0xffff;
	v44 =	vmul.f32 v34, v33;
	v3 =	vadd.f32 v40, v3  }
0x3cb: {  	v46 =	vld.idx.msk [tilespmem:v35+s16+$0x0], $0xffff;
	v47 =	vor.u32 $0x1B, v2  }
0x3cc: {  	v49 =	vld.idx.msk [tilespmem:v39+s15+$0x0], $0xffff;
	v48 =	vmul.f32 v38, v37;
	v3 =	vadd.f32 v44, v3  }
0x3cd: {  	v50 =	vld.idx.msk [tilespmem:v39+s16+$0x0], $0xffff;
	v51 =	vor.u32 $0x1C, v2  }
0x3ce: {  	v53 =	vld.idx.msk [tilespmem:v43+s15+$0x0], $0xffff;
	v52 =	vmul.f32 v42, v41;
	v3 =	vadd.f32 v48, v3  }
0x3cf: {  	v54 =	vld.idx.msk [tilespmem:v43+s16+$0x0], $0xffff;
	v55 =	vor.u32 $0x1D, v2  }
0x3d0: {  	v57 =	vld.idx.msk [tilespmem:v47+s15+$0x0], $0xffff;
	v56 =	vmul.f32 v46, v45;
	v3 =	vadd.f32 v52, v3  }
0x3d1: {  	v58 =	vld.idx.msk [tilespmem:v47+s16+$0x0], $0xffff;
	v59 =	vor.u32 $0x1E, v2  }
0x3d2: {  	v61 =	vld.idx.msk [tilespmem:v51+s15+$0x0], $0xffff;
	v60 =	vmul.f32 v50, v49;
	v3 =	vadd.f32 v56, v3  }
0x3d3: {  	v63 =	vor.u32 $0x1F, v2;
	v62 =	vld.idx.msk [tilespmem:v51+s16+$0x0], $0xffff  }
0x3d4: {  	v17 =	vld.idx.msk [tilespmem:v55+s15+$0x0], $0xffff;
	v16 =	vmul.f32 v54, v53;
	v3 =	vadd.f32 v60, v3  }
0x3d5: {  	v19 =	vor.u32 $0x20, v2;
	v18 =	vld.idx.msk [tilespmem:v55+s16+$0x0], $0xffff  }
0x3d6: {  	v21 =	vld.idx.msk [tilespmem:v59+s15+$0x0], $0xffff;
	v20 =	vmul.f32 v58, v57;
	v3 =	vadd.f32 v16, v3  }
0x3d7: {  	v23 =	vor.u32 $0x21, v2;
	v22 =	vld.idx.msk [tilespmem:v59+s16+$0x0], $0xffff  }
0x3d8: {  	v25 =	vld.idx.msk [tilespmem:v63+s15+$0x0], $0xffff;
	v24 =	vmul.f32 v62, v61;
	v3 =	vadd.f32 v20, v3  }
0x3d9: {  	v27 =	vor.u32 $0x22, v2;
	v26 =	vld.idx.msk [tilespmem:v63+s16+$0x0], $0xffff  }
0x3da: {  	v29 =	vld.idx.msk [tilespmem:v19+s15+$0x0], $0xffff;
	v28 =	vmul.f32 v18, v17;
	v3 =	vadd.f32 v24, v3  }
0x3db: {  	v31 =	vor.u32 $0x23, v2;
	v30 =	vld.idx.msk [tilespmem:v19+s16+$0x0], $0xffff  }
0x3dc: {  	v33 =	vld.idx.msk [tilespmem:v23+s15+$0x0], $0xffff;
	v32 =	vmul.f32 v22, v21;
	v3 =	vadd.f32 v28, v3  }
0x3dd: {  	v35 =	vor.u32 $0x24, v2;
	v34 =	vld.idx.msk [tilespmem:v23+s16+$0x0], $0xffff  }
0x3de: {  	v37 =	vld.idx.msk [tilespmem:v27+s15+$0x0], $0xffff;
	v36 =	vmul.f32 v26, v25;
	v3 =	vadd.f32 v32, v3  }
0x3df: {  	v39 =	vor.u32 $0x25, v2;
	v38 =	vld.idx.msk [tilespmem:v27+s16+$0x0], $0xffff  }
0x3e0: {  	v41 =	vld.idx.msk [tilespmem:v31+s15+$0x0], $0xffff;
	v40 =	vmul.f32 v30, v29;
	v3 =	vadd.f32 v36, v3  }
0x3e1: {  	v43 =	vor.u32 $0x26, v2;
	v42 =	vld.idx.msk [tilespmem:v31+s16+$0x0], $0xffff  }
0x3e2: {  	v45 =	vld.idx.msk [tilespmem:v35+s15+$0x0], $0xffff;
	v44 =	vmul.f32 v34, v33;
	v3 =	vadd.f32 v40, v3  }
0x3e3: {  	v47 =	vor.u32 $0x27, v2;
	v46 =	vld.idx.msk [tilespmem:v35+s16+$0x0], $0xffff  }
0x3e4: {  	v49 =	vld.idx.msk [tilespmem:v39+s15+$0x0], $0xffff;
	v48 =	vmul.f32 v38, v37;
	v3 =	vadd.f32 v44, v3  }
0x3e5: {  	v51 =	vor.u32 $0x28, v2;
	v50 =	vld.idx.msk [tilespmem:v39+s16+$0x0], $0xffff  }
0x3e6: {  	v53 =	vld.idx.msk [tilespmem:v43+s15+$0x0], $0xffff;
	v52 =	vmul.f32 v42, v41;
	v3 =	vadd.f32 v48, v3  }
0x3e7: {  	v55 =	vor.u32 $0x29, v2;
	v54 =	vld.idx.msk [tilespmem:v43+s16+$0x0], $0xffff  }
0x3e8: {  	v57 =	vld.idx.msk [tilespmem:v47+s15+$0x0], $0xffff;
	v56 =	vmul.f32 v46, v45;
	v3 =	vadd.f32 v52, v3  }
0x3e9: {  	v59 =	vor.u32 $0x2A, v2;
	v58 =	vld.idx.msk [tilespmem:v47+s16+$0x0], $0xffff  }
0x3ea: {  	v61 =	vld.idx.msk [tilespmem:v51+s15+$0x0], $0xffff;
	v60 =	vmul.f32 v50, v49;
	v3 =	vadd.f32 v56, v3  }
0x3eb: {  	v63 =	vor.u32 $0x2B, v2;
	v62 =	vld.idx.msk [tilespmem:v51+s16+$0x0], $0xffff  }
0x3ec: {  	v17 =	vld.idx.msk [tilespmem:v55+s15+$0x0], $0xffff;
	v16 =	vmul.f32 v54, v53;
	v3 =	vadd.f32 v60, v3  }
0x3ed: {  	v19 =	vor.u32 $0x2C, v2;
	v18 =	vld.idx.msk [tilespmem:v55+s16+$0x0], $0xffff  }
0x3ee: {  	v21 =	vld.idx.msk [tilespmem:v59+s15+$0x0], $0xffff;
	v20 =	vmul.f32 v58, v57;
	v3 =	vadd.f32 v16, v3  }
0x3ef: {  	v23 =	vor.u32 $0x2D, v2;
	v22 =	vld.idx.msk [tilespmem:v59+s16+$0x0], $0xffff  }
0x3f0: {  	v25 =	vld.idx.msk [tilespmem:v63+s15+$0x0], $0xffff;
	v24 =	vmul.f32 v62, v61;
	v3 =	vadd.f32 v20, v3  }
0x3f1: {  	v27 =	vor.u32 $0x2E, v2;
	v26 =	vld.idx.msk [tilespmem:v63+s16+$0x0], $0xffff  }
0x3f2: {  	v29 =	vld.idx.msk [tilespmem:v19+s15+$0x0], $0xffff;
	v28 =	vmul.f32 v18, v17;
	v3 =	vadd.f32 v24, v3  }
0x3f3: {  	v31 =	vor.u32 $0x2F, v2;
	v30 =	vld.idx.msk [tilespmem:v19+s16+$0x0], $0xffff  }
0x3f4: {  	v33 =	vld.idx.msk [tilespmem:v23+s15+$0x0], $0xffff;
	v32 =	vmul.f32 v22, v21;
	v3 =	vadd.f32 v28, v3  }
0x3f5: {  	v35 =	vor.u32 $0x30, v2;
	v34 =	vld.idx.msk [tilespmem:v23+s16+$0x0], $0xffff  }
0x3f6: {  	v37 =	vld.idx.msk [tilespmem:v27+s15+$0x0], $0xffff;
	v36 =	vmul.f32 v26, v25;
	v3 =	vadd.f32 v32, v3  }
0x3f7: {  	v39 =	vor.u32 $0x31, v2;
	v38 =	vld.idx.msk [tilespmem:v27+s16+$0x0], $0xffff  }
0x3f8: {  	v41 =	vld.idx.msk [tilespmem:v31+s15+$0x0], $0xffff;
	v40 =	vmul.f32 v30, v29;
	v3 =	vadd.f32 v36, v3  }
0x3f9: {  	v43 =	vor.u32 $0x32, v2;
	v42 =	vld.idx.msk [tilespmem:v31+s16+$0x0], $0xffff  }
0x3fa: {  	v45 =	vld.idx.msk [tilespmem:v35+s15+$0x0], $0xffff;
	v44 =	vmul.f32 v34, v33;
	v3 =	vadd.f32 v40, v3  }
0x3fb: {  	v47 =	vor.u32 $0x33, v2;
	v46 =	vld.idx.msk [tilespmem:v35+s16+$0x0], $0xffff  }
0x3fc: {  	v49 =	vld.idx.msk [tilespmem:v39+s15+$0x0], $0xffff;
	v48 =	vmul.f32 v38, v37;
	v3 =	vadd.f32 v44, v3  }
0x3fd: {  	v51 =	vor.u32 $0x34, v2;
	v50 =	vld.idx.msk [tilespmem:v39+s16+$0x0], $0xffff  }
0x3fe: {  	v53 =	vld.idx.msk [tilespmem:v43+s15+$0x0], $0xffff;
	v52 =	vmul.f32 v42, v41;
	v3 =	vadd.f32 v48, v3  }
0x3ff: {  	v55 =	vor.u32 $0x35, v2;
	v54 =	vld.idx.msk [tilespmem:v43+s16+$0x0], $0xffff  }
0x400: {  	v57 =	vld.idx.msk [tilespmem:v47+s15+$0x0], $0xffff;
	v56 =	vmul.f32 v46, v45;
	v3 =	vadd.f32 v52, v3  }
0x401: {  	v59 =	vor.u32 $0x36, v2;
	v58 =	vld.idx.msk [tilespmem:v47+s16+$0x0], $0xffff  }
0x402: {  	v61 =	vld.idx.msk [tilespmem:v51+s15+$0x0], $0xffff;
	v60 =	vmul.f32 v50, v49;
	v3 =	vadd.f32 v56, v3  }
0x403: {  	v63 =	vor.u32 $0x37, v2;
	v62 =	vld.idx.msk [tilespmem:v51+s16+$0x0], $0xffff  }
0x404: {  	v15 =	vmul.f32 v54, v53;
	v17 =	vld.idx.msk [tilespmem:v55+s16+$0x0], $0xffff;
	v3 =	vadd.f32 v60, v3  }
0x405: {  	v18 =	vor.u32 $0x38, v2;
	v16 =	vld.idx.msk [tilespmem:v55+s15+$0x0], $0xffff  }
0x406: {  	v19 =	vmul.f32 v58, v57;
	v21 =	vld.idx.msk [tilespmem:v59+s16+$0x0], $0xffff;
	v3 =	vadd.f32 v15, v3  }
0x407: {  	v22 =	vor.u32 $0x39, v2;
	v20 =	vld.idx.msk [tilespmem:v59+s15+$0x0], $0xffff  }
0x408: {  	v23 =	vmul.f32 v62, v61;
	v25 =	vld.idx.msk [tilespmem:v63+s16+$0x0], $0xffff;
	v3 =	vadd.f32 v19, v3  }
0x409: {  	v26 =	vor.u32 $0x3A, v2;
	v24 =	vld.idx.msk [tilespmem:v63+s15+$0x0], $0xffff  }
0x40a: {  	v29 =	vld.idx.msk [tilespmem:v18+s16+$0x0], $0xffff;
	v27 =	vmul.f32 v17, v16;
	v3 =	vadd.f32 v23, v3  }
0x40b: {  	v30 =	vor.u32 $0x3B, v2;
	v28 =	vld.idx.msk [tilespmem:v18+s15+$0x0], $0xffff  }
0x40c: {  	v33 =	vld.idx.msk [tilespmem:v22+s16+$0x0], $0xffff;
	v31 =	vmul.f32 v21, v20;
	v3 =	vadd.f32 v27, v3  }
0x40d: {  	v34 =	vor.u32 $0x3C, v2;
	v32 =	vld.idx.msk [tilespmem:v22+s15+$0x0], $0xffff  }
0x40e: {  	v37 =	vld.idx.msk [tilespmem:v26+s16+$0x0], $0xffff;
	v35 =	vmul.f32 v25, v24;
	v3 =	vadd.f32 v31, v3  }
0x40f: {  	v38 =	vor.u32 $0x3D, v2;
	v36 =	vld.idx.msk [tilespmem:v26+s15+$0x0], $0xffff  }
0x410: {  	v41 =	vld.idx.msk [tilespmem:v30+s16+$0x0], $0xffff;
	v39 =	vmul.f32 v29, v28;
	v3 =	vadd.f32 v35, v3  }
0x411: {  	v42 =	vor.u32 $0x3E, v2;
	v40 =	vld.idx.msk [tilespmem:v30+s15+$0x0], $0xffff  }
0x412: {  	v45 =	vld.idx.msk [tilespmem:v34+s16+$0x0], $0xffff;
	v43 =	vmul.f32 v33, v32;
	v3 =	vadd.f32 v39, v3  }
0x413: {  	v2 =	vor.u32 $0x3F, v2;
	v44 =	vld.idx.msk [tilespmem:v34+s15+$0x0], $0xffff  }
0x414: {  	v47 =	vld.idx.msk [tilespmem:v38+s15+$0x0], $0xffff;
	v46 =	vmul.f32 v37, v36;
	v3 =	vadd.f32 v43, v3  }
0x415: {  	v48 =	vld.idx.msk [tilespmem:v38+s16+$0x0], $0xffff  }
0x416: {  	v50 =	vld.idx.msk [tilespmem:v42+s15+$0x0], $0xffff;
	v49 =	vmul.f32 v41, v40;
	v3 =	vadd.f32 v46, v3  }
0x417: {  	v51 =	vld.idx.msk [tilespmem:v42+s16+$0x0], $0xffff  }
0x418: {  	v53 =	vld.idx.msk [tilespmem:v2+s15+$0x0], $0xffff;
	v52 =	vmul.f32 v45, v44;
	v3 =	vadd.f32 v49, v3  }
0x419: {  	v2 =	vld.idx.msk [tilespmem:v2+s16+$0x0], $0xffff  }
0x41a: {  	v54 =	vmul.f32 v48, v47;
	v3 =	vadd.f32 v52, v3;
	_ =	sdelay $0x1  }
0x41b: {  	v55 =	vmul.f32 v51, v50;
	v3 =	vadd.f32 v54, v3  }
0x41c: {  	v56 =	vld [tilespmem:s25+$0x10460]  }
0x41d: {  	v2 =	vmul.f32 v2, v53;
	v3 =	vadd.f32 v55, v3  }
0x41e: {  	v57 =	vld [tilespmem:s25+$0x10660]  }
0x41f: {  	v2 =	vadd.f32 v2, v3  }
0x420: {  	s26 =	sor.u32 $0x70, s26  }
0x421: {  	v3 =	vmov s26;
	v2 =	vadd.f32 v2, v56  }
0x422: {  	v3 =	vshll.u32 v3, $0x7  }
0x423: {  	v4 =	vadd.f32 v2, v57;
	v2 =	vor.u32 v0, v3;
	_ =	sdelay $0x1  }
0x424: {  	v58 =	vor.u32 $0x1, v2;
	v3 =	vadd.f32 v4, v1;
	_ =	sdelay $0x1  }
0x425: {  	[tilespmem:s25+$0x108E0] =	vst v3;
	v3 =	vor.u32 $0x2, v2  }
0x426: {  	v59 =	vld.idx.msk [tilespmem:v2+s15+$0x0], $0xffff  }
0x427: {  	v61 =	vor.u32 $0x3, v2;
	v60 =	vld.idx.msk [tilespmem:v2+s16+$0x0], $0xffff  }
0x428: {  	v62 =	vld.idx.msk [tilespmem:v58+s15+$0x0], $0xffff  }
0x429: {  	v63 =	vor.u32 $0x4, v2;
	v4 =	vld.idx.msk [tilespmem:v58+s16+$0x0], $0xffff  }
0x42a: {  	v16 =	vld.idx.msk [tilespmem:v3+s15+$0x0], $0xffff  }
0x42b: {  	v17 =	vor.u32 $0x5, v2;
	v3 =	vld.idx.msk [tilespmem:v3+s16+$0x0], $0xffff  }
0x42c: {  	v18 =	vld.idx.msk [tilespmem:v61+s15+$0x0], $0xffff;
	v5 =	vmul.f32 v60, v59  }
0x42d: {  	v19 =	vor.u32 $0x6, v2;
	v7 =	vld.idx.msk [tilespmem:v61+s16+$0x0], $0xffff  }
0x42e: {  	v20 =	vld.idx.msk [tilespmem:v63+s15+$0x0], $0xffff;
	v4 =	vmul.f32 v4, v62;
	v5 =	vadd.f32 $0.0e+00, v5  }
0x42f: {  	v21 =	vor.u32 $0x7, v2;
	v9 =	vld.idx.msk [tilespmem:v63+s16+$0x0], $0xffff  }
0x430: {  	v22 =	vld.idx.msk [tilespmem:v17+s15+$0x0], $0xffff;
	v4 =	vadd.f32 v4, v5;
	v3 =	vmul.f32 v3, v16  }
0x431: {  	v24 =	vor.u32 $0x8, v2;
	v23 =	vld.idx.msk [tilespmem:v17+s16+$0x0], $0xffff  }
0x432: {  	v26 =	vld.idx.msk [tilespmem:v19+s15+$0x0], $0xffff;
	v25 =	vmul.f32 v7, v18;
	v3 =	vadd.f32 v3, v4  }
0x433: {  	v28 =	vor.u32 $0x9, v2;
	v27 =	vld.idx.msk [tilespmem:v19+s16+$0x0], $0xffff  }
0x434: {  	v30 =	vld.idx.msk [tilespmem:v21+s15+$0x0], $0xffff;
	v29 =	vmul.f32 v9, v20;
	v3 =	vadd.f32 v25, v3  }
0x435: {  	v32 =	vor.u32 $0xA, v2;
	v31 =	vld.idx.msk [tilespmem:v21+s16+$0x0], $0xffff  }
0x436: {  	v34 =	vld.idx.msk [tilespmem:v24+s15+$0x0], $0xffff;
	v33 =	vmul.f32 v23, v22;
	v3 =	vadd.f32 v29, v3  }
0x437: {  	v36 =	vor.u32 $0xB, v2;
	v35 =	vld.idx.msk [tilespmem:v24+s16+$0x0], $0xffff  }
0x438: {  	v38 =	vld.idx.msk [tilespmem:v28+s15+$0x0], $0xffff;
	v37 =	vmul.f32 v27, v26;
	v3 =	vadd.f32 v33, v3  }
0x439: {  	v40 =	vor.u32 $0xC, v2;
	v39 =	vld.idx.msk [tilespmem:v28+s16+$0x0], $0xffff  }
0x43a: {  	v42 =	vld.idx.msk [tilespmem:v32+s15+$0x0], $0xffff;
	v41 =	vmul.f32 v31, v30;
	v3 =	vadd.f32 v37, v3  }
0x43b: {  	v44 =	vor.u32 $0xD, v2;
	v43 =	vld.idx.msk [tilespmem:v32+s16+$0x0], $0xffff  }
0x43c: {  	v46 =	vld.idx.msk [tilespmem:v36+s15+$0x0], $0xffff;
	v45 =	vmul.f32 v35, v34;
	v3 =	vadd.f32 v41, v3  }
0x43d: {  	v48 =	vor.u32 $0xE, v2;
	v47 =	vld.idx.msk [tilespmem:v36+s16+$0x0], $0xffff  }
0x43e: {  	v50 =	vld.idx.msk [tilespmem:v40+s15+$0x0], $0xffff;
	v49 =	vmul.f32 v39, v38;
	v3 =	vadd.f32 v45, v3  }
0x43f: {  	v52 =	vor.u32 $0xF, v2;
	v51 =	vld.idx.msk [tilespmem:v40+s16+$0x0], $0xffff  }
0x440: {  	v54 =	vld.idx.msk [tilespmem:v44+s15+$0x0], $0xffff;
	v53 =	vmul.f32 v43, v42;
	v3 =	vadd.f32 v49, v3  }
0x441: {  	v56 =	vor.u32 $0x10, v2;
	v55 =	vld.idx.msk [tilespmem:v44+s16+$0x0], $0xffff  }
0x442: {  	v58 =	vld.idx.msk [tilespmem:v48+s15+$0x0], $0xffff;
	v57 =	vmul.f32 v47, v46;
	v3 =	vadd.f32 v53, v3  }
0x443: {  	v59 =	vld.idx.msk [tilespmem:v48+s16+$0x0], $0xffff;
	v60 =	vor.u32 $0x11, v2  }
0x444: {  	v63 =	vld.idx.msk [tilespmem:v52+s16+$0x0], $0xffff;
	v61 =	vmul.f32 v51, v50;
	v3 =	vadd.f32 v57, v3  }
0x445: {  	v62 =	vld.idx.msk [tilespmem:v52+s15+$0x0], $0xffff;
	v16 =	vor.u32 $0x12, v2  }
0x446: {  	v19 =	vld.idx.msk [tilespmem:v56+s16+$0x0], $0xffff;
	v17 =	vmul.f32 v55, v54;
	v3 =	vadd.f32 v61, v3  }
0x447: {  	v18 =	vld.idx.msk [tilespmem:v56+s15+$0x0], $0xffff;
	v20 =	vor.u32 $0x13, v2  }
0x448: {  	v21 =	vmul.f32 v59, v58;
	v22 =	vld.idx.msk [tilespmem:v60+s15+$0x0], $0xffff;
	v3 =	vadd.f32 v17, v3  }
0x449: {  	v24 =	vor.u32 $0x14, v2;
	v23 =	vld.idx.msk [tilespmem:v60+s16+$0x0], $0xffff  }
0x44a: {  	v25 =	vmul.f32 v63, v62;
	v26 =	vld.idx.msk [tilespmem:v16+s15+$0x0], $0xffff;
	v3 =	vadd.f32 v21, v3  }
0x44b: {  	v28 =	vor.u32 $0x15, v2;
	v27 =	vld.idx.msk [tilespmem:v16+s16+$0x0], $0xffff  }
0x44c: {  	v30 =	vld.idx.msk [tilespmem:v20+s15+$0x0], $0xffff;
	v29 =	vmul.f32 v19, v18;
	v3 =	vadd.f32 v25, v3  }
0x44d: {  	v32 =	vor.u32 $0x16, v2;
	v31 =	vld.idx.msk [tilespmem:v20+s16+$0x0], $0xffff  }
0x44e: {  	v34 =	vld.idx.msk [tilespmem:v24+s15+$0x0], $0xffff;
	v33 =	vmul.f32 v23, v22;
	v3 =	vadd.f32 v29, v3  }
0x44f: {  	v36 =	vor.u32 $0x17, v2;
	v35 =	vld.idx.msk [tilespmem:v24+s16+$0x0], $0xffff  }
0x450: {  	v38 =	vld.idx.msk [tilespmem:v28+s15+$0x0], $0xffff;
	v37 =	vmul.f32 v27, v26;
	v3 =	vadd.f32 v33, v3  }
0x451: {  	v40 =	vor.u32 $0x18, v2;
	v39 =	vld.idx.msk [tilespmem:v28+s16+$0x0], $0xffff  }
0x452: {  	v42 =	vld.idx.msk [tilespmem:v32+s15+$0x0], $0xffff;
	v41 =	vmul.f32 v31, v30;
	v3 =	vadd.f32 v37, v3  }
0x453: {  	v44 =	vor.u32 $0x19, v2;
	v43 =	vld.idx.msk [tilespmem:v32+s16+$0x0], $0xffff  }
0x454: {  	v46 =	vld.idx.msk [tilespmem:v36+s15+$0x0], $0xffff;
	v45 =	vmul.f32 v35, v34;
	v3 =	vadd.f32 v41, v3  }
0x455: {  	v48 =	vor.u32 $0x1A, v2;
	v47 =	vld.idx.msk [tilespmem:v36+s16+$0x0], $0xffff  }
0x456: {  	v50 =	vld.idx.msk [tilespmem:v40+s15+$0x0], $0xffff;
	v49 =	vmul.f32 v39, v38;
	v3 =	vadd.f32 v45, v3  }
0x457: {  	v51 =	vld.idx.msk [tilespmem:v40+s16+$0x0], $0xffff;
	v52 =	vor.u32 $0x1B, v2  }
0x458: {  	v54 =	vld.idx.msk [tilespmem:v44+s15+$0x0], $0xffff;
	v53 =	vmul.f32 v43, v42;
	v3 =	vadd.f32 v49, v3  }
0x459: {  	v55 =	vld.idx.msk [tilespmem:v44+s16+$0x0], $0xffff;
	v56 =	vor.u32 $0x1C, v2  }
0x45a: {  	v58 =	vld.idx.msk [tilespmem:v48+s15+$0x0], $0xffff;
	v57 =	vmul.f32 v47, v46;
	v3 =	vadd.f32 v53, v3  }
0x45b: {  	v59 =	vld.idx.msk [tilespmem:v48+s16+$0x0], $0xffff;
	v60 =	vor.u32 $0x1D, v2  }
0x45c: {  	v62 =	vld.idx.msk [tilespmem:v52+s15+$0x0], $0xffff;
	v61 =	vmul.f32 v51, v50;
	v3 =	vadd.f32 v57, v3  }
0x45d: {  	v63 =	vld.idx.msk [tilespmem:v52+s16+$0x0], $0xffff;
	v16 =	vor.u32 $0x1E, v2  }
0x45e: {  	v18 =	vld.idx.msk [tilespmem:v56+s15+$0x0], $0xffff;
	v17 =	vmul.f32 v55, v54;
	v3 =	vadd.f32 v61, v3  }
0x45f: {  	v20 =	vor.u32 $0x1F, v2;
	v19 =	vld.idx.msk [tilespmem:v56+s16+$0x0], $0xffff  }
0x460: {  	v22 =	vld.idx.msk [tilespmem:v60+s15+$0x0], $0xffff;
	v21 =	vmul.f32 v59, v58;
	v3 =	vadd.f32 v17, v3  }
0x461: {  	v24 =	vor.u32 $0x20, v2;
	v23 =	vld.idx.msk [tilespmem:v60+s16+$0x0], $0xffff  }
0x462: {  	v26 =	vld.idx.msk [tilespmem:v16+s15+$0x0], $0xffff;
	v25 =	vmul.f32 v63, v62;
	v3 =	vadd.f32 v21, v3  }
0x463: {  	v28 =	vor.u32 $0x21, v2;
	v27 =	vld.idx.msk [tilespmem:v16+s16+$0x0], $0xffff  }
0x464: {  	v30 =	vld.idx.msk [tilespmem:v20+s15+$0x0], $0xffff;
	v29 =	vmul.f32 v19, v18;
	v3 =	vadd.f32 v25, v3  }
0x465: {  	v32 =	vor.u32 $0x22, v2;
	v31 =	vld.idx.msk [tilespmem:v20+s16+$0x0], $0xffff  }
0x466: {  	v34 =	vld.idx.msk [tilespmem:v24+s15+$0x0], $0xffff;
	v33 =	vmul.f32 v23, v22;
	v3 =	vadd.f32 v29, v3  }
0x467: {  	v36 =	vor.u32 $0x23, v2;
	v35 =	vld.idx.msk [tilespmem:v24+s16+$0x0], $0xffff  }
0x468: {  	v38 =	vld.idx.msk [tilespmem:v28+s15+$0x0], $0xffff;
	v37 =	vmul.f32 v27, v26;
	v3 =	vadd.f32 v33, v3  }
0x469: {  	v40 =	vor.u32 $0x24, v2;
	v39 =	vld.idx.msk [tilespmem:v28+s16+$0x0], $0xffff  }
0x46a: {  	v42 =	vld.idx.msk [tilespmem:v32+s15+$0x0], $0xffff;
	v41 =	vmul.f32 v31, v30;
	v3 =	vadd.f32 v37, v3  }
0x46b: {  	v44 =	vor.u32 $0x25, v2;
	v43 =	vld.idx.msk [tilespmem:v32+s16+$0x0], $0xffff  }
0x46c: {  	v46 =	vld.idx.msk [tilespmem:v36+s15+$0x0], $0xffff;
	v45 =	vmul.f32 v35, v34;
	v3 =	vadd.f32 v41, v3  }
0x46d: {  	v48 =	vor.u32 $0x26, v2;
	v47 =	vld.idx.msk [tilespmem:v36+s16+$0x0], $0xffff  }
0x46e: {  	v50 =	vld.idx.msk [tilespmem:v40+s15+$0x0], $0xffff;
	v49 =	vmul.f32 v39, v38;
	v3 =	vadd.f32 v45, v3  }
0x46f: {  	v52 =	vor.u32 $0x27, v2;
	v51 =	vld.idx.msk [tilespmem:v40+s16+$0x0], $0xffff  }
0x470: {  	v54 =	vld.idx.msk [tilespmem:v44+s15+$0x0], $0xffff;
	v53 =	vmul.f32 v43, v42;
	v3 =	vadd.f32 v49, v3  }
0x471: {  	v56 =	vor.u32 $0x28, v2;
	v55 =	vld.idx.msk [tilespmem:v44+s16+$0x0], $0xffff  }
0x472: {  	v58 =	vld.idx.msk [tilespmem:v48+s15+$0x0], $0xffff;
	v57 =	vmul.f32 v47, v46;
	v3 =	vadd.f32 v53, v3  }
0x473: {  	v60 =	vor.u32 $0x29, v2;
	v59 =	vld.idx.msk [tilespmem:v48+s16+$0x0], $0xffff  }
0x474: {  	v62 =	vld.idx.msk [tilespmem:v52+s15+$0x0], $0xffff;
	v61 =	vmul.f32 v51, v50;
	v3 =	vadd.f32 v57, v3  }
0x475: {  	v16 =	vor.u32 $0x2A, v2;
	v63 =	vld.idx.msk [tilespmem:v52+s16+$0x0], $0xffff  }
0x476: {  	v18 =	vld.idx.msk [tilespmem:v56+s15+$0x0], $0xffff;
	v17 =	vmul.f32 v55, v54;
	v3 =	vadd.f32 v61, v3  }
0x477: {  	v20 =	vor.u32 $0x2B, v2;
	v19 =	vld.idx.msk [tilespmem:v56+s16+$0x0], $0xffff  }
0x478: {  	v22 =	vld.idx.msk [tilespmem:v60+s15+$0x0], $0xffff;
	v21 =	vmul.f32 v59, v58;
	v3 =	vadd.f32 v17, v3  }
0x479: {  	v24 =	vor.u32 $0x2C, v2;
	v23 =	vld.idx.msk [tilespmem:v60+s16+$0x0], $0xffff  }
0x47a: {  	v26 =	vld.idx.msk [tilespmem:v16+s15+$0x0], $0xffff;
	v25 =	vmul.f32 v63, v62;
	v3 =	vadd.f32 v21, v3  }
0x47b: {  	v28 =	vor.u32 $0x2D, v2;
	v27 =	vld.idx.msk [tilespmem:v16+s16+$0x0], $0xffff  }
0x47c: {  	v30 =	vld.idx.msk [tilespmem:v20+s15+$0x0], $0xffff;
	v29 =	vmul.f32 v19, v18;
	v3 =	vadd.f32 v25, v3  }
0x47d: {  	v32 =	vor.u32 $0x2E, v2;
	v31 =	vld.idx.msk [tilespmem:v20+s16+$0x0], $0xffff  }
0x47e: {  	v34 =	vld.idx.msk [tilespmem:v24+s15+$0x0], $0xffff;
	v33 =	vmul.f32 v23, v22;
	v3 =	vadd.f32 v29, v3  }
0x47f: {  	v36 =	vor.u32 $0x2F, v2;
	v35 =	vld.idx.msk [tilespmem:v24+s16+$0x0], $0xffff  }
0x480: {  	v38 =	vld.idx.msk [tilespmem:v28+s15+$0x0], $0xffff;
	v37 =	vmul.f32 v27, v26;
	v3 =	vadd.f32 v33, v3  }
0x481: {  	v40 =	vor.u32 $0x30, v2;
	v39 =	vld.idx.msk [tilespmem:v28+s16+$0x0], $0xffff  }
0x482: {  	v42 =	vld.idx.msk [tilespmem:v32+s15+$0x0], $0xffff;
	v41 =	vmul.f32 v31, v30;
	v3 =	vadd.f32 v37, v3  }
0x483: {  	v44 =	vor.u32 $0x31, v2;
	v43 =	vld.idx.msk [tilespmem:v32+s16+$0x0], $0xffff  }
0x484: {  	v46 =	vld.idx.msk [tilespmem:v36+s15+$0x0], $0xffff;
	v45 =	vmul.f32 v35, v34;
	v3 =	vadd.f32 v41, v3  }
0x485: {  	v48 =	vor.u32 $0x32, v2;
	v47 =	vld.idx.msk [tilespmem:v36+s16+$0x0], $0xffff  }
0x486: {  	v50 =	vld.idx.msk [tilespmem:v40+s15+$0x0], $0xffff;
	v49 =	vmul.f32 v39, v38;
	v3 =	vadd.f32 v45, v3  }
0x487: {  	v52 =	vor.u32 $0x33, v2;
	v51 =	vld.idx.msk [tilespmem:v40+s16+$0x0], $0xffff  }
0x488: {  	v54 =	vld.idx.msk [tilespmem:v44+s15+$0x0], $0xffff;
	v53 =	vmul.f32 v43, v42;
	v3 =	vadd.f32 v49, v3  }
0x489: {  	v56 =	vor.u32 $0x34, v2;
	v55 =	vld.idx.msk [tilespmem:v44+s16+$0x0], $0xffff  }
0x48a: {  	v58 =	vld.idx.msk [tilespmem:v48+s15+$0x0], $0xffff;
	v57 =	vmul.f32 v47, v46;
	v3 =	vadd.f32 v53, v3  }
0x48b: {  	v60 =	vor.u32 $0x35, v2;
	v59 =	vld.idx.msk [tilespmem:v48+s16+$0x0], $0xffff  }
0x48c: {  	v62 =	vld.idx.msk [tilespmem:v52+s15+$0x0], $0xffff;
	v61 =	vmul.f32 v51, v50;
	v3 =	vadd.f32 v57, v3  }
0x48d: {  	v16 =	vor.u32 $0x36, v2;
	v63 =	vld.idx.msk [tilespmem:v52+s16+$0x0], $0xffff  }
0x48e: {  	v18 =	vld.idx.msk [tilespmem:v56+s15+$0x0], $0xffff;
	v17 =	vmul.f32 v55, v54;
	v3 =	vadd.f32 v61, v3  }
0x48f: {  	v20 =	vor.u32 $0x37, v2;
	v19 =	vld.idx.msk [tilespmem:v56+s16+$0x0], $0xffff  }
0x490: {  	v22 =	vld.idx.msk [tilespmem:v60+s15+$0x0], $0xffff;
	v21 =	vmul.f32 v59, v58;
	v3 =	vadd.f32 v17, v3  }
0x491: {  	v24 =	vor.u32 $0x38, v2;
	v23 =	vld.idx.msk [tilespmem:v60+s16+$0x0], $0xffff  }
0x492: {  	v26 =	vld.idx.msk [tilespmem:v16+s15+$0x0], $0xffff;
	v25 =	vmul.f32 v63, v62;
	v3 =	vadd.f32 v21, v3  }
0x493: {  	v28 =	vor.u32 $0x39, v2;
	v27 =	vld.idx.msk [tilespmem:v16+s16+$0x0], $0xffff  }
0x494: {  	v30 =	vld.idx.msk [tilespmem:v20+s15+$0x0], $0xffff;
	v29 =	vmul.f32 v19, v18;
	v3 =	vadd.f32 v25, v3  }
0x495: {  	v32 =	vor.u32 $0x3A, v2;
	v31 =	vld.idx.msk [tilespmem:v20+s16+$0x0], $0xffff  }
0x496: {  	v34 =	vld.idx.msk [tilespmem:v24+s15+$0x0], $0xffff;
	v33 =	vmul.f32 v23, v22;
	v3 =	vadd.f32 v29, v3  }
0x497: {  	v36 =	vor.u32 $0x3B, v2;
	v35 =	vld.idx.msk [tilespmem:v24+s16+$0x0], $0xffff  }
0x498: {  	v38 =	vld.idx.msk [tilespmem:v28+s15+$0x0], $0xffff;
	v37 =	vmul.f32 v27, v26;
	v3 =	vadd.f32 v33, v3  }
0x499: {  	v40 =	vor.u32 $0x3C, v2;
	v39 =	vld.idx.msk [tilespmem:v28+s16+$0x0], $0xffff  }
0x49a: {  	v42 =	vld.idx.msk [tilespmem:v32+s15+$0x0], $0xffff;
	v41 =	vmul.f32 v31, v30;
	v3 =	vadd.f32 v37, v3  }
0x49b: {  	v44 =	vor.u32 $0x3D, v2;
	v43 =	vld.idx.msk [tilespmem:v32+s16+$0x0], $0xffff  }
0x49c: {  	v46 =	vld.idx.msk [tilespmem:v36+s15+$0x0], $0xffff;
	v45 =	vmul.f32 v35, v34;
	v3 =	vadd.f32 v41, v3  }
0x49d: {  	v48 =	vor.u32 $0x3E, v2;
	v47 =	vld.idx.msk [tilespmem:v36+s16+$0x0], $0xffff  }
0x49e: {  	v50 =	vld.idx.msk [tilespmem:v40+s15+$0x0], $0xffff;
	v49 =	vmul.f32 v39, v38;
	v3 =	vadd.f32 v45, v3  }
0x49f: {  	v2 =	vor.u32 $0x3F, v2;
	v51 =	vld.idx.msk [tilespmem:v40+s16+$0x0], $0xffff  }
0x4a0: {  	v52 =	vmul.f32 v43, v42;
	v54 =	vld.idx.msk [tilespmem:v44+s16+$0x0], $0xffff;
	v3 =	vadd.f32 v49, v3  }
0x4a1: {  	v53 =	vld.idx.msk [tilespmem:v44+s15+$0x0], $0xffff  }
0x4a2: {  	v56 =	vld.idx.msk [tilespmem:v48+s15+$0x0], $0xffff;
	v55 =	vmul.f32 v47, v46;
	v3 =	vadd.f32 v52, v3  }
0x4a3: {  	v57 =	vld.idx.msk [tilespmem:v48+s16+$0x0], $0xffff  }
0x4a4: {  	v59 =	vld.idx.msk [tilespmem:v2+s15+$0x0], $0xffff;
	v58 =	vmul.f32 v51, v50;
	v3 =	vadd.f32 v55, v3  }
0x4a5: {  	v2 =	vld.idx.msk [tilespmem:v2+s16+$0x0], $0xffff  }
0x4a6: {  	v60 =	vmul.f32 v54, v53;
	v3 =	vadd.f32 v58, v3;
	_ =	sdelay $0x1  }
0x4a7: {  	v61 =	vmul.f32 v57, v56;
	v3 =	vadd.f32 v60, v3  }
0x4a8: {  	v62 =	vld [tilespmem:s25+$0x10470]  }
0x4a9: {  	v2 =	vmul.f32 v2, v59;
	v3 =	vadd.f32 v61, v3  }
0x4aa: {  	v63 =	vld [tilespmem:s25+$0x10670]  }
0x4ab: {  	v2 =	vadd.f32 v2, v3;
	_ =	sdelay $0x1  }
0x4ac: {  	v2 =	vadd.f32 v2, v62;
	_ =	sdelay $0x1  }
0x4ad: {  	v2 =	vadd.f32 v2, v63;
	_ =	sdelay $0x1  }
0x4ae: {  	p0 =	sgt.u32 s24, $0x1;
	v2 =	vadd.f32 v2, v1  }
0x4af: {  	s26 =	sshra.s32 @!p0 s21, $0x2  }
0x4b0: {  	s28 =	simm.s32 @!p0 $0x80;
	[tilespmem:s25+$0x108F0] =	vst v2;
	s25 =	sadd.s32 @!p0 $0x100, s26  }
0x4b1: {  	[tilespmem:s22], [sflag:$0x1] =	stream.indirect.gather @!p0 [hbm4b:s3+s28], $0x80, s25, s28, $0xb8;
	[tilespmem:$0x10A80] =	vst v63  }
0x4b2: {  	s21 =	sadd.s32 $0x200, s21;
	s25 =	sadd.s32 @!p0 $0x300, s26  }
0x4b3: {  	[tilespmem:s23], [sflag:$0x1] =	stream.indirect.gather @!p0 [hbm4b:s4+s28], $0x80, s25, s28, $0xb8;
	[tilespmem:$0x10A80] =	vst v63  }
0x4b4: {  	p0 =	sne.s32 s21, $0x800  }
.Ltmp0:
0x4b5: {  	_ = 	snop;
	(pc) =	sbr.rel @p0 .LBB2_2-.Ltmp0, $3  }
0x4b6: {  	_ =	sdelay $0x1  }
0x4b7: {  	s24 =	sadd.s32 $0x1, s24  }
0x4b8: {  	s20 =	sadd.s32 $0x80, s20;
	s22 =	sadd.s32 $0x4000, s22;
	s23 =	sadd.s32 $0x4000, s23  }
0x4b9: {  	s18 =	sadd.s32 $0x1, s18  }
0x4ba: {  	p0 =	sne.s32 s18, s11  }
.Ltmp1:
0x4bb: {  	_ = 	snop;
	(pc) =	sbr.rel @p0 .LBB2_1-.Ltmp1, $4  }
0x4bc: {  	[hbm4b:s10+s2] =	stream.linear.scatter [tilespmem:s17], [sflag:$0x3], $0x200, $0x38;
	[tilespmem:$0x10A80] =	vst v63  }
0x4bd: {  	_ =	swait.ge [sflag:s13], $0x200  }
0x4be: {  	[sflag:s13] =	ssyncset.done $0x0  }
0x4bf: {  	[sflag:s13] =	ssyncadd.s32 $0xFFFFFE00  }
0x4c0: {  	_ =	sfence.sel $0x180000  }
0x4c1: {  	[bflag:$0x0] =	sbarrier.arrive $0xFFFF  }
0x4c2: {  	_ =	strace $0x90000047  }
0x4c3: {  	s0 =	stileid.u32;
	[bflag:$0x2] =	sbarrier.arrive $0xFFFF  }
0x4c4: {  	p0 =	sne.s32 s0, $0x0;
	s0 =	rddreg [dreg:$0x2]  }
0x4c5: {  	s0 =	sadd.s32 @!p0 $0x100000, s0  }
0x4c6: {  	[sflag:s0] =	ssyncadd.tile.s32 @!p0 $0x1;
	_ =	shalt  }
.Lfunc_end2:
_tile_overlayer_lowered:
.L_overlay_start_2:
0x4c7: {  	(tag) =	ssettag $0x2  }
0x4c8: {  	s0 =	rddreg [dreg:$0x0];
	s2 =	stileid.u32  }
0x4c9: {  	s1 =	rddreg [dreg:$0x1];
	p0 =	sne.s32 s2, $0x0  }
0x4ca: {  	s3 =	rddreg [dreg:$0x2];
	[bflag:$0x3] =	sbarrier.arrive $0xFFFF;
	s2 =	simm.s32 @!p0 $0x1C03  }
0x4cb: {  	[timem:s3], [sflag:s2] =	dma.local @!p0 [hbm:s0], s1  }
0x4cc: {  	s0 =	simm.s32 @!p0 $0x3  }
0x4cd: {  	_ =	swait.ge @!p0 [sflag:s0], s1  }
0x4ce: {  	s1 =	ssub.s32 @!p0 $0x0, s1;
	[sflag:s0] =	ssyncset.done @!p0 $0x0  }
0x4cf: {  	[sflag:s0] =	ssyncadd.s32 @!p0 s1  }
0x4d0: {  	[bflag:$0x3] =	sbarrier.arrive $0xFFFF  }
0x4d1: {  	_ =	shalt  }

</sc_bundles>
